<compile_context>
chip_gen: v7x
topology: tpu7x:2x2x1
jax: 0.10.2.dev20260603
libtpu: 0.0.44.dev20260713+nightly
codegen_flags: <defaults>
</compile_context>

<pallas_src>
import functools

import jax
import jax.numpy as jnp
from jax import lax
from jax.experimental import pallas as pl
from jax.experimental.pallas import tpu as pltpu
from jax.experimental.pallas import tpu_sc as plsc

T, B, V, L = 32, 32, 50000, 400
TB = T * B
LANES = 16
NC = 2
NBUF = 4
VSPLIT = 24960
HALVES = ((0, VSPLIT), (VSPLIT, V - VSPLIT))


def _dist_gen_body(vocab_hbm, attns_hbm, pg_hbm, src_hbm, out_hbm,
                   src_v, attn_v, pg_v, tmp_v, buf0, buf1, buf2, buf3,
                   in_sem0, in_sem1, in_sem2, in_sem3,
                   out_sem0, out_sem1, out_sem2, out_sem3):
    wid = lax.axis_index("s") * NC + lax.axis_index("c")
    bufs = (buf0, buf1, buf2, buf3)
    in_sems = (in_sem0, in_sem1, in_sem2, in_sem3)
    out_sems = (out_sem0, out_sem1, out_sem2, out_sem3)

    def refs(t, j):
        v0, w = HALVES[j & 1]
        r = (t + (j >> 1)) * B + wid
        src = vocab_hbm.at[r, pl.ds(v0, w)]
        dst = bufs[j].at[pl.ds(0, w)]
        out = out_hbm.at[r, pl.ds(v0, w)]
        return src, dst, out

    for j in range(NBUF):
        src, dst, _ = refs(0, j)
        pltpu.make_async_copy(src, dst, in_sems[j]).start()
    pltpu.sync_copy(src_hbm.at[wid], src_v)
    pltpu.sync_copy(pg_hbm.at[wid], pg_v)
    pltpu.sync_copy(attns_hbm.at[wid], attn_v)

    def step(g, carry):
        for j in range(NBUF):
            v0, w = HALVES[j & 1]
            t = g * 2 + (j >> 1)
            src, dst, out = refs(g * 2, j)
            pltpu.make_async_copy(src, dst, in_sems[j]).wait()

            tidx = jnp.zeros((LANES,), jnp.int32) + t
            p = plsc.load_gather(pg_v, [tidx])
            one_m_p = 1.0 - p

            for q in range(L // LANES):
                sl = pl.ds(q * LANES, LANES)
                s = src_v[sl] - v0
                m = (s >= 0) & (s < w)
                sc = jnp.where(m, s, 0)
                tmp_v[sl] = plsc.load_gather(bufs[j], [sc], mask=m)

            @plsc.parallel_loop(0, w // LANES, unroll=8)
            def scale_body(i):
                sl = pl.ds(i * LANES, LANES)
                bufs[j][sl] = bufs[j][sl] * p

            for q in range(L // LANES):
                sl = pl.ds(q * LANES, LANES)
                s = src_v[sl] - v0
                m = (s >= 0) & (s < w)
                sc = jnp.where(m, s, 0)
                a = attn_v[pl.ds(t * L + q * LANES, LANES)]
                val = one_m_p * a + p * tmp_v[sl]
                plsc.store_scatter(bufs[j], [sc], val, mask=m)

            pltpu.make_async_copy(dst, out, out_sems[j]).start()

        for j in range(NBUF):
            _, dst, out = refs(g * 2, j)
            pltpu.make_async_copy(dst, out, out_sems[j]).wait()

            @pl.when(g < T // 2 - 1)
            def _():
                src2, dst2, _ = refs(g * 2 + 2, j)
                pltpu.make_async_copy(src2, dst2, in_sems[j]).start()

        return carry

    lax.fori_loop(0, T // 2, step, 0)


@jax.jit
def _dist_gen(vocab_ds, attns_t, pg_bt, src_t):
    mesh = plsc.VectorSubcoreMesh(core_axis_name="c", subcore_axis_name="s")
    run = functools.partial(
        pl.kernel,
        out_type=jax.ShapeDtypeStruct((TB, V), jnp.float32),
        mesh=mesh,
        compiler_params=pltpu.CompilerParams(
            needs_layout_passes=False, use_tc_tiling_on_sc=True),
        scratch_types=[
            pltpu.VMEM((L,), jnp.int32),
            pltpu.VMEM((T * L,), jnp.float32),
            pltpu.VMEM((T,), jnp.float32),
            pltpu.VMEM((L,), jnp.float32),
            pltpu.VMEM((V - VSPLIT,), jnp.float32),
            pltpu.VMEM((V - VSPLIT,), jnp.float32),
            pltpu.VMEM((V - VSPLIT,), jnp.float32),
            pltpu.VMEM((V - VSPLIT,), jnp.float32),
        ] + [pltpu.SemaphoreType.DMA] * 8,
    )(_dist_gen_body)
    return run(vocab_ds, attns_t, pg_bt, src_t)


def kernel(vocab_ds, attns, p_gens, sources, decoder_batch_len):
    del decoder_batch_len
    pg_bt = p_gens.reshape(T, B).T.reshape(B, T)
    src_t = sources.T.reshape(B, L)
    attns_t = attns.reshape(T, B, L).transpose(1, 0, 2).reshape(B, T * L)
    return _dist_gen(vocab_ds, attns_t, pg_bt, src_t)

# --- scband reference (transcript-rebuilt; emitter-appended) ---
"""Pipeline reference for scband-dist-gen-34342558499035 (READ-ONLY COPY).

The authoritative reference and input builder live on the scoring server;
editing this copy changes nothing except your own understanding.
"""

import jax, jax.numpy as jnp
import numpy as np


def setup_inputs(seed: int = 0) -> dict:
    key = jax.random.key(seed)
    k1, k2, k3, k4 = jax.random.split(key, 4)
    T, B, V, L = 32, 32, 50000, 400
    TB = T * B
    vocab_ds = jax.random.uniform(k1, (TB, V), dtype=jnp.float32)
    attns = jax.random.uniform(k2, (TB, L), dtype=jnp.float32)
    p_gens = jax.random.uniform(k3, (TB, 1), dtype=jnp.float32)
    sources = jax.random.randint(k4, (L, B), 0, V, dtype=jnp.int32)
    return {
        "vocab_ds": vocab_ds,
        "attns": attns,
        "p_gens": p_gens,
        "sources": sources,
        "decoder_batch_len": T,
    }


def reference(vocab_ds, attns, p_gens, sources, decoder_batch_len):
    TB, V = vocab_ds.shape
    # vocab_dists = p_gens.expand_as(vocab_ds) * vocab_ds
    vocab_dists = p_gens * vocab_ds
    # attn_dists = (1 - p_gens.expand_as(attns)) * attns
    attn_dists = (1.0 - p_gens) * attns
    # sources_rep = sources.t().repeat(decoder_batch_len, 1) -> (TB, L)
    T_static = TB // sources.shape[1]
    dbl = jnp.asarray(decoder_batch_len, dtype=jnp.int32)
    sources_used = sources + (dbl - dbl)
    sources_rep = jnp.tile(sources_used.T, (T_static, 1))
    # attn_dists_projected = zeros(TB, V).scatter_(1, sources_rep, attn_dists)
    rows = jnp.arange(TB)[:, None]
    attn_dists_projected = jnp.zeros((TB, V), dtype=vocab_ds.dtype).at[rows, sources_rep].set(attn_dists)
    final_dists = attn_dists_projected + vocab_dists
    return final_dists

if __name__ == "__main__":
    import jax
    _d = setup_inputs()
    print(jax.jit(kernel)(*tuple(_d.values())))

</pallas_src>

<mosaic_0001>
#map = affine_map<(d0, d1) -> (0, 0)>
module attributes {stable_mosaic.version = 14 : i64} {
  func.func @_dist_gen_body(%arg0: i32, %arg1: i32, %arg2: memref<1024x50000xf32, #tpu.memory_space<hbm>>, %arg3: memref<32x12800xf32, #tpu.memory_space<hbm>>, %arg4: memref<32x32xf32, #tpu.memory_space<hbm>>, %arg5: memref<32x400xi32, #tpu.memory_space<hbm>>, %arg6: memref<1024x50000xf32, #tpu.memory_space<hbm>>, %arg7: memref<400xi32, #tpu.memory_space<vmem>>, %arg8: memref<12800xf32, #tpu.memory_space<vmem>>, %arg9: memref<32xf32, #tpu.memory_space<vmem>>, %arg10: memref<400xf32, #tpu.memory_space<vmem>>, %arg11: memref<25040xf32, #tpu.memory_space<vmem>>, %arg12: memref<25040xf32, #tpu.memory_space<vmem>>, %arg13: memref<25040xf32, #tpu.memory_space<vmem>>, %arg14: memref<25040xf32, #tpu.memory_space<vmem>>, %arg15: memref<!tpu.dma_semaphore, #tpu.memory_space<semaphore_mem>>, %arg16: memref<!tpu.dma_semaphore, #tpu.memory_space<semaphore_mem>>, %arg17: memref<!tpu.dma_semaphore, #tpu.memory_space<semaphore_mem>>, %arg18: memref<!tpu.dma_semaphore, #tpu.memory_space<semaphore_mem>>, %arg19: memref<!tpu.dma_semaphore, #tpu.memory_space<semaphore_mem>>, %arg20: memref<!tpu.dma_semaphore, #tpu.memory_space<semaphore_mem>>, %arg21: memref<!tpu.dma_semaphore, #tpu.memory_space<semaphore_mem>>, %arg22: memref<!tpu.dma_semaphore, #tpu.memory_space<semaphore_mem>>) attributes {dimension_semantics = [#tpu.dimension_semantics<core_parallel>, #tpu.dimension_semantics<subcore_parallel>], iteration_bounds = array<i64: 2, 16>, scalar_prefetch = 0 : i64, scratch_operands = 16 : i64, tpu.core_type = #tpu.core_type<sc_vector_subcore>, window_params = [{transform_indices = #map}, {transform_indices = #map}, {transform_indices = #map}, {transform_indices = #map}, {transform_indices = #map}]} {
    %mul3A = arith.constant 2 : i32
    %mul3A_0 = arith.muli %arg1, %mul3A : i32
    %add3A = arith.addi %mul3A_0, %arg0 : i32
    %add3A_1 = arith.constant 0 : i32
    %add3A_2 = arith.addi %add3A_1, %add3A : i32
    %dma_start3A = arith.constant 0 : i32
    %dma_start3A_3 = tpu.memref_slice %arg11[%dma_start3A] : memref<25040xf32, #tpu.memory_space<vmem>> -> memref<24960xf32, #tpu.memory_space<vmem>>
    %dma_start3A_4 = arith.constant 0 : i32
    %dma_start3A_5 = tpu.memref_slice %arg2[%add3A_2, %dma_start3A_4] : memref<1024x50000xf32, #tpu.memory_space<hbm>> -> memref<1x24960xf32, #tpu.memory_space<hbm>>
    %dma_start3A_6 = tpu.memref_squeeze %dma_start3A_5 : memref<1x24960xf32, #tpu.memory_space<hbm>> -> memref<24960xf32, #tpu.memory_space<hbm>>
    %dma_start3A_7 = arith.constant 0 : i32
    %dma_start3A_8 = tpu.memref_slice %arg11[%dma_start3A_7] : memref<25040xf32, #tpu.memory_space<vmem>> -> memref<24960xf32, #tpu.memory_space<vmem>>
    %dma_start3A_9 = arith.constant 0 : i32
    %dma_start3A_10 = tpu.memref_slice %arg2[%add3A_2, %dma_start3A_9] : memref<1024x50000xf32, #tpu.memory_space<hbm>> -> memref<1x24960xf32, #tpu.memory_space<hbm>>
    %dma_start3A_11 = tpu.memref_squeeze %dma_start3A_10 : memref<1x24960xf32, #tpu.memory_space<hbm>> -> memref<24960xf32, #tpu.memory_space<hbm>>
    tpu.enqueue_dma source(%dma_start3A_11 : memref<24960xf32, #tpu.memory_space<hbm>>) target(%dma_start3A_8 : memref<24960xf32, #tpu.memory_space<vmem>>) target_semaphore(%arg15 : memref<!tpu.dma_semaphore, #tpu.memory_space<semaphore_mem>>)
    %add3A_12 = arith.constant 0 : i32
    %add3A_13 = arith.addi %add3A_12, %add3A : i32
    %dma_start3A_14 = arith.constant 0 : i32
    %dma_start3A_15 = tpu.memref_slice %arg12[%dma_start3A_14] : memref<25040xf32, #tpu.memory_space<vmem>> -> memref<25040xf32, #tpu.memory_space<vmem>>
    %dma_start3A_16 = arith.constant 24960 : i32
    %dma_start3A_17 = tpu.memref_slice %arg2[%add3A_13, %dma_start3A_16] : memref<1024x50000xf32, #tpu.memory_space<hbm>> -> memref<1x25040xf32, #tpu.memory_space<hbm>>
    %dma_start3A_18 = tpu.memref_squeeze %dma_start3A_17 : memref<1x25040xf32, #tpu.memory_space<hbm>> -> memref<25040xf32, #tpu.memory_space<hbm>>
    %dma_start3A_19 = arith.constant 0 : i32
    %dma_start3A_20 = tpu.memref_slice %arg12[%dma_start3A_19] : memref<25040xf32, #tpu.memory_space<vmem>> -> memref<25040xf32, #tpu.memory_space<vmem>>
    %dma_start3A_21 = arith.constant 24960 : i32
    %dma_start3A_22 = tpu.memref_slice %arg2[%add3A_13, %dma_start3A_21] : memref<1024x50000xf32, #tpu.memory_space<hbm>> -> memref<1x25040xf32, #tpu.memory_space<hbm>>
    %dma_start3A_23 = tpu.memref_squeeze %dma_start3A_22 : memref<1x25040xf32, #tpu.memory_space<hbm>> -> memref<25040xf32, #tpu.memory_space<hbm>>
    tpu.enqueue_dma source(%dma_start3A_23 : memref<25040xf32, #tpu.memory_space<hbm>>) target(%dma_start3A_20 : memref<25040xf32, #tpu.memory_space<vmem>>) target_semaphore(%arg16 : memref<!tpu.dma_semaphore, #tpu.memory_space<semaphore_mem>>)
    %add3A_24 = arith.constant 32 : i32
    %add3A_25 = arith.addi %add3A_24, %add3A : i32
    %dma_start3A_26 = arith.constant 0 : i32
    %dma_start3A_27 = tpu.memref_slice %arg13[%dma_start3A_26] : memref<25040xf32, #tpu.memory_space<vmem>> -> memref<24960xf32, #tpu.memory_space<vmem>>
    %dma_start3A_28 = arith.constant 0 : i32
    %dma_start3A_29 = tpu.memref_slice %arg2[%add3A_25, %dma_start3A_28] : memref<1024x50000xf32, #tpu.memory_space<hbm>> -> memref<1x24960xf32, #tpu.memory_space<hbm>>
    %dma_start3A_30 = tpu.memref_squeeze %dma_start3A_29 : memref<1x24960xf32, #tpu.memory_space<hbm>> -> memref<24960xf32, #tpu.memory_space<hbm>>
    %dma_start3A_31 = arith.constant 0 : i32
    %dma_start3A_32 = tpu.memref_slice %arg13[%dma_start3A_31] : memref<25040xf32, #tpu.memory_space<vmem>> -> memref<24960xf32, #tpu.memory_space<vmem>>
    %dma_start3A_33 = arith.constant 0 : i32
    %dma_start3A_34 = tpu.memref_slice %arg2[%add3A_25, %dma_start3A_33] : memref<1024x50000xf32, #tpu.memory_space<hbm>> -> memref<1x24960xf32, #tpu.memory_space<hbm>>
    %dma_start3A_35 = tpu.memref_squeeze %dma_start3A_34 : memref<1x24960xf32, #tpu.memory_space<hbm>> -> memref<24960xf32, #tpu.memory_space<hbm>>
    tpu.enqueue_dma source(%dma_start3A_35 : memref<24960xf32, #tpu.memory_space<hbm>>) target(%dma_start3A_32 : memref<24960xf32, #tpu.memory_space<vmem>>) target_semaphore(%arg17 : memref<!tpu.dma_semaphore, #tpu.memory_space<semaphore_mem>>)
    %add3A_36 = arith.constant 32 : i32
    %add3A_37 = arith.addi %add3A_36, %add3A : i32
    %dma_start3A_38 = arith.constant 0 : i32
    %dma_start3A_39 = tpu.memref_slice %arg14[%dma_start3A_38] : memref<25040xf32, #tpu.memory_space<vmem>> -> memref<25040xf32, #tpu.memory_space<vmem>>
    %dma_start3A_40 = arith.constant 24960 : i32
    %dma_start3A_41 = tpu.memref_slice %arg2[%add3A_37, %dma_start3A_40] : memref<1024x50000xf32, #tpu.memory_space<hbm>> -> memref<1x25040xf32, #tpu.memory_space<hbm>>
    %dma_start3A_42 = tpu.memref_squeeze %dma_start3A_41 : memref<1x25040xf32, #tpu.memory_space<hbm>> -> memref<25040xf32, #tpu.memory_space<hbm>>
    %dma_start3A_43 = arith.constant 0 : i32
    %dma_start3A_44 = tpu.memref_slice %arg14[%dma_start3A_43] : memref<25040xf32, #tpu.memory_space<vmem>> -> memref<25040xf32, #tpu.memory_space<vmem>>
    %dma_start3A_45 = arith.constant 24960 : i32
    %dma_start3A_46 = tpu.memref_slice %arg2[%add3A_37, %dma_start3A_45] : memref<1024x50000xf32, #tpu.memory_space<hbm>> -> memref<1x25040xf32, #tpu.memory_space<hbm>>
    %dma_start3A_47 = tpu.memref_squeeze %dma_start3A_46 : memref<1x25040xf32, #tpu.memory_space<hbm>> -> memref<25040xf32, #tpu.memory_space<hbm>>
    tpu.enqueue_dma source(%dma_start3A_47 : memref<25040xf32, #tpu.memory_space<hbm>>) target(%dma_start3A_44 : memref<25040xf32, #tpu.memory_space<vmem>>) target_semaphore(%arg18 : memref<!tpu.dma_semaphore, #tpu.memory_space<semaphore_mem>>)
    "tpu.region"() ({
      %run_scoped3A = tpu.sem_alloc : memref<!tpu.dma_semaphore, #tpu.memory_space<semaphore_mem>>
      %dma_start3A_53 = arith.constant 0 : i32
      %dma_start3A_54 = tpu.memref_slice %arg5[%add3A, %dma_start3A_53] : memref<32x400xi32, #tpu.memory_space<hbm>> -> memref<1x400xi32, #tpu.memory_space<hbm>>
      %dma_start3A_55 = tpu.memref_squeeze %dma_start3A_54 : memref<1x400xi32, #tpu.memory_space<hbm>> -> memref<400xi32, #tpu.memory_space<hbm>>
      %dma_start3A_56 = arith.constant 0 : i32
      %dma_start3A_57 = tpu.memref_slice %arg5[%add3A, %dma_start3A_56] : memref<32x400xi32, #tpu.memory_space<hbm>> -> memref<1x400xi32, #tpu.memory_space<hbm>>
      %dma_start3A_58 = tpu.memref_squeeze %dma_start3A_57 : memref<1x400xi32, #tpu.memory_space<hbm>> -> memref<400xi32, #tpu.memory_space<hbm>>
      tpu.enqueue_dma source(%dma_start3A_58 : memref<400xi32, #tpu.memory_space<hbm>>) target(%arg7 : memref<400xi32, #tpu.memory_space<vmem>>) target_semaphore(%run_scoped3A : memref<!tpu.dma_semaphore, #tpu.memory_space<semaphore_mem>>)
      %dma_wait3A = arith.constant 0 : i32
      %dma_wait3A_59 = tpu.memref_slice %arg5[%add3A, %dma_wait3A] : memref<32x400xi32, #tpu.memory_space<hbm>> -> memref<1x400xi32, #tpu.memory_space<hbm>>
      %dma_wait3A_60 = tpu.memref_squeeze %dma_wait3A_59 : memref<1x400xi32, #tpu.memory_space<hbm>> -> memref<400xi32, #tpu.memory_space<hbm>>
      %dma_wait3A_61 = arith.constant 0 : i32
      %dma_wait3A_62 = tpu.memref_slice %arg5[%add3A, %dma_wait3A_61] : memref<32x400xi32, #tpu.memory_space<hbm>> -> memref<1x400xi32, #tpu.memory_space<hbm>>
      %dma_wait3A_63 = tpu.memref_squeeze %dma_wait3A_62 : memref<1x400xi32, #tpu.memory_space<hbm>> -> memref<400xi32, #tpu.memory_space<hbm>>
      tpu.wait_dma2 semaphore(%run_scoped3A : memref<!tpu.dma_semaphore, #tpu.memory_space<semaphore_mem>>) src(%dma_wait3A_63 : memref<400xi32, #tpu.memory_space<hbm>>) dst(%arg7 : memref<400xi32, #tpu.memory_space<vmem>>)
      tpu.yield
    }) : () -> ()
    "tpu.region"() ({
      %run_scoped3A = tpu.sem_alloc : memref<!tpu.dma_semaphore, #tpu.memory_space<semaphore_mem>>
      %dma_start3A_53 = arith.constant 0 : i32
      %dma_start3A_54 = tpu.memref_slice %arg4[%add3A, %dma_start3A_53] : memref<32x32xf32, #tpu.memory_space<hbm>> -> memref<1x32xf32, #tpu.memory_space<hbm>>
      %dma_start3A_55 = tpu.memref_squeeze %dma_start3A_54 : memref<1x32xf32, #tpu.memory_space<hbm>> -> memref<32xf32, #tpu.memory_space<hbm>>
      %dma_start3A_56 = arith.constant 0 : i32
      %dma_start3A_57 = tpu.memref_slice %arg4[%add3A, %dma_start3A_56] : memref<32x32xf32, #tpu.memory_space<hbm>> -> memref<1x32xf32, #tpu.memory_space<hbm>>
      %dma_start3A_58 = tpu.memref_squeeze %dma_start3A_57 : memref<1x32xf32, #tpu.memory_space<hbm>> -> memref<32xf32, #tpu.memory_space<hbm>>
      tpu.enqueue_dma source(%dma_start3A_58 : memref<32xf32, #tpu.memory_space<hbm>>) target(%arg9 : memref<32xf32, #tpu.memory_space<vmem>>) target_semaphore(%run_scoped3A : memref<!tpu.dma_semaphore, #tpu.memory_space<semaphore_mem>>)
      %dma_wait3A = arith.constant 0 : i32
      %dma_wait3A_59 = tpu.memref_slice %arg4[%add3A, %dma_wait3A] : memref<32x32xf32, #tpu.memory_space<hbm>> -> memref<1x32xf32, #tpu.memory_space<hbm>>
      %dma_wait3A_60 = tpu.memref_squeeze %dma_wait3A_59 : memref<1x32xf32, #tpu.memory_space<hbm>> -> memref<32xf32, #tpu.memory_space<hbm>>
      %dma_wait3A_61 = arith.constant 0 : i32
      %dma_wait3A_62 = tpu.memref_slice %arg4[%add3A, %dma_wait3A_61] : memref<32x32xf32, #tpu.memory_space<hbm>> -> memref<1x32xf32, #tpu.memory_space<hbm>>
      %dma_wait3A_63 = tpu.memref_squeeze %dma_wait3A_62 : memref<1x32xf32, #tpu.memory_space<hbm>> -> memref<32xf32, #tpu.memory_space<hbm>>
      tpu.wait_dma2 semaphore(%run_scoped3A : memref<!tpu.dma_semaphore, #tpu.memory_space<semaphore_mem>>) src(%dma_wait3A_63 : memref<32xf32, #tpu.memory_space<hbm>>) dst(%arg9 : memref<32xf32, #tpu.memory_space<vmem>>)
      tpu.yield
    }) : () -> ()
    "tpu.region"() ({
      %run_scoped3A = tpu.sem_alloc : memref<!tpu.dma_semaphore, #tpu.memory_space<semaphore_mem>>
      %dma_start3A_53 = arith.constant 0 : i32
      %dma_start3A_54 = tpu.memref_slice %arg3[%add3A, %dma_start3A_53] : memref<32x12800xf32, #tpu.memory_space<hbm>> -> memref<1x12800xf32, #tpu.memory_space<hbm>>
      %dma_start3A_55 = tpu.memref_squeeze %dma_start3A_54 : memref<1x12800xf32, #tpu.memory_space<hbm>> -> memref<12800xf32, #tpu.memory_space<hbm>>
      %dma_start3A_56 = arith.constant 0 : i32
      %dma_start3A_57 = tpu.memref_slice %arg3[%add3A, %dma_start3A_56] : memref<32x12800xf32, #tpu.memory_space<hbm>> -> memref<1x12800xf32, #tpu.memory_space<hbm>>
      %dma_start3A_58 = tpu.memref_squeeze %dma_start3A_57 : memref<1x12800xf32, #tpu.memory_space<hbm>> -> memref<12800xf32, #tpu.memory_space<hbm>>
      tpu.enqueue_dma source(%dma_start3A_58 : memref<12800xf32, #tpu.memory_space<hbm>>) target(%arg8 : memref<12800xf32, #tpu.memory_space<vmem>>) target_semaphore(%run_scoped3A : memref<!tpu.dma_semaphore, #tpu.memory_space<semaphore_mem>>)
      %dma_wait3A = arith.constant 0 : i32
      %dma_wait3A_59 = tpu.memref_slice %arg3[%add3A, %dma_wait3A] : memref<32x12800xf32, #tpu.memory_space<hbm>> -> memref<1x12800xf32, #tpu.memory_space<hbm>>
      %dma_wait3A_60 = tpu.memref_squeeze %dma_wait3A_59 : memref<1x12800xf32, #tpu.memory_space<hbm>> -> memref<12800xf32, #tpu.memory_space<hbm>>
      %dma_wait3A_61 = arith.constant 0 : i32
      %dma_wait3A_62 = tpu.memref_slice %arg3[%add3A, %dma_wait3A_61] : memref<32x12800xf32, #tpu.memory_space<hbm>> -> memref<1x12800xf32, #tpu.memory_space<hbm>>
      %dma_wait3A_63 = tpu.memref_squeeze %dma_wait3A_62 : memref<1x12800xf32, #tpu.memory_space<hbm>> -> memref<12800xf32, #tpu.memory_space<hbm>>
      tpu.wait_dma2 semaphore(%run_scoped3A : memref<!tpu.dma_semaphore, #tpu.memory_space<semaphore_mem>>) src(%dma_wait3A_63 : memref<12800xf32, #tpu.memory_space<hbm>>) dst(%arg8 : memref<12800xf32, #tpu.memory_space<vmem>>)
      tpu.yield
    }) : () -> ()
    %scan3A = arith.constant 0 : i32
    %scan3A_48 = arith.constant 0 : i32
    %scan3A_49 = arith.constant 16 : i32
    %scan3A_50 = arith.addi %scan3A_48, %scan3A_49 : i32
    %scan3A_51 = arith.constant 1 : i32
    scf.for %scan3A_53 = %scan3A_48 to %scan3A_50 step %scan3A_51  : i32 {
      %mul3A_54 = arith.constant 2 : i32
      %mul3A_55 = arith.muli %scan3A_53, %mul3A_54 : i32
      %add3A_56 = arith.constant 0 : i32
      %add3A_57 = arith.addi %mul3A_55, %add3A_56 : i32
      %mul3A_58 = arith.constant 2 : i32
      %mul3A_59 = arith.muli %scan3A_53, %mul3A_58 : i32
      %add3A_60 = arith.constant 0 : i32
      %add3A_61 = arith.addi %mul3A_59, %add3A_60 : i32
      %mul3A_62 = arith.constant 32 : i32
      %mul3A_63 = arith.muli %add3A_61, %mul3A_62 : i32
      %add3A_64 = arith.addi %mul3A_63, %add3A : i32
      %dma_wait3A = arith.constant 0 : i32
      %dma_wait3A_65 = tpu.memref_slice %arg11[%dma_wait3A] : memref<25040xf32, #tpu.memory_space<vmem>> -> memref<24960xf32, #tpu.memory_space<vmem>>
      %dma_wait3A_66 = arith.constant 0 : i32
      %dma_wait3A_67 = tpu.memref_slice %arg2[%add3A_64, %dma_wait3A_66] : memref<1024x50000xf32, #tpu.memory_space<hbm>> -> memref<1x24960xf32, #tpu.memory_space<hbm>>
      %dma_wait3A_68 = tpu.memref_squeeze %dma_wait3A_67 : memref<1x24960xf32, #tpu.memory_space<hbm>> -> memref<24960xf32, #tpu.memory_space<hbm>>
      %dma_wait3A_69 = arith.constant 0 : i32
      %dma_wait3A_70 = tpu.memref_slice %arg11[%dma_wait3A_69] : memref<25040xf32, #tpu.memory_space<vmem>> -> memref<24960xf32, #tpu.memory_space<vmem>>
      %dma_wait3A_71 = arith.constant 0 : i32
      %dma_wait3A_72 = tpu.memref_slice %arg2[%add3A_64, %dma_wait3A_71] : memref<1024x50000xf32, #tpu.memory_space<hbm>> -> memref<1x24960xf32, #tpu.memory_space<hbm>>
      %dma_wait3A_73 = tpu.memref_squeeze %dma_wait3A_72 : memref<1x24960xf32, #tpu.memory_space<hbm>> -> memref<24960xf32, #tpu.memory_space<hbm>>
      tpu.wait_dma2 semaphore(%arg15 : memref<!tpu.dma_semaphore, #tpu.memory_space<semaphore_mem>>) src(%dma_wait3A_73 : memref<24960xf32, #tpu.memory_space<hbm>>) dst(%dma_wait3A_70 : memref<24960xf32, #tpu.memory_space<vmem>>)
      %broadcast_in_dim3A = arith.constant 0 : i32
      %broadcast_in_dim3A_74 = vector.broadcast %broadcast_in_dim3A : i32 to vector<16xi32>
      %add3A_75 = vector.broadcast %add3A_57 : i32 to vector<16xi32>
      %add3A_76 = arith.addi %broadcast_in_dim3A_74, %add3A_75 : vector<16xi32>
      %gather3A = tpu.vector_load_idx %arg9[%add3A_76] : memref<32xf32, #tpu.memory_space<vmem>>[vector<16xi32>], vector<16xf32>,
      %sub3A = arith.constant 1.000000e+00 : f32
      %sub3A_77 = vector.broadcast %sub3A : f32 to vector<16xf32>
      %sub3A_78 = arith.subf %sub3A_77, %gather3A : vector<16xf32>
      %get3A = arith.constant 0 : index
      %get3A_79 = tpu.vector_load %arg7[%get3A] {strides = array<i32>} : memref<400xi32, #tpu.memory_space<vmem>>, vector<16xi32>,
      %sub3A_80 = arith.constant 0 : i32
      %sub3A_81 = vector.broadcast %sub3A_80 : i32 to vector<16xi32>
      %sub3A_82 = arith.subi %get3A_79, %sub3A_81 : vector<16xi32>
      %ge3A = arith.constant 0 : i32
      %ge3A_83 = vector.broadcast %ge3A : i32 to vector<16xi32>
      %ge3A_84 = arith.cmpi sge, %sub3A_82, %ge3A_83 : vector<16xi32>
      %lt3A = arith.constant 24960 : i32
      %lt3A_85 = vector.broadcast %lt3A : i32 to vector<16xi32>
      %lt3A_86 = arith.cmpi slt, %sub3A_82, %lt3A_85 : vector<16xi32>
      %and3A = arith.andi %ge3A_84, %lt3A_86 : vector<16xi1>
      %jit3A = arith.constant 0 : i32
      %broadcast_in_dim3A_87 = vector.broadcast %jit3A : i32 to vector<16xi32>
      %select_n3A = arith.select %and3A, %sub3A_82, %broadcast_in_dim3A_87 : vector<16xi1>, vector<16xi32>
      %gather3A_88 = tpu.vector_load_idx %arg11[%select_n3A] masked %and3A : memref<25040xf32, #tpu.memory_space<vmem>>[vector<16xi32>], vector<16xf32>, vector<16xi1>
      %swap3A = arith.constant 0 : index
      %swap3A_89 = tpu.vector_load %arg10[%swap3A] {strides = array<i32>} : memref<400xf32, #tpu.memory_space<vmem>>, vector<16xf32>,
      tpu.vector_store %arg10[%swap3A], %gather3A_88 {strides = array<i32>} : memref<400xf32, #tpu.memory_space<vmem>>, vector<16xf32>,
      %get3A_90 = arith.constant 16 : index
      %get3A_91 = tpu.vector_load %arg7[%get3A_90] {strides = array<i32>} : memref<400xi32, #tpu.memory_space<vmem>>, vector<16xi32>,
      %sub3A_92 = arith.constant 0 : i32
      %sub3A_93 = vector.broadcast %sub3A_92 : i32 to vector<16xi32>
      %sub3A_94 = arith.subi %get3A_91, %sub3A_93 : vector<16xi32>
      %ge3A_95 = arith.constant 0 : i32
      %ge3A_96 = vector.broadcast %ge3A_95 : i32 to vector<16xi32>
      %ge3A_97 = arith.cmpi sge, %sub3A_94, %ge3A_96 : vector<16xi32>
      %lt3A_98 = arith.constant 24960 : i32
      %lt3A_99 = vector.broadcast %lt3A_98 : i32 to vector<16xi32>
      %lt3A_100 = arith.cmpi slt, %sub3A_94, %lt3A_99 : vector<16xi32>
      %and3A_101 = arith.andi %ge3A_97, %lt3A_100 : vector<16xi1>
      %jit3A_102 = arith.constant 0 : i32
      %broadcast_in_dim3A_103 = vector.broadcast %jit3A_102 : i32 to vector<16xi32>
      %select_n3A_104 = arith.select %and3A_101, %sub3A_94, %broadcast_in_dim3A_103 : vector<16xi1>, vector<16xi32>
      %gather3A_105 = tpu.vector_load_idx %arg11[%select_n3A_104] masked %and3A_101 : memref<25040xf32, #tpu.memory_space<vmem>>[vector<16xi32>], vector<16xf32>, vector<16xi1>
      %swap3A_106 = arith.constant 16 : index
      %swap3A_107 = tpu.vector_load %arg10[%swap3A_106] {strides = array<i32>} : memref<400xf32, #tpu.memory_space<vmem>>, vector<16xf32>,
      tpu.vector_store %arg10[%swap3A_106], %gather3A_105 {strides = array<i32>} : memref<400xf32, #tpu.memory_space<vmem>>, vector<16xf32>,
      %get3A_108 = arith.constant 32 : index
      %get3A_109 = tpu.vector_load %arg7[%get3A_108] {strides = array<i32>} : memref<400xi32, #tpu.memory_space<vmem>>, vector<16xi32>,
      %sub3A_110 = arith.constant 0 : i32
      %sub3A_111 = vector.broadcast %sub3A_110 : i32 to vector<16xi32>
      %sub3A_112 = arith.subi %get3A_109, %sub3A_111 : vector<16xi32>
      %ge3A_113 = arith.constant 0 : i32
      %ge3A_114 = vector.broadcast %ge3A_113 : i32 to vector<16xi32>
      %ge3A_115 = arith.cmpi sge, %sub3A_112, %ge3A_114 : vector<16xi32>
      %lt3A_116 = arith.constant 24960 : i32
      %lt3A_117 = vector.broadcast %lt3A_116 : i32 to vector<16xi32>
      %lt3A_118 = arith.cmpi slt, %sub3A_112, %lt3A_117 : vector<16xi32>
      %and3A_119 = arith.andi %ge3A_115, %lt3A_118 : vector<16xi1>
      %jit3A_120 = arith.constant 0 : i32
      %broadcast_in_dim3A_121 = vector.broadcast %jit3A_120 : i32 to vector<16xi32>
      %select_n3A_122 = arith.select %and3A_119, %sub3A_112, %broadcast_in_dim3A_121 : vector<16xi1>, vector<16xi32>
      %gather3A_123 = tpu.vector_load_idx %arg11[%select_n3A_122] masked %and3A_119 : memref<25040xf32, #tpu.memory_space<vmem>>[vector<16xi32>], vector<16xf32>, vector<16xi1>
      %swap3A_124 = arith.constant 32 : index
      %swap3A_125 = tpu.vector_load %arg10[%swap3A_124] {strides = array<i32>} : memref<400xf32, #tpu.memory_space<vmem>>, vector<16xf32>,
      tpu.vector_store %arg10[%swap3A_124], %gather3A_123 {strides = array<i32>} : memref<400xf32, #tpu.memory_space<vmem>>, vector<16xf32>,
      %get3A_126 = arith.constant 48 : index
      %get3A_127 = tpu.vector_load %arg7[%get3A_126] {strides = array<i32>} : memref<400xi32, #tpu.memory_space<vmem>>, vector<16xi32>,
      %sub3A_128 = arith.constant 0 : i32
      %sub3A_129 = vector.broadcast %sub3A_128 : i32 to vector<16xi32>
      %sub3A_130 = arith.subi %get3A_127, %sub3A_129 : vector<16xi32>
      %ge3A_131 = arith.constant 0 : i32
      %ge3A_132 = vector.broadcast %ge3A_131 : i32 to vector<16xi32>
      %ge3A_133 = arith.cmpi sge, %sub3A_130, %ge3A_132 : vector<16xi32>
      %lt3A_134 = arith.constant 24960 : i32
      %lt3A_135 = vector.broadcast %lt3A_134 : i32 to vector<16xi32>
      %lt3A_136 = arith.cmpi slt, %sub3A_130, %lt3A_135 : vector<16xi32>
      %and3A_137 = arith.andi %ge3A_133, %lt3A_136 : vector<16xi1>
      %jit3A_138 = arith.constant 0 : i32
      %broadcast_in_dim3A_139 = vector.broadcast %jit3A_138 : i32 to vector<16xi32>
      %select_n3A_140 = arith.select %and3A_137, %sub3A_130, %broadcast_in_dim3A_139 : vector<16xi1>, vector<16xi32>
      %gather3A_141 = tpu.vector_load_idx %arg11[%select_n3A_140] masked %and3A_137 : memref<25040xf32, #tpu.memory_space<vmem>>[vector<16xi32>], vector<16xf32>, vector<16xi1>
      %swap3A_142 = arith.constant 48 : index
      %swap3A_143 = tpu.vector_load %arg10[%swap3A_142] {strides = array<i32>} : memref<400xf32, #tpu.memory_space<vmem>>, vector<16xf32>,
      tpu.vector_store %arg10[%swap3A_142], %gather3A_141 {strides = array<i32>} : memref<400xf32, #tpu.memory_space<vmem>>, vector<16xf32>,
      %get3A_144 = arith.constant 64 : index
      %get3A_145 = tpu.vector_load %arg7[%get3A_144] {strides = array<i32>} : memref<400xi32, #tpu.memory_space<vmem>>, vector<16xi32>,
      %sub3A_146 = arith.constant 0 : i32
      %sub3A_147 = vector.broadcast %sub3A_146 : i32 to vector<16xi32>
      %sub3A_148 = arith.subi %get3A_145, %sub3A_147 : vector<16xi32>
      %ge3A_149 = arith.constant 0 : i32
      %ge3A_150 = vector.broadcast %ge3A_149 : i32 to vector<16xi32>
      %ge3A_151 = arith.cmpi sge, %sub3A_148, %ge3A_150 : vector<16xi32>
      %lt3A_152 = arith.constant 24960 : i32
      %lt3A_153 = vector.broadcast %lt3A_152 : i32 to vector<16xi32>
      %lt3A_154 = arith.cmpi slt, %sub3A_148, %lt3A_153 : vector<16xi32>
      %and3A_155 = arith.andi %ge3A_151, %lt3A_154 : vector<16xi1>
      %jit3A_156 = arith.constant 0 : i32
      %broadcast_in_dim3A_157 = vector.broadcast %jit3A_156 : i32 to vector<16xi32>
      %select_n3A_158 = arith.select %and3A_155, %sub3A_148, %broadcast_in_dim3A_157 : vector<16xi1>, vector<16xi32>
      %gather3A_159 = tpu.vector_load_idx %arg11[%select_n3A_158] masked %and3A_155 : memref<25040xf32, #tpu.memory_space<vmem>>[vector<16xi32>], vector<16xf32>, vector<16xi1>
      %swap3A_160 = arith.constant 64 : index
      %swap3A_161 = tpu.vector_load %arg10[%swap3A_160] {strides = array<i32>} : memref<400xf32, #tpu.memory_space<vmem>>, vector<16xf32>,
      tpu.vector_store %arg10[%swap3A_160], %gather3A_159 {strides = array<i32>} : memref<400xf32, #tpu.memory_space<vmem>>, vector<16xf32>,
      %get3A_162 = arith.constant 80 : index
      %get3A_163 = tpu.vector_load %arg7[%get3A_162] {strides = array<i32>} : memref<400xi32, #tpu.memory_space<vmem>>, vector<16xi32>,
      %sub3A_164 = arith.constant 0 : i32
      %sub3A_165 = vector.broadcast %sub3A_164 : i32 to vector<16xi32>
      %sub3A_166 = arith.subi %get3A_163, %sub3A_165 : vector<16xi32>
      %ge3A_167 = arith.constant 0 : i32
      %ge3A_168 = vector.broadcast %ge3A_167 : i32 to vector<16xi32>
      %ge3A_169 = arith.cmpi sge, %sub3A_166, %ge3A_168 : vector<16xi32>
      %lt3A_170 = arith.constant 24960 : i32
      %lt3A_171 = vector.broadcast %lt3A_170 : i32 to vector<16xi32>
      %lt3A_172 = arith.cmpi slt, %sub3A_166, %lt3A_171 : vector<16xi32>
      %and3A_173 = arith.andi %ge3A_169, %lt3A_172 : vector<16xi1>
      %jit3A_174 = arith.constant 0 : i32
      %broadcast_in_dim3A_175 = vector.broadcast %jit3A_174 : i32 to vector<16xi32>
      %select_n3A_176 = arith.select %and3A_173, %sub3A_166, %broadcast_in_dim3A_175 : vector<16xi1>, vector<16xi32>
      %gather3A_177 = tpu.vector_load_idx %arg11[%select_n3A_176] masked %and3A_173 : memref<25040xf32, #tpu.memory_space<vmem>>[vector<16xi32>], vector<16xf32>, vector<16xi1>
      %swap3A_178 = arith.constant 80 : index
      %swap3A_179 = tpu.vector_load %arg10[%swap3A_178] {strides = array<i32>} : memref<400xf32, #tpu.memory_space<vmem>>, vector<16xf32>,
      tpu.vector_store %arg10[%swap3A_178], %gather3A_177 {strides = array<i32>} : memref<400xf32, #tpu.memory_space<vmem>>, vector<16xf32>,
      %get3A_180 = arith.constant 96 : index
      %get3A_181 = tpu.vector_load %arg7[%get3A_180] {strides = array<i32>} : memref<400xi32, #tpu.memory_space<vmem>>, vector<16xi32>,
      %sub3A_182 = arith.constant 0 : i32
      %sub3A_183 = vector.broadcast %sub3A_182 : i32 to vector<16xi32>
      %sub3A_184 = arith.subi %get3A_181, %sub3A_183 : vector<16xi32>
      %ge3A_185 = arith.constant 0 : i32
      %ge3A_186 = vector.broadcast %ge3A_185 : i32 to vector<16xi32>
      %ge3A_187 = arith.cmpi sge, %sub3A_184, %ge3A_186 : vector<16xi32>
      %lt3A_188 = arith.constant 24960 : i32
      %lt3A_189 = vector.broadcast %lt3A_188 : i32 to vector<16xi32>
      %lt3A_190 = arith.cmpi slt, %sub3A_184, %lt3A_189 : vector<16xi32>
      %and3A_191 = arith.andi %ge3A_187, %lt3A_190 : vector<16xi1>
      %jit3A_192 = arith.constant 0 : i32
      %broadcast_in_dim3A_193 = vector.broadcast %jit3A_192 : i32 to vector<16xi32>
      %select_n3A_194 = arith.select %and3A_191, %sub3A_184, %broadcast_in_dim3A_193 : vector<16xi1>, vector<16xi32>
      %gather3A_195 = tpu.vector_load_idx %arg11[%select_n3A_194] masked %and3A_191 : memref<25040xf32, #tpu.memory_space<vmem>>[vector<16xi32>], vector<16xf32>, vector<16xi1>
      %swap3A_196 = arith.constant 96 : index
      %swap3A_197 = tpu.vector_load %arg10[%swap3A_196] {strides = array<i32>} : memref<400xf32, #tpu.memory_space<vmem>>, vector<16xf32>,
      tpu.vector_store %arg10[%swap3A_196], %gather3A_195 {strides = array<i32>} : memref<400xf32, #tpu.memory_space<vmem>>, vector<16xf32>,
      %get3A_198 = arith.constant 112 : index
      %get3A_199 = tpu.vector_load %arg7[%get3A_198] {strides = array<i32>} : memref<400xi32, #tpu.memory_space<vmem>>, vector<16xi32>,
      %sub3A_200 = arith.constant 0 : i32
      %sub3A_201 = vector.broadcast %sub3A_200 : i32 to vector<16xi32>
      %sub3A_202 = arith.subi %get3A_199, %sub3A_201 : vector<16xi32>
      %ge3A_203 = arith.constant 0 : i32
      %ge3A_204 = vector.broadcast %ge3A_203 : i32 to vector<16xi32>
      %ge3A_205 = arith.cmpi sge, %sub3A_202, %ge3A_204 : vector<16xi32>
      %lt3A_206 = arith.constant 24960 : i32
      %lt3A_207 = vector.broadcast %lt3A_206 : i32 to vector<16xi32>
      %lt3A_208 = arith.cmpi slt, %sub3A_202, %lt3A_207 : vector<16xi32>
      %and3A_209 = arith.andi %ge3A_205, %lt3A_208 : vector<16xi1>
      %jit3A_210 = arith.constant 0 : i32
      %broadcast_in_dim3A_211 = vector.broadcast %jit3A_210 : i32 to vector<16xi32>
      %select_n3A_212 = arith.select %and3A_209, %sub3A_202, %broadcast_in_dim3A_211 : vector<16xi1>, vector<16xi32>
      %gather3A_213 = tpu.vector_load_idx %arg11[%select_n3A_212] masked %and3A_209 : memref<25040xf32, #tpu.memory_space<vmem>>[vector<16xi32>], vector<16xf32>, vector<16xi1>
      %swap3A_214 = arith.constant 112 : index
      %swap3A_215 = tpu.vector_load %arg10[%swap3A_214] {strides = array<i32>} : memref<400xf32, #tpu.memory_space<vmem>>, vector<16xf32>,
      tpu.vector_store %arg10[%swap3A_214], %gather3A_213 {strides = array<i32>} : memref<400xf32, #tpu.memory_space<vmem>>, vector<16xf32>,
      %get3A_216 = arith.constant 128 : index
      %get3A_217 = tpu.vector_load %arg7[%get3A_216] {strides = array<i32>} : memref<400xi32, #tpu.memory_space<vmem>>, vector<16xi32>,
      %sub3A_218 = arith.constant 0 : i32
      %sub3A_219 = vector.broadcast %sub3A_218 : i32 to vector<16xi32>
      %sub3A_220 = arith.subi %get3A_217, %sub3A_219 : vector<16xi32>
      %ge3A_221 = arith.constant 0 : i32
      %ge3A_222 = vector.broadcast %ge3A_221 : i32 to vector<16xi32>
      %ge3A_223 = arith.cmpi sge, %sub3A_220, %ge3A_222 : vector<16xi32>
      %lt3A_224 = arith.constant 24960 : i32
      %lt3A_225 = vector.broadcast %lt3A_224 : i32 to vector<16xi32>
      %lt3A_226 = arith.cmpi slt, %sub3A_220, %lt3A_225 : vector<16xi32>
      %and3A_227 = arith.andi %ge3A_223, %lt3A_226 : vector<16xi1>
      %jit3A_228 = arith.constant 0 : i32
      %broadcast_in_dim3A_229 = vector.broadcast %jit3A_228 : i32 to vector<16xi32>
      %select_n3A_230 = arith.select %and3A_227, %sub3A_220, %broadcast_in_dim3A_229 : vector<16xi1>, vector<16xi32>
      %gather3A_231 = tpu.vector_load_idx %arg11[%select_n3A_230] masked %and3A_227 : memref<25040xf32, #tpu.memory_space<vmem>>[vector<16xi32>], vector<16xf32>, vector<16xi1>
      %swap3A_232 = arith.constant 128 : index
      %swap3A_233 = tpu.vector_load %arg10[%swap3A_232] {strides = array<i32>} : memref<400xf32, #tpu.memory_space<vmem>>, vector<16xf32>,
      tpu.vector_store %arg10[%swap3A_232], %gather3A_231 {strides = array<i32>} : memref<400xf32, #tpu.memory_space<vmem>>, vector<16xf32>,
      %get3A_234 = arith.constant 144 : index
      %get3A_235 = tpu.vector_load %arg7[%get3A_234] {strides = array<i32>} : memref<400xi32, #tpu.memory_space<vmem>>, vector<16xi32>,
      %sub3A_236 = arith.constant 0 : i32
      %sub3A_237 = vector.broadcast %sub3A_236 : i32 to vector<16xi32>
      %sub3A_238 = arith.subi %get3A_235, %sub3A_237 : vector<16xi32>
      %ge3A_239 = arith.constant 0 : i32
      %ge3A_240 = vector.broadcast %ge3A_239 : i32 to vector<16xi32>
      %ge3A_241 = arith.cmpi sge, %sub3A_238, %ge3A_240 : vector<16xi32>
      %lt3A_242 = arith.constant 24960 : i32
      %lt3A_243 = vector.broadcast %lt3A_242 : i32 to vector<16xi32>
      %lt3A_244 = arith.cmpi slt, %sub3A_238, %lt3A_243 : vector<16xi32>
      %and3A_245 = arith.andi %ge3A_241, %lt3A_244 : vector<16xi1>
      %jit3A_246 = arith.constant 0 : i32
      %broadcast_in_dim3A_247 = vector.broadcast %jit3A_246 : i32 to vector<16xi32>
      %select_n3A_248 = arith.select %and3A_245, %sub3A_238, %broadcast_in_dim3A_247 : vector<16xi1>, vector<16xi32>
      %gather3A_249 = tpu.vector_load_idx %arg11[%select_n3A_248] masked %and3A_245 : memref<25040xf32, #tpu.memory_space<vmem>>[vector<16xi32>], vector<16xf32>, vector<16xi1>
      %swap3A_250 = arith.constant 144 : index
      %swap3A_251 = tpu.vector_load %arg10[%swap3A_250] {strides = array<i32>} : memref<400xf32, #tpu.memory_space<vmem>>, vector<16xf32>,
      tpu.vector_store %arg10[%swap3A_250], %gather3A_249 {strides = array<i32>} : memref<400xf32, #tpu.memory_space<vmem>>, vector<16xf32>,
      %get3A_252 = arith.constant 160 : index
      %get3A_253 = tpu.vector_load %arg7[%get3A_252] {strides = array<i32>} : memref<400xi32, #tpu.memory_space<vmem>>, vector<16xi32>,
      %sub3A_254 = arith.constant 0 : i32
      %sub3A_255 = vector.broadcast %sub3A_254 : i32 to vector<16xi32>
      %sub3A_256 = arith.subi %get3A_253, %sub3A_255 : vector<16xi32>
      %ge3A_257 = arith.constant 0 : i32
      %ge3A_258 = vector.broadcast %ge3A_257 : i32 to vector<16xi32>
      %ge3A_259 = arith.cmpi sge, %sub3A_256, %ge3A_258 : vector<16xi32>
      %lt3A_260 = arith.constant 24960 : i32
      %lt3A_261 = vector.broadcast %lt3A_260 : i32 to vector<16xi32>
      %lt3A_262 = arith.cmpi slt, %sub3A_256, %lt3A_261 : vector<16xi32>
      %and3A_263 = arith.andi %ge3A_259, %lt3A_262 : vector<16xi1>
      %jit3A_264 = arith.constant 0 : i32
      %broadcast_in_dim3A_265 = vector.broadcast %jit3A_264 : i32 to vector<16xi32>
      %select_n3A_266 = arith.select %and3A_263, %sub3A_256, %broadcast_in_dim3A_265 : vector<16xi1>, vector<16xi32>
      %gather3A_267 = tpu.vector_load_idx %arg11[%select_n3A_266] masked %and3A_263 : memref<25040xf32, #tpu.memory_space<vmem>>[vector<16xi32>], vector<16xf32>, vector<16xi1>
      %swap3A_268 = arith.constant 160 : index
      %swap3A_269 = tpu.vector_load %arg10[%swap3A_268] {strides = array<i32>} : memref<400xf32, #tpu.memory_space<vmem>>, vector<16xf32>,
      tpu.vector_store %arg10[%swap3A_268], %gather3A_267 {strides = array<i32>} : memref<400xf32, #tpu.memory_space<vmem>>, vector<16xf32>,
      %get3A_270 = arith.constant 176 : index
      %get3A_271 = tpu.vector_load %arg7[%get3A_270] {strides = array<i32>} : memref<400xi32, #tpu.memory_space<vmem>>, vector<16xi32>,
      %sub3A_272 = arith.constant 0 : i32
      %sub3A_273 = vector.broadcast %sub3A_272 : i32 to vector<16xi32>
      %sub3A_274 = arith.subi %get3A_271, %sub3A_273 : vector<16xi32>
      %ge3A_275 = arith.constant 0 : i32
      %ge3A_276 = vector.broadcast %ge3A_275 : i32 to vector<16xi32>
      %ge3A_277 = arith.cmpi sge, %sub3A_274, %ge3A_276 : vector<16xi32>
      %lt3A_278 = arith.constant 24960 : i32
      %lt3A_279 = vector.broadcast %lt3A_278 : i32 to vector<16xi32>
      %lt3A_280 = arith.cmpi slt, %sub3A_274, %lt3A_279 : vector<16xi32>
      %and3A_281 = arith.andi %ge3A_277, %lt3A_280 : vector<16xi1>
      %jit3A_282 = arith.constant 0 : i32
      %broadcast_in_dim3A_283 = vector.broadcast %jit3A_282 : i32 to vector<16xi32>
      %select_n3A_284 = arith.select %and3A_281, %sub3A_274, %broadcast_in_dim3A_283 : vector<16xi1>, vector<16xi32>
      %gather3A_285 = tpu.vector_load_idx %arg11[%select_n3A_284] masked %and3A_281 : memref<25040xf32, #tpu.memory_space<vmem>>[vector<16xi32>], vector<16xf32>, vector<16xi1>
      %swap3A_286 = arith.constant 176 : index
      %swap3A_287 = tpu.vector_load %arg10[%swap3A_286] {strides = array<i32>} : memref<400xf32, #tpu.memory_space<vmem>>, vector<16xf32>,
      tpu.vector_store %arg10[%swap3A_286], %gather3A_285 {strides = array<i32>} : memref<400xf32, #tpu.memory_space<vmem>>, vector<16xf32>,
      %get3A_288 = arith.constant 192 : index
      %get3A_289 = tpu.vector_load %arg7[%get3A_288] {strides = array<i32>} : memref<400xi32, #tpu.memory_space<vmem>>, vector<16xi32>,
      %sub3A_290 = arith.constant 0 : i32
      %sub3A_291 = vector.broadcast %sub3A_290 : i32 to vector<16xi32>
      %sub3A_292 = arith.subi %get3A_289, %sub3A_291 : vector<16xi32>
      %ge3A_293 = arith.constant 0 : i32
      %ge3A_294 = vector.broadcast %ge3A_293 : i32 to vector<16xi32>
      %ge3A_295 = arith.cmpi sge, %sub3A_292, %ge3A_294 : vector<16xi32>
      %lt3A_296 = arith.constant 24960 : i32
      %lt3A_297 = vector.broadcast %lt3A_296 : i32 to vector<16xi32>
      %lt3A_298 = arith.cmpi slt, %sub3A_292, %lt3A_297 : vector<16xi32>
      %and3A_299 = arith.andi %ge3A_295, %lt3A_298 : vector<16xi1>
      %jit3A_300 = arith.constant 0 : i32
      %broadcast_in_dim3A_301 = vector.broadcast %jit3A_300 : i32 to vector<16xi32>
      %select_n3A_302 = arith.select %and3A_299, %sub3A_292, %broadcast_in_dim3A_301 : vector<16xi1>, vector<16xi32>
      %gather3A_303 = tpu.vector_load_idx %arg11[%select_n3A_302] masked %and3A_299 : memref<25040xf32, #tpu.memory_space<vmem>>[vector<16xi32>], vector<16xf32>, vector<16xi1>
      %swap3A_304 = arith.constant 192 : index
      %swap3A_305 = tpu.vector_load %arg10[%swap3A_304] {strides = array<i32>} : memref<400xf32, #tpu.memory_space<vmem>>, vector<16xf32>,
      tpu.vector_store %arg10[%swap3A_304], %gather3A_303 {strides = array<i32>} : memref<400xf32, #tpu.memory_space<vmem>>, vector<16xf32>,
      %get3A_306 = arith.constant 208 : index
      %get3A_307 = tpu.vector_load %arg7[%get3A_306] {strides = array<i32>} : memref<400xi32, #tpu.memory_space<vmem>>, vector<16xi32>,
      %sub3A_308 = arith.constant 0 : i32
      %sub3A_309 = vector.broadcast %sub3A_308 : i32 to vector<16xi32>
      %sub3A_310 = arith.subi %get3A_307, %sub3A_309 : vector<16xi32>
      %ge3A_311 = arith.constant 0 : i32
      %ge3A_312 = vector.broadcast %ge3A_311 : i32 to vector<16xi32>
      %ge3A_313 = arith.cmpi sge, %sub3A_310, %ge3A_312 : vector<16xi32>
      %lt3A_314 = arith.constant 24960 : i32
      %lt3A_315 = vector.broadcast %lt3A_314 : i32 to vector<16xi32>
      %lt3A_316 = arith.cmpi slt, %sub3A_310, %lt3A_315 : vector<16xi32>
      %and3A_317 = arith.andi %ge3A_313, %lt3A_316 : vector<16xi1>
      %jit3A_318 = arith.constant 0 : i32
      %broadcast_in_dim3A_319 = vector.broadcast %jit3A_318 : i32 to vector<16xi32>
      %select_n3A_320 = arith.select %and3A_317, %sub3A_310, %broadcast_in_dim3A_319 : vector<16xi1>, vector<16xi32>
      %gather3A_321 = tpu.vector_load_idx %arg11[%select_n3A_320] masked %and3A_317 : memref<25040xf32, #tpu.memory_space<vmem>>[vector<16xi32>], vector<16xf32>, vector<16xi1>
      %swap3A_322 = arith.constant 208 : index
      %swap3A_323 = tpu.vector_load %arg10[%swap3A_322] {strides = array<i32>} : memref<400xf32, #tpu.memory_space<vmem>>, vector<16xf32>,
      tpu.vector_store %arg10[%swap3A_322], %gather3A_321 {strides = array<i32>} : memref<400xf32, #tpu.memory_space<vmem>>, vector<16xf32>,
      %get3A_324 = arith.constant 224 : index
      %get3A_325 = tpu.vector_load %arg7[%get3A_324] {strides = array<i32>} : memref<400xi32, #tpu.memory_space<vmem>>, vector<16xi32>,
      %sub3A_326 = arith.constant 0 : i32
      %sub3A_327 = vector.broadcast %sub3A_326 : i32 to vector<16xi32>
      %sub3A_328 = arith.subi %get3A_325, %sub3A_327 : vector<16xi32>
      %ge3A_329 = arith.constant 0 : i32
      %ge3A_330 = vector.broadcast %ge3A_329 : i32 to vector<16xi32>
      %ge3A_331 = arith.cmpi sge, %sub3A_328, %ge3A_330 : vector<16xi32>
      %lt3A_332 = arith.constant 24960 : i32
      %lt3A_333 = vector.broadcast %lt3A_332 : i32 to vector<16xi32>
      %lt3A_334 = arith.cmpi slt, %sub3A_328, %lt3A_333 : vector<16xi32>
      %and3A_335 = arith.andi %ge3A_331, %lt3A_334 : vector<16xi1>
      %jit3A_336 = arith.constant 0 : i32
      %broadcast_in_dim3A_337 = vector.broadcast %jit3A_336 : i32 to vector<16xi32>
      %select_n3A_338 = arith.select %and3A_335, %sub3A_328, %broadcast_in_dim3A_337 : vector<16xi1>, vector<16xi32>
      %gather3A_339 = tpu.vector_load_idx %arg11[%select_n3A_338] masked %and3A_335 : memref<25040xf32, #tpu.memory_space<vmem>>[vector<16xi32>], vector<16xf32>, vector<16xi1>
      %swap3A_340 = arith.constant 224 : index
      %swap3A_341 = tpu.vector_load %arg10[%swap3A_340] {strides = array<i32>} : memref<400xf32, #tpu.memory_space<vmem>>, vector<16xf32>,
      tpu.vector_store %arg10[%swap3A_340], %gather3A_339 {strides = array<i32>} : memref<400xf32, #tpu.memory_space<vmem>>, vector<16xf32>,
      %get3A_342 = arith.constant 240 : index
      %get3A_343 = tpu.vector_load %arg7[%get3A_342] {strides = array<i32>} : memref<400xi32, #tpu.memory_space<vmem>>, vector<16xi32>,
      %sub3A_344 = arith.constant 0 : i32
      %sub3A_345 = vector.broadcast %sub3A_344 : i32 to vector<16xi32>
      %sub3A_346 = arith.subi %get3A_343, %sub3A_345 : vector<16xi32>
      %ge3A_347 = arith.constant 0 : i32
      %ge3A_348 = vector.broadcast %ge3A_347 : i32 to vector<16xi32>
      %ge3A_349 = arith.cmpi sge, %sub3A_346, %ge3A_348 : vector<16xi32>
      %lt3A_350 = arith.constant 24960 : i32
      %lt3A_351 = vector.broadcast %lt3A_350 : i32 to vector<16xi32>
      %lt3A_352 = arith.cmpi slt, %sub3A_346, %lt3A_351 : vector<16xi32>
      %and3A_353 = arith.andi %ge3A_349, %lt3A_352 : vector<16xi1>
      %jit3A_354 = arith.constant 0 : i32
      %broadcast_in_dim3A_355 = vector.broadcast %jit3A_354 : i32 to vector<16xi32>
      %select_n3A_356 = arith.select %and3A_353, %sub3A_346, %broadcast_in_dim3A_355 : vector<16xi1>, vector<16xi32>
      %gather3A_357 = tpu.vector_load_idx %arg11[%select_n3A_356] masked %and3A_353 : memref<25040xf32, #tpu.memory_space<vmem>>[vector<16xi32>], vector<16xf32>, vector<16xi1>
      %swap3A_358 = arith.constant 240 : index
      %swap3A_359 = tpu.vector_load %arg10[%swap3A_358] {strides = array<i32>} : memref<400xf32, #tpu.memory_space<vmem>>, vector<16xf32>,
      tpu.vector_store %arg10[%swap3A_358], %gather3A_357 {strides = array<i32>} : memref<400xf32, #tpu.memory_space<vmem>>, vector<16xf32>,
      %get3A_360 = arith.constant 256 : index
      %get3A_361 = tpu.vector_load %arg7[%get3A_360] {strides = array<i32>} : memref<400xi32, #tpu.memory_space<vmem>>, vector<16xi32>,
      %sub3A_362 = arith.constant 0 : i32
      %sub3A_363 = vector.broadcast %sub3A_362 : i32 to vector<16xi32>
      %sub3A_364 = arith.subi %get3A_361, %sub3A_363 : vector<16xi32>
      %ge3A_365 = arith.constant 0 : i32
      %ge3A_366 = vector.broadcast %ge3A_365 : i32 to vector<16xi32>
      %ge3A_367 = arith.cmpi sge, %sub3A_364, %ge3A_366 : vector<16xi32>
      %lt3A_368 = arith.constant 24960 : i32
      %lt3A_369 = vector.broadcast %lt3A_368 : i32 to vector<16xi32>
      %lt3A_370 = arith.cmpi slt, %sub3A_364, %lt3A_369 : vector<16xi32>
      %and3A_371 = arith.andi %ge3A_367, %lt3A_370 : vector<16xi1>
      %jit3A_372 = arith.constant 0 : i32
      %broadcast_in_dim3A_373 = vector.broadcast %jit3A_372 : i32 to vector<16xi32>
      %select_n3A_374 = arith.select %and3A_371, %sub3A_364, %broadcast_in_dim3A_373 : vector<16xi1>, vector<16xi32>
      %gather3A_375 = tpu.vector_load_idx %arg11[%select_n3A_374] masked %and3A_371 : memref<25040xf32, #tpu.memory_space<vmem>>[vector<16xi32>], vector<16xf32>, vector<16xi1>
      %swap3A_376 = arith.constant 256 : index
      %swap3A_377 = tpu.vector_load %arg10[%swap3A_376] {strides = array<i32>} : memref<400xf32, #tpu.memory_space<vmem>>, vector<16xf32>,
      tpu.vector_store %arg10[%swap3A_376], %gather3A_375 {strides = array<i32>} : memref<400xf32, #tpu.memory_space<vmem>>, vector<16xf32>,
      %get3A_378 = arith.constant 272 : index
      %get3A_379 = tpu.vector_load %arg7[%get3A_378] {strides = array<i32>} : memref<400xi32, #tpu.memory_space<vmem>>, vector<16xi32>,
      %sub3A_380 = arith.constant 0 : i32
      %sub3A_381 = vector.broadcast %sub3A_380 : i32 to vector<16xi32>
      %sub3A_382 = arith.subi %get3A_379, %sub3A_381 : vector<16xi32>
      %ge3A_383 = arith.constant 0 : i32
      %ge3A_384 = vector.broadcast %ge3A_383 : i32 to vector<16xi32>
      %ge3A_385 = arith.cmpi sge, %sub3A_382, %ge3A_384 : vector<16xi32>
      %lt3A_386 = arith.constant 24960 : i32
      %lt3A_387 = vector.broadcast %lt3A_386 : i32 to vector<16xi32>
      %lt3A_388 = arith.cmpi slt, %sub3A_382, %lt3A_387 : vector<16xi32>
      %and3A_389 = arith.andi %ge3A_385, %lt3A_388 : vector<16xi1>
      %jit3A_390 = arith.constant 0 : i32
      %broadcast_in_dim3A_391 = vector.broadcast %jit3A_390 : i32 to vector<16xi32>
      %select_n3A_392 = arith.select %and3A_389, %sub3A_382, %broadcast_in_dim3A_391 : vector<16xi1>, vector<16xi32>
      %gather3A_393 = tpu.vector_load_idx %arg11[%select_n3A_392] masked %and3A_389 : memref<25040xf32, #tpu.memory_space<vmem>>[vector<16xi32>], vector<16xf32>, vector<16xi1>
      %swap3A_394 = arith.constant 272 : index
      %swap3A_395 = tpu.vector_load %arg10[%swap3A_394] {strides = array<i32>} : memref<400xf32, #tpu.memory_space<vmem>>, vector<16xf32>,
      tpu.vector_store %arg10[%swap3A_394], %gather3A_393 {strides = array<i32>} : memref<400xf32, #tpu.memory_space<vmem>>, vector<16xf32>,
      %get3A_396 = arith.constant 288 : index
      %get3A_397 = tpu.vector_load %arg7[%get3A_396] {strides = array<i32>} : memref<400xi32, #tpu.memory_space<vmem>>, vector<16xi32>,
      %sub3A_398 = arith.constant 0 : i32
      %sub3A_399 = vector.broadcast %sub3A_398 : i32 to vector<16xi32>
      %sub3A_400 = arith.subi %get3A_397, %sub3A_399 : vector<16xi32>
      %ge3A_401 = arith.constant 0 : i32
      %ge3A_402 = vector.broadcast %ge3A_401 : i32 to vector<16xi32>
      %ge3A_403 = arith.cmpi sge, %sub3A_400, %ge3A_402 : vector<16xi32>
      %lt3A_404 = arith.constant 24960 : i32
      %lt3A_405 = vector.broadcast %lt3A_404 : i32 to vector<16xi32>
      %lt3A_406 = arith.cmpi slt, %sub3A_400, %lt3A_405 : vector<16xi32>
      %and3A_407 = arith.andi %ge3A_403, %lt3A_406 : vector<16xi1>
      %jit3A_408 = arith.constant 0 : i32
      %broadcast_in_dim3A_409 = vector.broadcast %jit3A_408 : i32 to vector<16xi32>
      %select_n3A_410 = arith.select %and3A_407, %sub3A_400, %broadcast_in_dim3A_409 : vector<16xi1>, vector<16xi32>
      %gather3A_411 = tpu.vector_load_idx %arg11[%select_n3A_410] masked %and3A_407 : memref<25040xf32, #tpu.memory_space<vmem>>[vector<16xi32>], vector<16xf32>, vector<16xi1>
      %swap3A_412 = arith.constant 288 : index
      %swap3A_413 = tpu.vector_load %arg10[%swap3A_412] {strides = array<i32>} : memref<400xf32, #tpu.memory_space<vmem>>, vector<16xf32>,
      tpu.vector_store %arg10[%swap3A_412], %gather3A_411 {strides = array<i32>} : memref<400xf32, #tpu.memory_space<vmem>>, vector<16xf32>,
      %get3A_414 = arith.constant 304 : index
      %get3A_415 = tpu.vector_load %arg7[%get3A_414] {strides = array<i32>} : memref<400xi32, #tpu.memory_space<vmem>>, vector<16xi32>,
      %sub3A_416 = arith.constant 0 : i32
      %sub3A_417 = vector.broadcast %sub3A_416 : i32 to vector<16xi32>
      %sub3A_418 = arith.subi %get3A_415, %sub3A_417 : vector<16xi32>
      %ge3A_419 = arith.constant 0 : i32
      %ge3A_420 = vector.broadcast %ge3A_419 : i32 to vector<16xi32>
      %ge3A_421 = arith.cmpi sge, %sub3A_418, %ge3A_420 : vector<16xi32>
      %lt3A_422 = arith.constant 24960 : i32
      %lt3A_423 = vector.broadcast %lt3A_422 : i32 to vector<16xi32>
      %lt3A_424 = arith.cmpi slt, %sub3A_418, %lt3A_423 : vector<16xi32>
      %and3A_425 = arith.andi %ge3A_421, %lt3A_424 : vector<16xi1>
      %jit3A_426 = arith.constant 0 : i32
      %broadcast_in_dim3A_427 = vector.broadcast %jit3A_426 : i32 to vector<16xi32>
      %select_n3A_428 = arith.select %and3A_425, %sub3A_418, %broadcast_in_dim3A_427 : vector<16xi1>, vector<16xi32>
      %gather3A_429 = tpu.vector_load_idx %arg11[%select_n3A_428] masked %and3A_425 : memref<25040xf32, #tpu.memory_space<vmem>>[vector<16xi32>], vector<16xf32>, vector<16xi1>
      %swap3A_430 = arith.constant 304 : index
      %swap3A_431 = tpu.vector_load %arg10[%swap3A_430] {strides = array<i32>} : memref<400xf32, #tpu.memory_space<vmem>>, vector<16xf32>,
      tpu.vector_store %arg10[%swap3A_430], %gather3A_429 {strides = array<i32>} : memref<400xf32, #tpu.memory_space<vmem>>, vector<16xf32>,
      %get3A_432 = arith.constant 320 : index
      %get3A_433 = tpu.vector_load %arg7[%get3A_432] {strides = array<i32>} : memref<400xi32, #tpu.memory_space<vmem>>, vector<16xi32>,
      %sub3A_434 = arith.constant 0 : i32
      %sub3A_435 = vector.broadcast %sub3A_434 : i32 to vector<16xi32>
      %sub3A_436 = arith.subi %get3A_433, %sub3A_435 : vector<16xi32>
      %ge3A_437 = arith.constant 0 : i32
      %ge3A_438 = vector.broadcast %ge3A_437 : i32 to vector<16xi32>
      %ge3A_439 = arith.cmpi sge, %sub3A_436, %ge3A_438 : vector<16xi32>
      %lt3A_440 = arith.constant 24960 : i32
      %lt3A_441 = vector.broadcast %lt3A_440 : i32 to vector<16xi32>
      %lt3A_442 = arith.cmpi slt, %sub3A_436, %lt3A_441 : vector<16xi32>
      %and3A_443 = arith.andi %ge3A_439, %lt3A_442 : vector<16xi1>
      %jit3A_444 = arith.constant 0 : i32
      %broadcast_in_dim3A_445 = vector.broadcast %jit3A_444 : i32 to vector<16xi32>
      %select_n3A_446 = arith.select %and3A_443, %sub3A_436, %broadcast_in_dim3A_445 : vector<16xi1>, vector<16xi32>
      %gather3A_447 = tpu.vector_load_idx %arg11[%select_n3A_446] masked %and3A_443 : memref<25040xf32, #tpu.memory_space<vmem>>[vector<16xi32>], vector<16xf32>, vector<16xi1>
      %swap3A_448 = arith.constant 320 : index
      %swap3A_449 = tpu.vector_load %arg10[%swap3A_448] {strides = array<i32>} : memref<400xf32, #tpu.memory_space<vmem>>, vector<16xf32>,
      tpu.vector_store %arg10[%swap3A_448], %gather3A_447 {strides = array<i32>} : memref<400xf32, #tpu.memory_space<vmem>>, vector<16xf32>,
      %get3A_450 = arith.constant 336 : index
      %get3A_451 = tpu.vector_load %arg7[%get3A_450] {strides = array<i32>} : memref<400xi32, #tpu.memory_space<vmem>>, vector<16xi32>,
      %sub3A_452 = arith.constant 0 : i32
      %sub3A_453 = vector.broadcast %sub3A_452 : i32 to vector<16xi32>
      %sub3A_454 = arith.subi %get3A_451, %sub3A_453 : vector<16xi32>
      %ge3A_455 = arith.constant 0 : i32
      %ge3A_456 = vector.broadcast %ge3A_455 : i32 to vector<16xi32>
      %ge3A_457 = arith.cmpi sge, %sub3A_454, %ge3A_456 : vector<16xi32>
      %lt3A_458 = arith.constant 24960 : i32
      %lt3A_459 = vector.broadcast %lt3A_458 : i32 to vector<16xi32>
      %lt3A_460 = arith.cmpi slt, %sub3A_454, %lt3A_459 : vector<16xi32>
      %and3A_461 = arith.andi %ge3A_457, %lt3A_460 : vector<16xi1>
      %jit3A_462 = arith.constant 0 : i32
      %broadcast_in_dim3A_463 = vector.broadcast %jit3A_462 : i32 to vector<16xi32>
      %select_n3A_464 = arith.select %and3A_461, %sub3A_454, %broadcast_in_dim3A_463 : vector<16xi1>, vector<16xi32>
      %gather3A_465 = tpu.vector_load_idx %arg11[%select_n3A_464] masked %and3A_461 : memref<25040xf32, #tpu.memory_space<vmem>>[vector<16xi32>], vector<16xf32>, vector<16xi1>
      %swap3A_466 = arith.constant 336 : index
      %swap3A_467 = tpu.vector_load %arg10[%swap3A_466] {strides = array<i32>} : memref<400xf32, #tpu.memory_space<vmem>>, vector<16xf32>,
      tpu.vector_store %arg10[%swap3A_466], %gather3A_465 {strides = array<i32>} : memref<400xf32, #tpu.memory_space<vmem>>, vector<16xf32>,
      %get3A_468 = arith.constant 352 : index
      %get3A_469 = tpu.vector_load %arg7[%get3A_468] {strides = array<i32>} : memref<400xi32, #tpu.memory_space<vmem>>, vector<16xi32>,
      %sub3A_470 = arith.constant 0 : i32
      %sub3A_471 = vector.broadcast %sub3A_470 : i32 to vector<16xi32>
      %sub3A_472 = arith.subi %get3A_469, %sub3A_471 : vector<16xi32>
      %ge3A_473 = arith.constant 0 : i32
      %ge3A_474 = vector.broadcast %ge3A_473 : i32 to vector<16xi32>
      %ge3A_475 = arith.cmpi sge, %sub3A_472, %ge3A_474 : vector<16xi32>
      %lt3A_476 = arith.constant 24960 : i32
      %lt3A_477 = vector.broadcast %lt3A_476 : i32 to vector<16xi32>
      %lt3A_478 = arith.cmpi slt, %sub3A_472, %lt3A_477 : vector<16xi32>
      %and3A_479 = arith.andi %ge3A_475, %lt3A_478 : vector<16xi1>
      %jit3A_480 = arith.constant 0 : i32
      %broadcast_in_dim3A_481 = vector.broadcast %jit3A_480 : i32 to vector<16xi32>
      %select_n3A_482 = arith.select %and3A_479, %sub3A_472, %broadcast_in_dim3A_481 : vector<16xi1>, vector<16xi32>
      %gather3A_483 = tpu.vector_load_idx %arg11[%select_n3A_482] masked %and3A_479 : memref<25040xf32, #tpu.memory_space<vmem>>[vector<16xi32>], vector<16xf32>, vector<16xi1>
      %swap3A_484 = arith.constant 352 : index
      %swap3A_485 = tpu.vector_load %arg10[%swap3A_484] {strides = array<i32>} : memref<400xf32, #tpu.memory_space<vmem>>, vector<16xf32>,
      tpu.vector_store %arg10[%swap3A_484], %gather3A_483 {strides = array<i32>} : memref<400xf32, #tpu.memory_space<vmem>>, vector<16xf32>,
      %get3A_486 = arith.constant 368 : index
      %get3A_487 = tpu.vector_load %arg7[%get3A_486] {strides = array<i32>} : memref<400xi32, #tpu.memory_space<vmem>>, vector<16xi32>,
      %sub3A_488 = arith.constant 0 : i32
      %sub3A_489 = vector.broadcast %sub3A_488 : i32 to vector<16xi32>
      %sub3A_490 = arith.subi %get3A_487, %sub3A_489 : vector<16xi32>
      %ge3A_491 = arith.constant 0 : i32
      %ge3A_492 = vector.broadcast %ge3A_491 : i32 to vector<16xi32>
      %ge3A_493 = arith.cmpi sge, %sub3A_490, %ge3A_492 : vector<16xi32>
      %lt3A_494 = arith.constant 24960 : i32
      %lt3A_495 = vector.broadcast %lt3A_494 : i32 to vector<16xi32>
      %lt3A_496 = arith.cmpi slt, %sub3A_490, %lt3A_495 : vector<16xi32>
      %and3A_497 = arith.andi %ge3A_493, %lt3A_496 : vector<16xi1>
      %jit3A_498 = arith.constant 0 : i32
      %broadcast_in_dim3A_499 = vector.broadcast %jit3A_498 : i32 to vector<16xi32>
      %select_n3A_500 = arith.select %and3A_497, %sub3A_490, %broadcast_in_dim3A_499 : vector<16xi1>, vector<16xi32>
      %gather3A_501 = tpu.vector_load_idx %arg11[%select_n3A_500] masked %and3A_497 : memref<25040xf32, #tpu.memory_space<vmem>>[vector<16xi32>], vector<16xf32>, vector<16xi1>
      %swap3A_502 = arith.constant 368 : index
      %swap3A_503 = tpu.vector_load %arg10[%swap3A_502] {strides = array<i32>} : memref<400xf32, #tpu.memory_space<vmem>>, vector<16xf32>,
      tpu.vector_store %arg10[%swap3A_502], %gather3A_501 {strides = array<i32>} : memref<400xf32, #tpu.memory_space<vmem>>, vector<16xf32>,
      %get3A_504 = arith.constant 384 : index
      %get3A_505 = tpu.vector_load %arg7[%get3A_504] {strides = array<i32>} : memref<400xi32, #tpu.memory_space<vmem>>, vector<16xi32>,
      %sub3A_506 = arith.constant 0 : i32
      %sub3A_507 = vector.broadcast %sub3A_506 : i32 to vector<16xi32>
      %sub3A_508 = arith.subi %get3A_505, %sub3A_507 : vector<16xi32>
      %ge3A_509 = arith.constant 0 : i32
      %ge3A_510 = vector.broadcast %ge3A_509 : i32 to vector<16xi32>
      %ge3A_511 = arith.cmpi sge, %sub3A_508, %ge3A_510 : vector<16xi32>
      %lt3A_512 = arith.constant 24960 : i32
      %lt3A_513 = vector.broadcast %lt3A_512 : i32 to vector<16xi32>
      %lt3A_514 = arith.cmpi slt, %sub3A_508, %lt3A_513 : vector<16xi32>
      %and3A_515 = arith.andi %ge3A_511, %lt3A_514 : vector<16xi1>
      %jit3A_516 = arith.constant 0 : i32
      %broadcast_in_dim3A_517 = vector.broadcast %jit3A_516 : i32 to vector<16xi32>
      %select_n3A_518 = arith.select %and3A_515, %sub3A_508, %broadcast_in_dim3A_517 : vector<16xi1>, vector<16xi32>
      %gather3A_519 = tpu.vector_load_idx %arg11[%select_n3A_518] masked %and3A_515 : memref<25040xf32, #tpu.memory_space<vmem>>[vector<16xi32>], vector<16xf32>, vector<16xi1>
      %swap3A_520 = arith.constant 384 : index
      %swap3A_521 = tpu.vector_load %arg10[%swap3A_520] {strides = array<i32>} : memref<400xf32, #tpu.memory_space<vmem>>, vector<16xf32>,
      tpu.vector_store %arg10[%swap3A_520], %gather3A_519 {strides = array<i32>} : memref<400xf32, #tpu.memory_space<vmem>>, vector<16xf32>,
      %parallel_loop3A = arith.constant 0 : i32
      %parallel_loop3A_522 = arith.constant 1560 : i32
      %parallel_loop3A_523 = arith.constant 1 : i32
      scf.for %parallel_loop3A_4696 = %parallel_loop3A to %parallel_loop3A_522 step %parallel_loop3A_523  : i32 {
        %parallel_loop3A_4697 = arith.constant 16 : i32
        %parallel_loop3A_4698 = arith.muli %parallel_loop3A_4696, %parallel_loop3A_4697 : i32
        %parallel_loop3A_4699 = arith.index_cast %parallel_loop3A_4698 : i32 to index
        %parallel_loop3A_4700 = tpu.vector_load %arg11[%parallel_loop3A_4699] {strides = array<i32>} : memref<25040xf32, #tpu.memory_space<vmem>>, vector<16xf32>,
        %parallel_loop3A_4701 = arith.mulf %parallel_loop3A_4700, %gather3A : vector<16xf32>
        %parallel_loop3A_4702 = arith.index_cast %parallel_loop3A_4698 : i32 to index
        %parallel_loop3A_4703 = tpu.vector_load %arg11[%parallel_loop3A_4702] {strides = array<i32>} : memref<25040xf32, #tpu.memory_space<vmem>>, vector<16xf32>,
        tpu.vector_store %arg11[%parallel_loop3A_4702], %parallel_loop3A_4701 {strides = array<i32>} : memref<25040xf32, #tpu.memory_space<vmem>>, vector<16xf32>,
      } {sc.loop_unroll_factor = 8 : i64, sc.parallel_access}
      %get3A_524 = arith.constant 0 : index
      %get3A_525 = tpu.vector_load %arg7[%get3A_524] {strides = array<i32>} : memref<400xi32, #tpu.memory_space<vmem>>, vector<16xi32>,
      %sub3A_526 = arith.constant 0 : i32
      %sub3A_527 = vector.broadcast %sub3A_526 : i32 to vector<16xi32>
      %sub3A_528 = arith.subi %get3A_525, %sub3A_527 : vector<16xi32>
      %ge3A_529 = arith.constant 0 : i32
      %ge3A_530 = vector.broadcast %ge3A_529 : i32 to vector<16xi32>
      %ge3A_531 = arith.cmpi sge, %sub3A_528, %ge3A_530 : vector<16xi32>
      %lt3A_532 = arith.constant 24960 : i32
      %lt3A_533 = vector.broadcast %lt3A_532 : i32 to vector<16xi32>
      %lt3A_534 = arith.cmpi slt, %sub3A_528, %lt3A_533 : vector<16xi32>
      %and3A_535 = arith.andi %ge3A_531, %lt3A_534 : vector<16xi1>
      %jit3A_536 = arith.constant 0 : i32
      %broadcast_in_dim3A_537 = vector.broadcast %jit3A_536 : i32 to vector<16xi32>
      %select_n3A_538 = arith.select %and3A_535, %sub3A_528, %broadcast_in_dim3A_537 : vector<16xi1>, vector<16xi32>
      %mul3A_539 = arith.constant 400 : i32
      %mul3A_540 = arith.muli %add3A_57, %mul3A_539 : i32
      %add3A_541 = arith.constant 0 : i32
      %add3A_542 = arith.addi %mul3A_540, %add3A_541 : i32
      %get3A_543 = arith.index_cast %add3A_542 : i32 to index
      %get3A_544 = tpu.vector_load %arg8[%get3A_543] {strides = array<i32>} : memref<12800xf32, #tpu.memory_space<vmem>>, vector<16xf32>,
      %mul3A_545 = arith.mulf %sub3A_78, %get3A_544 : vector<16xf32>
      %get3A_546 = arith.constant 0 : index
      %get3A_547 = tpu.vector_load %arg10[%get3A_546] {strides = array<i32>} : memref<400xf32, #tpu.memory_space<vmem>>, vector<16xf32>,
      %mul3A_548 = arith.mulf %gather3A, %get3A_547 : vector<16xf32>
      %add3A_549 = arith.addf %mul3A_545, %mul3A_548 : vector<16xf32>
      tpu.vector_store_idx %arg11[%select_n3A_538], %add3A_549 masked %and3A_535 : memref<25040xf32, #tpu.memory_space<vmem>>[vector<16xi32>], vector<16xf32>, vector<16xi1>
      %get3A_550 = arith.constant 16 : index
      %get3A_551 = tpu.vector_load %arg7[%get3A_550] {strides = array<i32>} : memref<400xi32, #tpu.memory_space<vmem>>, vector<16xi32>,
      %sub3A_552 = arith.constant 0 : i32
      %sub3A_553 = vector.broadcast %sub3A_552 : i32 to vector<16xi32>
      %sub3A_554 = arith.subi %get3A_551, %sub3A_553 : vector<16xi32>
      %ge3A_555 = arith.constant 0 : i32
      %ge3A_556 = vector.broadcast %ge3A_555 : i32 to vector<16xi32>
      %ge3A_557 = arith.cmpi sge, %sub3A_554, %ge3A_556 : vector<16xi32>
      %lt3A_558 = arith.constant 24960 : i32
      %lt3A_559 = vector.broadcast %lt3A_558 : i32 to vector<16xi32>
      %lt3A_560 = arith.cmpi slt, %sub3A_554, %lt3A_559 : vector<16xi32>
      %and3A_561 = arith.andi %ge3A_557, %lt3A_560 : vector<16xi1>
      %jit3A_562 = arith.constant 0 : i32
      %broadcast_in_dim3A_563 = vector.broadcast %jit3A_562 : i32 to vector<16xi32>
      %select_n3A_564 = arith.select %and3A_561, %sub3A_554, %broadcast_in_dim3A_563 : vector<16xi1>, vector<16xi32>
      %mul3A_565 = arith.constant 400 : i32
      %mul3A_566 = arith.muli %add3A_57, %mul3A_565 : i32
      %add3A_567 = arith.constant 16 : i32
      %add3A_568 = arith.addi %mul3A_566, %add3A_567 : i32
      %get3A_569 = arith.index_cast %add3A_568 : i32 to index
      %get3A_570 = tpu.vector_load %arg8[%get3A_569] {strides = array<i32>} : memref<12800xf32, #tpu.memory_space<vmem>>, vector<16xf32>,
      %mul3A_571 = arith.mulf %sub3A_78, %get3A_570 : vector<16xf32>
      %get3A_572 = arith.constant 16 : index
      %get3A_573 = tpu.vector_load %arg10[%get3A_572] {strides = array<i32>} : memref<400xf32, #tpu.memory_space<vmem>>, vector<16xf32>,
      %mul3A_574 = arith.mulf %gather3A, %get3A_573 : vector<16xf32>
      %add3A_575 = arith.addf %mul3A_571, %mul3A_574 : vector<16xf32>
      tpu.vector_store_idx %arg11[%select_n3A_564], %add3A_575 masked %and3A_561 : memref<25040xf32, #tpu.memory_space<vmem>>[vector<16xi32>], vector<16xf32>, vector<16xi1>
      %get3A_576 = arith.constant 32 : index
      %get3A_577 = tpu.vector_load %arg7[%get3A_576] {strides = array<i32>} : memref<400xi32, #tpu.memory_space<vmem>>, vector<16xi32>,
      %sub3A_578 = arith.constant 0 : i32
      %sub3A_579 = vector.broadcast %sub3A_578 : i32 to vector<16xi32>
      %sub3A_580 = arith.subi %get3A_577, %sub3A_579 : vector<16xi32>
      %ge3A_581 = arith.constant 0 : i32
      %ge3A_582 = vector.broadcast %ge3A_581 : i32 to vector<16xi32>
      %ge3A_583 = arith.cmpi sge, %sub3A_580, %ge3A_582 : vector<16xi32>
      %lt3A_584 = arith.constant 24960 : i32
      %lt3A_585 = vector.broadcast %lt3A_584 : i32 to vector<16xi32>
      %lt3A_586 = arith.cmpi slt, %sub3A_580, %lt3A_585 : vector<16xi32>
      %and3A_587 = arith.andi %ge3A_583, %lt3A_586 : vector<16xi1>
      %jit3A_588 = arith.constant 0 : i32
      %broadcast_in_dim3A_589 = vector.broadcast %jit3A_588 : i32 to vector<16xi32>
      %select_n3A_590 = arith.select %and3A_587, %sub3A_580, %broadcast_in_dim3A_589 : vector<16xi1>, vector<16xi32>
      %mul3A_591 = arith.constant 400 : i32
      %mul3A_592 = arith.muli %add3A_57, %mul3A_591 : i32
      %add3A_593 = arith.constant 32 : i32
      %add3A_594 = arith.addi %mul3A_592, %add3A_593 : i32
      %get3A_595 = arith.index_cast %add3A_594 : i32 to index
      %get3A_596 = tpu.vector_load %arg8[%get3A_595] {strides = array<i32>} : memref<12800xf32, #tpu.memory_space<vmem>>, vector<16xf32>,
      %mul3A_597 = arith.mulf %sub3A_78, %get3A_596 : vector<16xf32>
      %get3A_598 = arith.constant 32 : index
      %get3A_599 = tpu.vector_load %arg10[%get3A_598] {strides = array<i32>} : memref<400xf32, #tpu.memory_space<vmem>>, vector<16xf32>,
      %mul3A_600 = arith.mulf %gather3A, %get3A_599 : vector<16xf32>
      %add3A_601 = arith.addf %mul3A_597, %mul3A_600 : vector<16xf32>
      tpu.vector_store_idx %arg11[%select_n3A_590], %add3A_601 masked %and3A_587 : memref<25040xf32, #tpu.memory_space<vmem>>[vector<16xi32>], vector<16xf32>, vector<16xi1>
      %get3A_602 = arith.constant 48 : index
      %get3A_603 = tpu.vector_load %arg7[%get3A_602] {strides = array<i32>} : memref<400xi32, #tpu.memory_space<vmem>>, vector<16xi32>,
      %sub3A_604 = arith.constant 0 : i32
      %sub3A_605 = vector.broadcast %sub3A_604 : i32 to vector<16xi32>
      %sub3A_606 = arith.subi %get3A_603, %sub3A_605 : vector<16xi32>
      %ge3A_607 = arith.constant 0 : i32
      %ge3A_608 = vector.broadcast %ge3A_607 : i32 to vector<16xi32>
      %ge3A_609 = arith.cmpi sge, %sub3A_606, %ge3A_608 : vector<16xi32>
      %lt3A_610 = arith.constant 24960 : i32
      %lt3A_611 = vector.broadcast %lt3A_610 : i32 to vector<16xi32>
      %lt3A_612 = arith.cmpi slt, %sub3A_606, %lt3A_611 : vector<16xi32>
      %and3A_613 = arith.andi %ge3A_609, %lt3A_612 : vector<16xi1>
      %jit3A_614 = arith.constant 0 : i32
      %broadcast_in_dim3A_615 = vector.broadcast %jit3A_614 : i32 to vector<16xi32>
      %select_n3A_616 = arith.select %and3A_613, %sub3A_606, %broadcast_in_dim3A_615 : vector<16xi1>, vector<16xi32>
      %mul3A_617 = arith.constant 400 : i32
      %mul3A_618 = arith.muli %add3A_57, %mul3A_617 : i32
      %add3A_619 = arith.constant 48 : i32
      %add3A_620 = arith.addi %mul3A_618, %add3A_619 : i32
      %get3A_621 = arith.index_cast %add3A_620 : i32 to index
      %get3A_622 = tpu.vector_load %arg8[%get3A_621] {strides = array<i32>} : memref<12800xf32, #tpu.memory_space<vmem>>, vector<16xf32>,
      %mul3A_623 = arith.mulf %sub3A_78, %get3A_622 : vector<16xf32>
      %get3A_624 = arith.constant 48 : index
      %get3A_625 = tpu.vector_load %arg10[%get3A_624] {strides = array<i32>} : memref<400xf32, #tpu.memory_space<vmem>>, vector<16xf32>,
      %mul3A_626 = arith.mulf %gather3A, %get3A_625 : vector<16xf32>
      %add3A_627 = arith.addf %mul3A_623, %mul3A_626 : vector<16xf32>
      tpu.vector_store_idx %arg11[%select_n3A_616], %add3A_627 masked %and3A_613 : memref<25040xf32, #tpu.memory_space<vmem>>[vector<16xi32>], vector<16xf32>, vector<16xi1>
      %get3A_628 = arith.constant 64 : index
      %get3A_629 = tpu.vector_load %arg7[%get3A_628] {strides = array<i32>} : memref<400xi32, #tpu.memory_space<vmem>>, vector<16xi32>,
      %sub3A_630 = arith.constant 0 : i32
      %sub3A_631 = vector.broadcast %sub3A_630 : i32 to vector<16xi32>
      %sub3A_632 = arith.subi %get3A_629, %sub3A_631 : vector<16xi32>
      %ge3A_633 = arith.constant 0 : i32
      %ge3A_634 = vector.broadcast %ge3A_633 : i32 to vector<16xi32>
      %ge3A_635 = arith.cmpi sge, %sub3A_632, %ge3A_634 : vector<16xi32>
      %lt3A_636 = arith.constant 24960 : i32
      %lt3A_637 = vector.broadcast %lt3A_636 : i32 to vector<16xi32>
      %lt3A_638 = arith.cmpi slt, %sub3A_632, %lt3A_637 : vector<16xi32>
      %and3A_639 = arith.andi %ge3A_635, %lt3A_638 : vector<16xi1>
      %jit3A_640 = arith.constant 0 : i32
      %broadcast_in_dim3A_641 = vector.broadcast %jit3A_640 : i32 to vector<16xi32>
      %select_n3A_642 = arith.select %and3A_639, %sub3A_632, %broadcast_in_dim3A_641 : vector<16xi1>, vector<16xi32>
      %mul3A_643 = arith.constant 400 : i32
      %mul3A_644 = arith.muli %add3A_57, %mul3A_643 : i32
      %add3A_645 = arith.constant 64 : i32
      %add3A_646 = arith.addi %mul3A_644, %add3A_645 : i32
      %get3A_647 = arith.index_cast %add3A_646 : i32 to index
      %get3A_648 = tpu.vector_load %arg8[%get3A_647] {strides = array<i32>} : memref<12800xf32, #tpu.memory_space<vmem>>, vector<16xf32>,
      %mul3A_649 = arith.mulf %sub3A_78, %get3A_648 : vector<16xf32>
      %get3A_650 = arith.constant 64 : index
      %get3A_651 = tpu.vector_load %arg10[%get3A_650] {strides = array<i32>} : memref<400xf32, #tpu.memory_space<vmem>>, vector<16xf32>,
      %mul3A_652 = arith.mulf %gather3A, %get3A_651 : vector<16xf32>
      %add3A_653 = arith.addf %mul3A_649, %mul3A_652 : vector<16xf32>
      tpu.vector_store_idx %arg11[%select_n3A_642], %add3A_653 masked %and3A_639 : memref<25040xf32, #tpu.memory_space<vmem>>[vector<16xi32>], vector<16xf32>, vector<16xi1>
      %get3A_654 = arith.constant 80 : index
      %get3A_655 = tpu.vector_load %arg7[%get3A_654] {strides = array<i32>} : memref<400xi32, #tpu.memory_space<vmem>>, vector<16xi32>,
      %sub3A_656 = arith.constant 0 : i32
      %sub3A_657 = vector.broadcast %sub3A_656 : i32 to vector<16xi32>
      %sub3A_658 = arith.subi %get3A_655, %sub3A_657 : vector<16xi32>
      %ge3A_659 = arith.constant 0 : i32
      %ge3A_660 = vector.broadcast %ge3A_659 : i32 to vector<16xi32>
      %ge3A_661 = arith.cmpi sge, %sub3A_658, %ge3A_660 : vector<16xi32>
      %lt3A_662 = arith.constant 24960 : i32
      %lt3A_663 = vector.broadcast %lt3A_662 : i32 to vector<16xi32>
      %lt3A_664 = arith.cmpi slt, %sub3A_658, %lt3A_663 : vector<16xi32>
      %and3A_665 = arith.andi %ge3A_661, %lt3A_664 : vector<16xi1>
      %jit3A_666 = arith.constant 0 : i32
      %broadcast_in_dim3A_667 = vector.broadcast %jit3A_666 : i32 to vector<16xi32>
      %select_n3A_668 = arith.select %and3A_665, %sub3A_658, %broadcast_in_dim3A_667 : vector<16xi1>, vector<16xi32>
      %mul3A_669 = arith.constant 400 : i32
      %mul3A_670 = arith.muli %add3A_57, %mul3A_669 : i32
      %add3A_671 = arith.constant 80 : i32
      %add3A_672 = arith.addi %mul3A_670, %add3A_671 : i32
      %get3A_673 = arith.index_cast %add3A_672 : i32 to index
      %get3A_674 = tpu.vector_load %arg8[%get3A_673] {strides = array<i32>} : memref<12800xf32, #tpu.memory_space<vmem>>, vector<16xf32>,
      %mul3A_675 = arith.mulf %sub3A_78, %get3A_674 : vector<16xf32>
      %get3A_676 = arith.constant 80 : index
      %get3A_677 = tpu.vector_load %arg10[%get3A_676] {strides = array<i32>} : memref<400xf32, #tpu.memory_space<vmem>>, vector<16xf32>,
      %mul3A_678 = arith.mulf %gather3A, %get3A_677 : vector<16xf32>
      %add3A_679 = arith.addf %mul3A_675, %mul3A_678 : vector<16xf32>
      tpu.vector_store_idx %arg11[%select_n3A_668], %add3A_679 masked %and3A_665 : memref<25040xf32, #tpu.memory_space<vmem>>[vector<16xi32>], vector<16xf32>, vector<16xi1>
      %get3A_680 = arith.constant 96 : index
      %get3A_681 = tpu.vector_load %arg7[%get3A_680] {strides = array<i32>} : memref<400xi32, #tpu.memory_space<vmem>>, vector<16xi32>,
      %sub3A_682 = arith.constant 0 : i32
      %sub3A_683 = vector.broadcast %sub3A_682 : i32 to vector<16xi32>
      %sub3A_684 = arith.subi %get3A_681, %sub3A_683 : vector<16xi32>
      %ge3A_685 = arith.constant 0 : i32
      %ge3A_686 = vector.broadcast %ge3A_685 : i32 to vector<16xi32>
      %ge3A_687 = arith.cmpi sge, %sub3A_684, %ge3A_686 : vector<16xi32>
      %lt3A_688 = arith.constant 24960 : i32
      %lt3A_689 = vector.broadcast %lt3A_688 : i32 to vector<16xi32>
      %lt3A_690 = arith.cmpi slt, %sub3A_684, %lt3A_689 : vector<16xi32>
      %and3A_691 = arith.andi %ge3A_687, %lt3A_690 : vector<16xi1>
      %jit3A_692 = arith.constant 0 : i32
      %broadcast_in_dim3A_693 = vector.broadcast %jit3A_692 : i32 to vector<16xi32>
      %select_n3A_694 = arith.select %and3A_691, %sub3A_684, %broadcast_in_dim3A_693 : vector<16xi1>, vector<16xi32>
      %mul3A_695 = arith.constant 400 : i32
      %mul3A_696 = arith.muli %add3A_57, %mul3A_695 : i32
      %add3A_697 = arith.constant 96 : i32
      %add3A_698 = arith.addi %mul3A_696, %add3A_697 : i32
      %get3A_699 = arith.index_cast %add3A_698 : i32 to index
      %get3A_700 = tpu.vector_load %arg8[%get3A_699] {strides = array<i32>} : memref<12800xf32, #tpu.memory_space<vmem>>, vector<16xf32>,
      %mul3A_701 = arith.mulf %sub3A_78, %get3A_700 : vector<16xf32>
      %get3A_702 = arith.constant 96 : index
      %get3A_703 = tpu.vector_load %arg10[%get3A_702] {strides = array<i32>} : memref<400xf32, #tpu.memory_space<vmem>>, vector<16xf32>,
      %mul3A_704 = arith.mulf %gather3A, %get3A_703 : vector<16xf32>
      %add3A_705 = arith.addf %mul3A_701, %mul3A_704 : vector<16xf32>
      tpu.vector_store_idx %arg11[%select_n3A_694], %add3A_705 masked %and3A_691 : memref<25040xf32, #tpu.memory_space<vmem>>[vector<16xi32>], vector<16xf32>, vector<16xi1>
      %get3A_706 = arith.constant 112 : index
      %get3A_707 = tpu.vector_load %arg7[%get3A_706] {strides = array<i32>} : memref<400xi32, #tpu.memory_space<vmem>>, vector<16xi32>,
      %sub3A_708 = arith.constant 0 : i32
      %sub3A_709 = vector.broadcast %sub3A_708 : i32 to vector<16xi32>
      %sub3A_710 = arith.subi %get3A_707, %sub3A_709 : vector<16xi32>
      %ge3A_711 = arith.constant 0 : i32
      %ge3A_712 = vector.broadcast %ge3A_711 : i32 to vector<16xi32>
      %ge3A_713 = arith.cmpi sge, %sub3A_710, %ge3A_712 : vector<16xi32>
      %lt3A_714 = arith.constant 24960 : i32
      %lt3A_715 = vector.broadcast %lt3A_714 : i32 to vector<16xi32>
      %lt3A_716 = arith.cmpi slt, %sub3A_710, %lt3A_715 : vector<16xi32>
      %and3A_717 = arith.andi %ge3A_713, %lt3A_716 : vector<16xi1>
      %jit3A_718 = arith.constant 0 : i32
      %broadcast_in_dim3A_719 = vector.broadcast %jit3A_718 : i32 to vector<16xi32>
      %select_n3A_720 = arith.select %and3A_717, %sub3A_710, %broadcast_in_dim3A_719 : vector<16xi1>, vector<16xi32>
      %mul3A_721 = arith.constant 400 : i32
      %mul3A_722 = arith.muli %add3A_57, %mul3A_721 : i32
      %add3A_723 = arith.constant 112 : i32
      %add3A_724 = arith.addi %mul3A_722, %add3A_723 : i32
      %get3A_725 = arith.index_cast %add3A_724 : i32 to index
      %get3A_726 = tpu.vector_load %arg8[%get3A_725] {strides = array<i32>} : memref<12800xf32, #tpu.memory_space<vmem>>, vector<16xf32>,
      %mul3A_727 = arith.mulf %sub3A_78, %get3A_726 : vector<16xf32>
      %get3A_728 = arith.constant 112 : index
      %get3A_729 = tpu.vector_load %arg10[%get3A_728] {strides = array<i32>} : memref<400xf32, #tpu.memory_space<vmem>>, vector<16xf32>,
      %mul3A_730 = arith.mulf %gather3A, %get3A_729 : vector<16xf32>
      %add3A_731 = arith.addf %mul3A_727, %mul3A_730 : vector<16xf32>
      tpu.vector_store_idx %arg11[%select_n3A_720], %add3A_731 masked %and3A_717 : memref<25040xf32, #tpu.memory_space<vmem>>[vector<16xi32>], vector<16xf32>, vector<16xi1>
      %get3A_732 = arith.constant 128 : index
      %get3A_733 = tpu.vector_load %arg7[%get3A_732] {strides = array<i32>} : memref<400xi32, #tpu.memory_space<vmem>>, vector<16xi32>,
      %sub3A_734 = arith.constant 0 : i32
      %sub3A_735 = vector.broadcast %sub3A_734 : i32 to vector<16xi32>
      %sub3A_736 = arith.subi %get3A_733, %sub3A_735 : vector<16xi32>
      %ge3A_737 = arith.constant 0 : i32
      %ge3A_738 = vector.broadcast %ge3A_737 : i32 to vector<16xi32>
      %ge3A_739 = arith.cmpi sge, %sub3A_736, %ge3A_738 : vector<16xi32>
      %lt3A_740 = arith.constant 24960 : i32
      %lt3A_741 = vector.broadcast %lt3A_740 : i32 to vector<16xi32>
      %lt3A_742 = arith.cmpi slt, %sub3A_736, %lt3A_741 : vector<16xi32>
      %and3A_743 = arith.andi %ge3A_739, %lt3A_742 : vector<16xi1>
      %jit3A_744 = arith.constant 0 : i32
      %broadcast_in_dim3A_745 = vector.broadcast %jit3A_744 : i32 to vector<16xi32>
      %select_n3A_746 = arith.select %and3A_743, %sub3A_736, %broadcast_in_dim3A_745 : vector<16xi1>, vector<16xi32>
      %mul3A_747 = arith.constant 400 : i32
      %mul3A_748 = arith.muli %add3A_57, %mul3A_747 : i32
      %add3A_749 = arith.constant 128 : i32
      %add3A_750 = arith.addi %mul3A_748, %add3A_749 : i32
      %get3A_751 = arith.index_cast %add3A_750 : i32 to index
      %get3A_752 = tpu.vector_load %arg8[%get3A_751] {strides = array<i32>} : memref<12800xf32, #tpu.memory_space<vmem>>, vector<16xf32>,
      %mul3A_753 = arith.mulf %sub3A_78, %get3A_752 : vector<16xf32>
      %get3A_754 = arith.constant 128 : index
      %get3A_755 = tpu.vector_load %arg10[%get3A_754] {strides = array<i32>} : memref<400xf32, #tpu.memory_space<vmem>>, vector<16xf32>,
      %mul3A_756 = arith.mulf %gather3A, %get3A_755 : vector<16xf32>
      %add3A_757 = arith.addf %mul3A_753, %mul3A_756 : vector<16xf32>
      tpu.vector_store_idx %arg11[%select_n3A_746], %add3A_757 masked %and3A_743 : memref<25040xf32, #tpu.memory_space<vmem>>[vector<16xi32>], vector<16xf32>, vector<16xi1>
      %get3A_758 = arith.constant 144 : index
      %get3A_759 = tpu.vector_load %arg7[%get3A_758] {strides = array<i32>} : memref<400xi32, #tpu.memory_space<vmem>>, vector<16xi32>,
      %sub3A_760 = arith.constant 0 : i32
      %sub3A_761 = vector.broadcast %sub3A_760 : i32 to vector<16xi32>
      %sub3A_762 = arith.subi %get3A_759, %sub3A_761 : vector<16xi32>
      %ge3A_763 = arith.constant 0 : i32
      %ge3A_764 = vector.broadcast %ge3A_763 : i32 to vector<16xi32>
      %ge3A_765 = arith.cmpi sge, %sub3A_762, %ge3A_764 : vector<16xi32>
      %lt3A_766 = arith.constant 24960 : i32
      %lt3A_767 = vector.broadcast %lt3A_766 : i32 to vector<16xi32>
      %lt3A_768 = arith.cmpi slt, %sub3A_762, %lt3A_767 : vector<16xi32>
      %and3A_769 = arith.andi %ge3A_765, %lt3A_768 : vector<16xi1>
      %jit3A_770 = arith.constant 0 : i32
      %broadcast_in_dim3A_771 = vector.broadcast %jit3A_770 : i32 to vector<16xi32>
      %select_n3A_772 = arith.select %and3A_769, %sub3A_762, %broadcast_in_dim3A_771 : vector<16xi1>, vector<16xi32>
      %mul3A_773 = arith.constant 400 : i32
      %mul3A_774 = arith.muli %add3A_57, %mul3A_773 : i32
      %add3A_775 = arith.constant 144 : i32
      %add3A_776 = arith.addi %mul3A_774, %add3A_775 : i32
      %get3A_777 = arith.index_cast %add3A_776 : i32 to index
      %get3A_778 = tpu.vector_load %arg8[%get3A_777] {strides = array<i32>} : memref<12800xf32, #tpu.memory_space<vmem>>, vector<16xf32>,
      %mul3A_779 = arith.mulf %sub3A_78, %get3A_778 : vector<16xf32>
      %get3A_780 = arith.constant 144 : index
      %get3A_781 = tpu.vector_load %arg10[%get3A_780] {strides = array<i32>} : memref<400xf32, #tpu.memory_space<vmem>>, vector<16xf32>,
      %mul3A_782 = arith.mulf %gather3A, %get3A_781 : vector<16xf32>
      %add3A_783 = arith.addf %mul3A_779, %mul3A_782 : vector<16xf32>
      tpu.vector_store_idx %arg11[%select_n3A_772], %add3A_783 masked %and3A_769 : memref<25040xf32, #tpu.memory_space<vmem>>[vector<16xi32>], vector<16xf32>, vector<16xi1>
      %get3A_784 = arith.constant 160 : index
      %get3A_785 = tpu.vector_load %arg7[%get3A_784] {strides = array<i32>} : memref<400xi32, #tpu.memory_space<vmem>>, vector<16xi32>,
      %sub3A_786 = arith.constant 0 : i32
      %sub3A_787 = vector.broadcast %sub3A_786 : i32 to vector<16xi32>
      %sub3A_788 = arith.subi %get3A_785, %sub3A_787 : vector<16xi32>
      %ge3A_789 = arith.constant 0 : i32
      %ge3A_790 = vector.broadcast %ge3A_789 : i32 to vector<16xi32>
      %ge3A_791 = arith.cmpi sge, %sub3A_788, %ge3A_790 : vector<16xi32>
      %lt3A_792 = arith.constant 24960 : i32
      %lt3A_793 = vector.broadcast %lt3A_792 : i32 to vector<16xi32>
      %lt3A_794 = arith.cmpi slt, %sub3A_788, %lt3A_793 : vector<16xi32>
      %and3A_795 = arith.andi %ge3A_791, %lt3A_794 : vector<16xi1>
      %jit3A_796 = arith.constant 0 : i32
      %broadcast_in_dim3A_797 = vector.broadcast %jit3A_796 : i32 to vector<16xi32>
      %select_n3A_798 = arith.select %and3A_795, %sub3A_788, %broadcast_in_dim3A_797 : vector<16xi1>, vector<16xi32>
      %mul3A_799 = arith.constant 400 : i32
      %mul3A_800 = arith.muli %add3A_57, %mul3A_799 : i32
      %add3A_801 = arith.constant 160 : i32
      %add3A_802 = arith.addi %mul3A_800, %add3A_801 : i32
      %get3A_803 = arith.index_cast %add3A_802 : i32 to index
      %get3A_804 = tpu.vector_load %arg8[%get3A_803] {strides = array<i32>} : memref<12800xf32, #tpu.memory_space<vmem>>, vector<16xf32>,
      %mul3A_805 = arith.mulf %sub3A_78, %get3A_804 : vector<16xf32>
      %get3A_806 = arith.constant 160 : index
      %get3A_807 = tpu.vector_load %arg10[%get3A_806] {strides = array<i32>} : memref<400xf32, #tpu.memory_space<vmem>>, vector<16xf32>,
      %mul3A_808 = arith.mulf %gather3A, %get3A_807 : vector<16xf32>
      %add3A_809 = arith.addf %mul3A_805, %mul3A_808 : vector<16xf32>
      tpu.vector_store_idx %arg11[%select_n3A_798], %add3A_809 masked %and3A_795 : memref<25040xf32, #tpu.memory_space<vmem>>[vector<16xi32>], vector<16xf32>, vector<16xi1>
      %get3A_810 = arith.constant 176 : index
      %get3A_811 = tpu.vector_load %arg7[%get3A_810] {strides = array<i32>} : memref<400xi32, #tpu.memory_space<vmem>>, vector<16xi32>,
      %sub3A_812 = arith.constant 0 : i32
      %sub3A_813 = vector.broadcast %sub3A_812 : i32 to vector<16xi32>
      %sub3A_814 = arith.subi %get3A_811, %sub3A_813 : vector<16xi32>
      %ge3A_815 = arith.constant 0 : i32
      %ge3A_816 = vector.broadcast %ge3A_815 : i32 to vector<16xi32>
      %ge3A_817 = arith.cmpi sge, %sub3A_814, %ge3A_816 : vector<16xi32>
      %lt3A_818 = arith.constant 24960 : i32
      %lt3A_819 = vector.broadcast %lt3A_818 : i32 to vector<16xi32>
      %lt3A_820 = arith.cmpi slt, %sub3A_814, %lt3A_819 : vector<16xi32>
      %and3A_821 = arith.andi %ge3A_817, %lt3A_820 : vector<16xi1>
      %jit3A_822 = arith.constant 0 : i32
      %broadcast_in_dim3A_823 = vector.broadcast %jit3A_822 : i32 to vector<16xi32>
      %select_n3A_824 = arith.select %and3A_821, %sub3A_814, %broadcast_in_dim3A_823 : vector<16xi1>, vector<16xi32>
      %mul3A_825 = arith.constant 400 : i32
      %mul3A_826 = arith.muli %add3A_57, %mul3A_825 : i32
      %add3A_827 = arith.constant 176 : i32
      %add3A_828 = arith.addi %mul3A_826, %add3A_827 : i32
      %get3A_829 = arith.index_cast %add3A_828 : i32 to index
      %get3A_830 = tpu.vector_load %arg8[%get3A_829] {strides = array<i32>} : memref<12800xf32, #tpu.memory_space<vmem>>, vector<16xf32>,
      %mul3A_831 = arith.mulf %sub3A_78, %get3A_830 : vector<16xf32>
      %get3A_832 = arith.constant 176 : index
      %get3A_833 = tpu.vector_load %arg10[%get3A_832] {strides = array<i32>} : memref<400xf32, #tpu.memory_space<vmem>>, vector<16xf32>,
      %mul3A_834 = arith.mulf %gather3A, %get3A_833 : vector<16xf32>
      %add3A_835 = arith.addf %mul3A_831, %mul3A_834 : vector<16xf32>
      tpu.vector_store_idx %arg11[%select_n3A_824], %add3A_835 masked %and3A_821 : memref<25040xf32, #tpu.memory_space<vmem>>[vector<16xi32>], vector<16xf32>, vector<16xi1>
      %get3A_836 = arith.constant 192 : index
      %get3A_837 = tpu.vector_load %arg7[%get3A_836] {strides = array<i32>} : memref<400xi32, #tpu.memory_space<vmem>>, vector<16xi32>,
      %sub3A_838 = arith.constant 0 : i32
      %sub3A_839 = vector.broadcast %sub3A_838 : i32 to vector<16xi32>
      %sub3A_840 = arith.subi %get3A_837, %sub3A_839 : vector<16xi32>
      %ge3A_841 = arith.constant 0 : i32
      %ge3A_842 = vector.broadcast %ge3A_841 : i32 to vector<16xi32>
      %ge3A_843 = arith.cmpi sge, %sub3A_840, %ge3A_842 : vector<16xi32>
      %lt3A_844 = arith.constant 24960 : i32
      %lt3A_845 = vector.broadcast %lt3A_844 : i32 to vector<16xi32>
      %lt3A_846 = arith.cmpi slt, %sub3A_840, %lt3A_845 : vector<16xi32>
      %and3A_847 = arith.andi %ge3A_843, %lt3A_846 : vector<16xi1>
      %jit3A_848 = arith.constant 0 : i32
      %broadcast_in_dim3A_849 = vector.broadcast %jit3A_848 : i32 to vector<16xi32>
      %select_n3A_850 = arith.select %and3A_847, %sub3A_840, %broadcast_in_dim3A_849 : vector<16xi1>, vector<16xi32>
      %mul3A_851 = arith.constant 400 : i32
      %mul3A_852 = arith.muli %add3A_57, %mul3A_851 : i32
      %add3A_853 = arith.constant 192 : i32
      %add3A_854 = arith.addi %mul3A_852, %add3A_853 : i32
      %get3A_855 = arith.index_cast %add3A_854 : i32 to index
      %get3A_856 = tpu.vector_load %arg8[%get3A_855] {strides = array<i32>} : memref<12800xf32, #tpu.memory_space<vmem>>, vector<16xf32>,
      %mul3A_857 = arith.mulf %sub3A_78, %get3A_856 : vector<16xf32>
      %get3A_858 = arith.constant 192 : index
      %get3A_859 = tpu.vector_load %arg10[%get3A_858] {strides = array<i32>} : memref<400xf32, #tpu.memory_space<vmem>>, vector<16xf32>,
      %mul3A_860 = arith.mulf %gather3A, %get3A_859 : vector<16xf32>
      %add3A_861 = arith.addf %mul3A_857, %mul3A_860 : vector<16xf32>
      tpu.vector_store_idx %arg11[%select_n3A_850], %add3A_861 masked %and3A_847 : memref<25040xf32, #tpu.memory_space<vmem>>[vector<16xi32>], vector<16xf32>, vector<16xi1>
      %get3A_862 = arith.constant 208 : index
      %get3A_863 = tpu.vector_load %arg7[%get3A_862] {strides = array<i32>} : memref<400xi32, #tpu.memory_space<vmem>>, vector<16xi32>,
      %sub3A_864 = arith.constant 0 : i32
      %sub3A_865 = vector.broadcast %sub3A_864 : i32 to vector<16xi32>
      %sub3A_866 = arith.subi %get3A_863, %sub3A_865 : vector<16xi32>
      %ge3A_867 = arith.constant 0 : i32
      %ge3A_868 = vector.broadcast %ge3A_867 : i32 to vector<16xi32>
      %ge3A_869 = arith.cmpi sge, %sub3A_866, %ge3A_868 : vector<16xi32>
      %lt3A_870 = arith.constant 24960 : i32
      %lt3A_871 = vector.broadcast %lt3A_870 : i32 to vector<16xi32>
      %lt3A_872 = arith.cmpi slt, %sub3A_866, %lt3A_871 : vector<16xi32>
      %and3A_873 = arith.andi %ge3A_869, %lt3A_872 : vector<16xi1>
      %jit3A_874 = arith.constant 0 : i32
      %broadcast_in_dim3A_875 = vector.broadcast %jit3A_874 : i32 to vector<16xi32>
      %select_n3A_876 = arith.select %and3A_873, %sub3A_866, %broadcast_in_dim3A_875 : vector<16xi1>, vector<16xi32>
      %mul3A_877 = arith.constant 400 : i32
      %mul3A_878 = arith.muli %add3A_57, %mul3A_877 : i32
      %add3A_879 = arith.constant 208 : i32
      %add3A_880 = arith.addi %mul3A_878, %add3A_879 : i32
      %get3A_881 = arith.index_cast %add3A_880 : i32 to index
      %get3A_882 = tpu.vector_load %arg8[%get3A_881] {strides = array<i32>} : memref<12800xf32, #tpu.memory_space<vmem>>, vector<16xf32>,
      %mul3A_883 = arith.mulf %sub3A_78, %get3A_882 : vector<16xf32>
      %get3A_884 = arith.constant 208 : index
      %get3A_885 = tpu.vector_load %arg10[%get3A_884] {strides = array<i32>} : memref<400xf32, #tpu.memory_space<vmem>>, vector<16xf32>,
      %mul3A_886 = arith.mulf %gather3A, %get3A_885 : vector<16xf32>
      %add3A_887 = arith.addf %mul3A_883, %mul3A_886 : vector<16xf32>
      tpu.vector_store_idx %arg11[%select_n3A_876], %add3A_887 masked %and3A_873 : memref<25040xf32, #tpu.memory_space<vmem>>[vector<16xi32>], vector<16xf32>, vector<16xi1>
      %get3A_888 = arith.constant 224 : index
      %get3A_889 = tpu.vector_load %arg7[%get3A_888] {strides = array<i32>} : memref<400xi32, #tpu.memory_space<vmem>>, vector<16xi32>,
      %sub3A_890 = arith.constant 0 : i32
      %sub3A_891 = vector.broadcast %sub3A_890 : i32 to vector<16xi32>
      %sub3A_892 = arith.subi %get3A_889, %sub3A_891 : vector<16xi32>
      %ge3A_893 = arith.constant 0 : i32
      %ge3A_894 = vector.broadcast %ge3A_893 : i32 to vector<16xi32>
      %ge3A_895 = arith.cmpi sge, %sub3A_892, %ge3A_894 : vector<16xi32>
      %lt3A_896 = arith.constant 24960 : i32
      %lt3A_897 = vector.broadcast %lt3A_896 : i32 to vector<16xi32>
      %lt3A_898 = arith.cmpi slt, %sub3A_892, %lt3A_897 : vector<16xi32>
      %and3A_899 = arith.andi %ge3A_895, %lt3A_898 : vector<16xi1>
      %jit3A_900 = arith.constant 0 : i32
      %broadcast_in_dim3A_901 = vector.broadcast %jit3A_900 : i32 to vector<16xi32>
      %select_n3A_902 = arith.select %and3A_899, %sub3A_892, %broadcast_in_dim3A_901 : vector<16xi1>, vector<16xi32>
      %mul3A_903 = arith.constant 400 : i32
      %mul3A_904 = arith.muli %add3A_57, %mul3A_903 : i32
      %add3A_905 = arith.constant 224 : i32
      %add3A_906 = arith.addi %mul3A_904, %add3A_905 : i32
      %get3A_907 = arith.index_cast %add3A_906 : i32 to index
      %get3A_908 = tpu.vector_load %arg8[%get3A_907] {strides = array<i32>} : memref<12800xf32, #tpu.memory_space<vmem>>, vector<16xf32>,
      %mul3A_909 = arith.mulf %sub3A_78, %get3A_908 : vector<16xf32>
      %get3A_910 = arith.constant 224 : index
      %get3A_911 = tpu.vector_load %arg10[%get3A_910] {strides = array<i32>} : memref<400xf32, #tpu.memory_space<vmem>>, vector<16xf32>,
      %mul3A_912 = arith.mulf %gather3A, %get3A_911 : vector<16xf32>
      %add3A_913 = arith.addf %mul3A_909, %mul3A_912 : vector<16xf32>
      tpu.vector_store_idx %arg11[%select_n3A_902], %add3A_913 masked %and3A_899 : memref<25040xf32, #tpu.memory_space<vmem>>[vector<16xi32>], vector<16xf32>, vector<16xi1>
      %get3A_914 = arith.constant 240 : index
      %get3A_915 = tpu.vector_load %arg7[%get3A_914] {strides = array<i32>} : memref<400xi32, #tpu.memory_space<vmem>>, vector<16xi32>,
      %sub3A_916 = arith.constant 0 : i32
      %sub3A_917 = vector.broadcast %sub3A_916 : i32 to vector<16xi32>
      %sub3A_918 = arith.subi %get3A_915, %sub3A_917 : vector<16xi32>
      %ge3A_919 = arith.constant 0 : i32
      %ge3A_920 = vector.broadcast %ge3A_919 : i32 to vector<16xi32>
      %ge3A_921 = arith.cmpi sge, %sub3A_918, %ge3A_920 : vector<16xi32>
      %lt3A_922 = arith.constant 24960 : i32
      %lt3A_923 = vector.broadcast %lt3A_922 : i32 to vector<16xi32>
      %lt3A_924 = arith.cmpi slt, %sub3A_918, %lt3A_923 : vector<16xi32>
      %and3A_925 = arith.andi %ge3A_921, %lt3A_924 : vector<16xi1>
      %jit3A_926 = arith.constant 0 : i32
      %broadcast_in_dim3A_927 = vector.broadcast %jit3A_926 : i32 to vector<16xi32>
      %select_n3A_928 = arith.select %and3A_925, %sub3A_918, %broadcast_in_dim3A_927 : vector<16xi1>, vector<16xi32>
      %mul3A_929 = arith.constant 400 : i32
      %mul3A_930 = arith.muli %add3A_57, %mul3A_929 : i32
      %add3A_931 = arith.constant 240 : i32
      %add3A_932 = arith.addi %mul3A_930, %add3A_931 : i32
      %get3A_933 = arith.index_cast %add3A_932 : i32 to index
      %get3A_934 = tpu.vector_load %arg8[%get3A_933] {strides = array<i32>} : memref<12800xf32, #tpu.memory_space<vmem>>, vector<16xf32>,
      %mul3A_935 = arith.mulf %sub3A_78, %get3A_934 : vector<16xf32>
      %get3A_936 = arith.constant 240 : index
      %get3A_937 = tpu.vector_load %arg10[%get3A_936] {strides = array<i32>} : memref<400xf32, #tpu.memory_space<vmem>>, vector<16xf32>,
      %mul3A_938 = arith.mulf %gather3A, %get3A_937 : vector<16xf32>
      %add3A_939 = arith.addf %mul3A_935, %mul3A_938 : vector<16xf32>
      tpu.vector_store_idx %arg11[%select_n3A_928], %add3A_939 masked %and3A_925 : memref<25040xf32, #tpu.memory_space<vmem>>[vector<16xi32>], vector<16xf32>, vector<16xi1>
      %get3A_940 = arith.constant 256 : index
      %get3A_941 = tpu.vector_load %arg7[%get3A_940] {strides = array<i32>} : memref<400xi32, #tpu.memory_space<vmem>>, vector<16xi32>,
      %sub3A_942 = arith.constant 0 : i32
      %sub3A_943 = vector.broadcast %sub3A_942 : i32 to vector<16xi32>
      %sub3A_944 = arith.subi %get3A_941, %sub3A_943 : vector<16xi32>
      %ge3A_945 = arith.constant 0 : i32
      %ge3A_946 = vector.broadcast %ge3A_945 : i32 to vector<16xi32>
      %ge3A_947 = arith.cmpi sge, %sub3A_944, %ge3A_946 : vector<16xi32>
      %lt3A_948 = arith.constant 24960 : i32
      %lt3A_949 = vector.broadcast %lt3A_948 : i32 to vector<16xi32>
      %lt3A_950 = arith.cmpi slt, %sub3A_944, %lt3A_949 : vector<16xi32>
      %and3A_951 = arith.andi %ge3A_947, %lt3A_950 : vector<16xi1>
      %jit3A_952 = arith.constant 0 : i32
      %broadcast_in_dim3A_953 = vector.broadcast %jit3A_952 : i32 to vector<16xi32>
      %select_n3A_954 = arith.select %and3A_951, %sub3A_944, %broadcast_in_dim3A_953 : vector<16xi1>, vector<16xi32>
      %mul3A_955 = arith.constant 400 : i32
      %mul3A_956 = arith.muli %add3A_57, %mul3A_955 : i32
      %add3A_957 = arith.constant 256 : i32
      %add3A_958 = arith.addi %mul3A_956, %add3A_957 : i32
      %get3A_959 = arith.index_cast %add3A_958 : i32 to index
      %get3A_960 = tpu.vector_load %arg8[%get3A_959] {strides = array<i32>} : memref<12800xf32, #tpu.memory_space<vmem>>, vector<16xf32>,
      %mul3A_961 = arith.mulf %sub3A_78, %get3A_960 : vector<16xf32>
      %get3A_962 = arith.constant 256 : index
      %get3A_963 = tpu.vector_load %arg10[%get3A_962] {strides = array<i32>} : memref<400xf32, #tpu.memory_space<vmem>>, vector<16xf32>,
      %mul3A_964 = arith.mulf %gather3A, %get3A_963 : vector<16xf32>
      %add3A_965 = arith.addf %mul3A_961, %mul3A_964 : vector<16xf32>
      tpu.vector_store_idx %arg11[%select_n3A_954], %add3A_965 masked %and3A_951 : memref<25040xf32, #tpu.memory_space<vmem>>[vector<16xi32>], vector<16xf32>, vector<16xi1>
      %get3A_966 = arith.constant 272 : index
      %get3A_967 = tpu.vector_load %arg7[%get3A_966] {strides = array<i32>} : memref<400xi32, #tpu.memory_space<vmem>>, vector<16xi32>,
      %sub3A_968 = arith.constant 0 : i32
      %sub3A_969 = vector.broadcast %sub3A_968 : i32 to vector<16xi32>
      %sub3A_970 = arith.subi %get3A_967, %sub3A_969 : vector<16xi32>
      %ge3A_971 = arith.constant 0 : i32
      %ge3A_972 = vector.broadcast %ge3A_971 : i32 to vector<16xi32>
      %ge3A_973 = arith.cmpi sge, %sub3A_970, %ge3A_972 : vector<16xi32>
      %lt3A_974 = arith.constant 24960 : i32
      %lt3A_975 = vector.broadcast %lt3A_974 : i32 to vector<16xi32>
      %lt3A_976 = arith.cmpi slt, %sub3A_970, %lt3A_975 : vector<16xi32>
      %and3A_977 = arith.andi %ge3A_973, %lt3A_976 : vector<16xi1>
      %jit3A_978 = arith.constant 0 : i32
      %broadcast_in_dim3A_979 = vector.broadcast %jit3A_978 : i32 to vector<16xi32>
      %select_n3A_980 = arith.select %and3A_977, %sub3A_970, %broadcast_in_dim3A_979 : vector<16xi1>, vector<16xi32>
      %mul3A_981 = arith.constant 400 : i32
      %mul3A_982 = arith.muli %add3A_57, %mul3A_981 : i32
      %add3A_983 = arith.constant 272 : i32
      %add3A_984 = arith.addi %mul3A_982, %add3A_983 : i32
      %get3A_985 = arith.index_cast %add3A_984 : i32 to index
      %get3A_986 = tpu.vector_load %arg8[%get3A_985] {strides = array<i32>} : memref<12800xf32, #tpu.memory_space<vmem>>, vector<16xf32>,
      %mul3A_987 = arith.mulf %sub3A_78, %get3A_986 : vector<16xf32>
      %get3A_988 = arith.constant 272 : index
      %get3A_989 = tpu.vector_load %arg10[%get3A_988] {strides = array<i32>} : memref<400xf32, #tpu.memory_space<vmem>>, vector<16xf32>,
      %mul3A_990 = arith.mulf %gather3A, %get3A_989 : vector<16xf32>
      %add3A_991 = arith.addf %mul3A_987, %mul3A_990 : vector<16xf32>
      tpu.vector_store_idx %arg11[%select_n3A_980], %add3A_991 masked %and3A_977 : memref<25040xf32, #tpu.memory_space<vmem>>[vector<16xi32>], vector<16xf32>, vector<16xi1>
      %get3A_992 = arith.constant 288 : index
      %get3A_993 = tpu.vector_load %arg7[%get3A_992] {strides = array<i32>} : memref<400xi32, #tpu.memory_space<vmem>>, vector<16xi32>,
      %sub3A_994 = arith.constant 0 : i32
      %sub3A_995 = vector.broadcast %sub3A_994 : i32 to vector<16xi32>
      %sub3A_996 = arith.subi %get3A_993, %sub3A_995 : vector<16xi32>
      %ge3A_997 = arith.constant 0 : i32
      %ge3A_998 = vector.broadcast %ge3A_997 : i32 to vector<16xi32>
      %ge3A_999 = arith.cmpi sge, %sub3A_996, %ge3A_998 : vector<16xi32>
      %lt3A_1000 = arith.constant 24960 : i32
      %lt3A_1001 = vector.broadcast %lt3A_1000 : i32 to vector<16xi32>
      %lt3A_1002 = arith.cmpi slt, %sub3A_996, %lt3A_1001 : vector<16xi32>
      %and3A_1003 = arith.andi %ge3A_999, %lt3A_1002 : vector<16xi1>
      %jit3A_1004 = arith.constant 0 : i32
      %broadcast_in_dim3A_1005 = vector.broadcast %jit3A_1004 : i32 to vector<16xi32>
      %select_n3A_1006 = arith.select %and3A_1003, %sub3A_996, %broadcast_in_dim3A_1005 : vector<16xi1>, vector<16xi32>
      %mul3A_1007 = arith.constant 400 : i32
      %mul3A_1008 = arith.muli %add3A_57, %mul3A_1007 : i32
      %add3A_1009 = arith.constant 288 : i32
      %add3A_1010 = arith.addi %mul3A_1008, %add3A_1009 : i32
      %get3A_1011 = arith.index_cast %add3A_1010 : i32 to index
      %get3A_1012 = tpu.vector_load %arg8[%get3A_1011] {strides = array<i32>} : memref<12800xf32, #tpu.memory_space<vmem>>, vector<16xf32>,
      %mul3A_1013 = arith.mulf %sub3A_78, %get3A_1012 : vector<16xf32>
      %get3A_1014 = arith.constant 288 : index
      %get3A_1015 = tpu.vector_load %arg10[%get3A_1014] {strides = array<i32>} : memref<400xf32, #tpu.memory_space<vmem>>, vector<16xf32>,
      %mul3A_1016 = arith.mulf %gather3A, %get3A_1015 : vector<16xf32>
      %add3A_1017 = arith.addf %mul3A_1013, %mul3A_1016 : vector<16xf32>
      tpu.vector_store_idx %arg11[%select_n3A_1006], %add3A_1017 masked %and3A_1003 : memref<25040xf32, #tpu.memory_space<vmem>>[vector<16xi32>], vector<16xf32>, vector<16xi1>
      %get3A_1018 = arith.constant 304 : index
      %get3A_1019 = tpu.vector_load %arg7[%get3A_1018] {strides = array<i32>} : memref<400xi32, #tpu.memory_space<vmem>>, vector<16xi32>,
      %sub3A_1020 = arith.constant 0 : i32
      %sub3A_1021 = vector.broadcast %sub3A_1020 : i32 to vector<16xi32>
      %sub3A_1022 = arith.subi %get3A_1019, %sub3A_1021 : vector<16xi32>
      %ge3A_1023 = arith.constant 0 : i32
      %ge3A_1024 = vector.broadcast %ge3A_1023 : i32 to vector<16xi32>
      %ge3A_1025 = arith.cmpi sge, %sub3A_1022, %ge3A_1024 : vector<16xi32>
      %lt3A_1026 = arith.constant 24960 : i32
      %lt3A_1027 = vector.broadcast %lt3A_1026 : i32 to vector<16xi32>
      %lt3A_1028 = arith.cmpi slt, %sub3A_1022, %lt3A_1027 : vector<16xi32>
      %and3A_1029 = arith.andi %ge3A_1025, %lt3A_1028 : vector<16xi1>
      %jit3A_1030 = arith.constant 0 : i32
      %broadcast_in_dim3A_1031 = vector.broadcast %jit3A_1030 : i32 to vector<16xi32>
      %select_n3A_1032 = arith.select %and3A_1029, %sub3A_1022, %broadcast_in_dim3A_1031 : vector<16xi1>, vector<16xi32>
      %mul3A_1033 = arith.constant 400 : i32
      %mul3A_1034 = arith.muli %add3A_57, %mul3A_1033 : i32
      %add3A_1035 = arith.constant 304 : i32
      %add3A_1036 = arith.addi %mul3A_1034, %add3A_1035 : i32
      %get3A_1037 = arith.index_cast %add3A_1036 : i32 to index
      %get3A_1038 = tpu.vector_load %arg8[%get3A_1037] {strides = array<i32>} : memref<12800xf32, #tpu.memory_space<vmem>>, vector<16xf32>,
      %mul3A_1039 = arith.mulf %sub3A_78, %get3A_1038 : vector<16xf32>
      %get3A_1040 = arith.constant 304 : index
      %get3A_1041 = tpu.vector_load %arg10[%get3A_1040] {strides = array<i32>} : memref<400xf32, #tpu.memory_space<vmem>>, vector<16xf32>,
      %mul3A_1042 = arith.mulf %gather3A, %get3A_1041 : vector<16xf32>
      %add3A_1043 = arith.addf %mul3A_1039, %mul3A_1042 : vector<16xf32>
      tpu.vector_store_idx %arg11[%select_n3A_1032], %add3A_1043 masked %and3A_1029 : memref<25040xf32, #tpu.memory_space<vmem>>[vector<16xi32>], vector<16xf32>, vector<16xi1>
      %get3A_1044 = arith.constant 320 : index
      %get3A_1045 = tpu.vector_load %arg7[%get3A_1044] {strides = array<i32>} : memref<400xi32, #tpu.memory_space<vmem>>, vector<16xi32>,
      %sub3A_1046 = arith.constant 0 : i32
      %sub3A_1047 = vector.broadcast %sub3A_1046 : i32 to vector<16xi32>
      %sub3A_1048 = arith.subi %get3A_1045, %sub3A_1047 : vector<16xi32>
      %ge3A_1049 = arith.constant 0 : i32
      %ge3A_1050 = vector.broadcast %ge3A_1049 : i32 to vector<16xi32>
      %ge3A_1051 = arith.cmpi sge, %sub3A_1048, %ge3A_1050 : vector<16xi32>
      %lt3A_1052 = arith.constant 24960 : i32
      %lt3A_1053 = vector.broadcast %lt3A_1052 : i32 to vector<16xi32>
      %lt3A_1054 = arith.cmpi slt, %sub3A_1048, %lt3A_1053 : vector<16xi32>
      %and3A_1055 = arith.andi %ge3A_1051, %lt3A_1054 : vector<16xi1>
      %jit3A_1056 = arith.constant 0 : i32
      %broadcast_in_dim3A_1057 = vector.broadcast %jit3A_1056 : i32 to vector<16xi32>
      %select_n3A_1058 = arith.select %and3A_1055, %sub3A_1048, %broadcast_in_dim3A_1057 : vector<16xi1>, vector<16xi32>
      %mul3A_1059 = arith.constant 400 : i32
      %mul3A_1060 = arith.muli %add3A_57, %mul3A_1059 : i32
      %add3A_1061 = arith.constant 320 : i32
      %add3A_1062 = arith.addi %mul3A_1060, %add3A_1061 : i32
      %get3A_1063 = arith.index_cast %add3A_1062 : i32 to index
      %get3A_1064 = tpu.vector_load %arg8[%get3A_1063] {strides = array<i32>} : memref<12800xf32, #tpu.memory_space<vmem>>, vector<16xf32>,
      %mul3A_1065 = arith.mulf %sub3A_78, %get3A_1064 : vector<16xf32>
      %get3A_1066 = arith.constant 320 : index
      %get3A_1067 = tpu.vector_load %arg10[%get3A_1066] {strides = array<i32>} : memref<400xf32, #tpu.memory_space<vmem>>, vector<16xf32>,
      %mul3A_1068 = arith.mulf %gather3A, %get3A_1067 : vector<16xf32>
      %add3A_1069 = arith.addf %mul3A_1065, %mul3A_1068 : vector<16xf32>
      tpu.vector_store_idx %arg11[%select_n3A_1058], %add3A_1069 masked %and3A_1055 : memref<25040xf32, #tpu.memory_space<vmem>>[vector<16xi32>], vector<16xf32>, vector<16xi1>
      %get3A_1070 = arith.constant 336 : index
      %get3A_1071 = tpu.vector_load %arg7[%get3A_1070] {strides = array<i32>} : memref<400xi32, #tpu.memory_space<vmem>>, vector<16xi32>,
      %sub3A_1072 = arith.constant 0 : i32
      %sub3A_1073 = vector.broadcast %sub3A_1072 : i32 to vector<16xi32>
      %sub3A_1074 = arith.subi %get3A_1071, %sub3A_1073 : vector<16xi32>
      %ge3A_1075 = arith.constant 0 : i32
      %ge3A_1076 = vector.broadcast %ge3A_1075 : i32 to vector<16xi32>
      %ge3A_1077 = arith.cmpi sge, %sub3A_1074, %ge3A_1076 : vector<16xi32>
      %lt3A_1078 = arith.constant 24960 : i32
      %lt3A_1079 = vector.broadcast %lt3A_1078 : i32 to vector<16xi32>
      %lt3A_1080 = arith.cmpi slt, %sub3A_1074, %lt3A_1079 : vector<16xi32>
      %and3A_1081 = arith.andi %ge3A_1077, %lt3A_1080 : vector<16xi1>
      %jit3A_1082 = arith.constant 0 : i32
      %broadcast_in_dim3A_1083 = vector.broadcast %jit3A_1082 : i32 to vector<16xi32>
      %select_n3A_1084 = arith.select %and3A_1081, %sub3A_1074, %broadcast_in_dim3A_1083 : vector<16xi1>, vector<16xi32>
      %mul3A_1085 = arith.constant 400 : i32
      %mul3A_1086 = arith.muli %add3A_57, %mul3A_1085 : i32
      %add3A_1087 = arith.constant 336 : i32
      %add3A_1088 = arith.addi %mul3A_1086, %add3A_1087 : i32
      %get3A_1089 = arith.index_cast %add3A_1088 : i32 to index
      %get3A_1090 = tpu.vector_load %arg8[%get3A_1089] {strides = array<i32>} : memref<12800xf32, #tpu.memory_space<vmem>>, vector<16xf32>,
      %mul3A_1091 = arith.mulf %sub3A_78, %get3A_1090 : vector<16xf32>
      %get3A_1092 = arith.constant 336 : index
      %get3A_1093 = tpu.vector_load %arg10[%get3A_1092] {strides = array<i32>} : memref<400xf32, #tpu.memory_space<vmem>>, vector<16xf32>,
      %mul3A_1094 = arith.mulf %gather3A, %get3A_1093 : vector<16xf32>
      %add3A_1095 = arith.addf %mul3A_1091, %mul3A_1094 : vector<16xf32>
      tpu.vector_store_idx %arg11[%select_n3A_1084], %add3A_1095 masked %and3A_1081 : memref<25040xf32, #tpu.memory_space<vmem>>[vector<16xi32>], vector<16xf32>, vector<16xi1>
      %get3A_1096 = arith.constant 352 : index
      %get3A_1097 = tpu.vector_load %arg7[%get3A_1096] {strides = array<i32>} : memref<400xi32, #tpu.memory_space<vmem>>, vector<16xi32>,
      %sub3A_1098 = arith.constant 0 : i32
      %sub3A_1099 = vector.broadcast %sub3A_1098 : i32 to vector<16xi32>
      %sub3A_1100 = arith.subi %get3A_1097, %sub3A_1099 : vector<16xi32>
      %ge3A_1101 = arith.constant 0 : i32
      %ge3A_1102 = vector.broadcast %ge3A_1101 : i32 to vector<16xi32>
      %ge3A_1103 = arith.cmpi sge, %sub3A_1100, %ge3A_1102 : vector<16xi32>
      %lt3A_1104 = arith.constant 24960 : i32
      %lt3A_1105 = vector.broadcast %lt3A_1104 : i32 to vector<16xi32>
      %lt3A_1106 = arith.cmpi slt, %sub3A_1100, %lt3A_1105 : vector<16xi32>
      %and3A_1107 = arith.andi %ge3A_1103, %lt3A_1106 : vector<16xi1>
      %jit3A_1108 = arith.constant 0 : i32
      %broadcast_in_dim3A_1109 = vector.broadcast %jit3A_1108 : i32 to vector<16xi32>
      %select_n3A_1110 = arith.select %and3A_1107, %sub3A_1100, %broadcast_in_dim3A_1109 : vector<16xi1>, vector<16xi32>
      %mul3A_1111 = arith.constant 400 : i32
      %mul3A_1112 = arith.muli %add3A_57, %mul3A_1111 : i32
      %add3A_1113 = arith.constant 352 : i32
      %add3A_1114 = arith.addi %mul3A_1112, %add3A_1113 : i32
      %get3A_1115 = arith.index_cast %add3A_1114 : i32 to index
      %get3A_1116 = tpu.vector_load %arg8[%get3A_1115] {strides = array<i32>} : memref<12800xf32, #tpu.memory_space<vmem>>, vector<16xf32>,
      %mul3A_1117 = arith.mulf %sub3A_78, %get3A_1116 : vector<16xf32>
      %get3A_1118 = arith.constant 352 : index
      %get3A_1119 = tpu.vector_load %arg10[%get3A_1118] {strides = array<i32>} : memref<400xf32, #tpu.memory_space<vmem>>, vector<16xf32>,
      %mul3A_1120 = arith.mulf %gather3A, %get3A_1119 : vector<16xf32>
      %add3A_1121 = arith.addf %mul3A_1117, %mul3A_1120 : vector<16xf32>
      tpu.vector_store_idx %arg11[%select_n3A_1110], %add3A_1121 masked %and3A_1107 : memref<25040xf32, #tpu.memory_space<vmem>>[vector<16xi32>], vector<16xf32>, vector<16xi1>
      %get3A_1122 = arith.constant 368 : index
      %get3A_1123 = tpu.vector_load %arg7[%get3A_1122] {strides = array<i32>} : memref<400xi32, #tpu.memory_space<vmem>>, vector<16xi32>,
      %sub3A_1124 = arith.constant 0 : i32
      %sub3A_1125 = vector.broadcast %sub3A_1124 : i32 to vector<16xi32>
      %sub3A_1126 = arith.subi %get3A_1123, %sub3A_1125 : vector<16xi32>
      %ge3A_1127 = arith.constant 0 : i32
      %ge3A_1128 = vector.broadcast %ge3A_1127 : i32 to vector<16xi32>
      %ge3A_1129 = arith.cmpi sge, %sub3A_1126, %ge3A_1128 : vector<16xi32>
      %lt3A_1130 = arith.constant 24960 : i32
      %lt3A_1131 = vector.broadcast %lt3A_1130 : i32 to vector<16xi32>
      %lt3A_1132 = arith.cmpi slt, %sub3A_1126, %lt3A_1131 : vector<16xi32>
      %and3A_1133 = arith.andi %ge3A_1129, %lt3A_1132 : vector<16xi1>
      %jit3A_1134 = arith.constant 0 : i32
      %broadcast_in_dim3A_1135 = vector.broadcast %jit3A_1134 : i32 to vector<16xi32>
      %select_n3A_1136 = arith.select %and3A_1133, %sub3A_1126, %broadcast_in_dim3A_1135 : vector<16xi1>, vector<16xi32>
      %mul3A_1137 = arith.constant 400 : i32
      %mul3A_1138 = arith.muli %add3A_57, %mul3A_1137 : i32
      %add3A_1139 = arith.constant 368 : i32
      %add3A_1140 = arith.addi %mul3A_1138, %add3A_1139 : i32
      %get3A_1141 = arith.index_cast %add3A_1140 : i32 to index
      %get3A_1142 = tpu.vector_load %arg8[%get3A_1141] {strides = array<i32>} : memref<12800xf32, #tpu.memory_space<vmem>>, vector<16xf32>,
      %mul3A_1143 = arith.mulf %sub3A_78, %get3A_1142 : vector<16xf32>
      %get3A_1144 = arith.constant 368 : index
      %get3A_1145 = tpu.vector_load %arg10[%get3A_1144] {strides = array<i32>} : memref<400xf32, #tpu.memory_space<vmem>>, vector<16xf32>,
      %mul3A_1146 = arith.mulf %gather3A, %get3A_1145 : vector<16xf32>
      %add3A_1147 = arith.addf %mul3A_1143, %mul3A_1146 : vector<16xf32>
      tpu.vector_store_idx %arg11[%select_n3A_1136], %add3A_1147 masked %and3A_1133 : memref<25040xf32, #tpu.memory_space<vmem>>[vector<16xi32>], vector<16xf32>, vector<16xi1>
      %get3A_1148 = arith.constant 384 : index
      %get3A_1149 = tpu.vector_load %arg7[%get3A_1148] {strides = array<i32>} : memref<400xi32, #tpu.memory_space<vmem>>, vector<16xi32>,
      %sub3A_1150 = arith.constant 0 : i32
      %sub3A_1151 = vector.broadcast %sub3A_1150 : i32 to vector<16xi32>
      %sub3A_1152 = arith.subi %get3A_1149, %sub3A_1151 : vector<16xi32>
      %ge3A_1153 = arith.constant 0 : i32
      %ge3A_1154 = vector.broadcast %ge3A_1153 : i32 to vector<16xi32>
      %ge3A_1155 = arith.cmpi sge, %sub3A_1152, %ge3A_1154 : vector<16xi32>
      %lt3A_1156 = arith.constant 24960 : i32
      %lt3A_1157 = vector.broadcast %lt3A_1156 : i32 to vector<16xi32>
      %lt3A_1158 = arith.cmpi slt, %sub3A_1152, %lt3A_1157 : vector<16xi32>
      %and3A_1159 = arith.andi %ge3A_1155, %lt3A_1158 : vector<16xi1>
      %jit3A_1160 = arith.constant 0 : i32
      %broadcast_in_dim3A_1161 = vector.broadcast %jit3A_1160 : i32 to vector<16xi32>
      %select_n3A_1162 = arith.select %and3A_1159, %sub3A_1152, %broadcast_in_dim3A_1161 : vector<16xi1>, vector<16xi32>
      %mul3A_1163 = arith.constant 400 : i32
      %mul3A_1164 = arith.muli %add3A_57, %mul3A_1163 : i32
      %add3A_1165 = arith.constant 384 : i32
      %add3A_1166 = arith.addi %mul3A_1164, %add3A_1165 : i32
      %get3A_1167 = arith.index_cast %add3A_1166 : i32 to index
      %get3A_1168 = tpu.vector_load %arg8[%get3A_1167] {strides = array<i32>} : memref<12800xf32, #tpu.memory_space<vmem>>, vector<16xf32>,
      %mul3A_1169 = arith.mulf %sub3A_78, %get3A_1168 : vector<16xf32>
      %get3A_1170 = arith.constant 384 : index
      %get3A_1171 = tpu.vector_load %arg10[%get3A_1170] {strides = array<i32>} : memref<400xf32, #tpu.memory_space<vmem>>, vector<16xf32>,
      %mul3A_1172 = arith.mulf %gather3A, %get3A_1171 : vector<16xf32>
      %add3A_1173 = arith.addf %mul3A_1169, %mul3A_1172 : vector<16xf32>
      tpu.vector_store_idx %arg11[%select_n3A_1162], %add3A_1173 masked %and3A_1159 : memref<25040xf32, #tpu.memory_space<vmem>>[vector<16xi32>], vector<16xf32>, vector<16xi1>
      %dma_start3A_1174 = arith.constant 0 : i32
      %dma_start3A_1175 = tpu.memref_slice %arg11[%dma_start3A_1174] : memref<25040xf32, #tpu.memory_space<vmem>> -> memref<24960xf32, #tpu.memory_space<vmem>>
      %dma_start3A_1176 = arith.constant 0 : i32
      %dma_start3A_1177 = tpu.memref_slice %arg6[%add3A_64, %dma_start3A_1176] : memref<1024x50000xf32, #tpu.memory_space<hbm>> -> memref<1x24960xf32, #tpu.memory_space<hbm>>
      %dma_start3A_1178 = tpu.memref_squeeze %dma_start3A_1177 : memref<1x24960xf32, #tpu.memory_space<hbm>> -> memref<24960xf32, #tpu.memory_space<hbm>>
      %dma_start3A_1179 = arith.constant 0 : i32
      %dma_start3A_1180 = tpu.memref_slice %arg6[%add3A_64, %dma_start3A_1179] : memref<1024x50000xf32, #tpu.memory_space<hbm>> -> memref<1x24960xf32, #tpu.memory_space<hbm>>
      %dma_start3A_1181 = tpu.memref_squeeze %dma_start3A_1180 : memref<1x24960xf32, #tpu.memory_space<hbm>> -> memref<24960xf32, #tpu.memory_space<hbm>>
      %dma_start3A_1182 = arith.constant 0 : i32
      %dma_start3A_1183 = tpu.memref_slice %arg11[%dma_start3A_1182] : memref<25040xf32, #tpu.memory_space<vmem>> -> memref<24960xf32, #tpu.memory_space<vmem>>
      tpu.enqueue_dma source(%dma_start3A_1183 : memref<24960xf32, #tpu.memory_space<vmem>>) target(%dma_start3A_1181 : memref<24960xf32, #tpu.memory_space<hbm>>) target_semaphore(%arg19 : memref<!tpu.dma_semaphore, #tpu.memory_space<semaphore_mem>>)
      %mul3A_1184 = arith.constant 2 : i32
      %mul3A_1185 = arith.muli %scan3A_53, %mul3A_1184 : i32
      %add3A_1186 = arith.constant 0 : i32
      %add3A_1187 = arith.addi %mul3A_1185, %add3A_1186 : i32
      %mul3A_1188 = arith.constant 2 : i32
      %mul3A_1189 = arith.muli %scan3A_53, %mul3A_1188 : i32
      %add3A_1190 = arith.constant 0 : i32
      %add3A_1191 = arith.addi %mul3A_1189, %add3A_1190 : i32
      %mul3A_1192 = arith.constant 32 : i32
      %mul3A_1193 = arith.muli %add3A_1191, %mul3A_1192 : i32
      %add3A_1194 = arith.addi %mul3A_1193, %add3A : i32
      %dma_wait3A_1195 = arith.constant 0 : i32
      %dma_wait3A_1196 = tpu.memref_slice %arg12[%dma_wait3A_1195] : memref<25040xf32, #tpu.memory_space<vmem>> -> memref<25040xf32, #tpu.memory_space<vmem>>
      %dma_wait3A_1197 = arith.constant 24960 : i32
      %dma_wait3A_1198 = tpu.memref_slice %arg2[%add3A_1194, %dma_wait3A_1197] : memref<1024x50000xf32, #tpu.memory_space<hbm>> -> memref<1x25040xf32, #tpu.memory_space<hbm>>
      %dma_wait3A_1199 = tpu.memref_squeeze %dma_wait3A_1198 : memref<1x25040xf32, #tpu.memory_space<hbm>> -> memref<25040xf32, #tpu.memory_space<hbm>>
      %dma_wait3A_1200 = arith.constant 0 : i32
      %dma_wait3A_1201 = tpu.memref_slice %arg12[%dma_wait3A_1200] : memref<25040xf32, #tpu.memory_space<vmem>> -> memref<25040xf32, #tpu.memory_space<vmem>>
      %dma_wait3A_1202 = arith.constant 24960 : i32
      %dma_wait3A_1203 = tpu.memref_slice %arg2[%add3A_1194, %dma_wait3A_1202] : memref<1024x50000xf32, #tpu.memory_space<hbm>> -> memref<1x25040xf32, #tpu.memory_space<hbm>>
      %dma_wait3A_1204 = tpu.memref_squeeze %dma_wait3A_1203 : memref<1x25040xf32, #tpu.memory_space<hbm>> -> memref<25040xf32, #tpu.memory_space<hbm>>
      tpu.wait_dma2 semaphore(%arg16 : memref<!tpu.dma_semaphore, #tpu.memory_space<semaphore_mem>>) src(%dma_wait3A_1204 : memref<25040xf32, #tpu.memory_space<hbm>>) dst(%dma_wait3A_1201 : memref<25040xf32, #tpu.memory_space<vmem>>)
      %broadcast_in_dim3A_1205 = arith.constant 0 : i32
      %broadcast_in_dim3A_1206 = vector.broadcast %broadcast_in_dim3A_1205 : i32 to vector<16xi32>
      %add3A_1207 = vector.broadcast %add3A_1187 : i32 to vector<16xi32>
      %add3A_1208 = arith.addi %broadcast_in_dim3A_1206, %add3A_1207 : vector<16xi32>
      %gather3A_1209 = tpu.vector_load_idx %arg9[%add3A_1208] : memref<32xf32, #tpu.memory_space<vmem>>[vector<16xi32>], vector<16xf32>,
      %sub3A_1210 = arith.constant 1.000000e+00 : f32
      %sub3A_1211 = vector.broadcast %sub3A_1210 : f32 to vector<16xf32>
      %sub3A_1212 = arith.subf %sub3A_1211, %gather3A_1209 : vector<16xf32>
      %get3A_1213 = arith.constant 0 : index
      %get3A_1214 = tpu.vector_load %arg7[%get3A_1213] {strides = array<i32>} : memref<400xi32, #tpu.memory_space<vmem>>, vector<16xi32>,
      %sub3A_1215 = arith.constant 24960 : i32
      %sub3A_1216 = vector.broadcast %sub3A_1215 : i32 to vector<16xi32>
      %sub3A_1217 = arith.subi %get3A_1214, %sub3A_1216 : vector<16xi32>
      %ge3A_1218 = arith.constant 0 : i32
      %ge3A_1219 = vector.broadcast %ge3A_1218 : i32 to vector<16xi32>
      %ge3A_1220 = arith.cmpi sge, %sub3A_1217, %ge3A_1219 : vector<16xi32>
      %lt3A_1221 = arith.constant 25040 : i32
      %lt3A_1222 = vector.broadcast %lt3A_1221 : i32 to vector<16xi32>
      %lt3A_1223 = arith.cmpi slt, %sub3A_1217, %lt3A_1222 : vector<16xi32>
      %and3A_1224 = arith.andi %ge3A_1220, %lt3A_1223 : vector<16xi1>
      %jit3A_1225 = arith.constant 0 : i32
      %broadcast_in_dim3A_1226 = vector.broadcast %jit3A_1225 : i32 to vector<16xi32>
      %select_n3A_1227 = arith.select %and3A_1224, %sub3A_1217, %broadcast_in_dim3A_1226 : vector<16xi1>, vector<16xi32>
      %gather3A_1228 = tpu.vector_load_idx %arg12[%select_n3A_1227] masked %and3A_1224 : memref<25040xf32, #tpu.memory_space<vmem>>[vector<16xi32>], vector<16xf32>, vector<16xi1>
      %swap3A_1229 = arith.constant 0 : index
      %swap3A_1230 = tpu.vector_load %arg10[%swap3A_1229] {strides = array<i32>} : memref<400xf32, #tpu.memory_space<vmem>>, vector<16xf32>,
      tpu.vector_store %arg10[%swap3A_1229], %gather3A_1228 {strides = array<i32>} : memref<400xf32, #tpu.memory_space<vmem>>, vector<16xf32>,
      %get3A_1231 = arith.constant 16 : index
      %get3A_1232 = tpu.vector_load %arg7[%get3A_1231] {strides = array<i32>} : memref<400xi32, #tpu.memory_space<vmem>>, vector<16xi32>,
      %sub3A_1233 = arith.constant 24960 : i32
      %sub3A_1234 = vector.broadcast %sub3A_1233 : i32 to vector<16xi32>
      %sub3A_1235 = arith.subi %get3A_1232, %sub3A_1234 : vector<16xi32>
      %ge3A_1236 = arith.constant 0 : i32
      %ge3A_1237 = vector.broadcast %ge3A_1236 : i32 to vector<16xi32>
      %ge3A_1238 = arith.cmpi sge, %sub3A_1235, %ge3A_1237 : vector<16xi32>
      %lt3A_1239 = arith.constant 25040 : i32
      %lt3A_1240 = vector.broadcast %lt3A_1239 : i32 to vector<16xi32>
      %lt3A_1241 = arith.cmpi slt, %sub3A_1235, %lt3A_1240 : vector<16xi32>
      %and3A_1242 = arith.andi %ge3A_1238, %lt3A_1241 : vector<16xi1>
      %jit3A_1243 = arith.constant 0 : i32
      %broadcast_in_dim3A_1244 = vector.broadcast %jit3A_1243 : i32 to vector<16xi32>
      %select_n3A_1245 = arith.select %and3A_1242, %sub3A_1235, %broadcast_in_dim3A_1244 : vector<16xi1>, vector<16xi32>
      %gather3A_1246 = tpu.vector_load_idx %arg12[%select_n3A_1245] masked %and3A_1242 : memref<25040xf32, #tpu.memory_space<vmem>>[vector<16xi32>], vector<16xf32>, vector<16xi1>
      %swap3A_1247 = arith.constant 16 : index
      %swap3A_1248 = tpu.vector_load %arg10[%swap3A_1247] {strides = array<i32>} : memref<400xf32, #tpu.memory_space<vmem>>, vector<16xf32>,
      tpu.vector_store %arg10[%swap3A_1247], %gather3A_1246 {strides = array<i32>} : memref<400xf32, #tpu.memory_space<vmem>>, vector<16xf32>,
      %get3A_1249 = arith.constant 32 : index
      %get3A_1250 = tpu.vector_load %arg7[%get3A_1249] {strides = array<i32>} : memref<400xi32, #tpu.memory_space<vmem>>, vector<16xi32>,
      %sub3A_1251 = arith.constant 24960 : i32
      %sub3A_1252 = vector.broadcast %sub3A_1251 : i32 to vector<16xi32>
      %sub3A_1253 = arith.subi %get3A_1250, %sub3A_1252 : vector<16xi32>
      %ge3A_1254 = arith.constant 0 : i32
      %ge3A_1255 = vector.broadcast %ge3A_1254 : i32 to vector<16xi32>
      %ge3A_1256 = arith.cmpi sge, %sub3A_1253, %ge3A_1255 : vector<16xi32>
      %lt3A_1257 = arith.constant 25040 : i32
      %lt3A_1258 = vector.broadcast %lt3A_1257 : i32 to vector<16xi32>
      %lt3A_1259 = arith.cmpi slt, %sub3A_1253, %lt3A_1258 : vector<16xi32>
      %and3A_1260 = arith.andi %ge3A_1256, %lt3A_1259 : vector<16xi1>
      %jit3A_1261 = arith.constant 0 : i32
      %broadcast_in_dim3A_1262 = vector.broadcast %jit3A_1261 : i32 to vector<16xi32>
      %select_n3A_1263 = arith.select %and3A_1260, %sub3A_1253, %broadcast_in_dim3A_1262 : vector<16xi1>, vector<16xi32>
      %gather3A_1264 = tpu.vector_load_idx %arg12[%select_n3A_1263] masked %and3A_1260 : memref<25040xf32, #tpu.memory_space<vmem>>[vector<16xi32>], vector<16xf32>, vector<16xi1>
      %swap3A_1265 = arith.constant 32 : index
      %swap3A_1266 = tpu.vector_load %arg10[%swap3A_1265] {strides = array<i32>} : memref<400xf32, #tpu.memory_space<vmem>>, vector<16xf32>,
      tpu.vector_store %arg10[%swap3A_1265], %gather3A_1264 {strides = array<i32>} : memref<400xf32, #tpu.memory_space<vmem>>, vector<16xf32>,
      %get3A_1267 = arith.constant 48 : index
      %get3A_1268 = tpu.vector_load %arg7[%get3A_1267] {strides = array<i32>} : memref<400xi32, #tpu.memory_space<vmem>>, vector<16xi32>,
      %sub3A_1269 = arith.constant 24960 : i32
      %sub3A_1270 = vector.broadcast %sub3A_1269 : i32 to vector<16xi32>
      %sub3A_1271 = arith.subi %get3A_1268, %sub3A_1270 : vector<16xi32>
      %ge3A_1272 = arith.constant 0 : i32
      %ge3A_1273 = vector.broadcast %ge3A_1272 : i32 to vector<16xi32>
      %ge3A_1274 = arith.cmpi sge, %sub3A_1271, %ge3A_1273 : vector<16xi32>
      %lt3A_1275 = arith.constant 25040 : i32
      %lt3A_1276 = vector.broadcast %lt3A_1275 : i32 to vector<16xi32>
      %lt3A_1277 = arith.cmpi slt, %sub3A_1271, %lt3A_1276 : vector<16xi32>
      %and3A_1278 = arith.andi %ge3A_1274, %lt3A_1277 : vector<16xi1>
      %jit3A_1279 = arith.constant 0 : i32
      %broadcast_in_dim3A_1280 = vector.broadcast %jit3A_1279 : i32 to vector<16xi32>
      %select_n3A_1281 = arith.select %and3A_1278, %sub3A_1271, %broadcast_in_dim3A_1280 : vector<16xi1>, vector<16xi32>
      %gather3A_1282 = tpu.vector_load_idx %arg12[%select_n3A_1281] masked %and3A_1278 : memref<25040xf32, #tpu.memory_space<vmem>>[vector<16xi32>], vector<16xf32>, vector<16xi1>
      %swap3A_1283 = arith.constant 48 : index
      %swap3A_1284 = tpu.vector_load %arg10[%swap3A_1283] {strides = array<i32>} : memref<400xf32, #tpu.memory_space<vmem>>, vector<16xf32>,
      tpu.vector_store %arg10[%swap3A_1283], %gather3A_1282 {strides = array<i32>} : memref<400xf32, #tpu.memory_space<vmem>>, vector<16xf32>,
      %get3A_1285 = arith.constant 64 : index
      %get3A_1286 = tpu.vector_load %arg7[%get3A_1285] {strides = array<i32>} : memref<400xi32, #tpu.memory_space<vmem>>, vector<16xi32>,
      %sub3A_1287 = arith.constant 24960 : i32
      %sub3A_1288 = vector.broadcast %sub3A_1287 : i32 to vector<16xi32>
      %sub3A_1289 = arith.subi %get3A_1286, %sub3A_1288 : vector<16xi32>
      %ge3A_1290 = arith.constant 0 : i32
      %ge3A_1291 = vector.broadcast %ge3A_1290 : i32 to vector<16xi32>
      %ge3A_1292 = arith.cmpi sge, %sub3A_1289, %ge3A_1291 : vector<16xi32>
      %lt3A_1293 = arith.constant 25040 : i32
      %lt3A_1294 = vector.broadcast %lt3A_1293 : i32 to vector<16xi32>
      %lt3A_1295 = arith.cmpi slt, %sub3A_1289, %lt3A_1294 : vector<16xi32>
      %and3A_1296 = arith.andi %ge3A_1292, %lt3A_1295 : vector<16xi1>
      %jit3A_1297 = arith.constant 0 : i32
      %broadcast_in_dim3A_1298 = vector.broadcast %jit3A_1297 : i32 to vector<16xi32>
      %select_n3A_1299 = arith.select %and3A_1296, %sub3A_1289, %broadcast_in_dim3A_1298 : vector<16xi1>, vector<16xi32>
      %gather3A_1300 = tpu.vector_load_idx %arg12[%select_n3A_1299] masked %and3A_1296 : memref<25040xf32, #tpu.memory_space<vmem>>[vector<16xi32>], vector<16xf32>, vector<16xi1>
      %swap3A_1301 = arith.constant 64 : index
      %swap3A_1302 = tpu.vector_load %arg10[%swap3A_1301] {strides = array<i32>} : memref<400xf32, #tpu.memory_space<vmem>>, vector<16xf32>,
      tpu.vector_store %arg10[%swap3A_1301], %gather3A_1300 {strides = array<i32>} : memref<400xf32, #tpu.memory_space<vmem>>, vector<16xf32>,
      %get3A_1303 = arith.constant 80 : index
      %get3A_1304 = tpu.vector_load %arg7[%get3A_1303] {strides = array<i32>} : memref<400xi32, #tpu.memory_space<vmem>>, vector<16xi32>,
      %sub3A_1305 = arith.constant 24960 : i32
      %sub3A_1306 = vector.broadcast %sub3A_1305 : i32 to vector<16xi32>
      %sub3A_1307 = arith.subi %get3A_1304, %sub3A_1306 : vector<16xi32>
      %ge3A_1308 = arith.constant 0 : i32
      %ge3A_1309 = vector.broadcast %ge3A_1308 : i32 to vector<16xi32>
      %ge3A_1310 = arith.cmpi sge, %sub3A_1307, %ge3A_1309 : vector<16xi32>
      %lt3A_1311 = arith.constant 25040 : i32
      %lt3A_1312 = vector.broadcast %lt3A_1311 : i32 to vector<16xi32>
      %lt3A_1313 = arith.cmpi slt, %sub3A_1307, %lt3A_1312 : vector<16xi32>
      %and3A_1314 = arith.andi %ge3A_1310, %lt3A_1313 : vector<16xi1>
      %jit3A_1315 = arith.constant 0 : i32
      %broadcast_in_dim3A_1316 = vector.broadcast %jit3A_1315 : i32 to vector<16xi32>
      %select_n3A_1317 = arith.select %and3A_1314, %sub3A_1307, %broadcast_in_dim3A_1316 : vector<16xi1>, vector<16xi32>
      %gather3A_1318 = tpu.vector_load_idx %arg12[%select_n3A_1317] masked %and3A_1314 : memref<25040xf32, #tpu.memory_space<vmem>>[vector<16xi32>], vector<16xf32>, vector<16xi1>
      %swap3A_1319 = arith.constant 80 : index
      %swap3A_1320 = tpu.vector_load %arg10[%swap3A_1319] {strides = array<i32>} : memref<400xf32, #tpu.memory_space<vmem>>, vector<16xf32>,
      tpu.vector_store %arg10[%swap3A_1319], %gather3A_1318 {strides = array<i32>} : memref<400xf32, #tpu.memory_space<vmem>>, vector<16xf32>,
      %get3A_1321 = arith.constant 96 : index
      %get3A_1322 = tpu.vector_load %arg7[%get3A_1321] {strides = array<i32>} : memref<400xi32, #tpu.memory_space<vmem>>, vector<16xi32>,
      %sub3A_1323 = arith.constant 24960 : i32
      %sub3A_1324 = vector.broadcast %sub3A_1323 : i32 to vector<16xi32>
      %sub3A_1325 = arith.subi %get3A_1322, %sub3A_1324 : vector<16xi32>
      %ge3A_1326 = arith.constant 0 : i32
      %ge3A_1327 = vector.broadcast %ge3A_1326 : i32 to vector<16xi32>
      %ge3A_1328 = arith.cmpi sge, %sub3A_1325, %ge3A_1327 : vector<16xi32>
      %lt3A_1329 = arith.constant 25040 : i32
      %lt3A_1330 = vector.broadcast %lt3A_1329 : i32 to vector<16xi32>
      %lt3A_1331 = arith.cmpi slt, %sub3A_1325, %lt3A_1330 : vector<16xi32>
      %and3A_1332 = arith.andi %ge3A_1328, %lt3A_1331 : vector<16xi1>
      %jit3A_1333 = arith.constant 0 : i32
      %broadcast_in_dim3A_1334 = vector.broadcast %jit3A_1333 : i32 to vector<16xi32>
      %select_n3A_1335 = arith.select %and3A_1332, %sub3A_1325, %broadcast_in_dim3A_1334 : vector<16xi1>, vector<16xi32>
      %gather3A_1336 = tpu.vector_load_idx %arg12[%select_n3A_1335] masked %and3A_1332 : memref<25040xf32, #tpu.memory_space<vmem>>[vector<16xi32>], vector<16xf32>, vector<16xi1>
      %swap3A_1337 = arith.constant 96 : index
      %swap3A_1338 = tpu.vector_load %arg10[%swap3A_1337] {strides = array<i32>} : memref<400xf32, #tpu.memory_space<vmem>>, vector<16xf32>,
      tpu.vector_store %arg10[%swap3A_1337], %gather3A_1336 {strides = array<i32>} : memref<400xf32, #tpu.memory_space<vmem>>, vector<16xf32>,
      %get3A_1339 = arith.constant 112 : index
      %get3A_1340 = tpu.vector_load %arg7[%get3A_1339] {strides = array<i32>} : memref<400xi32, #tpu.memory_space<vmem>>, vector<16xi32>,
      %sub3A_1341 = arith.constant 24960 : i32
      %sub3A_1342 = vector.broadcast %sub3A_1341 : i32 to vector<16xi32>
      %sub3A_1343 = arith.subi %get3A_1340, %sub3A_1342 : vector<16xi32>
      %ge3A_1344 = arith.constant 0 : i32
      %ge3A_1345 = vector.broadcast %ge3A_1344 : i32 to vector<16xi32>
      %ge3A_1346 = arith.cmpi sge, %sub3A_1343, %ge3A_1345 : vector<16xi32>
      %lt3A_1347 = arith.constant 25040 : i32
      %lt3A_1348 = vector.broadcast %lt3A_1347 : i32 to vector<16xi32>
      %lt3A_1349 = arith.cmpi slt, %sub3A_1343, %lt3A_1348 : vector<16xi32>
      %and3A_1350 = arith.andi %ge3A_1346, %lt3A_1349 : vector<16xi1>
      %jit3A_1351 = arith.constant 0 : i32
      %broadcast_in_dim3A_1352 = vector.broadcast %jit3A_1351 : i32 to vector<16xi32>
      %select_n3A_1353 = arith.select %and3A_1350, %sub3A_1343, %broadcast_in_dim3A_1352 : vector<16xi1>, vector<16xi32>
      %gather3A_1354 = tpu.vector_load_idx %arg12[%select_n3A_1353] masked %and3A_1350 : memref<25040xf32, #tpu.memory_space<vmem>>[vector<16xi32>], vector<16xf32>, vector<16xi1>
      %swap3A_1355 = arith.constant 112 : index
      %swap3A_1356 = tpu.vector_load %arg10[%swap3A_1355] {strides = array<i32>} : memref<400xf32, #tpu.memory_space<vmem>>, vector<16xf32>,
      tpu.vector_store %arg10[%swap3A_1355], %gather3A_1354 {strides = array<i32>} : memref<400xf32, #tpu.memory_space<vmem>>, vector<16xf32>,
      %get3A_1357 = arith.constant 128 : index
      %get3A_1358 = tpu.vector_load %arg7[%get3A_1357] {strides = array<i32>} : memref<400xi32, #tpu.memory_space<vmem>>, vector<16xi32>,
      %sub3A_1359 = arith.constant 24960 : i32
      %sub3A_1360 = vector.broadcast %sub3A_1359 : i32 to vector<16xi32>
      %sub3A_1361 = arith.subi %get3A_1358, %sub3A_1360 : vector<16xi32>
      %ge3A_1362 = arith.constant 0 : i32
      %ge3A_1363 = vector.broadcast %ge3A_1362 : i32 to vector<16xi32>
      %ge3A_1364 = arith.cmpi sge, %sub3A_1361, %ge3A_1363 : vector<16xi32>
      %lt3A_1365 = arith.constant 25040 : i32
      %lt3A_1366 = vector.broadcast %lt3A_1365 : i32 to vector<16xi32>
      %lt3A_1367 = arith.cmpi slt, %sub3A_1361, %lt3A_1366 : vector<16xi32>
      %and3A_1368 = arith.andi %ge3A_1364, %lt3A_1367 : vector<16xi1>
      %jit3A_1369 = arith.constant 0 : i32
      %broadcast_in_dim3A_1370 = vector.broadcast %jit3A_1369 : i32 to vector<16xi32>
      %select_n3A_1371 = arith.select %and3A_1368, %sub3A_1361, %broadcast_in_dim3A_1370 : vector<16xi1>, vector<16xi32>
      %gather3A_1372 = tpu.vector_load_idx %arg12[%select_n3A_1371] masked %and3A_1368 : memref<25040xf32, #tpu.memory_space<vmem>>[vector<16xi32>], vector<16xf32>, vector<16xi1>
      %swap3A_1373 = arith.constant 128 : index
      %swap3A_1374 = tpu.vector_load %arg10[%swap3A_1373] {strides = array<i32>} : memref<400xf32, #tpu.memory_space<vmem>>, vector<16xf32>,
      tpu.vector_store %arg10[%swap3A_1373], %gather3A_1372 {strides = array<i32>} : memref<400xf32, #tpu.memory_space<vmem>>, vector<16xf32>,
      %get3A_1375 = arith.constant 144 : index
      %get3A_1376 = tpu.vector_load %arg7[%get3A_1375] {strides = array<i32>} : memref<400xi32, #tpu.memory_space<vmem>>, vector<16xi32>,
      %sub3A_1377 = arith.constant 24960 : i32
      %sub3A_1378 = vector.broadcast %sub3A_1377 : i32 to vector<16xi32>
      %sub3A_1379 = arith.subi %get3A_1376, %sub3A_1378 : vector<16xi32>
      %ge3A_1380 = arith.constant 0 : i32
      %ge3A_1381 = vector.broadcast %ge3A_1380 : i32 to vector<16xi32>
      %ge3A_1382 = arith.cmpi sge, %sub3A_1379, %ge3A_1381 : vector<16xi32>
      %lt3A_1383 = arith.constant 25040 : i32
      %lt3A_1384 = vector.broadcast %lt3A_1383 : i32 to vector<16xi32>
      %lt3A_1385 = arith.cmpi slt, %sub3A_1379, %lt3A_1384 : vector<16xi32>
      %and3A_1386 = arith.andi %ge3A_1382, %lt3A_1385 : vector<16xi1>
      %jit3A_1387 = arith.constant 0 : i32
      %broadcast_in_dim3A_1388 = vector.broadcast %jit3A_1387 : i32 to vector<16xi32>
      %select_n3A_1389 = arith.select %and3A_1386, %sub3A_1379, %broadcast_in_dim3A_1388 : vector<16xi1>, vector<16xi32>
      %gather3A_1390 = tpu.vector_load_idx %arg12[%select_n3A_1389] masked %and3A_1386 : memref<25040xf32, #tpu.memory_space<vmem>>[vector<16xi32>], vector<16xf32>, vector<16xi1>
      %swap3A_1391 = arith.constant 144 : index
      %swap3A_1392 = tpu.vector_load %arg10[%swap3A_1391] {strides = array<i32>} : memref<400xf32, #tpu.memory_space<vmem>>, vector<16xf32>,
      tpu.vector_store %arg10[%swap3A_1391], %gather3A_1390 {strides = array<i32>} : memref<400xf32, #tpu.memory_space<vmem>>, vector<16xf32>,
      %get3A_1393 = arith.constant 160 : index
      %get3A_1394 = tpu.vector_load %arg7[%get3A_1393] {strides = array<i32>} : memref<400xi32, #tpu.memory_space<vmem>>, vector<16xi32>,
      %sub3A_1395 = arith.constant 24960 : i32
      %sub3A_1396 = vector.broadcast %sub3A_1395 : i32 to vector<16xi32>
      %sub3A_1397 = arith.subi %get3A_1394, %sub3A_1396 : vector<16xi32>
      %ge3A_1398 = arith.constant 0 : i32
      %ge3A_1399 = vector.broadcast %ge3A_1398 : i32 to vector<16xi32>
      %ge3A_1400 = arith.cmpi sge, %sub3A_1397, %ge3A_1399 : vector<16xi32>
      %lt3A_1401 = arith.constant 25040 : i32
      %lt3A_1402 = vector.broadcast %lt3A_1401 : i32 to vector<16xi32>
      %lt3A_1403 = arith.cmpi slt, %sub3A_1397, %lt3A_1402 : vector<16xi32>
      %and3A_1404 = arith.andi %ge3A_1400, %lt3A_1403 : vector<16xi1>
      %jit3A_1405 = arith.constant 0 : i32
      %broadcast_in_dim3A_1406 = vector.broadcast %jit3A_1405 : i32 to vector<16xi32>
      %select_n3A_1407 = arith.select %and3A_1404, %sub3A_1397, %broadcast_in_dim3A_1406 : vector<16xi1>, vector<16xi32>
      %gather3A_1408 = tpu.vector_load_idx %arg12[%select_n3A_1407] masked %and3A_1404 : memref<25040xf32, #tpu.memory_space<vmem>>[vector<16xi32>], vector<16xf32>, vector<16xi1>
      %swap3A_1409 = arith.constant 160 : index
      %swap3A_1410 = tpu.vector_load %arg10[%swap3A_1409] {strides = array<i32>} : memref<400xf32, #tpu.memory_space<vmem>>, vector<16xf32>,
      tpu.vector_store %arg10[%swap3A_1409], %gather3A_1408 {strides = array<i32>} : memref<400xf32, #tpu.memory_space<vmem>>, vector<16xf32>,
      %get3A_1411 = arith.constant 176 : index
      %get3A_1412 = tpu.vector_load %arg7[%get3A_1411] {strides = array<i32>} : memref<400xi32, #tpu.memory_space<vmem>>, vector<16xi32>,
      %sub3A_1413 = arith.constant 24960 : i32
      %sub3A_1414 = vector.broadcast %sub3A_1413 : i32 to vector<16xi32>
      %sub3A_1415 = arith.subi %get3A_1412, %sub3A_1414 : vector<16xi32>
      %ge3A_1416 = arith.constant 0 : i32
      %ge3A_1417 = vector.broadcast %ge3A_1416 : i32 to vector<16xi32>
      %ge3A_1418 = arith.cmpi sge, %sub3A_1415, %ge3A_1417 : vector<16xi32>
      %lt3A_1419 = arith.constant 25040 : i32
      %lt3A_1420 = vector.broadcast %lt3A_1419 : i32 to vector<16xi32>
      %lt3A_1421 = arith.cmpi slt, %sub3A_1415, %lt3A_1420 : vector<16xi32>
      %and3A_1422 = arith.andi %ge3A_1418, %lt3A_1421 : vector<16xi1>
      %jit3A_1423 = arith.constant 0 : i32
      %broadcast_in_dim3A_1424 = vector.broadcast %jit3A_1423 : i32 to vector<16xi32>
      %select_n3A_1425 = arith.select %and3A_1422, %sub3A_1415, %broadcast_in_dim3A_1424 : vector<16xi1>, vector<16xi32>
      %gather3A_1426 = tpu.vector_load_idx %arg12[%select_n3A_1425] masked %and3A_1422 : memref<25040xf32, #tpu.memory_space<vmem>>[vector<16xi32>], vector<16xf32>, vector<16xi1>
      %swap3A_1427 = arith.constant 176 : index
      %swap3A_1428 = tpu.vector_load %arg10[%swap3A_1427] {strides = array<i32>} : memref<400xf32, #tpu.memory_space<vmem>>, vector<16xf32>,
      tpu.vector_store %arg10[%swap3A_1427], %gather3A_1426 {strides = array<i32>} : memref<400xf32, #tpu.memory_space<vmem>>, vector<16xf32>,
      %get3A_1429 = arith.constant 192 : index
      %get3A_1430 = tpu.vector_load %arg7[%get3A_1429] {strides = array<i32>} : memref<400xi32, #tpu.memory_space<vmem>>, vector<16xi32>,
      %sub3A_1431 = arith.constant 24960 : i32
      %sub3A_1432 = vector.broadcast %sub3A_1431 : i32 to vector<16xi32>
      %sub3A_1433 = arith.subi %get3A_1430, %sub3A_1432 : vector<16xi32>
      %ge3A_1434 = arith.constant 0 : i32
      %ge3A_1435 = vector.broadcast %ge3A_1434 : i32 to vector<16xi32>
      %ge3A_1436 = arith.cmpi sge, %sub3A_1433, %ge3A_1435 : vector<16xi32>
      %lt3A_1437 = arith.constant 25040 : i32
      %lt3A_1438 = vector.broadcast %lt3A_1437 : i32 to vector<16xi32>
      %lt3A_1439 = arith.cmpi slt, %sub3A_1433, %lt3A_1438 : vector<16xi32>
      %and3A_1440 = arith.andi %ge3A_1436, %lt3A_1439 : vector<16xi1>
      %jit3A_1441 = arith.constant 0 : i32
      %broadcast_in_dim3A_1442 = vector.broadcast %jit3A_1441 : i32 to vector<16xi32>
      %select_n3A_1443 = arith.select %and3A_1440, %sub3A_1433, %broadcast_in_dim3A_1442 : vector<16xi1>, vector<16xi32>
      %gather3A_1444 = tpu.vector_load_idx %arg12[%select_n3A_1443] masked %and3A_1440 : memref<25040xf32, #tpu.memory_space<vmem>>[vector<16xi32>], vector<16xf32>, vector<16xi1>
      %swap3A_1445 = arith.constant 192 : index
      %swap3A_1446 = tpu.vector_load %arg10[%swap3A_1445] {strides = array<i32>} : memref<400xf32, #tpu.memory_space<vmem>>, vector<16xf32>,
      tpu.vector_store %arg10[%swap3A_1445], %gather3A_1444 {strides = array<i32>} : memref<400xf32, #tpu.memory_space<vmem>>, vector<16xf32>,
      %get3A_1447 = arith.constant 208 : index
      %get3A_1448 = tpu.vector_load %arg7[%get3A_1447] {strides = array<i32>} : memref<400xi32, #tpu.memory_space<vmem>>, vector<16xi32>,
      %sub3A_1449 = arith.constant 24960 : i32
      %sub3A_1450 = vector.broadcast %sub3A_1449 : i32 to vector<16xi32>
      %sub3A_1451 = arith.subi %get3A_1448, %sub3A_1450 : vector<16xi32>
      %ge3A_1452 = arith.constant 0 : i32
      %ge3A_1453 = vector.broadcast %ge3A_1452 : i32 to vector<16xi32>
      %ge3A_1454 = arith.cmpi sge, %sub3A_1451, %ge3A_1453 : vector<16xi32>
      %lt3A_1455 = arith.constant 25040 : i32
      %lt3A_1456 = vector.broadcast %lt3A_1455 : i32 to vector<16xi32>
      %lt3A_1457 = arith.cmpi slt, %sub3A_1451, %lt3A_1456 : vector<16xi32>
      %and3A_1458 = arith.andi %ge3A_1454, %lt3A_1457 : vector<16xi1>
      %jit3A_1459 = arith.constant 0 : i32
      %broadcast_in_dim3A_1460 = vector.broadcast %jit3A_1459 : i32 to vector<16xi32>
      %select_n3A_1461 = arith.select %and3A_1458, %sub3A_1451, %broadcast_in_dim3A_1460 : vector<16xi1>, vector<16xi32>
      %gather3A_1462 = tpu.vector_load_idx %arg12[%select_n3A_1461] masked %and3A_1458 : memref<25040xf32, #tpu.memory_space<vmem>>[vector<16xi32>], vector<16xf32>, vector<16xi1>
      %swap3A_1463 = arith.constant 208 : index
      %swap3A_1464 = tpu.vector_load %arg10[%swap3A_1463] {strides = array<i32>} : memref<400xf32, #tpu.memory_space<vmem>>, vector<16xf32>,
      tpu.vector_store %arg10[%swap3A_1463], %gather3A_1462 {strides = array<i32>} : memref<400xf32, #tpu.memory_space<vmem>>, vector<16xf32>,
      %get3A_1465 = arith.constant 224 : index
      %get3A_1466 = tpu.vector_load %arg7[%get3A_1465] {strides = array<i32>} : memref<400xi32, #tpu.memory_space<vmem>>, vector<16xi32>,
      %sub3A_1467 = arith.constant 24960 : i32
      %sub3A_1468 = vector.broadcast %sub3A_1467 : i32 to vector<16xi32>
      %sub3A_1469 = arith.subi %get3A_1466, %sub3A_1468 : vector<16xi32>
      %ge3A_1470 = arith.constant 0 : i32
      %ge3A_1471 = vector.broadcast %ge3A_1470 : i32 to vector<16xi32>
      %ge3A_1472 = arith.cmpi sge, %sub3A_1469, %ge3A_1471 : vector<16xi32>
      %lt3A_1473 = arith.constant 25040 : i32
      %lt3A_1474 = vector.broadcast %lt3A_1473 : i32 to vector<16xi32>
      %lt3A_1475 = arith.cmpi slt, %sub3A_1469, %lt3A_1474 : vector<16xi32>
      %and3A_1476 = arith.andi %ge3A_1472, %lt3A_1475 : vector<16xi1>
      %jit3A_1477 = arith.constant 0 : i32
      %broadcast_in_dim3A_1478 = vector.broadcast %jit3A_1477 : i32 to vector<16xi32>
      %select_n3A_1479 = arith.select %and3A_1476, %sub3A_1469, %broadcast_in_dim3A_1478 : vector<16xi1>, vector<16xi32>
      %gather3A_1480 = tpu.vector_load_idx %arg12[%select_n3A_1479] masked %and3A_1476 : memref<25040xf32, #tpu.memory_space<vmem>>[vector<16xi32>], vector<16xf32>, vector<16xi1>
      %swap3A_1481 = arith.constant 224 : index
      %swap3A_1482 = tpu.vector_load %arg10[%swap3A_1481] {strides = array<i32>} : memref<400xf32, #tpu.memory_space<vmem>>, vector<16xf32>,
      tpu.vector_store %arg10[%swap3A_1481], %gather3A_1480 {strides = array<i32>} : memref<400xf32, #tpu.memory_space<vmem>>, vector<16xf32>,
      %get3A_1483 = arith.constant 240 : index
      %get3A_1484 = tpu.vector_load %arg7[%get3A_1483] {strides = array<i32>} : memref<400xi32, #tpu.memory_space<vmem>>, vector<16xi32>,
      %sub3A_1485 = arith.constant 24960 : i32
      %sub3A_1486 = vector.broadcast %sub3A_1485 : i32 to vector<16xi32>
      %sub3A_1487 = arith.subi %get3A_1484, %sub3A_1486 : vector<16xi32>
      %ge3A_1488 = arith.constant 0 : i32
      %ge3A_1489 = vector.broadcast %ge3A_1488 : i32 to vector<16xi32>
      %ge3A_1490 = arith.cmpi sge, %sub3A_1487, %ge3A_1489 : vector<16xi32>
      %lt3A_1491 = arith.constant 25040 : i32
      %lt3A_1492 = vector.broadcast %lt3A_1491 : i32 to vector<16xi32>
      %lt3A_1493 = arith.cmpi slt, %sub3A_1487, %lt3A_1492 : vector<16xi32>
      %and3A_1494 = arith.andi %ge3A_1490, %lt3A_1493 : vector<16xi1>
      %jit3A_1495 = arith.constant 0 : i32
      %broadcast_in_dim3A_1496 = vector.broadcast %jit3A_1495 : i32 to vector<16xi32>
      %select_n3A_1497 = arith.select %and3A_1494, %sub3A_1487, %broadcast_in_dim3A_1496 : vector<16xi1>, vector<16xi32>
      %gather3A_1498 = tpu.vector_load_idx %arg12[%select_n3A_1497] masked %and3A_1494 : memref<25040xf32, #tpu.memory_space<vmem>>[vector<16xi32>], vector<16xf32>, vector<16xi1>
      %swap3A_1499 = arith.constant 240 : index
      %swap3A_1500 = tpu.vector_load %arg10[%swap3A_1499] {strides = array<i32>} : memref<400xf32, #tpu.memory_space<vmem>>, vector<16xf32>,
      tpu.vector_store %arg10[%swap3A_1499], %gather3A_1498 {strides = array<i32>} : memref<400xf32, #tpu.memory_space<vmem>>, vector<16xf32>,
      %get3A_1501 = arith.constant 256 : index
      %get3A_1502 = tpu.vector_load %arg7[%get3A_1501] {strides = array<i32>} : memref<400xi32, #tpu.memory_space<vmem>>, vector<16xi32>,
      %sub3A_1503 = arith.constant 24960 : i32
      %sub3A_1504 = vector.broadcast %sub3A_1503 : i32 to vector<16xi32>
      %sub3A_1505 = arith.subi %get3A_1502, %sub3A_1504 : vector<16xi32>
      %ge3A_1506 = arith.constant 0 : i32
      %ge3A_1507 = vector.broadcast %ge3A_1506 : i32 to vector<16xi32>
      %ge3A_1508 = arith.cmpi sge, %sub3A_1505, %ge3A_1507 : vector<16xi32>
      %lt3A_1509 = arith.constant 25040 : i32
      %lt3A_1510 = vector.broadcast %lt3A_1509 : i32 to vector<16xi32>
      %lt3A_1511 = arith.cmpi slt, %sub3A_1505, %lt3A_1510 : vector<16xi32>
      %and3A_1512 = arith.andi %ge3A_1508, %lt3A_1511 : vector<16xi1>
      %jit3A_1513 = arith.constant 0 : i32
      %broadcast_in_dim3A_1514 = vector.broadcast %jit3A_1513 : i32 to vector<16xi32>
      %select_n3A_1515 = arith.select %and3A_1512, %sub3A_1505, %broadcast_in_dim3A_1514 : vector<16xi1>, vector<16xi32>
      %gather3A_1516 = tpu.vector_load_idx %arg12[%select_n3A_1515] masked %and3A_1512 : memref<25040xf32, #tpu.memory_space<vmem>>[vector<16xi32>], vector<16xf32>, vector<16xi1>
      %swap3A_1517 = arith.constant 256 : index
      %swap3A_1518 = tpu.vector_load %arg10[%swap3A_1517] {strides = array<i32>} : memref<400xf32, #tpu.memory_space<vmem>>, vector<16xf32>,
      tpu.vector_store %arg10[%swap3A_1517], %gather3A_1516 {strides = array<i32>} : memref<400xf32, #tpu.memory_space<vmem>>, vector<16xf32>,
      %get3A_1519 = arith.constant 272 : index
      %get3A_1520 = tpu.vector_load %arg7[%get3A_1519] {strides = array<i32>} : memref<400xi32, #tpu.memory_space<vmem>>, vector<16xi32>,
      %sub3A_1521 = arith.constant 24960 : i32
      %sub3A_1522 = vector.broadcast %sub3A_1521 : i32 to vector<16xi32>
      %sub3A_1523 = arith.subi %get3A_1520, %sub3A_1522 : vector<16xi32>
      %ge3A_1524 = arith.constant 0 : i32
      %ge3A_1525 = vector.broadcast %ge3A_1524 : i32 to vector<16xi32>
      %ge3A_1526 = arith.cmpi sge, %sub3A_1523, %ge3A_1525 : vector<16xi32>
      %lt3A_1527 = arith.constant 25040 : i32
      %lt3A_1528 = vector.broadcast %lt3A_1527 : i32 to vector<16xi32>
      %lt3A_1529 = arith.cmpi slt, %sub3A_1523, %lt3A_1528 : vector<16xi32>
      %and3A_1530 = arith.andi %ge3A_1526, %lt3A_1529 : vector<16xi1>
      %jit3A_1531 = arith.constant 0 : i32
      %broadcast_in_dim3A_1532 = vector.broadcast %jit3A_1531 : i32 to vector<16xi32>
      %select_n3A_1533 = arith.select %and3A_1530, %sub3A_1523, %broadcast_in_dim3A_1532 : vector<16xi1>, vector<16xi32>
      %gather3A_1534 = tpu.vector_load_idx %arg12[%select_n3A_1533] masked %and3A_1530 : memref<25040xf32, #tpu.memory_space<vmem>>[vector<16xi32>], vector<16xf32>, vector<16xi1>
      %swap3A_1535 = arith.constant 272 : index
      %swap3A_1536 = tpu.vector_load %arg10[%swap3A_1535] {strides = array<i32>} : memref<400xf32, #tpu.memory_space<vmem>>, vector<16xf32>,
      tpu.vector_store %arg10[%swap3A_1535], %gather3A_1534 {strides = array<i32>} : memref<400xf32, #tpu.memory_space<vmem>>, vector<16xf32>,
      %get3A_1537 = arith.constant 288 : index
      %get3A_1538 = tpu.vector_load %arg7[%get3A_1537] {strides = array<i32>} : memref<400xi32, #tpu.memory_space<vmem>>, vector<16xi32>,
      %sub3A_1539 = arith.constant 24960 : i32
      %sub3A_1540 = vector.broadcast %sub3A_1539 : i32 to vector<16xi32>
      %sub3A_1541 = arith.subi %get3A_1538, %sub3A_1540 : vector<16xi32>
      %ge3A_1542 = arith.constant 0 : i32
      %ge3A_1543 = vector.broadcast %ge3A_1542 : i32 to vector<16xi32>
      %ge3A_1544 = arith.cmpi sge, %sub3A_1541, %ge3A_1543 : vector<16xi32>
      %lt3A_1545 = arith.constant 25040 : i32
      %lt3A_1546 = vector.broadcast %lt3A_1545 : i32 to vector<16xi32>
      %lt3A_1547 = arith.cmpi slt, %sub3A_1541, %lt3A_1546 : vector<16xi32>
      %and3A_1548 = arith.andi %ge3A_1544, %lt3A_1547 : vector<16xi1>
      %jit3A_1549 = arith.constant 0 : i32
      %broadcast_in_dim3A_1550 = vector.broadcast %jit3A_1549 : i32 to vector<16xi32>
      %select_n3A_1551 = arith.select %and3A_1548, %sub3A_1541, %broadcast_in_dim3A_1550 : vector<16xi1>, vector<16xi32>
      %gather3A_1552 = tpu.vector_load_idx %arg12[%select_n3A_1551] masked %and3A_1548 : memref<25040xf32, #tpu.memory_space<vmem>>[vector<16xi32>], vector<16xf32>, vector<16xi1>
      %swap3A_1553 = arith.constant 288 : index
      %swap3A_1554 = tpu.vector_load %arg10[%swap3A_1553] {strides = array<i32>} : memref<400xf32, #tpu.memory_space<vmem>>, vector<16xf32>,
      tpu.vector_store %arg10[%swap3A_1553], %gather3A_1552 {strides = array<i32>} : memref<400xf32, #tpu.memory_space<vmem>>, vector<16xf32>,
      %get3A_1555 = arith.constant 304 : index
      %get3A_1556 = tpu.vector_load %arg7[%get3A_1555] {strides = array<i32>} : memref<400xi32, #tpu.memory_space<vmem>>, vector<16xi32>,
      %sub3A_1557 = arith.constant 24960 : i32
      %sub3A_1558 = vector.broadcast %sub3A_1557 : i32 to vector<16xi32>
      %sub3A_1559 = arith.subi %get3A_1556, %sub3A_1558 : vector<16xi32>
      %ge3A_1560 = arith.constant 0 : i32
      %ge3A_1561 = vector.broadcast %ge3A_1560 : i32 to vector<16xi32>
      %ge3A_1562 = arith.cmpi sge, %sub3A_1559, %ge3A_1561 : vector<16xi32>
      %lt3A_1563 = arith.constant 25040 : i32
      %lt3A_1564 = vector.broadcast %lt3A_1563 : i32 to vector<16xi32>
      %lt3A_1565 = arith.cmpi slt, %sub3A_1559, %lt3A_1564 : vector<16xi32>
      %and3A_1566 = arith.andi %ge3A_1562, %lt3A_1565 : vector<16xi1>
      %jit3A_1567 = arith.constant 0 : i32
      %broadcast_in_dim3A_1568 = vector.broadcast %jit3A_1567 : i32 to vector<16xi32>
      %select_n3A_1569 = arith.select %and3A_1566, %sub3A_1559, %broadcast_in_dim3A_1568 : vector<16xi1>, vector<16xi32>
      %gather3A_1570 = tpu.vector_load_idx %arg12[%select_n3A_1569] masked %and3A_1566 : memref<25040xf32, #tpu.memory_space<vmem>>[vector<16xi32>], vector<16xf32>, vector<16xi1>
      %swap3A_1571 = arith.constant 304 : index
      %swap3A_1572 = tpu.vector_load %arg10[%swap3A_1571] {strides = array<i32>} : memref<400xf32, #tpu.memory_space<vmem>>, vector<16xf32>,
      tpu.vector_store %arg10[%swap3A_1571], %gather3A_1570 {strides = array<i32>} : memref<400xf32, #tpu.memory_space<vmem>>, vector<16xf32>,
      %get3A_1573 = arith.constant 320 : index
      %get3A_1574 = tpu.vector_load %arg7[%get3A_1573] {strides = array<i32>} : memref<400xi32, #tpu.memory_space<vmem>>, vector<16xi32>,
      %sub3A_1575 = arith.constant 24960 : i32
      %sub3A_1576 = vector.broadcast %sub3A_1575 : i32 to vector<16xi32>
      %sub3A_1577 = arith.subi %get3A_1574, %sub3A_1576 : vector<16xi32>
      %ge3A_1578 = arith.constant 0 : i32
      %ge3A_1579 = vector.broadcast %ge3A_1578 : i32 to vector<16xi32>
      %ge3A_1580 = arith.cmpi sge, %sub3A_1577, %ge3A_1579 : vector<16xi32>
      %lt3A_1581 = arith.constant 25040 : i32
      %lt3A_1582 = vector.broadcast %lt3A_1581 : i32 to vector<16xi32>
      %lt3A_1583 = arith.cmpi slt, %sub3A_1577, %lt3A_1582 : vector<16xi32>
      %and3A_1584 = arith.andi %ge3A_1580, %lt3A_1583 : vector<16xi1>
      %jit3A_1585 = arith.constant 0 : i32
      %broadcast_in_dim3A_1586 = vector.broadcast %jit3A_1585 : i32 to vector<16xi32>
      %select_n3A_1587 = arith.select %and3A_1584, %sub3A_1577, %broadcast_in_dim3A_1586 : vector<16xi1>, vector<16xi32>
      %gather3A_1588 = tpu.vector_load_idx %arg12[%select_n3A_1587] masked %and3A_1584 : memref<25040xf32, #tpu.memory_space<vmem>>[vector<16xi32>], vector<16xf32>, vector<16xi1>
      %swap3A_1589 = arith.constant 320 : index
      %swap3A_1590 = tpu.vector_load %arg10[%swap3A_1589] {strides = array<i32>} : memref<400xf32, #tpu.memory_space<vmem>>, vector<16xf32>,
      tpu.vector_store %arg10[%swap3A_1589], %gather3A_1588 {strides = array<i32>} : memref<400xf32, #tpu.memory_space<vmem>>, vector<16xf32>,
      %get3A_1591 = arith.constant 336 : index
      %get3A_1592 = tpu.vector_load %arg7[%get3A_1591] {strides = array<i32>} : memref<400xi32, #tpu.memory_space<vmem>>, vector<16xi32>,
      %sub3A_1593 = arith.constant 24960 : i32
      %sub3A_1594 = vector.broadcast %sub3A_1593 : i32 to vector<16xi32>
      %sub3A_1595 = arith.subi %get3A_1592, %sub3A_1594 : vector<16xi32>
      %ge3A_1596 = arith.constant 0 : i32
      %ge3A_1597 = vector.broadcast %ge3A_1596 : i32 to vector<16xi32>
      %ge3A_1598 = arith.cmpi sge, %sub3A_1595, %ge3A_1597 : vector<16xi32>
      %lt3A_1599 = arith.constant 25040 : i32
      %lt3A_1600 = vector.broadcast %lt3A_1599 : i32 to vector<16xi32>
      %lt3A_1601 = arith.cmpi slt, %sub3A_1595, %lt3A_1600 : vector<16xi32>
      %and3A_1602 = arith.andi %ge3A_1598, %lt3A_1601 : vector<16xi1>
      %jit3A_1603 = arith.constant 0 : i32
      %broadcast_in_dim3A_1604 = vector.broadcast %jit3A_1603 : i32 to vector<16xi32>
      %select_n3A_1605 = arith.select %and3A_1602, %sub3A_1595, %broadcast_in_dim3A_1604 : vector<16xi1>, vector<16xi32>
      %gather3A_1606 = tpu.vector_load_idx %arg12[%select_n3A_1605] masked %and3A_1602 : memref<25040xf32, #tpu.memory_space<vmem>>[vector<16xi32>], vector<16xf32>, vector<16xi1>
      %swap3A_1607 = arith.constant 336 : index
      %swap3A_1608 = tpu.vector_load %arg10[%swap3A_1607] {strides = array<i32>} : memref<400xf32, #tpu.memory_space<vmem>>, vector<16xf32>,
      tpu.vector_store %arg10[%swap3A_1607], %gather3A_1606 {strides = array<i32>} : memref<400xf32, #tpu.memory_space<vmem>>, vector<16xf32>,
      %get3A_1609 = arith.constant 352 : index
      %get3A_1610 = tpu.vector_load %arg7[%get3A_1609] {strides = array<i32>} : memref<400xi32, #tpu.memory_space<vmem>>, vector<16xi32>,
      %sub3A_1611 = arith.constant 24960 : i32
      %sub3A_1612 = vector.broadcast %sub3A_1611 : i32 to vector<16xi32>
      %sub3A_1613 = arith.subi %get3A_1610, %sub3A_1612 : vector<16xi32>
      %ge3A_1614 = arith.constant 0 : i32
      %ge3A_1615 = vector.broadcast %ge3A_1614 : i32 to vector<16xi32>
      %ge3A_1616 = arith.cmpi sge, %sub3A_1613, %ge3A_1615 : vector<16xi32>
      %lt3A_1617 = arith.constant 25040 : i32
      %lt3A_1618 = vector.broadcast %lt3A_1617 : i32 to vector<16xi32>
      %lt3A_1619 = arith.cmpi slt, %sub3A_1613, %lt3A_1618 : vector<16xi32>
      %and3A_1620 = arith.andi %ge3A_1616, %lt3A_1619 : vector<16xi1>
      %jit3A_1621 = arith.constant 0 : i32
      %broadcast_in_dim3A_1622 = vector.broadcast %jit3A_1621 : i32 to vector<16xi32>
      %select_n3A_1623 = arith.select %and3A_1620, %sub3A_1613, %broadcast_in_dim3A_1622 : vector<16xi1>, vector<16xi32>
      %gather3A_1624 = tpu.vector_load_idx %arg12[%select_n3A_1623] masked %and3A_1620 : memref<25040xf32, #tpu.memory_space<vmem>>[vector<16xi32>], vector<16xf32>, vector<16xi1>
      %swap3A_1625 = arith.constant 352 : index
      %swap3A_1626 = tpu.vector_load %arg10[%swap3A_1625] {strides = array<i32>} : memref<400xf32, #tpu.memory_space<vmem>>, vector<16xf32>,
      tpu.vector_store %arg10[%swap3A_1625], %gather3A_1624 {strides = array<i32>} : memref<400xf32, #tpu.memory_space<vmem>>, vector<16xf32>,
      %get3A_1627 = arith.constant 368 : index
      %get3A_1628 = tpu.vector_load %arg7[%get3A_1627] {strides = array<i32>} : memref<400xi32, #tpu.memory_space<vmem>>, vector<16xi32>,
      %sub3A_1629 = arith.constant 24960 : i32
      %sub3A_1630 = vector.broadcast %sub3A_1629 : i32 to vector<16xi32>
      %sub3A_1631 = arith.subi %get3A_1628, %sub3A_1630 : vector<16xi32>
      %ge3A_1632 = arith.constant 0 : i32
      %ge3A_1633 = vector.broadcast %ge3A_1632 : i32 to vector<16xi32>
      %ge3A_1634 = arith.cmpi sge, %sub3A_1631, %ge3A_1633 : vector<16xi32>
      %lt3A_1635 = arith.constant 25040 : i32
      %lt3A_1636 = vector.broadcast %lt3A_1635 : i32 to vector<16xi32>
      %lt3A_1637 = arith.cmpi slt, %sub3A_1631, %lt3A_1636 : vector<16xi32>
      %and3A_1638 = arith.andi %ge3A_1634, %lt3A_1637 : vector<16xi1>
      %jit3A_1639 = arith.constant 0 : i32
      %broadcast_in_dim3A_1640 = vector.broadcast %jit3A_1639 : i32 to vector<16xi32>
      %select_n3A_1641 = arith.select %and3A_1638, %sub3A_1631, %broadcast_in_dim3A_1640 : vector<16xi1>, vector<16xi32>
      %gather3A_1642 = tpu.vector_load_idx %arg12[%select_n3A_1641] masked %and3A_1638 : memref<25040xf32, #tpu.memory_space<vmem>>[vector<16xi32>], vector<16xf32>, vector<16xi1>
      %swap3A_1643 = arith.constant 368 : index
      %swap3A_1644 = tpu.vector_load %arg10[%swap3A_1643] {strides = array<i32>} : memref<400xf32, #tpu.memory_space<vmem>>, vector<16xf32>,
      tpu.vector_store %arg10[%swap3A_1643], %gather3A_1642 {strides = array<i32>} : memref<400xf32, #tpu.memory_space<vmem>>, vector<16xf32>,
      %get3A_1645 = arith.constant 384 : index
      %get3A_1646 = tpu.vector_load %arg7[%get3A_1645] {strides = array<i32>} : memref<400xi32, #tpu.memory_space<vmem>>, vector<16xi32>,
      %sub3A_1647 = arith.constant 24960 : i32
      %sub3A_1648 = vector.broadcast %sub3A_1647 : i32 to vector<16xi32>
      %sub3A_1649 = arith.subi %get3A_1646, %sub3A_1648 : vector<16xi32>
      %ge3A_1650 = arith.constant 0 : i32
      %ge3A_1651 = vector.broadcast %ge3A_1650 : i32 to vector<16xi32>
      %ge3A_1652 = arith.cmpi sge, %sub3A_1649, %ge3A_1651 : vector<16xi32>
      %lt3A_1653 = arith.constant 25040 : i32
      %lt3A_1654 = vector.broadcast %lt3A_1653 : i32 to vector<16xi32>
      %lt3A_1655 = arith.cmpi slt, %sub3A_1649, %lt3A_1654 : vector<16xi32>
      %and3A_1656 = arith.andi %ge3A_1652, %lt3A_1655 : vector<16xi1>
      %jit3A_1657 = arith.constant 0 : i32
      %broadcast_in_dim3A_1658 = vector.broadcast %jit3A_1657 : i32 to vector<16xi32>
      %select_n3A_1659 = arith.select %and3A_1656, %sub3A_1649, %broadcast_in_dim3A_1658 : vector<16xi1>, vector<16xi32>
      %gather3A_1660 = tpu.vector_load_idx %arg12[%select_n3A_1659] masked %and3A_1656 : memref<25040xf32, #tpu.memory_space<vmem>>[vector<16xi32>], vector<16xf32>, vector<16xi1>
      %swap3A_1661 = arith.constant 384 : index
      %swap3A_1662 = tpu.vector_load %arg10[%swap3A_1661] {strides = array<i32>} : memref<400xf32, #tpu.memory_space<vmem>>, vector<16xf32>,
      tpu.vector_store %arg10[%swap3A_1661], %gather3A_1660 {strides = array<i32>} : memref<400xf32, #tpu.memory_space<vmem>>, vector<16xf32>,
      %parallel_loop3A_1663 = arith.constant 0 : i32
      %parallel_loop3A_1664 = arith.constant 1565 : i32
      %parallel_loop3A_1665 = arith.constant 1 : i32
      scf.for %parallel_loop3A_4696 = %parallel_loop3A_1663 to %parallel_loop3A_1664 step %parallel_loop3A_1665  : i32 {
        %parallel_loop3A_4697 = arith.constant 16 : i32
        %parallel_loop3A_4698 = arith.muli %parallel_loop3A_4696, %parallel_loop3A_4697 : i32
        %parallel_loop3A_4699 = arith.index_cast %parallel_loop3A_4698 : i32 to index
        %parallel_loop3A_4700 = tpu.vector_load %arg12[%parallel_loop3A_4699] {strides = array<i32>} : memref<25040xf32, #tpu.memory_space<vmem>>, vector<16xf32>,
        %parallel_loop3A_4701 = arith.mulf %parallel_loop3A_4700, %gather3A_1209 : vector<16xf32>
        %parallel_loop3A_4702 = arith.index_cast %parallel_loop3A_4698 : i32 to index
        %parallel_loop3A_4703 = tpu.vector_load %arg12[%parallel_loop3A_4702] {strides = array<i32>} : memref<25040xf32, #tpu.memory_space<vmem>>, vector<16xf32>,
        tpu.vector_store %arg12[%parallel_loop3A_4702], %parallel_loop3A_4701 {strides = array<i32>} : memref<25040xf32, #tpu.memory_space<vmem>>, vector<16xf32>,
      } {sc.loop_unroll_factor = 8 : i64, sc.parallel_access}
      %get3A_1666 = arith.constant 0 : index
      %get3A_1667 = tpu.vector_load %arg7[%get3A_1666] {strides = array<i32>} : memref<400xi32, #tpu.memory_space<vmem>>, vector<16xi32>,
      %sub3A_1668 = arith.constant 24960 : i32
      %sub3A_1669 = vector.broadcast %sub3A_1668 : i32 to vector<16xi32>
      %sub3A_1670 = arith.subi %get3A_1667, %sub3A_1669 : vector<16xi32>
      %ge3A_1671 = arith.constant 0 : i32
      %ge3A_1672 = vector.broadcast %ge3A_1671 : i32 to vector<16xi32>
      %ge3A_1673 = arith.cmpi sge, %sub3A_1670, %ge3A_1672 : vector<16xi32>
      %lt3A_1674 = arith.constant 25040 : i32
      %lt3A_1675 = vector.broadcast %lt3A_1674 : i32 to vector<16xi32>
      %lt3A_1676 = arith.cmpi slt, %sub3A_1670, %lt3A_1675 : vector<16xi32>
      %and3A_1677 = arith.andi %ge3A_1673, %lt3A_1676 : vector<16xi1>
      %jit3A_1678 = arith.constant 0 : i32
      %broadcast_in_dim3A_1679 = vector.broadcast %jit3A_1678 : i32 to vector<16xi32>
      %select_n3A_1680 = arith.select %and3A_1677, %sub3A_1670, %broadcast_in_dim3A_1679 : vector<16xi1>, vector<16xi32>
      %mul3A_1681 = arith.constant 400 : i32
      %mul3A_1682 = arith.muli %add3A_1187, %mul3A_1681 : i32
      %add3A_1683 = arith.constant 0 : i32
      %add3A_1684 = arith.addi %mul3A_1682, %add3A_1683 : i32
      %get3A_1685 = arith.index_cast %add3A_1684 : i32 to index
      %get3A_1686 = tpu.vector_load %arg8[%get3A_1685] {strides = array<i32>} : memref<12800xf32, #tpu.memory_space<vmem>>, vector<16xf32>,
      %mul3A_1687 = arith.mulf %sub3A_1212, %get3A_1686 : vector<16xf32>
      %get3A_1688 = arith.constant 0 : index
      %get3A_1689 = tpu.vector_load %arg10[%get3A_1688] {strides = array<i32>} : memref<400xf32, #tpu.memory_space<vmem>>, vector<16xf32>,
      %mul3A_1690 = arith.mulf %gather3A_1209, %get3A_1689 : vector<16xf32>
      %add3A_1691 = arith.addf %mul3A_1687, %mul3A_1690 : vector<16xf32>
      tpu.vector_store_idx %arg12[%select_n3A_1680], %add3A_1691 masked %and3A_1677 : memref<25040xf32, #tpu.memory_space<vmem>>[vector<16xi32>], vector<16xf32>, vector<16xi1>
      %get3A_1692 = arith.constant 16 : index
      %get3A_1693 = tpu.vector_load %arg7[%get3A_1692] {strides = array<i32>} : memref<400xi32, #tpu.memory_space<vmem>>, vector<16xi32>,
      %sub3A_1694 = arith.constant 24960 : i32
      %sub3A_1695 = vector.broadcast %sub3A_1694 : i32 to vector<16xi32>
      %sub3A_1696 = arith.subi %get3A_1693, %sub3A_1695 : vector<16xi32>
      %ge3A_1697 = arith.constant 0 : i32
      %ge3A_1698 = vector.broadcast %ge3A_1697 : i32 to vector<16xi32>
      %ge3A_1699 = arith.cmpi sge, %sub3A_1696, %ge3A_1698 : vector<16xi32>
      %lt3A_1700 = arith.constant 25040 : i32
      %lt3A_1701 = vector.broadcast %lt3A_1700 : i32 to vector<16xi32>
      %lt3A_1702 = arith.cmpi slt, %sub3A_1696, %lt3A_1701 : vector<16xi32>
      %and3A_1703 = arith.andi %ge3A_1699, %lt3A_1702 : vector<16xi1>
      %jit3A_1704 = arith.constant 0 : i32
      %broadcast_in_dim3A_1705 = vector.broadcast %jit3A_1704 : i32 to vector<16xi32>
      %select_n3A_1706 = arith.select %and3A_1703, %sub3A_1696, %broadcast_in_dim3A_1705 : vector<16xi1>, vector<16xi32>
      %mul3A_1707 = arith.constant 400 : i32
      %mul3A_1708 = arith.muli %add3A_1187, %mul3A_1707 : i32
      %add3A_1709 = arith.constant 16 : i32
      %add3A_1710 = arith.addi %mul3A_1708, %add3A_1709 : i32
      %get3A_1711 = arith.index_cast %add3A_1710 : i32 to index
      %get3A_1712 = tpu.vector_load %arg8[%get3A_1711] {strides = array<i32>} : memref<12800xf32, #tpu.memory_space<vmem>>, vector<16xf32>,
      %mul3A_1713 = arith.mulf %sub3A_1212, %get3A_1712 : vector<16xf32>
      %get3A_1714 = arith.constant 16 : index
      %get3A_1715 = tpu.vector_load %arg10[%get3A_1714] {strides = array<i32>} : memref<400xf32, #tpu.memory_space<vmem>>, vector<16xf32>,
      %mul3A_1716 = arith.mulf %gather3A_1209, %get3A_1715 : vector<16xf32>
      %add3A_1717 = arith.addf %mul3A_1713, %mul3A_1716 : vector<16xf32>
      tpu.vector_store_idx %arg12[%select_n3A_1706], %add3A_1717 masked %and3A_1703 : memref<25040xf32, #tpu.memory_space<vmem>>[vector<16xi32>], vector<16xf32>, vector<16xi1>
      %get3A_1718 = arith.constant 32 : index
      %get3A_1719 = tpu.vector_load %arg7[%get3A_1718] {strides = array<i32>} : memref<400xi32, #tpu.memory_space<vmem>>, vector<16xi32>,
      %sub3A_1720 = arith.constant 24960 : i32
      %sub3A_1721 = vector.broadcast %sub3A_1720 : i32 to vector<16xi32>
      %sub3A_1722 = arith.subi %get3A_1719, %sub3A_1721 : vector<16xi32>
      %ge3A_1723 = arith.constant 0 : i32
      %ge3A_1724 = vector.broadcast %ge3A_1723 : i32 to vector<16xi32>
      %ge3A_1725 = arith.cmpi sge, %sub3A_1722, %ge3A_1724 : vector<16xi32>
      %lt3A_1726 = arith.constant 25040 : i32
      %lt3A_1727 = vector.broadcast %lt3A_1726 : i32 to vector<16xi32>
      %lt3A_1728 = arith.cmpi slt, %sub3A_1722, %lt3A_1727 : vector<16xi32>
      %and3A_1729 = arith.andi %ge3A_1725, %lt3A_1728 : vector<16xi1>
      %jit3A_1730 = arith.constant 0 : i32
      %broadcast_in_dim3A_1731 = vector.broadcast %jit3A_1730 : i32 to vector<16xi32>
      %select_n3A_1732 = arith.select %and3A_1729, %sub3A_1722, %broadcast_in_dim3A_1731 : vector<16xi1>, vector<16xi32>
      %mul3A_1733 = arith.constant 400 : i32
      %mul3A_1734 = arith.muli %add3A_1187, %mul3A_1733 : i32
      %add3A_1735 = arith.constant 32 : i32
      %add3A_1736 = arith.addi %mul3A_1734, %add3A_1735 : i32
      %get3A_1737 = arith.index_cast %add3A_1736 : i32 to index
      %get3A_1738 = tpu.vector_load %arg8[%get3A_1737] {strides = array<i32>} : memref<12800xf32, #tpu.memory_space<vmem>>, vector<16xf32>,
      %mul3A_1739 = arith.mulf %sub3A_1212, %get3A_1738 : vector<16xf32>
      %get3A_1740 = arith.constant 32 : index
      %get3A_1741 = tpu.vector_load %arg10[%get3A_1740] {strides = array<i32>} : memref<400xf32, #tpu.memory_space<vmem>>, vector<16xf32>,
      %mul3A_1742 = arith.mulf %gather3A_1209, %get3A_1741 : vector<16xf32>
      %add3A_1743 = arith.addf %mul3A_1739, %mul3A_1742 : vector<16xf32>
      tpu.vector_store_idx %arg12[%select_n3A_1732], %add3A_1743 masked %and3A_1729 : memref<25040xf32, #tpu.memory_space<vmem>>[vector<16xi32>], vector<16xf32>, vector<16xi1>
      %get3A_1744 = arith.constant 48 : index
      %get3A_1745 = tpu.vector_load %arg7[%get3A_1744] {strides = array<i32>} : memref<400xi32, #tpu.memory_space<vmem>>, vector<16xi32>,
      %sub3A_1746 = arith.constant 24960 : i32
      %sub3A_1747 = vector.broadcast %sub3A_1746 : i32 to vector<16xi32>
      %sub3A_1748 = arith.subi %get3A_1745, %sub3A_1747 : vector<16xi32>
      %ge3A_1749 = arith.constant 0 : i32
      %ge3A_1750 = vector.broadcast %ge3A_1749 : i32 to vector<16xi32>
      %ge3A_1751 = arith.cmpi sge, %sub3A_1748, %ge3A_1750 : vector<16xi32>
      %lt3A_1752 = arith.constant 25040 : i32
      %lt3A_1753 = vector.broadcast %lt3A_1752 : i32 to vector<16xi32>
      %lt3A_1754 = arith.cmpi slt, %sub3A_1748, %lt3A_1753 : vector<16xi32>
      %and3A_1755 = arith.andi %ge3A_1751, %lt3A_1754 : vector<16xi1>
      %jit3A_1756 = arith.constant 0 : i32
      %broadcast_in_dim3A_1757 = vector.broadcast %jit3A_1756 : i32 to vector<16xi32>
      %select_n3A_1758 = arith.select %and3A_1755, %sub3A_1748, %broadcast_in_dim3A_1757 : vector<16xi1>, vector<16xi32>
      %mul3A_1759 = arith.constant 400 : i32
      %mul3A_1760 = arith.muli %add3A_1187, %mul3A_1759 : i32
      %add3A_1761 = arith.constant 48 : i32
      %add3A_1762 = arith.addi %mul3A_1760, %add3A_1761 : i32
      %get3A_1763 = arith.index_cast %add3A_1762 : i32 to index
      %get3A_1764 = tpu.vector_load %arg8[%get3A_1763] {strides = array<i32>} : memref<12800xf32, #tpu.memory_space<vmem>>, vector<16xf32>,
      %mul3A_1765 = arith.mulf %sub3A_1212, %get3A_1764 : vector<16xf32>
      %get3A_1766 = arith.constant 48 : index
      %get3A_1767 = tpu.vector_load %arg10[%get3A_1766] {strides = array<i32>} : memref<400xf32, #tpu.memory_space<vmem>>, vector<16xf32>,
      %mul3A_1768 = arith.mulf %gather3A_1209, %get3A_1767 : vector<16xf32>
      %add3A_1769 = arith.addf %mul3A_1765, %mul3A_1768 : vector<16xf32>
      tpu.vector_store_idx %arg12[%select_n3A_1758], %add3A_1769 masked %and3A_1755 : memref<25040xf32, #tpu.memory_space<vmem>>[vector<16xi32>], vector<16xf32>, vector<16xi1>
      %get3A_1770 = arith.constant 64 : index
      %get3A_1771 = tpu.vector_load %arg7[%get3A_1770] {strides = array<i32>} : memref<400xi32, #tpu.memory_space<vmem>>, vector<16xi32>,
      %sub3A_1772 = arith.constant 24960 : i32
      %sub3A_1773 = vector.broadcast %sub3A_1772 : i32 to vector<16xi32>
      %sub3A_1774 = arith.subi %get3A_1771, %sub3A_1773 : vector<16xi32>
      %ge3A_1775 = arith.constant 0 : i32
      %ge3A_1776 = vector.broadcast %ge3A_1775 : i32 to vector<16xi32>
      %ge3A_1777 = arith.cmpi sge, %sub3A_1774, %ge3A_1776 : vector<16xi32>
      %lt3A_1778 = arith.constant 25040 : i32
      %lt3A_1779 = vector.broadcast %lt3A_1778 : i32 to vector<16xi32>
      %lt3A_1780 = arith.cmpi slt, %sub3A_1774, %lt3A_1779 : vector<16xi32>
      %and3A_1781 = arith.andi %ge3A_1777, %lt3A_1780 : vector<16xi1>
      %jit3A_1782 = arith.constant 0 : i32
      %broadcast_in_dim3A_1783 = vector.broadcast %jit3A_1782 : i32 to vector<16xi32>
      %select_n3A_1784 = arith.select %and3A_1781, %sub3A_1774, %broadcast_in_dim3A_1783 : vector<16xi1>, vector<16xi32>
      %mul3A_1785 = arith.constant 400 : i32
      %mul3A_1786 = arith.muli %add3A_1187, %mul3A_1785 : i32
      %add3A_1787 = arith.constant 64 : i32
      %add3A_1788 = arith.addi %mul3A_1786, %add3A_1787 : i32
      %get3A_1789 = arith.index_cast %add3A_1788 : i32 to index
      %get3A_1790 = tpu.vector_load %arg8[%get3A_1789] {strides = array<i32>} : memref<12800xf32, #tpu.memory_space<vmem>>, vector<16xf32>,
      %mul3A_1791 = arith.mulf %sub3A_1212, %get3A_1790 : vector<16xf32>
      %get3A_1792 = arith.constant 64 : index
      %get3A_1793 = tpu.vector_load %arg10[%get3A_1792] {strides = array<i32>} : memref<400xf32, #tpu.memory_space<vmem>>, vector<16xf32>,
      %mul3A_1794 = arith.mulf %gather3A_1209, %get3A_1793 : vector<16xf32>
      %add3A_1795 = arith.addf %mul3A_1791, %mul3A_1794 : vector<16xf32>
      tpu.vector_store_idx %arg12[%select_n3A_1784], %add3A_1795 masked %and3A_1781 : memref<25040xf32, #tpu.memory_space<vmem>>[vector<16xi32>], vector<16xf32>, vector<16xi1>
      %get3A_1796 = arith.constant 80 : index
      %get3A_1797 = tpu.vector_load %arg7[%get3A_1796] {strides = array<i32>} : memref<400xi32, #tpu.memory_space<vmem>>, vector<16xi32>,
      %sub3A_1798 = arith.constant 24960 : i32
      %sub3A_1799 = vector.broadcast %sub3A_1798 : i32 to vector<16xi32>
      %sub3A_1800 = arith.subi %get3A_1797, %sub3A_1799 : vector<16xi32>
      %ge3A_1801 = arith.constant 0 : i32
      %ge3A_1802 = vector.broadcast %ge3A_1801 : i32 to vector<16xi32>
      %ge3A_1803 = arith.cmpi sge, %sub3A_1800, %ge3A_1802 : vector<16xi32>
      %lt3A_1804 = arith.constant 25040 : i32
      %lt3A_1805 = vector.broadcast %lt3A_1804 : i32 to vector<16xi32>
      %lt3A_1806 = arith.cmpi slt, %sub3A_1800, %lt3A_1805 : vector<16xi32>
      %and3A_1807 = arith.andi %ge3A_1803, %lt3A_1806 : vector<16xi1>
      %jit3A_1808 = arith.constant 0 : i32
      %broadcast_in_dim3A_1809 = vector.broadcast %jit3A_1808 : i32 to vector<16xi32>
      %select_n3A_1810 = arith.select %and3A_1807, %sub3A_1800, %broadcast_in_dim3A_1809 : vector<16xi1>, vector<16xi32>
      %mul3A_1811 = arith.constant 400 : i32
      %mul3A_1812 = arith.muli %add3A_1187, %mul3A_1811 : i32
      %add3A_1813 = arith.constant 80 : i32
      %add3A_1814 = arith.addi %mul3A_1812, %add3A_1813 : i32
      %get3A_1815 = arith.index_cast %add3A_1814 : i32 to index
      %get3A_1816 = tpu.vector_load %arg8[%get3A_1815] {strides = array<i32>} : memref<12800xf32, #tpu.memory_space<vmem>>, vector<16xf32>,
      %mul3A_1817 = arith.mulf %sub3A_1212, %get3A_1816 : vector<16xf32>
      %get3A_1818 = arith.constant 80 : index
      %get3A_1819 = tpu.vector_load %arg10[%get3A_1818] {strides = array<i32>} : memref<400xf32, #tpu.memory_space<vmem>>, vector<16xf32>,
      %mul3A_1820 = arith.mulf %gather3A_1209, %get3A_1819 : vector<16xf32>
      %add3A_1821 = arith.addf %mul3A_1817, %mul3A_1820 : vector<16xf32>
      tpu.vector_store_idx %arg12[%select_n3A_1810], %add3A_1821 masked %and3A_1807 : memref<25040xf32, #tpu.memory_space<vmem>>[vector<16xi32>], vector<16xf32>, vector<16xi1>
      %get3A_1822 = arith.constant 96 : index
      %get3A_1823 = tpu.vector_load %arg7[%get3A_1822] {strides = array<i32>} : memref<400xi32, #tpu.memory_space<vmem>>, vector<16xi32>,
      %sub3A_1824 = arith.constant 24960 : i32
      %sub3A_1825 = vector.broadcast %sub3A_1824 : i32 to vector<16xi32>
      %sub3A_1826 = arith.subi %get3A_1823, %sub3A_1825 : vector<16xi32>
      %ge3A_1827 = arith.constant 0 : i32
      %ge3A_1828 = vector.broadcast %ge3A_1827 : i32 to vector<16xi32>
      %ge3A_1829 = arith.cmpi sge, %sub3A_1826, %ge3A_1828 : vector<16xi32>
      %lt3A_1830 = arith.constant 25040 : i32
      %lt3A_1831 = vector.broadcast %lt3A_1830 : i32 to vector<16xi32>
      %lt3A_1832 = arith.cmpi slt, %sub3A_1826, %lt3A_1831 : vector<16xi32>
      %and3A_1833 = arith.andi %ge3A_1829, %lt3A_1832 : vector<16xi1>
      %jit3A_1834 = arith.constant 0 : i32
      %broadcast_in_dim3A_1835 = vector.broadcast %jit3A_1834 : i32 to vector<16xi32>
      %select_n3A_1836 = arith.select %and3A_1833, %sub3A_1826, %broadcast_in_dim3A_1835 : vector<16xi1>, vector<16xi32>
      %mul3A_1837 = arith.constant 400 : i32
      %mul3A_1838 = arith.muli %add3A_1187, %mul3A_1837 : i32
      %add3A_1839 = arith.constant 96 : i32
      %add3A_1840 = arith.addi %mul3A_1838, %add3A_1839 : i32
      %get3A_1841 = arith.index_cast %add3A_1840 : i32 to index
      %get3A_1842 = tpu.vector_load %arg8[%get3A_1841] {strides = array<i32>} : memref<12800xf32, #tpu.memory_space<vmem>>, vector<16xf32>,
      %mul3A_1843 = arith.mulf %sub3A_1212, %get3A_1842 : vector<16xf32>
      %get3A_1844 = arith.constant 96 : index
      %get3A_1845 = tpu.vector_load %arg10[%get3A_1844] {strides = array<i32>} : memref<400xf32, #tpu.memory_space<vmem>>, vector<16xf32>,
      %mul3A_1846 = arith.mulf %gather3A_1209, %get3A_1845 : vector<16xf32>
      %add3A_1847 = arith.addf %mul3A_1843, %mul3A_1846 : vector<16xf32>
      tpu.vector_store_idx %arg12[%select_n3A_1836], %add3A_1847 masked %and3A_1833 : memref<25040xf32, #tpu.memory_space<vmem>>[vector<16xi32>], vector<16xf32>, vector<16xi1>
      %get3A_1848 = arith.constant 112 : index
      %get3A_1849 = tpu.vector_load %arg7[%get3A_1848] {strides = array<i32>} : memref<400xi32, #tpu.memory_space<vmem>>, vector<16xi32>,
      %sub3A_1850 = arith.constant 24960 : i32
      %sub3A_1851 = vector.broadcast %sub3A_1850 : i32 to vector<16xi32>
      %sub3A_1852 = arith.subi %get3A_1849, %sub3A_1851 : vector<16xi32>
      %ge3A_1853 = arith.constant 0 : i32
      %ge3A_1854 = vector.broadcast %ge3A_1853 : i32 to vector<16xi32>
      %ge3A_1855 = arith.cmpi sge, %sub3A_1852, %ge3A_1854 : vector<16xi32>
      %lt3A_1856 = arith.constant 25040 : i32
      %lt3A_1857 = vector.broadcast %lt3A_1856 : i32 to vector<16xi32>
      %lt3A_1858 = arith.cmpi slt, %sub3A_1852, %lt3A_1857 : vector<16xi32>
      %and3A_1859 = arith.andi %ge3A_1855, %lt3A_1858 : vector<16xi1>
      %jit3A_1860 = arith.constant 0 : i32
      %broadcast_in_dim3A_1861 = vector.broadcast %jit3A_1860 : i32 to vector<16xi32>
      %select_n3A_1862 = arith.select %and3A_1859, %sub3A_1852, %broadcast_in_dim3A_1861 : vector<16xi1>, vector<16xi32>
      %mul3A_1863 = arith.constant 400 : i32
      %mul3A_1864 = arith.muli %add3A_1187, %mul3A_1863 : i32
      %add3A_1865 = arith.constant 112 : i32
      %add3A_1866 = arith.addi %mul3A_1864, %add3A_1865 : i32
      %get3A_1867 = arith.index_cast %add3A_1866 : i32 to index
      %get3A_1868 = tpu.vector_load %arg8[%get3A_1867] {strides = array<i32>} : memref<12800xf32, #tpu.memory_space<vmem>>, vector<16xf32>,
      %mul3A_1869 = arith.mulf %sub3A_1212, %get3A_1868 : vector<16xf32>
      %get3A_1870 = arith.constant 112 : index
      %get3A_1871 = tpu.vector_load %arg10[%get3A_1870] {strides = array<i32>} : memref<400xf32, #tpu.memory_space<vmem>>, vector<16xf32>,
      %mul3A_1872 = arith.mulf %gather3A_1209, %get3A_1871 : vector<16xf32>
      %add3A_1873 = arith.addf %mul3A_1869, %mul3A_1872 : vector<16xf32>
      tpu.vector_store_idx %arg12[%select_n3A_1862], %add3A_1873 masked %and3A_1859 : memref<25040xf32, #tpu.memory_space<vmem>>[vector<16xi32>], vector<16xf32>, vector<16xi1>
      %get3A_1874 = arith.constant 128 : index
      %get3A_1875 = tpu.vector_load %arg7[%get3A_1874] {strides = array<i32>} : memref<400xi32, #tpu.memory_space<vmem>>, vector<16xi32>,
      %sub3A_1876 = arith.constant 24960 : i32
      %sub3A_1877 = vector.broadcast %sub3A_1876 : i32 to vector<16xi32>
      %sub3A_1878 = arith.subi %get3A_1875, %sub3A_1877 : vector<16xi32>
      %ge3A_1879 = arith.constant 0 : i32
      %ge3A_1880 = vector.broadcast %ge3A_1879 : i32 to vector<16xi32>
      %ge3A_1881 = arith.cmpi sge, %sub3A_1878, %ge3A_1880 : vector<16xi32>
      %lt3A_1882 = arith.constant 25040 : i32
      %lt3A_1883 = vector.broadcast %lt3A_1882 : i32 to vector<16xi32>
      %lt3A_1884 = arith.cmpi slt, %sub3A_1878, %lt3A_1883 : vector<16xi32>
      %and3A_1885 = arith.andi %ge3A_1881, %lt3A_1884 : vector<16xi1>
      %jit3A_1886 = arith.constant 0 : i32
      %broadcast_in_dim3A_1887 = vector.broadcast %jit3A_1886 : i32 to vector<16xi32>
      %select_n3A_1888 = arith.select %and3A_1885, %sub3A_1878, %broadcast_in_dim3A_1887 : vector<16xi1>, vector<16xi32>
      %mul3A_1889 = arith.constant 400 : i32
      %mul3A_1890 = arith.muli %add3A_1187, %mul3A_1889 : i32
      %add3A_1891 = arith.constant 128 : i32
      %add3A_1892 = arith.addi %mul3A_1890, %add3A_1891 : i32
      %get3A_1893 = arith.index_cast %add3A_1892 : i32 to index
      %get3A_1894 = tpu.vector_load %arg8[%get3A_1893] {strides = array<i32>} : memref<12800xf32, #tpu.memory_space<vmem>>, vector<16xf32>,
      %mul3A_1895 = arith.mulf %sub3A_1212, %get3A_1894 : vector<16xf32>
      %get3A_1896 = arith.constant 128 : index
      %get3A_1897 = tpu.vector_load %arg10[%get3A_1896] {strides = array<i32>} : memref<400xf32, #tpu.memory_space<vmem>>, vector<16xf32>,
      %mul3A_1898 = arith.mulf %gather3A_1209, %get3A_1897 : vector<16xf32>
      %add3A_1899 = arith.addf %mul3A_1895, %mul3A_1898 : vector<16xf32>
      tpu.vector_store_idx %arg12[%select_n3A_1888], %add3A_1899 masked %and3A_1885 : memref<25040xf32, #tpu.memory_space<vmem>>[vector<16xi32>], vector<16xf32>, vector<16xi1>
      %get3A_1900 = arith.constant 144 : index
      %get3A_1901 = tpu.vector_load %arg7[%get3A_1900] {strides = array<i32>} : memref<400xi32, #tpu.memory_space<vmem>>, vector<16xi32>,
      %sub3A_1902 = arith.constant 24960 : i32
      %sub3A_1903 = vector.broadcast %sub3A_1902 : i32 to vector<16xi32>
      %sub3A_1904 = arith.subi %get3A_1901, %sub3A_1903 : vector<16xi32>
      %ge3A_1905 = arith.constant 0 : i32
      %ge3A_1906 = vector.broadcast %ge3A_1905 : i32 to vector<16xi32>
      %ge3A_1907 = arith.cmpi sge, %sub3A_1904, %ge3A_1906 : vector<16xi32>
      %lt3A_1908 = arith.constant 25040 : i32
      %lt3A_1909 = vector.broadcast %lt3A_1908 : i32 to vector<16xi32>
      %lt3A_1910 = arith.cmpi slt, %sub3A_1904, %lt3A_1909 : vector<16xi32>
      %and3A_1911 = arith.andi %ge3A_1907, %lt3A_1910 : vector<16xi1>
      %jit3A_1912 = arith.constant 0 : i32
      %broadcast_in_dim3A_1913 = vector.broadcast %jit3A_1912 : i32 to vector<16xi32>
      %select_n3A_1914 = arith.select %and3A_1911, %sub3A_1904, %broadcast_in_dim3A_1913 : vector<16xi1>, vector<16xi32>
      %mul3A_1915 = arith.constant 400 : i32
      %mul3A_1916 = arith.muli %add3A_1187, %mul3A_1915 : i32
      %add3A_1917 = arith.constant 144 : i32
      %add3A_1918 = arith.addi %mul3A_1916, %add3A_1917 : i32
      %get3A_1919 = arith.index_cast %add3A_1918 : i32 to index
      %get3A_1920 = tpu.vector_load %arg8[%get3A_1919] {strides = array<i32>} : memref<12800xf32, #tpu.memory_space<vmem>>, vector<16xf32>,
      %mul3A_1921 = arith.mulf %sub3A_1212, %get3A_1920 : vector<16xf32>
      %get3A_1922 = arith.constant 144 : index
      %get3A_1923 = tpu.vector_load %arg10[%get3A_1922] {strides = array<i32>} : memref<400xf32, #tpu.memory_space<vmem>>, vector<16xf32>,
      %mul3A_1924 = arith.mulf %gather3A_1209, %get3A_1923 : vector<16xf32>
      %add3A_1925 = arith.addf %mul3A_1921, %mul3A_1924 : vector<16xf32>
      tpu.vector_store_idx %arg12[%select_n3A_1914], %add3A_1925 masked %and3A_1911 : memref<25040xf32, #tpu.memory_space<vmem>>[vector<16xi32>], vector<16xf32>, vector<16xi1>
      %get3A_1926 = arith.constant 160 : index
      %get3A_1927 = tpu.vector_load %arg7[%get3A_1926] {strides = array<i32>} : memref<400xi32, #tpu.memory_space<vmem>>, vector<16xi32>,
      %sub3A_1928 = arith.constant 24960 : i32
      %sub3A_1929 = vector.broadcast %sub3A_1928 : i32 to vector<16xi32>
      %sub3A_1930 = arith.subi %get3A_1927, %sub3A_1929 : vector<16xi32>
      %ge3A_1931 = arith.constant 0 : i32
      %ge3A_1932 = vector.broadcast %ge3A_1931 : i32 to vector<16xi32>
      %ge3A_1933 = arith.cmpi sge, %sub3A_1930, %ge3A_1932 : vector<16xi32>
      %lt3A_1934 = arith.constant 25040 : i32
      %lt3A_1935 = vector.broadcast %lt3A_1934 : i32 to vector<16xi32>
      %lt3A_1936 = arith.cmpi slt, %sub3A_1930, %lt3A_1935 : vector<16xi32>
      %and3A_1937 = arith.andi %ge3A_1933, %lt3A_1936 : vector<16xi1>
      %jit3A_1938 = arith.constant 0 : i32
      %broadcast_in_dim3A_1939 = vector.broadcast %jit3A_1938 : i32 to vector<16xi32>
      %select_n3A_1940 = arith.select %and3A_1937, %sub3A_1930, %broadcast_in_dim3A_1939 : vector<16xi1>, vector<16xi32>
      %mul3A_1941 = arith.constant 400 : i32
      %mul3A_1942 = arith.muli %add3A_1187, %mul3A_1941 : i32
      %add3A_1943 = arith.constant 160 : i32
      %add3A_1944 = arith.addi %mul3A_1942, %add3A_1943 : i32
      %get3A_1945 = arith.index_cast %add3A_1944 : i32 to index
      %get3A_1946 = tpu.vector_load %arg8[%get3A_1945] {strides = array<i32>} : memref<12800xf32, #tpu.memory_space<vmem>>, vector<16xf32>,
      %mul3A_1947 = arith.mulf %sub3A_1212, %get3A_1946 : vector<16xf32>
      %get3A_1948 = arith.constant 160 : index
      %get3A_1949 = tpu.vector_load %arg10[%get3A_1948] {strides = array<i32>} : memref<400xf32, #tpu.memory_space<vmem>>, vector<16xf32>,
      %mul3A_1950 = arith.mulf %gather3A_1209, %get3A_1949 : vector<16xf32>
      %add3A_1951 = arith.addf %mul3A_1947, %mul3A_1950 : vector<16xf32>
      tpu.vector_store_idx %arg12[%select_n3A_1940], %add3A_1951 masked %and3A_1937 : memref<25040xf32, #tpu.memory_space<vmem>>[vector<16xi32>], vector<16xf32>, vector<16xi1>
      %get3A_1952 = arith.constant 176 : index
      %get3A_1953 = tpu.vector_load %arg7[%get3A_1952] {strides = array<i32>} : memref<400xi32, #tpu.memory_space<vmem>>, vector<16xi32>,
      %sub3A_1954 = arith.constant 24960 : i32
      %sub3A_1955 = vector.broadcast %sub3A_1954 : i32 to vector<16xi32>
      %sub3A_1956 = arith.subi %get3A_1953, %sub3A_1955 : vector<16xi32>
      %ge3A_1957 = arith.constant 0 : i32
      %ge3A_1958 = vector.broadcast %ge3A_1957 : i32 to vector<16xi32>
      %ge3A_1959 = arith.cmpi sge, %sub3A_1956, %ge3A_1958 : vector<16xi32>
      %lt3A_1960 = arith.constant 25040 : i32
      %lt3A_1961 = vector.broadcast %lt3A_1960 : i32 to vector<16xi32>
      %lt3A_1962 = arith.cmpi slt, %sub3A_1956, %lt3A_1961 : vector<16xi32>
      %and3A_1963 = arith.andi %ge3A_1959, %lt3A_1962 : vector<16xi1>
      %jit3A_1964 = arith.constant 0 : i32
      %broadcast_in_dim3A_1965 = vector.broadcast %jit3A_1964 : i32 to vector<16xi32>
      %select_n3A_1966 = arith.select %and3A_1963, %sub3A_1956, %broadcast_in_dim3A_1965 : vector<16xi1>, vector<16xi32>
      %mul3A_1967 = arith.constant 400 : i32
      %mul3A_1968 = arith.muli %add3A_1187, %mul3A_1967 : i32
      %add3A_1969 = arith.constant 176 : i32
      %add3A_1970 = arith.addi %mul3A_1968, %add3A_1969 : i32
      %get3A_1971 = arith.index_cast %add3A_1970 : i32 to index
      %get3A_1972 = tpu.vector_load %arg8[%get3A_1971] {strides = array<i32>} : memref<12800xf32, #tpu.memory_space<vmem>>, vector<16xf32>,
      %mul3A_1973 = arith.mulf %sub3A_1212, %get3A_1972 : vector<16xf32>
      %get3A_1974 = arith.constant 176 : index
      %get3A_1975 = tpu.vector_load %arg10[%get3A_1974] {strides = array<i32>} : memref<400xf32, #tpu.memory_space<vmem>>, vector<16xf32>,
      %mul3A_1976 = arith.mulf %gather3A_1209, %get3A_1975 : vector<16xf32>
      %add3A_1977 = arith.addf %mul3A_1973, %mul3A_1976 : vector<16xf32>
      tpu.vector_store_idx %arg12[%select_n3A_1966], %add3A_1977 masked %and3A_1963 : memref<25040xf32, #tpu.memory_space<vmem>>[vector<16xi32>], vector<16xf32>, vector<16xi1>
      %get3A_1978 = arith.constant 192 : index
      %get3A_1979 = tpu.vector_load %arg7[%get3A_1978] {strides = array<i32>} : memref<400xi32, #tpu.memory_space<vmem>>, vector<16xi32>,
      %sub3A_1980 = arith.constant 24960 : i32
      %sub3A_1981 = vector.broadcast %sub3A_1980 : i32 to vector<16xi32>
      %sub3A_1982 = arith.subi %get3A_1979, %sub3A_1981 : vector<16xi32>
      %ge3A_1983 = arith.constant 0 : i32
      %ge3A_1984 = vector.broadcast %ge3A_1983 : i32 to vector<16xi32>
      %ge3A_1985 = arith.cmpi sge, %sub3A_1982, %ge3A_1984 : vector<16xi32>
      %lt3A_1986 = arith.constant 25040 : i32
      %lt3A_1987 = vector.broadcast %lt3A_1986 : i32 to vector<16xi32>
      %lt3A_1988 = arith.cmpi slt, %sub3A_1982, %lt3A_1987 : vector<16xi32>
      %and3A_1989 = arith.andi %ge3A_1985, %lt3A_1988 : vector<16xi1>
      %jit3A_1990 = arith.constant 0 : i32
      %broadcast_in_dim3A_1991 = vector.broadcast %jit3A_1990 : i32 to vector<16xi32>
      %select_n3A_1992 = arith.select %and3A_1989, %sub3A_1982, %broadcast_in_dim3A_1991 : vector<16xi1>, vector<16xi32>
      %mul3A_1993 = arith.constant 400 : i32
      %mul3A_1994 = arith.muli %add3A_1187, %mul3A_1993 : i32
      %add3A_1995 = arith.constant 192 : i32
      %add3A_1996 = arith.addi %mul3A_1994, %add3A_1995 : i32
      %get3A_1997 = arith.index_cast %add3A_1996 : i32 to index
      %get3A_1998 = tpu.vector_load %arg8[%get3A_1997] {strides = array<i32>} : memref<12800xf32, #tpu.memory_space<vmem>>, vector<16xf32>,
      %mul3A_1999 = arith.mulf %sub3A_1212, %get3A_1998 : vector<16xf32>
      %get3A_2000 = arith.constant 192 : index
      %get3A_2001 = tpu.vector_load %arg10[%get3A_2000] {strides = array<i32>} : memref<400xf32, #tpu.memory_space<vmem>>, vector<16xf32>,
      %mul3A_2002 = arith.mulf %gather3A_1209, %get3A_2001 : vector<16xf32>
      %add3A_2003 = arith.addf %mul3A_1999, %mul3A_2002 : vector<16xf32>
      tpu.vector_store_idx %arg12[%select_n3A_1992], %add3A_2003 masked %and3A_1989 : memref<25040xf32, #tpu.memory_space<vmem>>[vector<16xi32>], vector<16xf32>, vector<16xi1>
      %get3A_2004 = arith.constant 208 : index
      %get3A_2005 = tpu.vector_load %arg7[%get3A_2004] {strides = array<i32>} : memref<400xi32, #tpu.memory_space<vmem>>, vector<16xi32>,
      %sub3A_2006 = arith.constant 24960 : i32
      %sub3A_2007 = vector.broadcast %sub3A_2006 : i32 to vector<16xi32>
      %sub3A_2008 = arith.subi %get3A_2005, %sub3A_2007 : vector<16xi32>
      %ge3A_2009 = arith.constant 0 : i32
      %ge3A_2010 = vector.broadcast %ge3A_2009 : i32 to vector<16xi32>
      %ge3A_2011 = arith.cmpi sge, %sub3A_2008, %ge3A_2010 : vector<16xi32>
      %lt3A_2012 = arith.constant 25040 : i32
      %lt3A_2013 = vector.broadcast %lt3A_2012 : i32 to vector<16xi32>
      %lt3A_2014 = arith.cmpi slt, %sub3A_2008, %lt3A_2013 : vector<16xi32>
      %and3A_2015 = arith.andi %ge3A_2011, %lt3A_2014 : vector<16xi1>
      %jit3A_2016 = arith.constant 0 : i32
      %broadcast_in_dim3A_2017 = vector.broadcast %jit3A_2016 : i32 to vector<16xi32>
      %select_n3A_2018 = arith.select %and3A_2015, %sub3A_2008, %broadcast_in_dim3A_2017 : vector<16xi1>, vector<16xi32>
      %mul3A_2019 = arith.constant 400 : i32
      %mul3A_2020 = arith.muli %add3A_1187, %mul3A_2019 : i32
      %add3A_2021 = arith.constant 208 : i32
      %add3A_2022 = arith.addi %mul3A_2020, %add3A_2021 : i32
      %get3A_2023 = arith.index_cast %add3A_2022 : i32 to index
      %get3A_2024 = tpu.vector_load %arg8[%get3A_2023] {strides = array<i32>} : memref<12800xf32, #tpu.memory_space<vmem>>, vector<16xf32>,
      %mul3A_2025 = arith.mulf %sub3A_1212, %get3A_2024 : vector<16xf32>
      %get3A_2026 = arith.constant 208 : index
      %get3A_2027 = tpu.vector_load %arg10[%get3A_2026] {strides = array<i32>} : memref<400xf32, #tpu.memory_space<vmem>>, vector<16xf32>,
      %mul3A_2028 = arith.mulf %gather3A_1209, %get3A_2027 : vector<16xf32>
      %add3A_2029 = arith.addf %mul3A_2025, %mul3A_2028 : vector<16xf32>
      tpu.vector_store_idx %arg12[%select_n3A_2018], %add3A_2029 masked %and3A_2015 : memref<25040xf32, #tpu.memory_space<vmem>>[vector<16xi32>], vector<16xf32>, vector<16xi1>
      %get3A_2030 = arith.constant 224 : index
      %get3A_2031 = tpu.vector_load %arg7[%get3A_2030] {strides = array<i32>} : memref<400xi32, #tpu.memory_space<vmem>>, vector<16xi32>,
      %sub3A_2032 = arith.constant 24960 : i32
      %sub3A_2033 = vector.broadcast %sub3A_2032 : i32 to vector<16xi32>
      %sub3A_2034 = arith.subi %get3A_2031, %sub3A_2033 : vector<16xi32>
      %ge3A_2035 = arith.constant 0 : i32
      %ge3A_2036 = vector.broadcast %ge3A_2035 : i32 to vector<16xi32>
      %ge3A_2037 = arith.cmpi sge, %sub3A_2034, %ge3A_2036 : vector<16xi32>
      %lt3A_2038 = arith.constant 25040 : i32
      %lt3A_2039 = vector.broadcast %lt3A_2038 : i32 to vector<16xi32>
      %lt3A_2040 = arith.cmpi slt, %sub3A_2034, %lt3A_2039 : vector<16xi32>
      %and3A_2041 = arith.andi %ge3A_2037, %lt3A_2040 : vector<16xi1>
      %jit3A_2042 = arith.constant 0 : i32
      %broadcast_in_dim3A_2043 = vector.broadcast %jit3A_2042 : i32 to vector<16xi32>
      %select_n3A_2044 = arith.select %and3A_2041, %sub3A_2034, %broadcast_in_dim3A_2043 : vector<16xi1>, vector<16xi32>
      %mul3A_2045 = arith.constant 400 : i32
      %mul3A_2046 = arith.muli %add3A_1187, %mul3A_2045 : i32
      %add3A_2047 = arith.constant 224 : i32
      %add3A_2048 = arith.addi %mul3A_2046, %add3A_2047 : i32
      %get3A_2049 = arith.index_cast %add3A_2048 : i32 to index
      %get3A_2050 = tpu.vector_load %arg8[%get3A_2049] {strides = array<i32>} : memref<12800xf32, #tpu.memory_space<vmem>>, vector<16xf32>,
      %mul3A_2051 = arith.mulf %sub3A_1212, %get3A_2050 : vector<16xf32>
      %get3A_2052 = arith.constant 224 : index
      %get3A_2053 = tpu.vector_load %arg10[%get3A_2052] {strides = array<i32>} : memref<400xf32, #tpu.memory_space<vmem>>, vector<16xf32>,
      %mul3A_2054 = arith.mulf %gather3A_1209, %get3A_2053 : vector<16xf32>
      %add3A_2055 = arith.addf %mul3A_2051, %mul3A_2054 : vector<16xf32>
      tpu.vector_store_idx %arg12[%select_n3A_2044], %add3A_2055 masked %and3A_2041 : memref<25040xf32, #tpu.memory_space<vmem>>[vector<16xi32>], vector<16xf32>, vector<16xi1>
      %get3A_2056 = arith.constant 240 : index
      %get3A_2057 = tpu.vector_load %arg7[%get3A_2056] {strides = array<i32>} : memref<400xi32, #tpu.memory_space<vmem>>, vector<16xi32>,
      %sub3A_2058 = arith.constant 24960 : i32
      %sub3A_2059 = vector.broadcast %sub3A_2058 : i32 to vector<16xi32>
      %sub3A_2060 = arith.subi %get3A_2057, %sub3A_2059 : vector<16xi32>
      %ge3A_2061 = arith.constant 0 : i32
      %ge3A_2062 = vector.broadcast %ge3A_2061 : i32 to vector<16xi32>
      %ge3A_2063 = arith.cmpi sge, %sub3A_2060, %ge3A_2062 : vector<16xi32>
      %lt3A_2064 = arith.constant 25040 : i32
      %lt3A_2065 = vector.broadcast %lt3A_2064 : i32 to vector<16xi32>
      %lt3A_2066 = arith.cmpi slt, %sub3A_2060, %lt3A_2065 : vector<16xi32>
      %and3A_2067 = arith.andi %ge3A_2063, %lt3A_2066 : vector<16xi1>
      %jit3A_2068 = arith.constant 0 : i32
      %broadcast_in_dim3A_2069 = vector.broadcast %jit3A_2068 : i32 to vector<16xi32>
      %select_n3A_2070 = arith.select %and3A_2067, %sub3A_2060, %broadcast_in_dim3A_2069 : vector<16xi1>, vector<16xi32>
      %mul3A_2071 = arith.constant 400 : i32
      %mul3A_2072 = arith.muli %add3A_1187, %mul3A_2071 : i32
      %add3A_2073 = arith.constant 240 : i32
      %add3A_2074 = arith.addi %mul3A_2072, %add3A_2073 : i32
      %get3A_2075 = arith.index_cast %add3A_2074 : i32 to index
      %get3A_2076 = tpu.vector_load %arg8[%get3A_2075] {strides = array<i32>} : memref<12800xf32, #tpu.memory_space<vmem>>, vector<16xf32>,
      %mul3A_2077 = arith.mulf %sub3A_1212, %get3A_2076 : vector<16xf32>
      %get3A_2078 = arith.constant 240 : index
      %get3A_2079 = tpu.vector_load %arg10[%get3A_2078] {strides = array<i32>} : memref<400xf32, #tpu.memory_space<vmem>>, vector<16xf32>,
      %mul3A_2080 = arith.mulf %gather3A_1209, %get3A_2079 : vector<16xf32>
      %add3A_2081 = arith.addf %mul3A_2077, %mul3A_2080 : vector<16xf32>
      tpu.vector_store_idx %arg12[%select_n3A_2070], %add3A_2081 masked %and3A_2067 : memref<25040xf32, #tpu.memory_space<vmem>>[vector<16xi32>], vector<16xf32>, vector<16xi1>
      %get3A_2082 = arith.constant 256 : index
      %get3A_2083 = tpu.vector_load %arg7[%get3A_2082] {strides = array<i32>} : memref<400xi32, #tpu.memory_space<vmem>>, vector<16xi32>,
      %sub3A_2084 = arith.constant 24960 : i32
      %sub3A_2085 = vector.broadcast %sub3A_2084 : i32 to vector<16xi32>
      %sub3A_2086 = arith.subi %get3A_2083, %sub3A_2085 : vector<16xi32>
      %ge3A_2087 = arith.constant 0 : i32
      %ge3A_2088 = vector.broadcast %ge3A_2087 : i32 to vector<16xi32>
      %ge3A_2089 = arith.cmpi sge, %sub3A_2086, %ge3A_2088 : vector<16xi32>
      %lt3A_2090 = arith.constant 25040 : i32
      %lt3A_2091 = vector.broadcast %lt3A_2090 : i32 to vector<16xi32>
      %lt3A_2092 = arith.cmpi slt, %sub3A_2086, %lt3A_2091 : vector<16xi32>
      %and3A_2093 = arith.andi %ge3A_2089, %lt3A_2092 : vector<16xi1>
      %jit3A_2094 = arith.constant 0 : i32
      %broadcast_in_dim3A_2095 = vector.broadcast %jit3A_2094 : i32 to vector<16xi32>
      %select_n3A_2096 = arith.select %and3A_2093, %sub3A_2086, %broadcast_in_dim3A_2095 : vector<16xi1>, vector<16xi32>
      %mul3A_2097 = arith.constant 400 : i32
      %mul3A_2098 = arith.muli %add3A_1187, %mul3A_2097 : i32
      %add3A_2099 = arith.constant 256 : i32
      %add3A_2100 = arith.addi %mul3A_2098, %add3A_2099 : i32
      %get3A_2101 = arith.index_cast %add3A_2100 : i32 to index
      %get3A_2102 = tpu.vector_load %arg8[%get3A_2101] {strides = array<i32>} : memref<12800xf32, #tpu.memory_space<vmem>>, vector<16xf32>,
      %mul3A_2103 = arith.mulf %sub3A_1212, %get3A_2102 : vector<16xf32>
      %get3A_2104 = arith.constant 256 : index
      %get3A_2105 = tpu.vector_load %arg10[%get3A_2104] {strides = array<i32>} : memref<400xf32, #tpu.memory_space<vmem>>, vector<16xf32>,
      %mul3A_2106 = arith.mulf %gather3A_1209, %get3A_2105 : vector<16xf32>
      %add3A_2107 = arith.addf %mul3A_2103, %mul3A_2106 : vector<16xf32>
      tpu.vector_store_idx %arg12[%select_n3A_2096], %add3A_2107 masked %and3A_2093 : memref<25040xf32, #tpu.memory_space<vmem>>[vector<16xi32>], vector<16xf32>, vector<16xi1>
      %get3A_2108 = arith.constant 272 : index
      %get3A_2109 = tpu.vector_load %arg7[%get3A_2108] {strides = array<i32>} : memref<400xi32, #tpu.memory_space<vmem>>, vector<16xi32>,
      %sub3A_2110 = arith.constant 24960 : i32
      %sub3A_2111 = vector.broadcast %sub3A_2110 : i32 to vector<16xi32>
      %sub3A_2112 = arith.subi %get3A_2109, %sub3A_2111 : vector<16xi32>
      %ge3A_2113 = arith.constant 0 : i32
      %ge3A_2114 = vector.broadcast %ge3A_2113 : i32 to vector<16xi32>
      %ge3A_2115 = arith.cmpi sge, %sub3A_2112, %ge3A_2114 : vector<16xi32>
      %lt3A_2116 = arith.constant 25040 : i32
      %lt3A_2117 = vector.broadcast %lt3A_2116 : i32 to vector<16xi32>
      %lt3A_2118 = arith.cmpi slt, %sub3A_2112, %lt3A_2117 : vector<16xi32>
      %and3A_2119 = arith.andi %ge3A_2115, %lt3A_2118 : vector<16xi1>
      %jit3A_2120 = arith.constant 0 : i32
      %broadcast_in_dim3A_2121 = vector.broadcast %jit3A_2120 : i32 to vector<16xi32>
      %select_n3A_2122 = arith.select %and3A_2119, %sub3A_2112, %broadcast_in_dim3A_2121 : vector<16xi1>, vector<16xi32>
      %mul3A_2123 = arith.constant 400 : i32
      %mul3A_2124 = arith.muli %add3A_1187, %mul3A_2123 : i32
      %add3A_2125 = arith.constant 272 : i32
      %add3A_2126 = arith.addi %mul3A_2124, %add3A_2125 : i32
      %get3A_2127 = arith.index_cast %add3A_2126 : i32 to index
      %get3A_2128 = tpu.vector_load %arg8[%get3A_2127] {strides = array<i32>} : memref<12800xf32, #tpu.memory_space<vmem>>, vector<16xf32>,
      %mul3A_2129 = arith.mulf %sub3A_1212, %get3A_2128 : vector<16xf32>
      %get3A_2130 = arith.constant 272 : index
      %get3A_2131 = tpu.vector_load %arg10[%get3A_2130] {strides = array<i32>} : memref<400xf32, #tpu.memory_space<vmem>>, vector<16xf32>,
      %mul3A_2132 = arith.mulf %gather3A_1209, %get3A_2131 : vector<16xf32>
      %add3A_2133 = arith.addf %mul3A_2129, %mul3A_2132 : vector<16xf32>
      tpu.vector_store_idx %arg12[%select_n3A_2122], %add3A_2133 masked %and3A_2119 : memref<25040xf32, #tpu.memory_space<vmem>>[vector<16xi32>], vector<16xf32>, vector<16xi1>
      %get3A_2134 = arith.constant 288 : index
      %get3A_2135 = tpu.vector_load %arg7[%get3A_2134] {strides = array<i32>} : memref<400xi32, #tpu.memory_space<vmem>>, vector<16xi32>,
      %sub3A_2136 = arith.constant 24960 : i32
      %sub3A_2137 = vector.broadcast %sub3A_2136 : i32 to vector<16xi32>
      %sub3A_2138 = arith.subi %get3A_2135, %sub3A_2137 : vector<16xi32>
      %ge3A_2139 = arith.constant 0 : i32
      %ge3A_2140 = vector.broadcast %ge3A_2139 : i32 to vector<16xi32>
      %ge3A_2141 = arith.cmpi sge, %sub3A_2138, %ge3A_2140 : vector<16xi32>
      %lt3A_2142 = arith.constant 25040 : i32
      %lt3A_2143 = vector.broadcast %lt3A_2142 : i32 to vector<16xi32>
      %lt3A_2144 = arith.cmpi slt, %sub3A_2138, %lt3A_2143 : vector<16xi32>
      %and3A_2145 = arith.andi %ge3A_2141, %lt3A_2144 : vector<16xi1>
      %jit3A_2146 = arith.constant 0 : i32
      %broadcast_in_dim3A_2147 = vector.broadcast %jit3A_2146 : i32 to vector<16xi32>
      %select_n3A_2148 = arith.select %and3A_2145, %sub3A_2138, %broadcast_in_dim3A_2147 : vector<16xi1>, vector<16xi32>
      %mul3A_2149 = arith.constant 400 : i32
      %mul3A_2150 = arith.muli %add3A_1187, %mul3A_2149 : i32
      %add3A_2151 = arith.constant 288 : i32
      %add3A_2152 = arith.addi %mul3A_2150, %add3A_2151 : i32
      %get3A_2153 = arith.index_cast %add3A_2152 : i32 to index
      %get3A_2154 = tpu.vector_load %arg8[%get3A_2153] {strides = array<i32>} : memref<12800xf32, #tpu.memory_space<vmem>>, vector<16xf32>,
      %mul3A_2155 = arith.mulf %sub3A_1212, %get3A_2154 : vector<16xf32>
      %get3A_2156 = arith.constant 288 : index
      %get3A_2157 = tpu.vector_load %arg10[%get3A_2156] {strides = array<i32>} : memref<400xf32, #tpu.memory_space<vmem>>, vector<16xf32>,
      %mul3A_2158 = arith.mulf %gather3A_1209, %get3A_2157 : vector<16xf32>
      %add3A_2159 = arith.addf %mul3A_2155, %mul3A_2158 : vector<16xf32>
      tpu.vector_store_idx %arg12[%select_n3A_2148], %add3A_2159 masked %and3A_2145 : memref<25040xf32, #tpu.memory_space<vmem>>[vector<16xi32>], vector<16xf32>, vector<16xi1>
      %get3A_2160 = arith.constant 304 : index
      %get3A_2161 = tpu.vector_load %arg7[%get3A_2160] {strides = array<i32>} : memref<400xi32, #tpu.memory_space<vmem>>, vector<16xi32>,
      %sub3A_2162 = arith.constant 24960 : i32
      %sub3A_2163 = vector.broadcast %sub3A_2162 : i32 to vector<16xi32>
      %sub3A_2164 = arith.subi %get3A_2161, %sub3A_2163 : vector<16xi32>
      %ge3A_2165 = arith.constant 0 : i32
      %ge3A_2166 = vector.broadcast %ge3A_2165 : i32 to vector<16xi32>
      %ge3A_2167 = arith.cmpi sge, %sub3A_2164, %ge3A_2166 : vector<16xi32>
      %lt3A_2168 = arith.constant 25040 : i32
      %lt3A_2169 = vector.broadcast %lt3A_2168 : i32 to vector<16xi32>
      %lt3A_2170 = arith.cmpi slt, %sub3A_2164, %lt3A_2169 : vector<16xi32>
      %and3A_2171 = arith.andi %ge3A_2167, %lt3A_2170 : vector<16xi1>
      %jit3A_2172 = arith.constant 0 : i32
      %broadcast_in_dim3A_2173 = vector.broadcast %jit3A_2172 : i32 to vector<16xi32>
      %select_n3A_2174 = arith.select %and3A_2171, %sub3A_2164, %broadcast_in_dim3A_2173 : vector<16xi1>, vector<16xi32>
      %mul3A_2175 = arith.constant 400 : i32
      %mul3A_2176 = arith.muli %add3A_1187, %mul3A_2175 : i32
      %add3A_2177 = arith.constant 304 : i32
      %add3A_2178 = arith.addi %mul3A_2176, %add3A_2177 : i32
      %get3A_2179 = arith.index_cast %add3A_2178 : i32 to index
      %get3A_2180 = tpu.vector_load %arg8[%get3A_2179] {strides = array<i32>} : memref<12800xf32, #tpu.memory_space<vmem>>, vector<16xf32>,
      %mul3A_2181 = arith.mulf %sub3A_1212, %get3A_2180 : vector<16xf32>
      %get3A_2182 = arith.constant 304 : index
      %get3A_2183 = tpu.vector_load %arg10[%get3A_2182] {strides = array<i32>} : memref<400xf32, #tpu.memory_space<vmem>>, vector<16xf32>,
      %mul3A_2184 = arith.mulf %gather3A_1209, %get3A_2183 : vector<16xf32>
      %add3A_2185 = arith.addf %mul3A_2181, %mul3A_2184 : vector<16xf32>
      tpu.vector_store_idx %arg12[%select_n3A_2174], %add3A_2185 masked %and3A_2171 : memref<25040xf32, #tpu.memory_space<vmem>>[vector<16xi32>], vector<16xf32>, vector<16xi1>
      %get3A_2186 = arith.constant 320 : index
      %get3A_2187 = tpu.vector_load %arg7[%get3A_2186] {strides = array<i32>} : memref<400xi32, #tpu.memory_space<vmem>>, vector<16xi32>,
      %sub3A_2188 = arith.constant 24960 : i32
      %sub3A_2189 = vector.broadcast %sub3A_2188 : i32 to vector<16xi32>
      %sub3A_2190 = arith.subi %get3A_2187, %sub3A_2189 : vector<16xi32>
      %ge3A_2191 = arith.constant 0 : i32
      %ge3A_2192 = vector.broadcast %ge3A_2191 : i32 to vector<16xi32>
      %ge3A_2193 = arith.cmpi sge, %sub3A_2190, %ge3A_2192 : vector<16xi32>
      %lt3A_2194 = arith.constant 25040 : i32
      %lt3A_2195 = vector.broadcast %lt3A_2194 : i32 to vector<16xi32>
      %lt3A_2196 = arith.cmpi slt, %sub3A_2190, %lt3A_2195 : vector<16xi32>
      %and3A_2197 = arith.andi %ge3A_2193, %lt3A_2196 : vector<16xi1>
      %jit3A_2198 = arith.constant 0 : i32
      %broadcast_in_dim3A_2199 = vector.broadcast %jit3A_2198 : i32 to vector<16xi32>
      %select_n3A_2200 = arith.select %and3A_2197, %sub3A_2190, %broadcast_in_dim3A_2199 : vector<16xi1>, vector<16xi32>
      %mul3A_2201 = arith.constant 400 : i32
      %mul3A_2202 = arith.muli %add3A_1187, %mul3A_2201 : i32
      %add3A_2203 = arith.constant 320 : i32
      %add3A_2204 = arith.addi %mul3A_2202, %add3A_2203 : i32
      %get3A_2205 = arith.index_cast %add3A_2204 : i32 to index
      %get3A_2206 = tpu.vector_load %arg8[%get3A_2205] {strides = array<i32>} : memref<12800xf32, #tpu.memory_space<vmem>>, vector<16xf32>,
      %mul3A_2207 = arith.mulf %sub3A_1212, %get3A_2206 : vector<16xf32>
      %get3A_2208 = arith.constant 320 : index
      %get3A_2209 = tpu.vector_load %arg10[%get3A_2208] {strides = array<i32>} : memref<400xf32, #tpu.memory_space<vmem>>, vector<16xf32>,
      %mul3A_2210 = arith.mulf %gather3A_1209, %get3A_2209 : vector<16xf32>
      %add3A_2211 = arith.addf %mul3A_2207, %mul3A_2210 : vector<16xf32>
      tpu.vector_store_idx %arg12[%select_n3A_2200], %add3A_2211 masked %and3A_2197 : memref<25040xf32, #tpu.memory_space<vmem>>[vector<16xi32>], vector<16xf32>, vector<16xi1>
      %get3A_2212 = arith.constant 336 : index
      %get3A_2213 = tpu.vector_load %arg7[%get3A_2212] {strides = array<i32>} : memref<400xi32, #tpu.memory_space<vmem>>, vector<16xi32>,
      %sub3A_2214 = arith.constant 24960 : i32
      %sub3A_2215 = vector.broadcast %sub3A_2214 : i32 to vector<16xi32>
      %sub3A_2216 = arith.subi %get3A_2213, %sub3A_2215 : vector<16xi32>
      %ge3A_2217 = arith.constant 0 : i32
      %ge3A_2218 = vector.broadcast %ge3A_2217 : i32 to vector<16xi32>
      %ge3A_2219 = arith.cmpi sge, %sub3A_2216, %ge3A_2218 : vector<16xi32>
      %lt3A_2220 = arith.constant 25040 : i32
      %lt3A_2221 = vector.broadcast %lt3A_2220 : i32 to vector<16xi32>
      %lt3A_2222 = arith.cmpi slt, %sub3A_2216, %lt3A_2221 : vector<16xi32>
      %and3A_2223 = arith.andi %ge3A_2219, %lt3A_2222 : vector<16xi1>
      %jit3A_2224 = arith.constant 0 : i32
      %broadcast_in_dim3A_2225 = vector.broadcast %jit3A_2224 : i32 to vector<16xi32>
      %select_n3A_2226 = arith.select %and3A_2223, %sub3A_2216, %broadcast_in_dim3A_2225 : vector<16xi1>, vector<16xi32>
      %mul3A_2227 = arith.constant 400 : i32
      %mul3A_2228 = arith.muli %add3A_1187, %mul3A_2227 : i32
      %add3A_2229 = arith.constant 336 : i32
      %add3A_2230 = arith.addi %mul3A_2228, %add3A_2229 : i32
      %get3A_2231 = arith.index_cast %add3A_2230 : i32 to index
      %get3A_2232 = tpu.vector_load %arg8[%get3A_2231] {strides = array<i32>} : memref<12800xf32, #tpu.memory_space<vmem>>, vector<16xf32>,
      %mul3A_2233 = arith.mulf %sub3A_1212, %get3A_2232 : vector<16xf32>
      %get3A_2234 = arith.constant 336 : index
      %get3A_2235 = tpu.vector_load %arg10[%get3A_2234] {strides = array<i32>} : memref<400xf32, #tpu.memory_space<vmem>>, vector<16xf32>,
      %mul3A_2236 = arith.mulf %gather3A_1209, %get3A_2235 : vector<16xf32>
      %add3A_2237 = arith.addf %mul3A_2233, %mul3A_2236 : vector<16xf32>
      tpu.vector_store_idx %arg12[%select_n3A_2226], %add3A_2237 masked %and3A_2223 : memref<25040xf32, #tpu.memory_space<vmem>>[vector<16xi32>], vector<16xf32>, vector<16xi1>
      %get3A_2238 = arith.constant 352 : index
      %get3A_2239 = tpu.vector_load %arg7[%get3A_2238] {strides = array<i32>} : memref<400xi32, #tpu.memory_space<vmem>>, vector<16xi32>,
      %sub3A_2240 = arith.constant 24960 : i32
      %sub3A_2241 = vector.broadcast %sub3A_2240 : i32 to vector<16xi32>
      %sub3A_2242 = arith.subi %get3A_2239, %sub3A_2241 : vector<16xi32>
      %ge3A_2243 = arith.constant 0 : i32
      %ge3A_2244 = vector.broadcast %ge3A_2243 : i32 to vector<16xi32>
      %ge3A_2245 = arith.cmpi sge, %sub3A_2242, %ge3A_2244 : vector<16xi32>
      %lt3A_2246 = arith.constant 25040 : i32
      %lt3A_2247 = vector.broadcast %lt3A_2246 : i32 to vector<16xi32>
      %lt3A_2248 = arith.cmpi slt, %sub3A_2242, %lt3A_2247 : vector<16xi32>
      %and3A_2249 = arith.andi %ge3A_2245, %lt3A_2248 : vector<16xi1>
      %jit3A_2250 = arith.constant 0 : i32
      %broadcast_in_dim3A_2251 = vector.broadcast %jit3A_2250 : i32 to vector<16xi32>
      %select_n3A_2252 = arith.select %and3A_2249, %sub3A_2242, %broadcast_in_dim3A_2251 : vector<16xi1>, vector<16xi32>
      %mul3A_2253 = arith.constant 400 : i32
      %mul3A_2254 = arith.muli %add3A_1187, %mul3A_2253 : i32
      %add3A_2255 = arith.constant 352 : i32
      %add3A_2256 = arith.addi %mul3A_2254, %add3A_2255 : i32
      %get3A_2257 = arith.index_cast %add3A_2256 : i32 to index
      %get3A_2258 = tpu.vector_load %arg8[%get3A_2257] {strides = array<i32>} : memref<12800xf32, #tpu.memory_space<vmem>>, vector<16xf32>,
      %mul3A_2259 = arith.mulf %sub3A_1212, %get3A_2258 : vector<16xf32>
      %get3A_2260 = arith.constant 352 : index
      %get3A_2261 = tpu.vector_load %arg10[%get3A_2260] {strides = array<i32>} : memref<400xf32, #tpu.memory_space<vmem>>, vector<16xf32>,
      %mul3A_2262 = arith.mulf %gather3A_1209, %get3A_2261 : vector<16xf32>
      %add3A_2263 = arith.addf %mul3A_2259, %mul3A_2262 : vector<16xf32>
      tpu.vector_store_idx %arg12[%select_n3A_2252], %add3A_2263 masked %and3A_2249 : memref<25040xf32, #tpu.memory_space<vmem>>[vector<16xi32>], vector<16xf32>, vector<16xi1>
      %get3A_2264 = arith.constant 368 : index
      %get3A_2265 = tpu.vector_load %arg7[%get3A_2264] {strides = array<i32>} : memref<400xi32, #tpu.memory_space<vmem>>, vector<16xi32>,
      %sub3A_2266 = arith.constant 24960 : i32
      %sub3A_2267 = vector.broadcast %sub3A_2266 : i32 to vector<16xi32>
      %sub3A_2268 = arith.subi %get3A_2265, %sub3A_2267 : vector<16xi32>
      %ge3A_2269 = arith.constant 0 : i32
      %ge3A_2270 = vector.broadcast %ge3A_2269 : i32 to vector<16xi32>
      %ge3A_2271 = arith.cmpi sge, %sub3A_2268, %ge3A_2270 : vector<16xi32>
      %lt3A_2272 = arith.constant 25040 : i32
      %lt3A_2273 = vector.broadcast %lt3A_2272 : i32 to vector<16xi32>
      %lt3A_2274 = arith.cmpi slt, %sub3A_2268, %lt3A_2273 : vector<16xi32>
      %and3A_2275 = arith.andi %ge3A_2271, %lt3A_2274 : vector<16xi1>
      %jit3A_2276 = arith.constant 0 : i32
      %broadcast_in_dim3A_2277 = vector.broadcast %jit3A_2276 : i32 to vector<16xi32>
      %select_n3A_2278 = arith.select %and3A_2275, %sub3A_2268, %broadcast_in_dim3A_2277 : vector<16xi1>, vector<16xi32>
      %mul3A_2279 = arith.constant 400 : i32
      %mul3A_2280 = arith.muli %add3A_1187, %mul3A_2279 : i32
      %add3A_2281 = arith.constant 368 : i32
      %add3A_2282 = arith.addi %mul3A_2280, %add3A_2281 : i32
      %get3A_2283 = arith.index_cast %add3A_2282 : i32 to index
      %get3A_2284 = tpu.vector_load %arg8[%get3A_2283] {strides = array<i32>} : memref<12800xf32, #tpu.memory_space<vmem>>, vector<16xf32>,
      %mul3A_2285 = arith.mulf %sub3A_1212, %get3A_2284 : vector<16xf32>
      %get3A_2286 = arith.constant 368 : index
      %get3A_2287 = tpu.vector_load %arg10[%get3A_2286] {strides = array<i32>} : memref<400xf32, #tpu.memory_space<vmem>>, vector<16xf32>,
      %mul3A_2288 = arith.mulf %gather3A_1209, %get3A_2287 : vector<16xf32>
      %add3A_2289 = arith.addf %mul3A_2285, %mul3A_2288 : vector<16xf32>
      tpu.vector_store_idx %arg12[%select_n3A_2278], %add3A_2289 masked %and3A_2275 : memref<25040xf32, #tpu.memory_space<vmem>>[vector<16xi32>], vector<16xf32>, vector<16xi1>
      %get3A_2290 = arith.constant 384 : index
      %get3A_2291 = tpu.vector_load %arg7[%get3A_2290] {strides = array<i32>} : memref<400xi32, #tpu.memory_space<vmem>>, vector<16xi32>,
      %sub3A_2292 = arith.constant 24960 : i32
      %sub3A_2293 = vector.broadcast %sub3A_2292 : i32 to vector<16xi32>
      %sub3A_2294 = arith.subi %get3A_2291, %sub3A_2293 : vector<16xi32>
      %ge3A_2295 = arith.constant 0 : i32
      %ge3A_2296 = vector.broadcast %ge3A_2295 : i32 to vector<16xi32>
      %ge3A_2297 = arith.cmpi sge, %sub3A_2294, %ge3A_2296 : vector<16xi32>
      %lt3A_2298 = arith.constant 25040 : i32
      %lt3A_2299 = vector.broadcast %lt3A_2298 : i32 to vector<16xi32>
      %lt3A_2300 = arith.cmpi slt, %sub3A_2294, %lt3A_2299 : vector<16xi32>
      %and3A_2301 = arith.andi %ge3A_2297, %lt3A_2300 : vector<16xi1>
      %jit3A_2302 = arith.constant 0 : i32
      %broadcast_in_dim3A_2303 = vector.broadcast %jit3A_2302 : i32 to vector<16xi32>
      %select_n3A_2304 = arith.select %and3A_2301, %sub3A_2294, %broadcast_in_dim3A_2303 : vector<16xi1>, vector<16xi32>
      %mul3A_2305 = arith.constant 400 : i32
      %mul3A_2306 = arith.muli %add3A_1187, %mul3A_2305 : i32
      %add3A_2307 = arith.constant 384 : i32
      %add3A_2308 = arith.addi %mul3A_2306, %add3A_2307 : i32
      %get3A_2309 = arith.index_cast %add3A_2308 : i32 to index
      %get3A_2310 = tpu.vector_load %arg8[%get3A_2309] {strides = array<i32>} : memref<12800xf32, #tpu.memory_space<vmem>>, vector<16xf32>,
      %mul3A_2311 = arith.mulf %sub3A_1212, %get3A_2310 : vector<16xf32>
      %get3A_2312 = arith.constant 384 : index
      %get3A_2313 = tpu.vector_load %arg10[%get3A_2312] {strides = array<i32>} : memref<400xf32, #tpu.memory_space<vmem>>, vector<16xf32>,
      %mul3A_2314 = arith.mulf %gather3A_1209, %get3A_2313 : vector<16xf32>
      %add3A_2315 = arith.addf %mul3A_2311, %mul3A_2314 : vector<16xf32>
      tpu.vector_store_idx %arg12[%select_n3A_2304], %add3A_2315 masked %and3A_2301 : memref<25040xf32, #tpu.memory_space<vmem>>[vector<16xi32>], vector<16xf32>, vector<16xi1>
      %dma_start3A_2316 = arith.constant 0 : i32
      %dma_start3A_2317 = tpu.memref_slice %arg12[%dma_start3A_2316] : memref<25040xf32, #tpu.memory_space<vmem>> -> memref<25040xf32, #tpu.memory_space<vmem>>
      %dma_start3A_2318 = arith.constant 24960 : i32
      %dma_start3A_2319 = tpu.memref_slice %arg6[%add3A_1194, %dma_start3A_2318] : memref<1024x50000xf32, #tpu.memory_space<hbm>> -> memref<1x25040xf32, #tpu.memory_space<hbm>>
      %dma_start3A_2320 = tpu.memref_squeeze %dma_start3A_2319 : memref<1x25040xf32, #tpu.memory_space<hbm>> -> memref<25040xf32, #tpu.memory_space<hbm>>
      %dma_start3A_2321 = arith.constant 24960 : i32
      %dma_start3A_2322 = tpu.memref_slice %arg6[%add3A_1194, %dma_start3A_2321] : memref<1024x50000xf32, #tpu.memory_space<hbm>> -> memref<1x25040xf32, #tpu.memory_space<hbm>>
      %dma_start3A_2323 = tpu.memref_squeeze %dma_start3A_2322 : memref<1x25040xf32, #tpu.memory_space<hbm>> -> memref<25040xf32, #tpu.memory_space<hbm>>
      %dma_start3A_2324 = arith.constant 0 : i32
      %dma_start3A_2325 = tpu.memref_slice %arg12[%dma_start3A_2324] : memref<25040xf32, #tpu.memory_space<vmem>> -> memref<25040xf32, #tpu.memory_space<vmem>>
      tpu.enqueue_dma source(%dma_start3A_2325 : memref<25040xf32, #tpu.memory_space<vmem>>) target(%dma_start3A_2323 : memref<25040xf32, #tpu.memory_space<hbm>>) target_semaphore(%arg20 : memref<!tpu.dma_semaphore, #tpu.memory_space<semaphore_mem>>)
      %mul3A_2326 = arith.constant 2 : i32
      %mul3A_2327 = arith.muli %scan3A_53, %mul3A_2326 : i32
      %add3A_2328 = arith.constant 1 : i32
      %add3A_2329 = arith.addi %mul3A_2327, %add3A_2328 : i32
      %mul3A_2330 = arith.constant 2 : i32
      %mul3A_2331 = arith.muli %scan3A_53, %mul3A_2330 : i32
      %add3A_2332 = arith.constant 1 : i32
      %add3A_2333 = arith.addi %mul3A_2331, %add3A_2332 : i32
      %mul3A_2334 = arith.constant 32 : i32
      %mul3A_2335 = arith.muli %add3A_2333, %mul3A_2334 : i32
      %add3A_2336 = arith.addi %mul3A_2335, %add3A : i32
      %dma_wait3A_2337 = arith.constant 0 : i32
      %dma_wait3A_2338 = tpu.memref_slice %arg13[%dma_wait3A_2337] : memref<25040xf32, #tpu.memory_space<vmem>> -> memref<24960xf32, #tpu.memory_space<vmem>>
      %dma_wait3A_2339 = arith.constant 0 : i32
      %dma_wait3A_2340 = tpu.memref_slice %arg2[%add3A_2336, %dma_wait3A_2339] : memref<1024x50000xf32, #tpu.memory_space<hbm>> -> memref<1x24960xf32, #tpu.memory_space<hbm>>
      %dma_wait3A_2341 = tpu.memref_squeeze %dma_wait3A_2340 : memref<1x24960xf32, #tpu.memory_space<hbm>> -> memref<24960xf32, #tpu.memory_space<hbm>>
      %dma_wait3A_2342 = arith.constant 0 : i32
      %dma_wait3A_2343 = tpu.memref_slice %arg13[%dma_wait3A_2342] : memref<25040xf32, #tpu.memory_space<vmem>> -> memref<24960xf32, #tpu.memory_space<vmem>>
      %dma_wait3A_2344 = arith.constant 0 : i32
      %dma_wait3A_2345 = tpu.memref_slice %arg2[%add3A_2336, %dma_wait3A_2344] : memref<1024x50000xf32, #tpu.memory_space<hbm>> -> memref<1x24960xf32, #tpu.memory_space<hbm>>
      %dma_wait3A_2346 = tpu.memref_squeeze %dma_wait3A_2345 : memref<1x24960xf32, #tpu.memory_space<hbm>> -> memref<24960xf32, #tpu.memory_space<hbm>>
      tpu.wait_dma2 semaphore(%arg17 : memref<!tpu.dma_semaphore, #tpu.memory_space<semaphore_mem>>) src(%dma_wait3A_2346 : memref<24960xf32, #tpu.memory_space<hbm>>) dst(%dma_wait3A_2343 : memref<24960xf32, #tpu.memory_space<vmem>>)
      %broadcast_in_dim3A_2347 = arith.constant 0 : i32
      %broadcast_in_dim3A_2348 = vector.broadcast %broadcast_in_dim3A_2347 : i32 to vector<16xi32>
      %add3A_2349 = vector.broadcast %add3A_2329 : i32 to vector<16xi32>
      %add3A_2350 = arith.addi %broadcast_in_dim3A_2348, %add3A_2349 : vector<16xi32>
      %gather3A_2351 = tpu.vector_load_idx %arg9[%add3A_2350] : memref<32xf32, #tpu.memory_space<vmem>>[vector<16xi32>], vector<16xf32>,
      %sub3A_2352 = arith.constant 1.000000e+00 : f32
      %sub3A_2353 = vector.broadcast %sub3A_2352 : f32 to vector<16xf32>
      %sub3A_2354 = arith.subf %sub3A_2353, %gather3A_2351 : vector<16xf32>
      %get3A_2355 = arith.constant 0 : index
      %get3A_2356 = tpu.vector_load %arg7[%get3A_2355] {strides = array<i32>} : memref<400xi32, #tpu.memory_space<vmem>>, vector<16xi32>,
      %sub3A_2357 = arith.constant 0 : i32
      %sub3A_2358 = vector.broadcast %sub3A_2357 : i32 to vector<16xi32>
      %sub3A_2359 = arith.subi %get3A_2356, %sub3A_2358 : vector<16xi32>
      %ge3A_2360 = arith.constant 0 : i32
      %ge3A_2361 = vector.broadcast %ge3A_2360 : i32 to vector<16xi32>
      %ge3A_2362 = arith.cmpi sge, %sub3A_2359, %ge3A_2361 : vector<16xi32>
      %lt3A_2363 = arith.constant 24960 : i32
      %lt3A_2364 = vector.broadcast %lt3A_2363 : i32 to vector<16xi32>
      %lt3A_2365 = arith.cmpi slt, %sub3A_2359, %lt3A_2364 : vector<16xi32>
      %and3A_2366 = arith.andi %ge3A_2362, %lt3A_2365 : vector<16xi1>
      %jit3A_2367 = arith.constant 0 : i32
      %broadcast_in_dim3A_2368 = vector.broadcast %jit3A_2367 : i32 to vector<16xi32>
      %select_n3A_2369 = arith.select %and3A_2366, %sub3A_2359, %broadcast_in_dim3A_2368 : vector<16xi1>, vector<16xi32>
      %gather3A_2370 = tpu.vector_load_idx %arg13[%select_n3A_2369] masked %and3A_2366 : memref<25040xf32, #tpu.memory_space<vmem>>[vector<16xi32>], vector<16xf32>, vector<16xi1>
      %swap3A_2371 = arith.constant 0 : index
      %swap3A_2372 = tpu.vector_load %arg10[%swap3A_2371] {strides = array<i32>} : memref<400xf32, #tpu.memory_space<vmem>>, vector<16xf32>,
      tpu.vector_store %arg10[%swap3A_2371], %gather3A_2370 {strides = array<i32>} : memref<400xf32, #tpu.memory_space<vmem>>, vector<16xf32>,
      %get3A_2373 = arith.constant 16 : index
      %get3A_2374 = tpu.vector_load %arg7[%get3A_2373] {strides = array<i32>} : memref<400xi32, #tpu.memory_space<vmem>>, vector<16xi32>,
      %sub3A_2375 = arith.constant 0 : i32
      %sub3A_2376 = vector.broadcast %sub3A_2375 : i32 to vector<16xi32>
      %sub3A_2377 = arith.subi %get3A_2374, %sub3A_2376 : vector<16xi32>
      %ge3A_2378 = arith.constant 0 : i32
      %ge3A_2379 = vector.broadcast %ge3A_2378 : i32 to vector<16xi32>
      %ge3A_2380 = arith.cmpi sge, %sub3A_2377, %ge3A_2379 : vector<16xi32>
      %lt3A_2381 = arith.constant 24960 : i32
      %lt3A_2382 = vector.broadcast %lt3A_2381 : i32 to vector<16xi32>
      %lt3A_2383 = arith.cmpi slt, %sub3A_2377, %lt3A_2382 : vector<16xi32>
      %and3A_2384 = arith.andi %ge3A_2380, %lt3A_2383 : vector<16xi1>
      %jit3A_2385 = arith.constant 0 : i32
      %broadcast_in_dim3A_2386 = vector.broadcast %jit3A_2385 : i32 to vector<16xi32>
      %select_n3A_2387 = arith.select %and3A_2384, %sub3A_2377, %broadcast_in_dim3A_2386 : vector<16xi1>, vector<16xi32>
      %gather3A_2388 = tpu.vector_load_idx %arg13[%select_n3A_2387] masked %and3A_2384 : memref<25040xf32, #tpu.memory_space<vmem>>[vector<16xi32>], vector<16xf32>, vector<16xi1>
      %swap3A_2389 = arith.constant 16 : index
      %swap3A_2390 = tpu.vector_load %arg10[%swap3A_2389] {strides = array<i32>} : memref<400xf32, #tpu.memory_space<vmem>>, vector<16xf32>,
      tpu.vector_store %arg10[%swap3A_2389], %gather3A_2388 {strides = array<i32>} : memref<400xf32, #tpu.memory_space<vmem>>, vector<16xf32>,
      %get3A_2391 = arith.constant 32 : index
      %get3A_2392 = tpu.vector_load %arg7[%get3A_2391] {strides = array<i32>} : memref<400xi32, #tpu.memory_space<vmem>>, vector<16xi32>,
      %sub3A_2393 = arith.constant 0 : i32
      %sub3A_2394 = vector.broadcast %sub3A_2393 : i32 to vector<16xi32>
      %sub3A_2395 = arith.subi %get3A_2392, %sub3A_2394 : vector<16xi32>
      %ge3A_2396 = arith.constant 0 : i32
      %ge3A_2397 = vector.broadcast %ge3A_2396 : i32 to vector<16xi32>
      %ge3A_2398 = arith.cmpi sge, %sub3A_2395, %ge3A_2397 : vector<16xi32>
      %lt3A_2399 = arith.constant 24960 : i32
      %lt3A_2400 = vector.broadcast %lt3A_2399 : i32 to vector<16xi32>
      %lt3A_2401 = arith.cmpi slt, %sub3A_2395, %lt3A_2400 : vector<16xi32>
      %and3A_2402 = arith.andi %ge3A_2398, %lt3A_2401 : vector<16xi1>
      %jit3A_2403 = arith.constant 0 : i32
      %broadcast_in_dim3A_2404 = vector.broadcast %jit3A_2403 : i32 to vector<16xi32>
      %select_n3A_2405 = arith.select %and3A_2402, %sub3A_2395, %broadcast_in_dim3A_2404 : vector<16xi1>, vector<16xi32>
      %gather3A_2406 = tpu.vector_load_idx %arg13[%select_n3A_2405] masked %and3A_2402 : memref<25040xf32, #tpu.memory_space<vmem>>[vector<16xi32>], vector<16xf32>, vector<16xi1>
      %swap3A_2407 = arith.constant 32 : index
      %swap3A_2408 = tpu.vector_load %arg10[%swap3A_2407] {strides = array<i32>} : memref<400xf32, #tpu.memory_space<vmem>>, vector<16xf32>,
      tpu.vector_store %arg10[%swap3A_2407], %gather3A_2406 {strides = array<i32>} : memref<400xf32, #tpu.memory_space<vmem>>, vector<16xf32>,
      %get3A_2409 = arith.constant 48 : index
      %get3A_2410 = tpu.vector_load %arg7[%get3A_2409] {strides = array<i32>} : memref<400xi32, #tpu.memory_space<vmem>>, vector<16xi32>,
      %sub3A_2411 = arith.constant 0 : i32
      %sub3A_2412 = vector.broadcast %sub3A_2411 : i32 to vector<16xi32>
      %sub3A_2413 = arith.subi %get3A_2410, %sub3A_2412 : vector<16xi32>
      %ge3A_2414 = arith.constant 0 : i32
      %ge3A_2415 = vector.broadcast %ge3A_2414 : i32 to vector<16xi32>
      %ge3A_2416 = arith.cmpi sge, %sub3A_2413, %ge3A_2415 : vector<16xi32>
      %lt3A_2417 = arith.constant 24960 : i32
      %lt3A_2418 = vector.broadcast %lt3A_2417 : i32 to vector<16xi32>
      %lt3A_2419 = arith.cmpi slt, %sub3A_2413, %lt3A_2418 : vector<16xi32>
      %and3A_2420 = arith.andi %ge3A_2416, %lt3A_2419 : vector<16xi1>
      %jit3A_2421 = arith.constant 0 : i32
      %broadcast_in_dim3A_2422 = vector.broadcast %jit3A_2421 : i32 to vector<16xi32>
      %select_n3A_2423 = arith.select %and3A_2420, %sub3A_2413, %broadcast_in_dim3A_2422 : vector<16xi1>, vector<16xi32>
      %gather3A_2424 = tpu.vector_load_idx %arg13[%select_n3A_2423] masked %and3A_2420 : memref<25040xf32, #tpu.memory_space<vmem>>[vector<16xi32>], vector<16xf32>, vector<16xi1>
      %swap3A_2425 = arith.constant 48 : index
      %swap3A_2426 = tpu.vector_load %arg10[%swap3A_2425] {strides = array<i32>} : memref<400xf32, #tpu.memory_space<vmem>>, vector<16xf32>,
      tpu.vector_store %arg10[%swap3A_2425], %gather3A_2424 {strides = array<i32>} : memref<400xf32, #tpu.memory_space<vmem>>, vector<16xf32>,
      %get3A_2427 = arith.constant 64 : index
      %get3A_2428 = tpu.vector_load %arg7[%get3A_2427] {strides = array<i32>} : memref<400xi32, #tpu.memory_space<vmem>>, vector<16xi32>,
      %sub3A_2429 = arith.constant 0 : i32
      %sub3A_2430 = vector.broadcast %sub3A_2429 : i32 to vector<16xi32>
      %sub3A_2431 = arith.subi %get3A_2428, %sub3A_2430 : vector<16xi32>
      %ge3A_2432 = arith.constant 0 : i32
      %ge3A_2433 = vector.broadcast %ge3A_2432 : i32 to vector<16xi32>
      %ge3A_2434 = arith.cmpi sge, %sub3A_2431, %ge3A_2433 : vector<16xi32>
      %lt3A_2435 = arith.constant 24960 : i32
      %lt3A_2436 = vector.broadcast %lt3A_2435 : i32 to vector<16xi32>
      %lt3A_2437 = arith.cmpi slt, %sub3A_2431, %lt3A_2436 : vector<16xi32>
      %and3A_2438 = arith.andi %ge3A_2434, %lt3A_2437 : vector<16xi1>
      %jit3A_2439 = arith.constant 0 : i32
      %broadcast_in_dim3A_2440 = vector.broadcast %jit3A_2439 : i32 to vector<16xi32>
      %select_n3A_2441 = arith.select %and3A_2438, %sub3A_2431, %broadcast_in_dim3A_2440 : vector<16xi1>, vector<16xi32>
      %gather3A_2442 = tpu.vector_load_idx %arg13[%select_n3A_2441] masked %and3A_2438 : memref<25040xf32, #tpu.memory_space<vmem>>[vector<16xi32>], vector<16xf32>, vector<16xi1>
      %swap3A_2443 = arith.constant 64 : index
      %swap3A_2444 = tpu.vector_load %arg10[%swap3A_2443] {strides = array<i32>} : memref<400xf32, #tpu.memory_space<vmem>>, vector<16xf32>,
      tpu.vector_store %arg10[%swap3A_2443], %gather3A_2442 {strides = array<i32>} : memref<400xf32, #tpu.memory_space<vmem>>, vector<16xf32>,
      %get3A_2445 = arith.constant 80 : index
      %get3A_2446 = tpu.vector_load %arg7[%get3A_2445] {strides = array<i32>} : memref<400xi32, #tpu.memory_space<vmem>>, vector<16xi32>,
      %sub3A_2447 = arith.constant 0 : i32
      %sub3A_2448 = vector.broadcast %sub3A_2447 : i32 to vector<16xi32>
      %sub3A_2449 = arith.subi %get3A_2446, %sub3A_2448 : vector<16xi32>
      %ge3A_2450 = arith.constant 0 : i32
      %ge3A_2451 = vector.broadcast %ge3A_2450 : i32 to vector<16xi32>
      %ge3A_2452 = arith.cmpi sge, %sub3A_2449, %ge3A_2451 : vector<16xi32>
      %lt3A_2453 = arith.constant 24960 : i32
      %lt3A_2454 = vector.broadcast %lt3A_2453 : i32 to vector<16xi32>
      %lt3A_2455 = arith.cmpi slt, %sub3A_2449, %lt3A_2454 : vector<16xi32>
      %and3A_2456 = arith.andi %ge3A_2452, %lt3A_2455 : vector<16xi1>
      %jit3A_2457 = arith.constant 0 : i32
      %broadcast_in_dim3A_2458 = vector.broadcast %jit3A_2457 : i32 to vector<16xi32>
      %select_n3A_2459 = arith.select %and3A_2456, %sub3A_2449, %broadcast_in_dim3A_2458 : vector<16xi1>, vector<16xi32>
      %gather3A_2460 = tpu.vector_load_idx %arg13[%select_n3A_2459] masked %and3A_2456 : memref<25040xf32, #tpu.memory_space<vmem>>[vector<16xi32>], vector<16xf32>, vector<16xi1>
      %swap3A_2461 = arith.constant 80 : index
      %swap3A_2462 = tpu.vector_load %arg10[%swap3A_2461] {strides = array<i32>} : memref<400xf32, #tpu.memory_space<vmem>>, vector<16xf32>,
      tpu.vector_store %arg10[%swap3A_2461], %gather3A_2460 {strides = array<i32>} : memref<400xf32, #tpu.memory_space<vmem>>, vector<16xf32>,
      %get3A_2463 = arith.constant 96 : index
      %get3A_2464 = tpu.vector_load %arg7[%get3A_2463] {strides = array<i32>} : memref<400xi32, #tpu.memory_space<vmem>>, vector<16xi32>,
      %sub3A_2465 = arith.constant 0 : i32
      %sub3A_2466 = vector.broadcast %sub3A_2465 : i32 to vector<16xi32>
      %sub3A_2467 = arith.subi %get3A_2464, %sub3A_2466 : vector<16xi32>
      %ge3A_2468 = arith.constant 0 : i32
      %ge3A_2469 = vector.broadcast %ge3A_2468 : i32 to vector<16xi32>
      %ge3A_2470 = arith.cmpi sge, %sub3A_2467, %ge3A_2469 : vector<16xi32>
      %lt3A_2471 = arith.constant 24960 : i32
      %lt3A_2472 = vector.broadcast %lt3A_2471 : i32 to vector<16xi32>
      %lt3A_2473 = arith.cmpi slt, %sub3A_2467, %lt3A_2472 : vector<16xi32>
      %and3A_2474 = arith.andi %ge3A_2470, %lt3A_2473 : vector<16xi1>
      %jit3A_2475 = arith.constant 0 : i32
      %broadcast_in_dim3A_2476 = vector.broadcast %jit3A_2475 : i32 to vector<16xi32>
      %select_n3A_2477 = arith.select %and3A_2474, %sub3A_2467, %broadcast_in_dim3A_2476 : vector<16xi1>, vector<16xi32>
      %gather3A_2478 = tpu.vector_load_idx %arg13[%select_n3A_2477] masked %and3A_2474 : memref<25040xf32, #tpu.memory_space<vmem>>[vector<16xi32>], vector<16xf32>, vector<16xi1>
      %swap3A_2479 = arith.constant 96 : index
      %swap3A_2480 = tpu.vector_load %arg10[%swap3A_2479] {strides = array<i32>} : memref<400xf32, #tpu.memory_space<vmem>>, vector<16xf32>,
      tpu.vector_store %arg10[%swap3A_2479], %gather3A_2478 {strides = array<i32>} : memref<400xf32, #tpu.memory_space<vmem>>, vector<16xf32>,
      %get3A_2481 = arith.constant 112 : index
      %get3A_2482 = tpu.vector_load %arg7[%get3A_2481] {strides = array<i32>} : memref<400xi32, #tpu.memory_space<vmem>>, vector<16xi32>,
      %sub3A_2483 = arith.constant 0 : i32
      %sub3A_2484 = vector.broadcast %sub3A_2483 : i32 to vector<16xi32>
      %sub3A_2485 = arith.subi %get3A_2482, %sub3A_2484 : vector<16xi32>
      %ge3A_2486 = arith.constant 0 : i32
      %ge3A_2487 = vector.broadcast %ge3A_2486 : i32 to vector<16xi32>
      %ge3A_2488 = arith.cmpi sge, %sub3A_2485, %ge3A_2487 : vector<16xi32>
      %lt3A_2489 = arith.constant 24960 : i32
      %lt3A_2490 = vector.broadcast %lt3A_2489 : i32 to vector<16xi32>
      %lt3A_2491 = arith.cmpi slt, %sub3A_2485, %lt3A_2490 : vector<16xi32>
      %and3A_2492 = arith.andi %ge3A_2488, %lt3A_2491 : vector<16xi1>
      %jit3A_2493 = arith.constant 0 : i32
      %broadcast_in_dim3A_2494 = vector.broadcast %jit3A_2493 : i32 to vector<16xi32>
      %select_n3A_2495 = arith.select %and3A_2492, %sub3A_2485, %broadcast_in_dim3A_2494 : vector<16xi1>, vector<16xi32>
      %gather3A_2496 = tpu.vector_load_idx %arg13[%select_n3A_2495] masked %and3A_2492 : memref<25040xf32, #tpu.memory_space<vmem>>[vector<16xi32>], vector<16xf32>, vector<16xi1>
      %swap3A_2497 = arith.constant 112 : index
      %swap3A_2498 = tpu.vector_load %arg10[%swap3A_2497] {strides = array<i32>} : memref<400xf32, #tpu.memory_space<vmem>>, vector<16xf32>,
      tpu.vector_store %arg10[%swap3A_2497], %gather3A_2496 {strides = array<i32>} : memref<400xf32, #tpu.memory_space<vmem>>, vector<16xf32>,
      %get3A_2499 = arith.constant 128 : index
      %get3A_2500 = tpu.vector_load %arg7[%get3A_2499] {strides = array<i32>} : memref<400xi32, #tpu.memory_space<vmem>>, vector<16xi32>,
      %sub3A_2501 = arith.constant 0 : i32
      %sub3A_2502 = vector.broadcast %sub3A_2501 : i32 to vector<16xi32>
      %sub3A_2503 = arith.subi %get3A_2500, %sub3A_2502 : vector<16xi32>
      %ge3A_2504 = arith.constant 0 : i32
      %ge3A_2505 = vector.broadcast %ge3A_2504 : i32 to vector<16xi32>
      %ge3A_2506 = arith.cmpi sge, %sub3A_2503, %ge3A_2505 : vector<16xi32>
      %lt3A_2507 = arith.constant 24960 : i32
      %lt3A_2508 = vector.broadcast %lt3A_2507 : i32 to vector<16xi32>
      %lt3A_2509 = arith.cmpi slt, %sub3A_2503, %lt3A_2508 : vector<16xi32>
      %and3A_2510 = arith.andi %ge3A_2506, %lt3A_2509 : vector<16xi1>
      %jit3A_2511 = arith.constant 0 : i32
      %broadcast_in_dim3A_2512 = vector.broadcast %jit3A_2511 : i32 to vector<16xi32>
      %select_n3A_2513 = arith.select %and3A_2510, %sub3A_2503, %broadcast_in_dim3A_2512 : vector<16xi1>, vector<16xi32>
      %gather3A_2514 = tpu.vector_load_idx %arg13[%select_n3A_2513] masked %and3A_2510 : memref<25040xf32, #tpu.memory_space<vmem>>[vector<16xi32>], vector<16xf32>, vector<16xi1>
      %swap3A_2515 = arith.constant 128 : index
      %swap3A_2516 = tpu.vector_load %arg10[%swap3A_2515] {strides = array<i32>} : memref<400xf32, #tpu.memory_space<vmem>>, vector<16xf32>,
      tpu.vector_store %arg10[%swap3A_2515], %gather3A_2514 {strides = array<i32>} : memref<400xf32, #tpu.memory_space<vmem>>, vector<16xf32>,
      %get3A_2517 = arith.constant 144 : index
      %get3A_2518 = tpu.vector_load %arg7[%get3A_2517] {strides = array<i32>} : memref<400xi32, #tpu.memory_space<vmem>>, vector<16xi32>,
      %sub3A_2519 = arith.constant 0 : i32
      %sub3A_2520 = vector.broadcast %sub3A_2519 : i32 to vector<16xi32>
      %sub3A_2521 = arith.subi %get3A_2518, %sub3A_2520 : vector<16xi32>
      %ge3A_2522 = arith.constant 0 : i32
      %ge3A_2523 = vector.broadcast %ge3A_2522 : i32 to vector<16xi32>
      %ge3A_2524 = arith.cmpi sge, %sub3A_2521, %ge3A_2523 : vector<16xi32>
      %lt3A_2525 = arith.constant 24960 : i32
      %lt3A_2526 = vector.broadcast %lt3A_2525 : i32 to vector<16xi32>
      %lt3A_2527 = arith.cmpi slt, %sub3A_2521, %lt3A_2526 : vector<16xi32>
      %and3A_2528 = arith.andi %ge3A_2524, %lt3A_2527 : vector<16xi1>
      %jit3A_2529 = arith.constant 0 : i32
      %broadcast_in_dim3A_2530 = vector.broadcast %jit3A_2529 : i32 to vector<16xi32>
      %select_n3A_2531 = arith.select %and3A_2528, %sub3A_2521, %broadcast_in_dim3A_2530 : vector<16xi1>, vector<16xi32>
      %gather3A_2532 = tpu.vector_load_idx %arg13[%select_n3A_2531] masked %and3A_2528 : memref<25040xf32, #tpu.memory_space<vmem>>[vector<16xi32>], vector<16xf32>, vector<16xi1>
      %swap3A_2533 = arith.constant 144 : index
      %swap3A_2534 = tpu.vector_load %arg10[%swap3A_2533] {strides = array<i32>} : memref<400xf32, #tpu.memory_space<vmem>>, vector<16xf32>,
      tpu.vector_store %arg10[%swap3A_2533], %gather3A_2532 {strides = array<i32>} : memref<400xf32, #tpu.memory_space<vmem>>, vector<16xf32>,
      %get3A_2535 = arith.constant 160 : index
      %get3A_2536 = tpu.vector_load %arg7[%get3A_2535] {strides = array<i32>} : memref<400xi32, #tpu.memory_space<vmem>>, vector<16xi32>,
      %sub3A_2537 = arith.constant 0 : i32
      %sub3A_2538 = vector.broadcast %sub3A_2537 : i32 to vector<16xi32>
      %sub3A_2539 = arith.subi %get3A_2536, %sub3A_2538 : vector<16xi32>
      %ge3A_2540 = arith.constant 0 : i32
      %ge3A_2541 = vector.broadcast %ge3A_2540 : i32 to vector<16xi32>
      %ge3A_2542 = arith.cmpi sge, %sub3A_2539, %ge3A_2541 : vector<16xi32>
      %lt3A_2543 = arith.constant 24960 : i32
      %lt3A_2544 = vector.broadcast %lt3A_2543 : i32 to vector<16xi32>
      %lt3A_2545 = arith.cmpi slt, %sub3A_2539, %lt3A_2544 : vector<16xi32>
      %and3A_2546 = arith.andi %ge3A_2542, %lt3A_2545 : vector<16xi1>
      %jit3A_2547 = arith.constant 0 : i32
      %broadcast_in_dim3A_2548 = vector.broadcast %jit3A_2547 : i32 to vector<16xi32>
      %select_n3A_2549 = arith.select %and3A_2546, %sub3A_2539, %broadcast_in_dim3A_2548 : vector<16xi1>, vector<16xi32>
      %gather3A_2550 = tpu.vector_load_idx %arg13[%select_n3A_2549] masked %and3A_2546 : memref<25040xf32, #tpu.memory_space<vmem>>[vector<16xi32>], vector<16xf32>, vector<16xi1>
      %swap3A_2551 = arith.constant 160 : index
      %swap3A_2552 = tpu.vector_load %arg10[%swap3A_2551] {strides = array<i32>} : memref<400xf32, #tpu.memory_space<vmem>>, vector<16xf32>,
      tpu.vector_store %arg10[%swap3A_2551], %gather3A_2550 {strides = array<i32>} : memref<400xf32, #tpu.memory_space<vmem>>, vector<16xf32>,
      %get3A_2553 = arith.constant 176 : index
      %get3A_2554 = tpu.vector_load %arg7[%get3A_2553] {strides = array<i32>} : memref<400xi32, #tpu.memory_space<vmem>>, vector<16xi32>,
      %sub3A_2555 = arith.constant 0 : i32
      %sub3A_2556 = vector.broadcast %sub3A_2555 : i32 to vector<16xi32>
      %sub3A_2557 = arith.subi %get3A_2554, %sub3A_2556 : vector<16xi32>
      %ge3A_2558 = arith.constant 0 : i32
      %ge3A_2559 = vector.broadcast %ge3A_2558 : i32 to vector<16xi32>
      %ge3A_2560 = arith.cmpi sge, %sub3A_2557, %ge3A_2559 : vector<16xi32>
      %lt3A_2561 = arith.constant 24960 : i32
      %lt3A_2562 = vector.broadcast %lt3A_2561 : i32 to vector<16xi32>
      %lt3A_2563 = arith.cmpi slt, %sub3A_2557, %lt3A_2562 : vector<16xi32>
      %and3A_2564 = arith.andi %ge3A_2560, %lt3A_2563 : vector<16xi1>
      %jit3A_2565 = arith.constant 0 : i32
      %broadcast_in_dim3A_2566 = vector.broadcast %jit3A_2565 : i32 to vector<16xi32>
      %select_n3A_2567 = arith.select %and3A_2564, %sub3A_2557, %broadcast_in_dim3A_2566 : vector<16xi1>, vector<16xi32>
      %gather3A_2568 = tpu.vector_load_idx %arg13[%select_n3A_2567] masked %and3A_2564 : memref<25040xf32, #tpu.memory_space<vmem>>[vector<16xi32>], vector<16xf32>, vector<16xi1>
      %swap3A_2569 = arith.constant 176 : index
      %swap3A_2570 = tpu.vector_load %arg10[%swap3A_2569] {strides = array<i32>} : memref<400xf32, #tpu.memory_space<vmem>>, vector<16xf32>,
      tpu.vector_store %arg10[%swap3A_2569], %gather3A_2568 {strides = array<i32>} : memref<400xf32, #tpu.memory_space<vmem>>, vector<16xf32>,
      %get3A_2571 = arith.constant 192 : index
      %get3A_2572 = tpu.vector_load %arg7[%get3A_2571] {strides = array<i32>} : memref<400xi32, #tpu.memory_space<vmem>>, vector<16xi32>,
      %sub3A_2573 = arith.constant 0 : i32
      %sub3A_2574 = vector.broadcast %sub3A_2573 : i32 to vector<16xi32>
      %sub3A_2575 = arith.subi %get3A_2572, %sub3A_2574 : vector<16xi32>
      %ge3A_2576 = arith.constant 0 : i32
      %ge3A_2577 = vector.broadcast %ge3A_2576 : i32 to vector<16xi32>
      %ge3A_2578 = arith.cmpi sge, %sub3A_2575, %ge3A_2577 : vector<16xi32>
      %lt3A_2579 = arith.constant 24960 : i32
      %lt3A_2580 = vector.broadcast %lt3A_2579 : i32 to vector<16xi32>
      %lt3A_2581 = arith.cmpi slt, %sub3A_2575, %lt3A_2580 : vector<16xi32>
      %and3A_2582 = arith.andi %ge3A_2578, %lt3A_2581 : vector<16xi1>
      %jit3A_2583 = arith.constant 0 : i32
      %broadcast_in_dim3A_2584 = vector.broadcast %jit3A_2583 : i32 to vector<16xi32>
      %select_n3A_2585 = arith.select %and3A_2582, %sub3A_2575, %broadcast_in_dim3A_2584 : vector<16xi1>, vector<16xi32>
      %gather3A_2586 = tpu.vector_load_idx %arg13[%select_n3A_2585] masked %and3A_2582 : memref<25040xf32, #tpu.memory_space<vmem>>[vector<16xi32>], vector<16xf32>, vector<16xi1>
      %swap3A_2587 = arith.constant 192 : index
      %swap3A_2588 = tpu.vector_load %arg10[%swap3A_2587] {strides = array<i32>} : memref<400xf32, #tpu.memory_space<vmem>>, vector<16xf32>,
      tpu.vector_store %arg10[%swap3A_2587], %gather3A_2586 {strides = array<i32>} : memref<400xf32, #tpu.memory_space<vmem>>, vector<16xf32>,
      %get3A_2589 = arith.constant 208 : index
      %get3A_2590 = tpu.vector_load %arg7[%get3A_2589] {strides = array<i32>} : memref<400xi32, #tpu.memory_space<vmem>>, vector<16xi32>,
      %sub3A_2591 = arith.constant 0 : i32
      %sub3A_2592 = vector.broadcast %sub3A_2591 : i32 to vector<16xi32>
      %sub3A_2593 = arith.subi %get3A_2590, %sub3A_2592 : vector<16xi32>
      %ge3A_2594 = arith.constant 0 : i32
      %ge3A_2595 = vector.broadcast %ge3A_2594 : i32 to vector<16xi32>
      %ge3A_2596 = arith.cmpi sge, %sub3A_2593, %ge3A_2595 : vector<16xi32>
      %lt3A_2597 = arith.constant 24960 : i32
      %lt3A_2598 = vector.broadcast %lt3A_2597 : i32 to vector<16xi32>
      %lt3A_2599 = arith.cmpi slt, %sub3A_2593, %lt3A_2598 : vector<16xi32>
      %and3A_2600 = arith.andi %ge3A_2596, %lt3A_2599 : vector<16xi1>
      %jit3A_2601 = arith.constant 0 : i32
      %broadcast_in_dim3A_2602 = vector.broadcast %jit3A_2601 : i32 to vector<16xi32>
      %select_n3A_2603 = arith.select %and3A_2600, %sub3A_2593, %broadcast_in_dim3A_2602 : vector<16xi1>, vector<16xi32>
      %gather3A_2604 = tpu.vector_load_idx %arg13[%select_n3A_2603] masked %and3A_2600 : memref<25040xf32, #tpu.memory_space<vmem>>[vector<16xi32>], vector<16xf32>, vector<16xi1>
      %swap3A_2605 = arith.constant 208 : index
      %swap3A_2606 = tpu.vector_load %arg10[%swap3A_2605] {strides = array<i32>} : memref<400xf32, #tpu.memory_space<vmem>>, vector<16xf32>,
      tpu.vector_store %arg10[%swap3A_2605], %gather3A_2604 {strides = array<i32>} : memref<400xf32, #tpu.memory_space<vmem>>, vector<16xf32>,
      %get3A_2607 = arith.constant 224 : index
      %get3A_2608 = tpu.vector_load %arg7[%get3A_2607] {strides = array<i32>} : memref<400xi32, #tpu.memory_space<vmem>>, vector<16xi32>,
      %sub3A_2609 = arith.constant 0 : i32
      %sub3A_2610 = vector.broadcast %sub3A_2609 : i32 to vector<16xi32>
      %sub3A_2611 = arith.subi %get3A_2608, %sub3A_2610 : vector<16xi32>
      %ge3A_2612 = arith.constant 0 : i32
      %ge3A_2613 = vector.broadcast %ge3A_2612 : i32 to vector<16xi32>
      %ge3A_2614 = arith.cmpi sge, %sub3A_2611, %ge3A_2613 : vector<16xi32>
      %lt3A_2615 = arith.constant 24960 : i32
      %lt3A_2616 = vector.broadcast %lt3A_2615 : i32 to vector<16xi32>
      %lt3A_2617 = arith.cmpi slt, %sub3A_2611, %lt3A_2616 : vector<16xi32>
      %and3A_2618 = arith.andi %ge3A_2614, %lt3A_2617 : vector<16xi1>
      %jit3A_2619 = arith.constant 0 : i32
      %broadcast_in_dim3A_2620 = vector.broadcast %jit3A_2619 : i32 to vector<16xi32>
      %select_n3A_2621 = arith.select %and3A_2618, %sub3A_2611, %broadcast_in_dim3A_2620 : vector<16xi1>, vector<16xi32>
      %gather3A_2622 = tpu.vector_load_idx %arg13[%select_n3A_2621] masked %and3A_2618 : memref<25040xf32, #tpu.memory_space<vmem>>[vector<16xi32>], vector<16xf32>, vector<16xi1>
      %swap3A_2623 = arith.constant 224 : index
      %swap3A_2624 = tpu.vector_load %arg10[%swap3A_2623] {strides = array<i32>} : memref<400xf32, #tpu.memory_space<vmem>>, vector<16xf32>,
      tpu.vector_store %arg10[%swap3A_2623], %gather3A_2622 {strides = array<i32>} : memref<400xf32, #tpu.memory_space<vmem>>, vector<16xf32>,
      %get3A_2625 = arith.constant 240 : index
      %get3A_2626 = tpu.vector_load %arg7[%get3A_2625] {strides = array<i32>} : memref<400xi32, #tpu.memory_space<vmem>>, vector<16xi32>,
      %sub3A_2627 = arith.constant 0 : i32
      %sub3A_2628 = vector.broadcast %sub3A_2627 : i32 to vector<16xi32>
      %sub3A_2629 = arith.subi %get3A_2626, %sub3A_2628 : vector<16xi32>
      %ge3A_2630 = arith.constant 0 : i32
      %ge3A_2631 = vector.broadcast %ge3A_2630 : i32 to vector<16xi32>
      %ge3A_2632 = arith.cmpi sge, %sub3A_2629, %ge3A_2631 : vector<16xi32>
      %lt3A_2633 = arith.constant 24960 : i32
      %lt3A_2634 = vector.broadcast %lt3A_2633 : i32 to vector<16xi32>
      %lt3A_2635 = arith.cmpi slt, %sub3A_2629, %lt3A_2634 : vector<16xi32>
      %and3A_2636 = arith.andi %ge3A_2632, %lt3A_2635 : vector<16xi1>
      %jit3A_2637 = arith.constant 0 : i32
      %broadcast_in_dim3A_2638 = vector.broadcast %jit3A_2637 : i32 to vector<16xi32>
      %select_n3A_2639 = arith.select %and3A_2636, %sub3A_2629, %broadcast_in_dim3A_2638 : vector<16xi1>, vector<16xi32>
      %gather3A_2640 = tpu.vector_load_idx %arg13[%select_n3A_2639] masked %and3A_2636 : memref<25040xf32, #tpu.memory_space<vmem>>[vector<16xi32>], vector<16xf32>, vector<16xi1>
      %swap3A_2641 = arith.constant 240 : index
      %swap3A_2642 = tpu.vector_load %arg10[%swap3A_2641] {strides = array<i32>} : memref<400xf32, #tpu.memory_space<vmem>>, vector<16xf32>,
      tpu.vector_store %arg10[%swap3A_2641], %gather3A_2640 {strides = array<i32>} : memref<400xf32, #tpu.memory_space<vmem>>, vector<16xf32>,
      %get3A_2643 = arith.constant 256 : index
      %get3A_2644 = tpu.vector_load %arg7[%get3A_2643] {strides = array<i32>} : memref<400xi32, #tpu.memory_space<vmem>>, vector<16xi32>,
      %sub3A_2645 = arith.constant 0 : i32
      %sub3A_2646 = vector.broadcast %sub3A_2645 : i32 to vector<16xi32>
      %sub3A_2647 = arith.subi %get3A_2644, %sub3A_2646 : vector<16xi32>
      %ge3A_2648 = arith.constant 0 : i32
      %ge3A_2649 = vector.broadcast %ge3A_2648 : i32 to vector<16xi32>
      %ge3A_2650 = arith.cmpi sge, %sub3A_2647, %ge3A_2649 : vector<16xi32>
      %lt3A_2651 = arith.constant 24960 : i32
      %lt3A_2652 = vector.broadcast %lt3A_2651 : i32 to vector<16xi32>
      %lt3A_2653 = arith.cmpi slt, %sub3A_2647, %lt3A_2652 : vector<16xi32>
      %and3A_2654 = arith.andi %ge3A_2650, %lt3A_2653 : vector<16xi1>
      %jit3A_2655 = arith.constant 0 : i32
      %broadcast_in_dim3A_2656 = vector.broadcast %jit3A_2655 : i32 to vector<16xi32>
      %select_n3A_2657 = arith.select %and3A_2654, %sub3A_2647, %broadcast_in_dim3A_2656 : vector<16xi1>, vector<16xi32>
      %gather3A_2658 = tpu.vector_load_idx %arg13[%select_n3A_2657] masked %and3A_2654 : memref<25040xf32, #tpu.memory_space<vmem>>[vector<16xi32>], vector<16xf32>, vector<16xi1>
      %swap3A_2659 = arith.constant 256 : index
      %swap3A_2660 = tpu.vector_load %arg10[%swap3A_2659] {strides = array<i32>} : memref<400xf32, #tpu.memory_space<vmem>>, vector<16xf32>,
      tpu.vector_store %arg10[%swap3A_2659], %gather3A_2658 {strides = array<i32>} : memref<400xf32, #tpu.memory_space<vmem>>, vector<16xf32>,
      %get3A_2661 = arith.constant 272 : index
      %get3A_2662 = tpu.vector_load %arg7[%get3A_2661] {strides = array<i32>} : memref<400xi32, #tpu.memory_space<vmem>>, vector<16xi32>,
      %sub3A_2663 = arith.constant 0 : i32
      %sub3A_2664 = vector.broadcast %sub3A_2663 : i32 to vector<16xi32>
      %sub3A_2665 = arith.subi %get3A_2662, %sub3A_2664 : vector<16xi32>
      %ge3A_2666 = arith.constant 0 : i32
      %ge3A_2667 = vector.broadcast %ge3A_2666 : i32 to vector<16xi32>
      %ge3A_2668 = arith.cmpi sge, %sub3A_2665, %ge3A_2667 : vector<16xi32>
      %lt3A_2669 = arith.constant 24960 : i32
      %lt3A_2670 = vector.broadcast %lt3A_2669 : i32 to vector<16xi32>
      %lt3A_2671 = arith.cmpi slt, %sub3A_2665, %lt3A_2670 : vector<16xi32>
      %and3A_2672 = arith.andi %ge3A_2668, %lt3A_2671 : vector<16xi1>
      %jit3A_2673 = arith.constant 0 : i32
      %broadcast_in_dim3A_2674 = vector.broadcast %jit3A_2673 : i32 to vector<16xi32>
      %select_n3A_2675 = arith.select %and3A_2672, %sub3A_2665, %broadcast_in_dim3A_2674 : vector<16xi1>, vector<16xi32>
      %gather3A_2676 = tpu.vector_load_idx %arg13[%select_n3A_2675] masked %and3A_2672 : memref<25040xf32, #tpu.memory_space<vmem>>[vector<16xi32>], vector<16xf32>, vector<16xi1>
      %swap3A_2677 = arith.constant 272 : index
      %swap3A_2678 = tpu.vector_load %arg10[%swap3A_2677] {strides = array<i32>} : memref<400xf32, #tpu.memory_space<vmem>>, vector<16xf32>,
      tpu.vector_store %arg10[%swap3A_2677], %gather3A_2676 {strides = array<i32>} : memref<400xf32, #tpu.memory_space<vmem>>, vector<16xf32>,
      %get3A_2679 = arith.constant 288 : index
      %get3A_2680 = tpu.vector_load %arg7[%get3A_2679] {strides = array<i32>} : memref<400xi32, #tpu.memory_space<vmem>>, vector<16xi32>,
      %sub3A_2681 = arith.constant 0 : i32
      %sub3A_2682 = vector.broadcast %sub3A_2681 : i32 to vector<16xi32>
      %sub3A_2683 = arith.subi %get3A_2680, %sub3A_2682 : vector<16xi32>
      %ge3A_2684 = arith.constant 0 : i32
      %ge3A_2685 = vector.broadcast %ge3A_2684 : i32 to vector<16xi32>
      %ge3A_2686 = arith.cmpi sge, %sub3A_2683, %ge3A_2685 : vector<16xi32>
      %lt3A_2687 = arith.constant 24960 : i32
      %lt3A_2688 = vector.broadcast %lt3A_2687 : i32 to vector<16xi32>
      %lt3A_2689 = arith.cmpi slt, %sub3A_2683, %lt3A_2688 : vector<16xi32>
      %and3A_2690 = arith.andi %ge3A_2686, %lt3A_2689 : vector<16xi1>
      %jit3A_2691 = arith.constant 0 : i32
      %broadcast_in_dim3A_2692 = vector.broadcast %jit3A_2691 : i32 to vector<16xi32>
      %select_n3A_2693 = arith.select %and3A_2690, %sub3A_2683, %broadcast_in_dim3A_2692 : vector<16xi1>, vector<16xi32>
      %gather3A_2694 = tpu.vector_load_idx %arg13[%select_n3A_2693] masked %and3A_2690 : memref<25040xf32, #tpu.memory_space<vmem>>[vector<16xi32>], vector<16xf32>, vector<16xi1>
      %swap3A_2695 = arith.constant 288 : index
      %swap3A_2696 = tpu.vector_load %arg10[%swap3A_2695] {strides = array<i32>} : memref<400xf32, #tpu.memory_space<vmem>>, vector<16xf32>,
      tpu.vector_store %arg10[%swap3A_2695], %gather3A_2694 {strides = array<i32>} : memref<400xf32, #tpu.memory_space<vmem>>, vector<16xf32>,
      %get3A_2697 = arith.constant 304 : index
      %get3A_2698 = tpu.vector_load %arg7[%get3A_2697] {strides = array<i32>} : memref<400xi32, #tpu.memory_space<vmem>>, vector<16xi32>,
      %sub3A_2699 = arith.constant 0 : i32
      %sub3A_2700 = vector.broadcast %sub3A_2699 : i32 to vector<16xi32>
      %sub3A_2701 = arith.subi %get3A_2698, %sub3A_2700 : vector<16xi32>
      %ge3A_2702 = arith.constant 0 : i32
      %ge3A_2703 = vector.broadcast %ge3A_2702 : i32 to vector<16xi32>
      %ge3A_2704 = arith.cmpi sge, %sub3A_2701, %ge3A_2703 : vector<16xi32>
      %lt3A_2705 = arith.constant 24960 : i32
      %lt3A_2706 = vector.broadcast %lt3A_2705 : i32 to vector<16xi32>
      %lt3A_2707 = arith.cmpi slt, %sub3A_2701, %lt3A_2706 : vector<16xi32>
      %and3A_2708 = arith.andi %ge3A_2704, %lt3A_2707 : vector<16xi1>
      %jit3A_2709 = arith.constant 0 : i32
      %broadcast_in_dim3A_2710 = vector.broadcast %jit3A_2709 : i32 to vector<16xi32>
      %select_n3A_2711 = arith.select %and3A_2708, %sub3A_2701, %broadcast_in_dim3A_2710 : vector<16xi1>, vector<16xi32>
      %gather3A_2712 = tpu.vector_load_idx %arg13[%select_n3A_2711] masked %and3A_2708 : memref<25040xf32, #tpu.memory_space<vmem>>[vector<16xi32>], vector<16xf32>, vector<16xi1>
      %swap3A_2713 = arith.constant 304 : index
      %swap3A_2714 = tpu.vector_load %arg10[%swap3A_2713] {strides = array<i32>} : memref<400xf32, #tpu.memory_space<vmem>>, vector<16xf32>,
      tpu.vector_store %arg10[%swap3A_2713], %gather3A_2712 {strides = array<i32>} : memref<400xf32, #tpu.memory_space<vmem>>, vector<16xf32>,
      %get3A_2715 = arith.constant 320 : index
      %get3A_2716 = tpu.vector_load %arg7[%get3A_2715] {strides = array<i32>} : memref<400xi32, #tpu.memory_space<vmem>>, vector<16xi32>,
      %sub3A_2717 = arith.constant 0 : i32
      %sub3A_2718 = vector.broadcast %sub3A_2717 : i32 to vector<16xi32>
      %sub3A_2719 = arith.subi %get3A_2716, %sub3A_2718 : vector<16xi32>
      %ge3A_2720 = arith.constant 0 : i32
      %ge3A_2721 = vector.broadcast %ge3A_2720 : i32 to vector<16xi32>
      %ge3A_2722 = arith.cmpi sge, %sub3A_2719, %ge3A_2721 : vector<16xi32>
      %lt3A_2723 = arith.constant 24960 : i32
      %lt3A_2724 = vector.broadcast %lt3A_2723 : i32 to vector<16xi32>
      %lt3A_2725 = arith.cmpi slt, %sub3A_2719, %lt3A_2724 : vector<16xi32>
      %and3A_2726 = arith.andi %ge3A_2722, %lt3A_2725 : vector<16xi1>
      %jit3A_2727 = arith.constant 0 : i32
      %broadcast_in_dim3A_2728 = vector.broadcast %jit3A_2727 : i32 to vector<16xi32>
      %select_n3A_2729 = arith.select %and3A_2726, %sub3A_2719, %broadcast_in_dim3A_2728 : vector<16xi1>, vector<16xi32>
      %gather3A_2730 = tpu.vector_load_idx %arg13[%select_n3A_2729] masked %and3A_2726 : memref<25040xf32, #tpu.memory_space<vmem>>[vector<16xi32>], vector<16xf32>, vector<16xi1>
      %swap3A_2731 = arith.constant 320 : index
      %swap3A_2732 = tpu.vector_load %arg10[%swap3A_2731] {strides = array<i32>} : memref<400xf32, #tpu.memory_space<vmem>>, vector<16xf32>,
      tpu.vector_store %arg10[%swap3A_2731], %gather3A_2730 {strides = array<i32>} : memref<400xf32, #tpu.memory_space<vmem>>, vector<16xf32>,
      %get3A_2733 = arith.constant 336 : index
      %get3A_2734 = tpu.vector_load %arg7[%get3A_2733] {strides = array<i32>} : memref<400xi32, #tpu.memory_space<vmem>>, vector<16xi32>,
      %sub3A_2735 = arith.constant 0 : i32
      %sub3A_2736 = vector.broadcast %sub3A_2735 : i32 to vector<16xi32>
      %sub3A_2737 = arith.subi %get3A_2734, %sub3A_2736 : vector<16xi32>
      %ge3A_2738 = arith.constant 0 : i32
      %ge3A_2739 = vector.broadcast %ge3A_2738 : i32 to vector<16xi32>
      %ge3A_2740 = arith.cmpi sge, %sub3A_2737, %ge3A_2739 : vector<16xi32>
      %lt3A_2741 = arith.constant 24960 : i32
      %lt3A_2742 = vector.broadcast %lt3A_2741 : i32 to vector<16xi32>
      %lt3A_2743 = arith.cmpi slt, %sub3A_2737, %lt3A_2742 : vector<16xi32>
      %and3A_2744 = arith.andi %ge3A_2740, %lt3A_2743 : vector<16xi1>
      %jit3A_2745 = arith.constant 0 : i32
      %broadcast_in_dim3A_2746 = vector.broadcast %jit3A_2745 : i32 to vector<16xi32>
      %select_n3A_2747 = arith.select %and3A_2744, %sub3A_2737, %broadcast_in_dim3A_2746 : vector<16xi1>, vector<16xi32>
      %gather3A_2748 = tpu.vector_load_idx %arg13[%select_n3A_2747] masked %and3A_2744 : memref<25040xf32, #tpu.memory_space<vmem>>[vector<16xi32>], vector<16xf32>, vector<16xi1>
      %swap3A_2749 = arith.constant 336 : index
      %swap3A_2750 = tpu.vector_load %arg10[%swap3A_2749] {strides = array<i32>} : memref<400xf32, #tpu.memory_space<vmem>>, vector<16xf32>,
      tpu.vector_store %arg10[%swap3A_2749], %gather3A_2748 {strides = array<i32>} : memref<400xf32, #tpu.memory_space<vmem>>, vector<16xf32>,
      %get3A_2751 = arith.constant 352 : index
      %get3A_2752 = tpu.vector_load %arg7[%get3A_2751] {strides = array<i32>} : memref<400xi32, #tpu.memory_space<vmem>>, vector<16xi32>,
      %sub3A_2753 = arith.constant 0 : i32
      %sub3A_2754 = vector.broadcast %sub3A_2753 : i32 to vector<16xi32>
      %sub3A_2755 = arith.subi %get3A_2752, %sub3A_2754 : vector<16xi32>
      %ge3A_2756 = arith.constant 0 : i32
      %ge3A_2757 = vector.broadcast %ge3A_2756 : i32 to vector<16xi32>
      %ge3A_2758 = arith.cmpi sge, %sub3A_2755, %ge3A_2757 : vector<16xi32>
      %lt3A_2759 = arith.constant 24960 : i32
      %lt3A_2760 = vector.broadcast %lt3A_2759 : i32 to vector<16xi32>
      %lt3A_2761 = arith.cmpi slt, %sub3A_2755, %lt3A_2760 : vector<16xi32>
      %and3A_2762 = arith.andi %ge3A_2758, %lt3A_2761 : vector<16xi1>
      %jit3A_2763 = arith.constant 0 : i32
      %broadcast_in_dim3A_2764 = vector.broadcast %jit3A_2763 : i32 to vector<16xi32>
      %select_n3A_2765 = arith.select %and3A_2762, %sub3A_2755, %broadcast_in_dim3A_2764 : vector<16xi1>, vector<16xi32>
      %gather3A_2766 = tpu.vector_load_idx %arg13[%select_n3A_2765] masked %and3A_2762 : memref<25040xf32, #tpu.memory_space<vmem>>[vector<16xi32>], vector<16xf32>, vector<16xi1>
      %swap3A_2767 = arith.constant 352 : index
      %swap3A_2768 = tpu.vector_load %arg10[%swap3A_2767] {strides = array<i32>} : memref<400xf32, #tpu.memory_space<vmem>>, vector<16xf32>,
      tpu.vector_store %arg10[%swap3A_2767], %gather3A_2766 {strides = array<i32>} : memref<400xf32, #tpu.memory_space<vmem>>, vector<16xf32>,
      %get3A_2769 = arith.constant 368 : index
      %get3A_2770 = tpu.vector_load %arg7[%get3A_2769] {strides = array<i32>} : memref<400xi32, #tpu.memory_space<vmem>>, vector<16xi32>,
      %sub3A_2771 = arith.constant 0 : i32
      %sub3A_2772 = vector.broadcast %sub3A_2771 : i32 to vector<16xi32>
      %sub3A_2773 = arith.subi %get3A_2770, %sub3A_2772 : vector<16xi32>
      %ge3A_2774 = arith.constant 0 : i32
      %ge3A_2775 = vector.broadcast %ge3A_2774 : i32 to vector<16xi32>
      %ge3A_2776 = arith.cmpi sge, %sub3A_2773, %ge3A_2775 : vector<16xi32>
      %lt3A_2777 = arith.constant 24960 : i32
      %lt3A_2778 = vector.broadcast %lt3A_2777 : i32 to vector<16xi32>
      %lt3A_2779 = arith.cmpi slt, %sub3A_2773, %lt3A_2778 : vector<16xi32>
      %and3A_2780 = arith.andi %ge3A_2776, %lt3A_2779 : vector<16xi1>
      %jit3A_2781 = arith.constant 0 : i32
      %broadcast_in_dim3A_2782 = vector.broadcast %jit3A_2781 : i32 to vector<16xi32>
      %select_n3A_2783 = arith.select %and3A_2780, %sub3A_2773, %broadcast_in_dim3A_2782 : vector<16xi1>, vector<16xi32>
      %gather3A_2784 = tpu.vector_load_idx %arg13[%select_n3A_2783] masked %and3A_2780 : memref<25040xf32, #tpu.memory_space<vmem>>[vector<16xi32>], vector<16xf32>, vector<16xi1>
      %swap3A_2785 = arith.constant 368 : index
      %swap3A_2786 = tpu.vector_load %arg10[%swap3A_2785] {strides = array<i32>} : memref<400xf32, #tpu.memory_space<vmem>>, vector<16xf32>,
      tpu.vector_store %arg10[%swap3A_2785], %gather3A_2784 {strides = array<i32>} : memref<400xf32, #tpu.memory_space<vmem>>, vector<16xf32>,
      %get3A_2787 = arith.constant 384 : index
      %get3A_2788 = tpu.vector_load %arg7[%get3A_2787] {strides = array<i32>} : memref<400xi32, #tpu.memory_space<vmem>>, vector<16xi32>,
      %sub3A_2789 = arith.constant 0 : i32
      %sub3A_2790 = vector.broadcast %sub3A_2789 : i32 to vector<16xi32>
      %sub3A_2791 = arith.subi %get3A_2788, %sub3A_2790 : vector<16xi32>
      %ge3A_2792 = arith.constant 0 : i32
      %ge3A_2793 = vector.broadcast %ge3A_2792 : i32 to vector<16xi32>
      %ge3A_2794 = arith.cmpi sge, %sub3A_2791, %ge3A_2793 : vector<16xi32>
      %lt3A_2795 = arith.constant 24960 : i32
      %lt3A_2796 = vector.broadcast %lt3A_2795 : i32 to vector<16xi32>
      %lt3A_2797 = arith.cmpi slt, %sub3A_2791, %lt3A_2796 : vector<16xi32>
      %and3A_2798 = arith.andi %ge3A_2794, %lt3A_2797 : vector<16xi1>
      %jit3A_2799 = arith.constant 0 : i32
      %broadcast_in_dim3A_2800 = vector.broadcast %jit3A_2799 : i32 to vector<16xi32>
      %select_n3A_2801 = arith.select %and3A_2798, %sub3A_2791, %broadcast_in_dim3A_2800 : vector<16xi1>, vector<16xi32>
      %gather3A_2802 = tpu.vector_load_idx %arg13[%select_n3A_2801] masked %and3A_2798 : memref<25040xf32, #tpu.memory_space<vmem>>[vector<16xi32>], vector<16xf32>, vector<16xi1>
      %swap3A_2803 = arith.constant 384 : index
      %swap3A_2804 = tpu.vector_load %arg10[%swap3A_2803] {strides = array<i32>} : memref<400xf32, #tpu.memory_space<vmem>>, vector<16xf32>,
      tpu.vector_store %arg10[%swap3A_2803], %gather3A_2802 {strides = array<i32>} : memref<400xf32, #tpu.memory_space<vmem>>, vector<16xf32>,
      %parallel_loop3A_2805 = arith.constant 0 : i32
      %parallel_loop3A_2806 = arith.constant 1560 : i32
      %parallel_loop3A_2807 = arith.constant 1 : i32
      scf.for %parallel_loop3A_4696 = %parallel_loop3A_2805 to %parallel_loop3A_2806 step %parallel_loop3A_2807  : i32 {
        %parallel_loop3A_4697 = arith.constant 16 : i32
        %parallel_loop3A_4698 = arith.muli %parallel_loop3A_4696, %parallel_loop3A_4697 : i32
        %parallel_loop3A_4699 = arith.index_cast %parallel_loop3A_4698 : i32 to index
        %parallel_loop3A_4700 = tpu.vector_load %arg13[%parallel_loop3A_4699] {strides = array<i32>} : memref<25040xf32, #tpu.memory_space<vmem>>, vector<16xf32>,
        %parallel_loop3A_4701 = arith.mulf %parallel_loop3A_4700, %gather3A_2351 : vector<16xf32>
        %parallel_loop3A_4702 = arith.index_cast %parallel_loop3A_4698 : i32 to index
        %parallel_loop3A_4703 = tpu.vector_load %arg13[%parallel_loop3A_4702] {strides = array<i32>} : memref<25040xf32, #tpu.memory_space<vmem>>, vector<16xf32>,
        tpu.vector_store %arg13[%parallel_loop3A_4702], %parallel_loop3A_4701 {strides = array<i32>} : memref<25040xf32, #tpu.memory_space<vmem>>, vector<16xf32>,
      } {sc.loop_unroll_factor = 8 : i64, sc.parallel_access}
      %get3A_2808 = arith.constant 0 : index
      %get3A_2809 = tpu.vector_load %arg7[%get3A_2808] {strides = array<i32>} : memref<400xi32, #tpu.memory_space<vmem>>, vector<16xi32>,
      %sub3A_2810 = arith.constant 0 : i32
      %sub3A_2811 = vector.broadcast %sub3A_2810 : i32 to vector<16xi32>
      %sub3A_2812 = arith.subi %get3A_2809, %sub3A_2811 : vector<16xi32>
      %ge3A_2813 = arith.constant 0 : i32
      %ge3A_2814 = vector.broadcast %ge3A_2813 : i32 to vector<16xi32>
      %ge3A_2815 = arith.cmpi sge, %sub3A_2812, %ge3A_2814 : vector<16xi32>
      %lt3A_2816 = arith.constant 24960 : i32
      %lt3A_2817 = vector.broadcast %lt3A_2816 : i32 to vector<16xi32>
      %lt3A_2818 = arith.cmpi slt, %sub3A_2812, %lt3A_2817 : vector<16xi32>
      %and3A_2819 = arith.andi %ge3A_2815, %lt3A_2818 : vector<16xi1>
      %jit3A_2820 = arith.constant 0 : i32
      %broadcast_in_dim3A_2821 = vector.broadcast %jit3A_2820 : i32 to vector<16xi32>
      %select_n3A_2822 = arith.select %and3A_2819, %sub3A_2812, %broadcast_in_dim3A_2821 : vector<16xi1>, vector<16xi32>
      %mul3A_2823 = arith.constant 400 : i32
      %mul3A_2824 = arith.muli %add3A_2329, %mul3A_2823 : i32
      %add3A_2825 = arith.constant 0 : i32
      %add3A_2826 = arith.addi %mul3A_2824, %add3A_2825 : i32
      %get3A_2827 = arith.index_cast %add3A_2826 : i32 to index
      %get3A_2828 = tpu.vector_load %arg8[%get3A_2827] {strides = array<i32>} : memref<12800xf32, #tpu.memory_space<vmem>>, vector<16xf32>,
      %mul3A_2829 = arith.mulf %sub3A_2354, %get3A_2828 : vector<16xf32>
      %get3A_2830 = arith.constant 0 : index
      %get3A_2831 = tpu.vector_load %arg10[%get3A_2830] {strides = array<i32>} : memref<400xf32, #tpu.memory_space<vmem>>, vector<16xf32>,
      %mul3A_2832 = arith.mulf %gather3A_2351, %get3A_2831 : vector<16xf32>
      %add3A_2833 = arith.addf %mul3A_2829, %mul3A_2832 : vector<16xf32>
      tpu.vector_store_idx %arg13[%select_n3A_2822], %add3A_2833 masked %and3A_2819 : memref<25040xf32, #tpu.memory_space<vmem>>[vector<16xi32>], vector<16xf32>, vector<16xi1>
      %get3A_2834 = arith.constant 16 : index
      %get3A_2835 = tpu.vector_load %arg7[%get3A_2834] {strides = array<i32>} : memref<400xi32, #tpu.memory_space<vmem>>, vector<16xi32>,
      %sub3A_2836 = arith.constant 0 : i32
      %sub3A_2837 = vector.broadcast %sub3A_2836 : i32 to vector<16xi32>
      %sub3A_2838 = arith.subi %get3A_2835, %sub3A_2837 : vector<16xi32>
      %ge3A_2839 = arith.constant 0 : i32
      %ge3A_2840 = vector.broadcast %ge3A_2839 : i32 to vector<16xi32>
      %ge3A_2841 = arith.cmpi sge, %sub3A_2838, %ge3A_2840 : vector<16xi32>
      %lt3A_2842 = arith.constant 24960 : i32
      %lt3A_2843 = vector.broadcast %lt3A_2842 : i32 to vector<16xi32>
      %lt3A_2844 = arith.cmpi slt, %sub3A_2838, %lt3A_2843 : vector<16xi32>
      %and3A_2845 = arith.andi %ge3A_2841, %lt3A_2844 : vector<16xi1>
      %jit3A_2846 = arith.constant 0 : i32
      %broadcast_in_dim3A_2847 = vector.broadcast %jit3A_2846 : i32 to vector<16xi32>
      %select_n3A_2848 = arith.select %and3A_2845, %sub3A_2838, %broadcast_in_dim3A_2847 : vector<16xi1>, vector<16xi32>
      %mul3A_2849 = arith.constant 400 : i32
      %mul3A_2850 = arith.muli %add3A_2329, %mul3A_2849 : i32
      %add3A_2851 = arith.constant 16 : i32
      %add3A_2852 = arith.addi %mul3A_2850, %add3A_2851 : i32
      %get3A_2853 = arith.index_cast %add3A_2852 : i32 to index
      %get3A_2854 = tpu.vector_load %arg8[%get3A_2853] {strides = array<i32>} : memref<12800xf32, #tpu.memory_space<vmem>>, vector<16xf32>,
      %mul3A_2855 = arith.mulf %sub3A_2354, %get3A_2854 : vector<16xf32>
      %get3A_2856 = arith.constant 16 : index
      %get3A_2857 = tpu.vector_load %arg10[%get3A_2856] {strides = array<i32>} : memref<400xf32, #tpu.memory_space<vmem>>, vector<16xf32>,
      %mul3A_2858 = arith.mulf %gather3A_2351, %get3A_2857 : vector<16xf32>
      %add3A_2859 = arith.addf %mul3A_2855, %mul3A_2858 : vector<16xf32>
      tpu.vector_store_idx %arg13[%select_n3A_2848], %add3A_2859 masked %and3A_2845 : memref<25040xf32, #tpu.memory_space<vmem>>[vector<16xi32>], vector<16xf32>, vector<16xi1>
      %get3A_2860 = arith.constant 32 : index
      %get3A_2861 = tpu.vector_load %arg7[%get3A_2860] {strides = array<i32>} : memref<400xi32, #tpu.memory_space<vmem>>, vector<16xi32>,
      %sub3A_2862 = arith.constant 0 : i32
      %sub3A_2863 = vector.broadcast %sub3A_2862 : i32 to vector<16xi32>
      %sub3A_2864 = arith.subi %get3A_2861, %sub3A_2863 : vector<16xi32>
      %ge3A_2865 = arith.constant 0 : i32
      %ge3A_2866 = vector.broadcast %ge3A_2865 : i32 to vector<16xi32>
      %ge3A_2867 = arith.cmpi sge, %sub3A_2864, %ge3A_2866 : vector<16xi32>
      %lt3A_2868 = arith.constant 24960 : i32
      %lt3A_2869 = vector.broadcast %lt3A_2868 : i32 to vector<16xi32>
      %lt3A_2870 = arith.cmpi slt, %sub3A_2864, %lt3A_2869 : vector<16xi32>
      %and3A_2871 = arith.andi %ge3A_2867, %lt3A_2870 : vector<16xi1>
      %jit3A_2872 = arith.constant 0 : i32
      %broadcast_in_dim3A_2873 = vector.broadcast %jit3A_2872 : i32 to vector<16xi32>
      %select_n3A_2874 = arith.select %and3A_2871, %sub3A_2864, %broadcast_in_dim3A_2873 : vector<16xi1>, vector<16xi32>
      %mul3A_2875 = arith.constant 400 : i32
      %mul3A_2876 = arith.muli %add3A_2329, %mul3A_2875 : i32
      %add3A_2877 = arith.constant 32 : i32
      %add3A_2878 = arith.addi %mul3A_2876, %add3A_2877 : i32
      %get3A_2879 = arith.index_cast %add3A_2878 : i32 to index
      %get3A_2880 = tpu.vector_load %arg8[%get3A_2879] {strides = array<i32>} : memref<12800xf32, #tpu.memory_space<vmem>>, vector<16xf32>,
      %mul3A_2881 = arith.mulf %sub3A_2354, %get3A_2880 : vector<16xf32>
      %get3A_2882 = arith.constant 32 : index
      %get3A_2883 = tpu.vector_load %arg10[%get3A_2882] {strides = array<i32>} : memref<400xf32, #tpu.memory_space<vmem>>, vector<16xf32>,
      %mul3A_2884 = arith.mulf %gather3A_2351, %get3A_2883 : vector<16xf32>
      %add3A_2885 = arith.addf %mul3A_2881, %mul3A_2884 : vector<16xf32>
      tpu.vector_store_idx %arg13[%select_n3A_2874], %add3A_2885 masked %and3A_2871 : memref<25040xf32, #tpu.memory_space<vmem>>[vector<16xi32>], vector<16xf32>, vector<16xi1>
      %get3A_2886 = arith.constant 48 : index
      %get3A_2887 = tpu.vector_load %arg7[%get3A_2886] {strides = array<i32>} : memref<400xi32, #tpu.memory_space<vmem>>, vector<16xi32>,
      %sub3A_2888 = arith.constant 0 : i32
      %sub3A_2889 = vector.broadcast %sub3A_2888 : i32 to vector<16xi32>
      %sub3A_2890 = arith.subi %get3A_2887, %sub3A_2889 : vector<16xi32>
      %ge3A_2891 = arith.constant 0 : i32
      %ge3A_2892 = vector.broadcast %ge3A_2891 : i32 to vector<16xi32>
      %ge3A_2893 = arith.cmpi sge, %sub3A_2890, %ge3A_2892 : vector<16xi32>
      %lt3A_2894 = arith.constant 24960 : i32
      %lt3A_2895 = vector.broadcast %lt3A_2894 : i32 to vector<16xi32>
      %lt3A_2896 = arith.cmpi slt, %sub3A_2890, %lt3A_2895 : vector<16xi32>
      %and3A_2897 = arith.andi %ge3A_2893, %lt3A_2896 : vector<16xi1>
      %jit3A_2898 = arith.constant 0 : i32
      %broadcast_in_dim3A_2899 = vector.broadcast %jit3A_2898 : i32 to vector<16xi32>
      %select_n3A_2900 = arith.select %and3A_2897, %sub3A_2890, %broadcast_in_dim3A_2899 : vector<16xi1>, vector<16xi32>
      %mul3A_2901 = arith.constant 400 : i32
      %mul3A_2902 = arith.muli %add3A_2329, %mul3A_2901 : i32
      %add3A_2903 = arith.constant 48 : i32
      %add3A_2904 = arith.addi %mul3A_2902, %add3A_2903 : i32
      %get3A_2905 = arith.index_cast %add3A_2904 : i32 to index
      %get3A_2906 = tpu.vector_load %arg8[%get3A_2905] {strides = array<i32>} : memref<12800xf32, #tpu.memory_space<vmem>>, vector<16xf32>,
      %mul3A_2907 = arith.mulf %sub3A_2354, %get3A_2906 : vector<16xf32>
      %get3A_2908 = arith.constant 48 : index
      %get3A_2909 = tpu.vector_load %arg10[%get3A_2908] {strides = array<i32>} : memref<400xf32, #tpu.memory_space<vmem>>, vector<16xf32>,
      %mul3A_2910 = arith.mulf %gather3A_2351, %get3A_2909 : vector<16xf32>
      %add3A_2911 = arith.addf %mul3A_2907, %mul3A_2910 : vector<16xf32>
      tpu.vector_store_idx %arg13[%select_n3A_2900], %add3A_2911 masked %and3A_2897 : memref<25040xf32, #tpu.memory_space<vmem>>[vector<16xi32>], vector<16xf32>, vector<16xi1>
      %get3A_2912 = arith.constant 64 : index
      %get3A_2913 = tpu.vector_load %arg7[%get3A_2912] {strides = array<i32>} : memref<400xi32, #tpu.memory_space<vmem>>, vector<16xi32>,
      %sub3A_2914 = arith.constant 0 : i32
      %sub3A_2915 = vector.broadcast %sub3A_2914 : i32 to vector<16xi32>
      %sub3A_2916 = arith.subi %get3A_2913, %sub3A_2915 : vector<16xi32>
      %ge3A_2917 = arith.constant 0 : i32
      %ge3A_2918 = vector.broadcast %ge3A_2917 : i32 to vector<16xi32>
      %ge3A_2919 = arith.cmpi sge, %sub3A_2916, %ge3A_2918 : vector<16xi32>
      %lt3A_2920 = arith.constant 24960 : i32
      %lt3A_2921 = vector.broadcast %lt3A_2920 : i32 to vector<16xi32>
      %lt3A_2922 = arith.cmpi slt, %sub3A_2916, %lt3A_2921 : vector<16xi32>
      %and3A_2923 = arith.andi %ge3A_2919, %lt3A_2922 : vector<16xi1>
      %jit3A_2924 = arith.constant 0 : i32
      %broadcast_in_dim3A_2925 = vector.broadcast %jit3A_2924 : i32 to vector<16xi32>
      %select_n3A_2926 = arith.select %and3A_2923, %sub3A_2916, %broadcast_in_dim3A_2925 : vector<16xi1>, vector<16xi32>
      %mul3A_2927 = arith.constant 400 : i32
      %mul3A_2928 = arith.muli %add3A_2329, %mul3A_2927 : i32
      %add3A_2929 = arith.constant 64 : i32
      %add3A_2930 = arith.addi %mul3A_2928, %add3A_2929 : i32
      %get3A_2931 = arith.index_cast %add3A_2930 : i32 to index
      %get3A_2932 = tpu.vector_load %arg8[%get3A_2931] {strides = array<i32>} : memref<12800xf32, #tpu.memory_space<vmem>>, vector<16xf32>,
      %mul3A_2933 = arith.mulf %sub3A_2354, %get3A_2932 : vector<16xf32>
      %get3A_2934 = arith.constant 64 : index
      %get3A_2935 = tpu.vector_load %arg10[%get3A_2934] {strides = array<i32>} : memref<400xf32, #tpu.memory_space<vmem>>, vector<16xf32>,
      %mul3A_2936 = arith.mulf %gather3A_2351, %get3A_2935 : vector<16xf32>
      %add3A_2937 = arith.addf %mul3A_2933, %mul3A_2936 : vector<16xf32>
      tpu.vector_store_idx %arg13[%select_n3A_2926], %add3A_2937 masked %and3A_2923 : memref<25040xf32, #tpu.memory_space<vmem>>[vector<16xi32>], vector<16xf32>, vector<16xi1>
      %get3A_2938 = arith.constant 80 : index
      %get3A_2939 = tpu.vector_load %arg7[%get3A_2938] {strides = array<i32>} : memref<400xi32, #tpu.memory_space<vmem>>, vector<16xi32>,
      %sub3A_2940 = arith.constant 0 : i32
      %sub3A_2941 = vector.broadcast %sub3A_2940 : i32 to vector<16xi32>
      %sub3A_2942 = arith.subi %get3A_2939, %sub3A_2941 : vector<16xi32>
      %ge3A_2943 = arith.constant 0 : i32
      %ge3A_2944 = vector.broadcast %ge3A_2943 : i32 to vector<16xi32>
      %ge3A_2945 = arith.cmpi sge, %sub3A_2942, %ge3A_2944 : vector<16xi32>
      %lt3A_2946 = arith.constant 24960 : i32
      %lt3A_2947 = vector.broadcast %lt3A_2946 : i32 to vector<16xi32>
      %lt3A_2948 = arith.cmpi slt, %sub3A_2942, %lt3A_2947 : vector<16xi32>
      %and3A_2949 = arith.andi %ge3A_2945, %lt3A_2948 : vector<16xi1>
      %jit3A_2950 = arith.constant 0 : i32
      %broadcast_in_dim3A_2951 = vector.broadcast %jit3A_2950 : i32 to vector<16xi32>
      %select_n3A_2952 = arith.select %and3A_2949, %sub3A_2942, %broadcast_in_dim3A_2951 : vector<16xi1>, vector<16xi32>
      %mul3A_2953 = arith.constant 400 : i32
      %mul3A_2954 = arith.muli %add3A_2329, %mul3A_2953 : i32
      %add3A_2955 = arith.constant 80 : i32
      %add3A_2956 = arith.addi %mul3A_2954, %add3A_2955 : i32
      %get3A_2957 = arith.index_cast %add3A_2956 : i32 to index
      %get3A_2958 = tpu.vector_load %arg8[%get3A_2957] {strides = array<i32>} : memref<12800xf32, #tpu.memory_space<vmem>>, vector<16xf32>,
      %mul3A_2959 = arith.mulf %sub3A_2354, %get3A_2958 : vector<16xf32>
      %get3A_2960 = arith.constant 80 : index
      %get3A_2961 = tpu.vector_load %arg10[%get3A_2960] {strides = array<i32>} : memref<400xf32, #tpu.memory_space<vmem>>, vector<16xf32>,
      %mul3A_2962 = arith.mulf %gather3A_2351, %get3A_2961 : vector<16xf32>
      %add3A_2963 = arith.addf %mul3A_2959, %mul3A_2962 : vector<16xf32>
      tpu.vector_store_idx %arg13[%select_n3A_2952], %add3A_2963 masked %and3A_2949 : memref<25040xf32, #tpu.memory_space<vmem>>[vector<16xi32>], vector<16xf32>, vector<16xi1>
      %get3A_2964 = arith.constant 96 : index
      %get3A_2965 = tpu.vector_load %arg7[%get3A_2964] {strides = array<i32>} : memref<400xi32, #tpu.memory_space<vmem>>, vector<16xi32>,
      %sub3A_2966 = arith.constant 0 : i32
      %sub3A_2967 = vector.broadcast %sub3A_2966 : i32 to vector<16xi32>
      %sub3A_2968 = arith.subi %get3A_2965, %sub3A_2967 : vector<16xi32>
      %ge3A_2969 = arith.constant 0 : i32
      %ge3A_2970 = vector.broadcast %ge3A_2969 : i32 to vector<16xi32>
      %ge3A_2971 = arith.cmpi sge, %sub3A_2968, %ge3A_2970 : vector<16xi32>
      %lt3A_2972 = arith.constant 24960 : i32
      %lt3A_2973 = vector.broadcast %lt3A_2972 : i32 to vector<16xi32>
      %lt3A_2974 = arith.cmpi slt, %sub3A_2968, %lt3A_2973 : vector<16xi32>
      %and3A_2975 = arith.andi %ge3A_2971, %lt3A_2974 : vector<16xi1>
      %jit3A_2976 = arith.constant 0 : i32
      %broadcast_in_dim3A_2977 = vector.broadcast %jit3A_2976 : i32 to vector<16xi32>
      %select_n3A_2978 = arith.select %and3A_2975, %sub3A_2968, %broadcast_in_dim3A_2977 : vector<16xi1>, vector<16xi32>
      %mul3A_2979 = arith.constant 400 : i32
      %mul3A_2980 = arith.muli %add3A_2329, %mul3A_2979 : i32
      %add3A_2981 = arith.constant 96 : i32
      %add3A_2982 = arith.addi %mul3A_2980, %add3A_2981 : i32
      %get3A_2983 = arith.index_cast %add3A_2982 : i32 to index
      %get3A_2984 = tpu.vector_load %arg8[%get3A_2983] {strides = array<i32>} : memref<12800xf32, #tpu.memory_space<vmem>>, vector<16xf32>,
      %mul3A_2985 = arith.mulf %sub3A_2354, %get3A_2984 : vector<16xf32>
      %get3A_2986 = arith.constant 96 : index
      %get3A_2987 = tpu.vector_load %arg10[%get3A_2986] {strides = array<i32>} : memref<400xf32, #tpu.memory_space<vmem>>, vector<16xf32>,
      %mul3A_2988 = arith.mulf %gather3A_2351, %get3A_2987 : vector<16xf32>
      %add3A_2989 = arith.addf %mul3A_2985, %mul3A_2988 : vector<16xf32>
      tpu.vector_store_idx %arg13[%select_n3A_2978], %add3A_2989 masked %and3A_2975 : memref<25040xf32, #tpu.memory_space<vmem>>[vector<16xi32>], vector<16xf32>, vector<16xi1>
      %get3A_2990 = arith.constant 112 : index
      %get3A_2991 = tpu.vector_load %arg7[%get3A_2990] {strides = array<i32>} : memref<400xi32, #tpu.memory_space<vmem>>, vector<16xi32>,
      %sub3A_2992 = arith.constant 0 : i32
      %sub3A_2993 = vector.broadcast %sub3A_2992 : i32 to vector<16xi32>
      %sub3A_2994 = arith.subi %get3A_2991, %sub3A_2993 : vector<16xi32>
      %ge3A_2995 = arith.constant 0 : i32
      %ge3A_2996 = vector.broadcast %ge3A_2995 : i32 to vector<16xi32>
      %ge3A_2997 = arith.cmpi sge, %sub3A_2994, %ge3A_2996 : vector<16xi32>
      %lt3A_2998 = arith.constant 24960 : i32
      %lt3A_2999 = vector.broadcast %lt3A_2998 : i32 to vector<16xi32>
      %lt3A_3000 = arith.cmpi slt, %sub3A_2994, %lt3A_2999 : vector<16xi32>
      %and3A_3001 = arith.andi %ge3A_2997, %lt3A_3000 : vector<16xi1>
      %jit3A_3002 = arith.constant 0 : i32
      %broadcast_in_dim3A_3003 = vector.broadcast %jit3A_3002 : i32 to vector<16xi32>
      %select_n3A_3004 = arith.select %and3A_3001, %sub3A_2994, %broadcast_in_dim3A_3003 : vector<16xi1>, vector<16xi32>
      %mul3A_3005 = arith.constant 400 : i32
      %mul3A_3006 = arith.muli %add3A_2329, %mul3A_3005 : i32
      %add3A_3007 = arith.constant 112 : i32
      %add3A_3008 = arith.addi %mul3A_3006, %add3A_3007 : i32
      %get3A_3009 = arith.index_cast %add3A_3008 : i32 to index
      %get3A_3010 = tpu.vector_load %arg8[%get3A_3009] {strides = array<i32>} : memref<12800xf32, #tpu.memory_space<vmem>>, vector<16xf32>,
      %mul3A_3011 = arith.mulf %sub3A_2354, %get3A_3010 : vector<16xf32>
      %get3A_3012 = arith.constant 112 : index
      %get3A_3013 = tpu.vector_load %arg10[%get3A_3012] {strides = array<i32>} : memref<400xf32, #tpu.memory_space<vmem>>, vector<16xf32>,
      %mul3A_3014 = arith.mulf %gather3A_2351, %get3A_3013 : vector<16xf32>
      %add3A_3015 = arith.addf %mul3A_3011, %mul3A_3014 : vector<16xf32>
      tpu.vector_store_idx %arg13[%select_n3A_3004], %add3A_3015 masked %and3A_3001 : memref<25040xf32, #tpu.memory_space<vmem>>[vector<16xi32>], vector<16xf32>, vector<16xi1>
      %get3A_3016 = arith.constant 128 : index
      %get3A_3017 = tpu.vector_load %arg7[%get3A_3016] {strides = array<i32>} : memref<400xi32, #tpu.memory_space<vmem>>, vector<16xi32>,
      %sub3A_3018 = arith.constant 0 : i32
      %sub3A_3019 = vector.broadcast %sub3A_3018 : i32 to vector<16xi32>
      %sub3A_3020 = arith.subi %get3A_3017, %sub3A_3019 : vector<16xi32>
      %ge3A_3021 = arith.constant 0 : i32
      %ge3A_3022 = vector.broadcast %ge3A_3021 : i32 to vector<16xi32>
      %ge3A_3023 = arith.cmpi sge, %sub3A_3020, %ge3A_3022 : vector<16xi32>
      %lt3A_3024 = arith.constant 24960 : i32
      %lt3A_3025 = vector.broadcast %lt3A_3024 : i32 to vector<16xi32>
      %lt3A_3026 = arith.cmpi slt, %sub3A_3020, %lt3A_3025 : vector<16xi32>
      %and3A_3027 = arith.andi %ge3A_3023, %lt3A_3026 : vector<16xi1>
      %jit3A_3028 = arith.constant 0 : i32
      %broadcast_in_dim3A_3029 = vector.broadcast %jit3A_3028 : i32 to vector<16xi32>
      %select_n3A_3030 = arith.select %and3A_3027, %sub3A_3020, %broadcast_in_dim3A_3029 : vector<16xi1>, vector<16xi32>
      %mul3A_3031 = arith.constant 400 : i32
      %mul3A_3032 = arith.muli %add3A_2329, %mul3A_3031 : i32
      %add3A_3033 = arith.constant 128 : i32
      %add3A_3034 = arith.addi %mul3A_3032, %add3A_3033 : i32
      %get3A_3035 = arith.index_cast %add3A_3034 : i32 to index
      %get3A_3036 = tpu.vector_load %arg8[%get3A_3035] {strides = array<i32>} : memref<12800xf32, #tpu.memory_space<vmem>>, vector<16xf32>,
      %mul3A_3037 = arith.mulf %sub3A_2354, %get3A_3036 : vector<16xf32>
      %get3A_3038 = arith.constant 128 : index
      %get3A_3039 = tpu.vector_load %arg10[%get3A_3038] {strides = array<i32>} : memref<400xf32, #tpu.memory_space<vmem>>, vector<16xf32>,
      %mul3A_3040 = arith.mulf %gather3A_2351, %get3A_3039 : vector<16xf32>
      %add3A_3041 = arith.addf %mul3A_3037, %mul3A_3040 : vector<16xf32>
      tpu.vector_store_idx %arg13[%select_n3A_3030], %add3A_3041 masked %and3A_3027 : memref<25040xf32, #tpu.memory_space<vmem>>[vector<16xi32>], vector<16xf32>, vector<16xi1>
      %get3A_3042 = arith.constant 144 : index
      %get3A_3043 = tpu.vector_load %arg7[%get3A_3042] {strides = array<i32>} : memref<400xi32, #tpu.memory_space<vmem>>, vector<16xi32>,
      %sub3A_3044 = arith.constant 0 : i32
      %sub3A_3045 = vector.broadcast %sub3A_3044 : i32 to vector<16xi32>
      %sub3A_3046 = arith.subi %get3A_3043, %sub3A_3045 : vector<16xi32>
      %ge3A_3047 = arith.constant 0 : i32
      %ge3A_3048 = vector.broadcast %ge3A_3047 : i32 to vector<16xi32>
      %ge3A_3049 = arith.cmpi sge, %sub3A_3046, %ge3A_3048 : vector<16xi32>
      %lt3A_3050 = arith.constant 24960 : i32
      %lt3A_3051 = vector.broadcast %lt3A_3050 : i32 to vector<16xi32>
      %lt3A_3052 = arith.cmpi slt, %sub3A_3046, %lt3A_3051 : vector<16xi32>
      %and3A_3053 = arith.andi %ge3A_3049, %lt3A_3052 : vector<16xi1>
      %jit3A_3054 = arith.constant 0 : i32
      %broadcast_in_dim3A_3055 = vector.broadcast %jit3A_3054 : i32 to vector<16xi32>
      %select_n3A_3056 = arith.select %and3A_3053, %sub3A_3046, %broadcast_in_dim3A_3055 : vector<16xi1>, vector<16xi32>
      %mul3A_3057 = arith.constant 400 : i32
      %mul3A_3058 = arith.muli %add3A_2329, %mul3A_3057 : i32
      %add3A_3059 = arith.constant 144 : i32
      %add3A_3060 = arith.addi %mul3A_3058, %add3A_3059 : i32
      %get3A_3061 = arith.index_cast %add3A_3060 : i32 to index
      %get3A_3062 = tpu.vector_load %arg8[%get3A_3061] {strides = array<i32>} : memref<12800xf32, #tpu.memory_space<vmem>>, vector<16xf32>,
      %mul3A_3063 = arith.mulf %sub3A_2354, %get3A_3062 : vector<16xf32>
      %get3A_3064 = arith.constant 144 : index
      %get3A_3065 = tpu.vector_load %arg10[%get3A_3064] {strides = array<i32>} : memref<400xf32, #tpu.memory_space<vmem>>, vector<16xf32>,
      %mul3A_3066 = arith.mulf %gather3A_2351, %get3A_3065 : vector<16xf32>
      %add3A_3067 = arith.addf %mul3A_3063, %mul3A_3066 : vector<16xf32>
      tpu.vector_store_idx %arg13[%select_n3A_3056], %add3A_3067 masked %and3A_3053 : memref<25040xf32, #tpu.memory_space<vmem>>[vector<16xi32>], vector<16xf32>, vector<16xi1>
      %get3A_3068 = arith.constant 160 : index
      %get3A_3069 = tpu.vector_load %arg7[%get3A_3068] {strides = array<i32>} : memref<400xi32, #tpu.memory_space<vmem>>, vector<16xi32>,
      %sub3A_3070 = arith.constant 0 : i32
      %sub3A_3071 = vector.broadcast %sub3A_3070 : i32 to vector<16xi32>
      %sub3A_3072 = arith.subi %get3A_3069, %sub3A_3071 : vector<16xi32>
      %ge3A_3073 = arith.constant 0 : i32
      %ge3A_3074 = vector.broadcast %ge3A_3073 : i32 to vector<16xi32>
      %ge3A_3075 = arith.cmpi sge, %sub3A_3072, %ge3A_3074 : vector<16xi32>
      %lt3A_3076 = arith.constant 24960 : i32
      %lt3A_3077 = vector.broadcast %lt3A_3076 : i32 to vector<16xi32>
      %lt3A_3078 = arith.cmpi slt, %sub3A_3072, %lt3A_3077 : vector<16xi32>
      %and3A_3079 = arith.andi %ge3A_3075, %lt3A_3078 : vector<16xi1>
      %jit3A_3080 = arith.constant 0 : i32
      %broadcast_in_dim3A_3081 = vector.broadcast %jit3A_3080 : i32 to vector<16xi32>
      %select_n3A_3082 = arith.select %and3A_3079, %sub3A_3072, %broadcast_in_dim3A_3081 : vector<16xi1>, vector<16xi32>
      %mul3A_3083 = arith.constant 400 : i32
      %mul3A_3084 = arith.muli %add3A_2329, %mul3A_3083 : i32
      %add3A_3085 = arith.constant 160 : i32
      %add3A_3086 = arith.addi %mul3A_3084, %add3A_3085 : i32
      %get3A_3087 = arith.index_cast %add3A_3086 : i32 to index
      %get3A_3088 = tpu.vector_load %arg8[%get3A_3087] {strides = array<i32>} : memref<12800xf32, #tpu.memory_space<vmem>>, vector<16xf32>,
      %mul3A_3089 = arith.mulf %sub3A_2354, %get3A_3088 : vector<16xf32>
      %get3A_3090 = arith.constant 160 : index
      %get3A_3091 = tpu.vector_load %arg10[%get3A_3090] {strides = array<i32>} : memref<400xf32, #tpu.memory_space<vmem>>, vector<16xf32>,
      %mul3A_3092 = arith.mulf %gather3A_2351, %get3A_3091 : vector<16xf32>
      %add3A_3093 = arith.addf %mul3A_3089, %mul3A_3092 : vector<16xf32>
      tpu.vector_store_idx %arg13[%select_n3A_3082], %add3A_3093 masked %and3A_3079 : memref<25040xf32, #tpu.memory_space<vmem>>[vector<16xi32>], vector<16xf32>, vector<16xi1>
      %get3A_3094 = arith.constant 176 : index
      %get3A_3095 = tpu.vector_load %arg7[%get3A_3094] {strides = array<i32>} : memref<400xi32, #tpu.memory_space<vmem>>, vector<16xi32>,
      %sub3A_3096 = arith.constant 0 : i32
      %sub3A_3097 = vector.broadcast %sub3A_3096 : i32 to vector<16xi32>
      %sub3A_3098 = arith.subi %get3A_3095, %sub3A_3097 : vector<16xi32>
      %ge3A_3099 = arith.constant 0 : i32
      %ge3A_3100 = vector.broadcast %ge3A_3099 : i32 to vector<16xi32>
      %ge3A_3101 = arith.cmpi sge, %sub3A_3098, %ge3A_3100 : vector<16xi32>
      %lt3A_3102 = arith.constant 24960 : i32
      %lt3A_3103 = vector.broadcast %lt3A_3102 : i32 to vector<16xi32>
      %lt3A_3104 = arith.cmpi slt, %sub3A_3098, %lt3A_3103 : vector<16xi32>
      %and3A_3105 = arith.andi %ge3A_3101, %lt3A_3104 : vector<16xi1>
      %jit3A_3106 = arith.constant 0 : i32
      %broadcast_in_dim3A_3107 = vector.broadcast %jit3A_3106 : i32 to vector<16xi32>
      %select_n3A_3108 = arith.select %and3A_3105, %sub3A_3098, %broadcast_in_dim3A_3107 : vector<16xi1>, vector<16xi32>
      %mul3A_3109 = arith.constant 400 : i32
      %mul3A_3110 = arith.muli %add3A_2329, %mul3A_3109 : i32
      %add3A_3111 = arith.constant 176 : i32
      %add3A_3112 = arith.addi %mul3A_3110, %add3A_3111 : i32
      %get3A_3113 = arith.index_cast %add3A_3112 : i32 to index
      %get3A_3114 = tpu.vector_load %arg8[%get3A_3113] {strides = array<i32>} : memref<12800xf32, #tpu.memory_space<vmem>>, vector<16xf32>,
      %mul3A_3115 = arith.mulf %sub3A_2354, %get3A_3114 : vector<16xf32>
      %get3A_3116 = arith.constant 176 : index
      %get3A_3117 = tpu.vector_load %arg10[%get3A_3116] {strides = array<i32>} : memref<400xf32, #tpu.memory_space<vmem>>, vector<16xf32>,
      %mul3A_3118 = arith.mulf %gather3A_2351, %get3A_3117 : vector<16xf32>
      %add3A_3119 = arith.addf %mul3A_3115, %mul3A_3118 : vector<16xf32>
      tpu.vector_store_idx %arg13[%select_n3A_3108], %add3A_3119 masked %and3A_3105 : memref<25040xf32, #tpu.memory_space<vmem>>[vector<16xi32>], vector<16xf32>, vector<16xi1>
      %get3A_3120 = arith.constant 192 : index
      %get3A_3121 = tpu.vector_load %arg7[%get3A_3120] {strides = array<i32>} : memref<400xi32, #tpu.memory_space<vmem>>, vector<16xi32>,
      %sub3A_3122 = arith.constant 0 : i32
      %sub3A_3123 = vector.broadcast %sub3A_3122 : i32 to vector<16xi32>
      %sub3A_3124 = arith.subi %get3A_3121, %sub3A_3123 : vector<16xi32>
      %ge3A_3125 = arith.constant 0 : i32
      %ge3A_3126 = vector.broadcast %ge3A_3125 : i32 to vector<16xi32>
      %ge3A_3127 = arith.cmpi sge, %sub3A_3124, %ge3A_3126 : vector<16xi32>
      %lt3A_3128 = arith.constant 24960 : i32
      %lt3A_3129 = vector.broadcast %lt3A_3128 : i32 to vector<16xi32>
      %lt3A_3130 = arith.cmpi slt, %sub3A_3124, %lt3A_3129 : vector<16xi32>
      %and3A_3131 = arith.andi %ge3A_3127, %lt3A_3130 : vector<16xi1>
      %jit3A_3132 = arith.constant 0 : i32
      %broadcast_in_dim3A_3133 = vector.broadcast %jit3A_3132 : i32 to vector<16xi32>
      %select_n3A_3134 = arith.select %and3A_3131, %sub3A_3124, %broadcast_in_dim3A_3133 : vector<16xi1>, vector<16xi32>
      %mul3A_3135 = arith.constant 400 : i32
      %mul3A_3136 = arith.muli %add3A_2329, %mul3A_3135 : i32
      %add3A_3137 = arith.constant 192 : i32
      %add3A_3138 = arith.addi %mul3A_3136, %add3A_3137 : i32
      %get3A_3139 = arith.index_cast %add3A_3138 : i32 to index
      %get3A_3140 = tpu.vector_load %arg8[%get3A_3139] {strides = array<i32>} : memref<12800xf32, #tpu.memory_space<vmem>>, vector<16xf32>,
      %mul3A_3141 = arith.mulf %sub3A_2354, %get3A_3140 : vector<16xf32>
      %get3A_3142 = arith.constant 192 : index
      %get3A_3143 = tpu.vector_load %arg10[%get3A_3142] {strides = array<i32>} : memref<400xf32, #tpu.memory_space<vmem>>, vector<16xf32>,
      %mul3A_3144 = arith.mulf %gather3A_2351, %get3A_3143 : vector<16xf32>
      %add3A_3145 = arith.addf %mul3A_3141, %mul3A_3144 : vector<16xf32>
      tpu.vector_store_idx %arg13[%select_n3A_3134], %add3A_3145 masked %and3A_3131 : memref<25040xf32, #tpu.memory_space<vmem>>[vector<16xi32>], vector<16xf32>, vector<16xi1>
      %get3A_3146 = arith.constant 208 : index
      %get3A_3147 = tpu.vector_load %arg7[%get3A_3146] {strides = array<i32>} : memref<400xi32, #tpu.memory_space<vmem>>, vector<16xi32>,
      %sub3A_3148 = arith.constant 0 : i32
      %sub3A_3149 = vector.broadcast %sub3A_3148 : i32 to vector<16xi32>
      %sub3A_3150 = arith.subi %get3A_3147, %sub3A_3149 : vector<16xi32>
      %ge3A_3151 = arith.constant 0 : i32
      %ge3A_3152 = vector.broadcast %ge3A_3151 : i32 to vector<16xi32>
      %ge3A_3153 = arith.cmpi sge, %sub3A_3150, %ge3A_3152 : vector<16xi32>
      %lt3A_3154 = arith.constant 24960 : i32
      %lt3A_3155 = vector.broadcast %lt3A_3154 : i32 to vector<16xi32>
      %lt3A_3156 = arith.cmpi slt, %sub3A_3150, %lt3A_3155 : vector<16xi32>
      %and3A_3157 = arith.andi %ge3A_3153, %lt3A_3156 : vector<16xi1>
      %jit3A_3158 = arith.constant 0 : i32
      %broadcast_in_dim3A_3159 = vector.broadcast %jit3A_3158 : i32 to vector<16xi32>
      %select_n3A_3160 = arith.select %and3A_3157, %sub3A_3150, %broadcast_in_dim3A_3159 : vector<16xi1>, vector<16xi32>
      %mul3A_3161 = arith.constant 400 : i32
      %mul3A_3162 = arith.muli %add3A_2329, %mul3A_3161 : i32
      %add3A_3163 = arith.constant 208 : i32
      %add3A_3164 = arith.addi %mul3A_3162, %add3A_3163 : i32
      %get3A_3165 = arith.index_cast %add3A_3164 : i32 to index
      %get3A_3166 = tpu.vector_load %arg8[%get3A_3165] {strides = array<i32>} : memref<12800xf32, #tpu.memory_space<vmem>>, vector<16xf32>,
      %mul3A_3167 = arith.mulf %sub3A_2354, %get3A_3166 : vector<16xf32>
      %get3A_3168 = arith.constant 208 : index
      %get3A_3169 = tpu.vector_load %arg10[%get3A_3168] {strides = array<i32>} : memref<400xf32, #tpu.memory_space<vmem>>, vector<16xf32>,
      %mul3A_3170 = arith.mulf %gather3A_2351, %get3A_3169 : vector<16xf32>
      %add3A_3171 = arith.addf %mul3A_3167, %mul3A_3170 : vector<16xf32>
      tpu.vector_store_idx %arg13[%select_n3A_3160], %add3A_3171 masked %and3A_3157 : memref<25040xf32, #tpu.memory_space<vmem>>[vector<16xi32>], vector<16xf32>, vector<16xi1>
      %get3A_3172 = arith.constant 224 : index
      %get3A_3173 = tpu.vector_load %arg7[%get3A_3172] {strides = array<i32>} : memref<400xi32, #tpu.memory_space<vmem>>, vector<16xi32>,
      %sub3A_3174 = arith.constant 0 : i32
      %sub3A_3175 = vector.broadcast %sub3A_3174 : i32 to vector<16xi32>
      %sub3A_3176 = arith.subi %get3A_3173, %sub3A_3175 : vector<16xi32>
      %ge3A_3177 = arith.constant 0 : i32
      %ge3A_3178 = vector.broadcast %ge3A_3177 : i32 to vector<16xi32>
      %ge3A_3179 = arith.cmpi sge, %sub3A_3176, %ge3A_3178 : vector<16xi32>
      %lt3A_3180 = arith.constant 24960 : i32
      %lt3A_3181 = vector.broadcast %lt3A_3180 : i32 to vector<16xi32>
      %lt3A_3182 = arith.cmpi slt, %sub3A_3176, %lt3A_3181 : vector<16xi32>
      %and3A_3183 = arith.andi %ge3A_3179, %lt3A_3182 : vector<16xi1>
      %jit3A_3184 = arith.constant 0 : i32
      %broadcast_in_dim3A_3185 = vector.broadcast %jit3A_3184 : i32 to vector<16xi32>
      %select_n3A_3186 = arith.select %and3A_3183, %sub3A_3176, %broadcast_in_dim3A_3185 : vector<16xi1>, vector<16xi32>
      %mul3A_3187 = arith.constant 400 : i32
      %mul3A_3188 = arith.muli %add3A_2329, %mul3A_3187 : i32
      %add3A_3189 = arith.constant 224 : i32
      %add3A_3190 = arith.addi %mul3A_3188, %add3A_3189 : i32
      %get3A_3191 = arith.index_cast %add3A_3190 : i32 to index
      %get3A_3192 = tpu.vector_load %arg8[%get3A_3191] {strides = array<i32>} : memref<12800xf32, #tpu.memory_space<vmem>>, vector<16xf32>,
      %mul3A_3193 = arith.mulf %sub3A_2354, %get3A_3192 : vector<16xf32>
      %get3A_3194 = arith.constant 224 : index
      %get3A_3195 = tpu.vector_load %arg10[%get3A_3194] {strides = array<i32>} : memref<400xf32, #tpu.memory_space<vmem>>, vector<16xf32>,
      %mul3A_3196 = arith.mulf %gather3A_2351, %get3A_3195 : vector<16xf32>
      %add3A_3197 = arith.addf %mul3A_3193, %mul3A_3196 : vector<16xf32>
      tpu.vector_store_idx %arg13[%select_n3A_3186], %add3A_3197 masked %and3A_3183 : memref<25040xf32, #tpu.memory_space<vmem>>[vector<16xi32>], vector<16xf32>, vector<16xi1>
      %get3A_3198 = arith.constant 240 : index
      %get3A_3199 = tpu.vector_load %arg7[%get3A_3198] {strides = array<i32>} : memref<400xi32, #tpu.memory_space<vmem>>, vector<16xi32>,
      %sub3A_3200 = arith.constant 0 : i32
      %sub3A_3201 = vector.broadcast %sub3A_3200 : i32 to vector<16xi32>
      %sub3A_3202 = arith.subi %get3A_3199, %sub3A_3201 : vector<16xi32>
      %ge3A_3203 = arith.constant 0 : i32
      %ge3A_3204 = vector.broadcast %ge3A_3203 : i32 to vector<16xi32>
      %ge3A_3205 = arith.cmpi sge, %sub3A_3202, %ge3A_3204 : vector<16xi32>
      %lt3A_3206 = arith.constant 24960 : i32
      %lt3A_3207 = vector.broadcast %lt3A_3206 : i32 to vector<16xi32>
      %lt3A_3208 = arith.cmpi slt, %sub3A_3202, %lt3A_3207 : vector<16xi32>
      %and3A_3209 = arith.andi %ge3A_3205, %lt3A_3208 : vector<16xi1>
      %jit3A_3210 = arith.constant 0 : i32
      %broadcast_in_dim3A_3211 = vector.broadcast %jit3A_3210 : i32 to vector<16xi32>
      %select_n3A_3212 = arith.select %and3A_3209, %sub3A_3202, %broadcast_in_dim3A_3211 : vector<16xi1>, vector<16xi32>
      %mul3A_3213 = arith.constant 400 : i32
      %mul3A_3214 = arith.muli %add3A_2329, %mul3A_3213 : i32
      %add3A_3215 = arith.constant 240 : i32
      %add3A_3216 = arith.addi %mul3A_3214, %add3A_3215 : i32
      %get3A_3217 = arith.index_cast %add3A_3216 : i32 to index
      %get3A_3218 = tpu.vector_load %arg8[%get3A_3217] {strides = array<i32>} : memref<12800xf32, #tpu.memory_space<vmem>>, vector<16xf32>,
      %mul3A_3219 = arith.mulf %sub3A_2354, %get3A_3218 : vector<16xf32>
      %get3A_3220 = arith.constant 240 : index
      %get3A_3221 = tpu.vector_load %arg10[%get3A_3220] {strides = array<i32>} : memref<400xf32, #tpu.memory_space<vmem>>, vector<16xf32>,
      %mul3A_3222 = arith.mulf %gather3A_2351, %get3A_3221 : vector<16xf32>
      %add3A_3223 = arith.addf %mul3A_3219, %mul3A_3222 : vector<16xf32>
      tpu.vector_store_idx %arg13[%select_n3A_3212], %add3A_3223 masked %and3A_3209 : memref<25040xf32, #tpu.memory_space<vmem>>[vector<16xi32>], vector<16xf32>, vector<16xi1>
      %get3A_3224 = arith.constant 256 : index
      %get3A_3225 = tpu.vector_load %arg7[%get3A_3224] {strides = array<i32>} : memref<400xi32, #tpu.memory_space<vmem>>, vector<16xi32>,
      %sub3A_3226 = arith.constant 0 : i32
      %sub3A_3227 = vector.broadcast %sub3A_3226 : i32 to vector<16xi32>
      %sub3A_3228 = arith.subi %get3A_3225, %sub3A_3227 : vector<16xi32>
      %ge3A_3229 = arith.constant 0 : i32
      %ge3A_3230 = vector.broadcast %ge3A_3229 : i32 to vector<16xi32>
      %ge3A_3231 = arith.cmpi sge, %sub3A_3228, %ge3A_3230 : vector<16xi32>
      %lt3A_3232 = arith.constant 24960 : i32
      %lt3A_3233 = vector.broadcast %lt3A_3232 : i32 to vector<16xi32>
      %lt3A_3234 = arith.cmpi slt, %sub3A_3228, %lt3A_3233 : vector<16xi32>
      %and3A_3235 = arith.andi %ge3A_3231, %lt3A_3234 : vector<16xi1>
      %jit3A_3236 = arith.constant 0 : i32
      %broadcast_in_dim3A_3237 = vector.broadcast %jit3A_3236 : i32 to vector<16xi32>
      %select_n3A_3238 = arith.select %and3A_3235, %sub3A_3228, %broadcast_in_dim3A_3237 : vector<16xi1>, vector<16xi32>
      %mul3A_3239 = arith.constant 400 : i32
      %mul3A_3240 = arith.muli %add3A_2329, %mul3A_3239 : i32
      %add3A_3241 = arith.constant 256 : i32
      %add3A_3242 = arith.addi %mul3A_3240, %add3A_3241 : i32
      %get3A_3243 = arith.index_cast %add3A_3242 : i32 to index
      %get3A_3244 = tpu.vector_load %arg8[%get3A_3243] {strides = array<i32>} : memref<12800xf32, #tpu.memory_space<vmem>>, vector<16xf32>,
      %mul3A_3245 = arith.mulf %sub3A_2354, %get3A_3244 : vector<16xf32>
      %get3A_3246 = arith.constant 256 : index
      %get3A_3247 = tpu.vector_load %arg10[%get3A_3246] {strides = array<i32>} : memref<400xf32, #tpu.memory_space<vmem>>, vector<16xf32>,
      %mul3A_3248 = arith.mulf %gather3A_2351, %get3A_3247 : vector<16xf32>
      %add3A_3249 = arith.addf %mul3A_3245, %mul3A_3248 : vector<16xf32>
      tpu.vector_store_idx %arg13[%select_n3A_3238], %add3A_3249 masked %and3A_3235 : memref<25040xf32, #tpu.memory_space<vmem>>[vector<16xi32>], vector<16xf32>, vector<16xi1>
      %get3A_3250 = arith.constant 272 : index
      %get3A_3251 = tpu.vector_load %arg7[%get3A_3250] {strides = array<i32>} : memref<400xi32, #tpu.memory_space<vmem>>, vector<16xi32>,
      %sub3A_3252 = arith.constant 0 : i32
      %sub3A_3253 = vector.broadcast %sub3A_3252 : i32 to vector<16xi32>
      %sub3A_3254 = arith.subi %get3A_3251, %sub3A_3253 : vector<16xi32>
      %ge3A_3255 = arith.constant 0 : i32
      %ge3A_3256 = vector.broadcast %ge3A_3255 : i32 to vector<16xi32>
      %ge3A_3257 = arith.cmpi sge, %sub3A_3254, %ge3A_3256 : vector<16xi32>
      %lt3A_3258 = arith.constant 24960 : i32
      %lt3A_3259 = vector.broadcast %lt3A_3258 : i32 to vector<16xi32>
      %lt3A_3260 = arith.cmpi slt, %sub3A_3254, %lt3A_3259 : vector<16xi32>
      %and3A_3261 = arith.andi %ge3A_3257, %lt3A_3260 : vector<16xi1>
      %jit3A_3262 = arith.constant 0 : i32
      %broadcast_in_dim3A_3263 = vector.broadcast %jit3A_3262 : i32 to vector<16xi32>
      %select_n3A_3264 = arith.select %and3A_3261, %sub3A_3254, %broadcast_in_dim3A_3263 : vector<16xi1>, vector<16xi32>
      %mul3A_3265 = arith.constant 400 : i32
      %mul3A_3266 = arith.muli %add3A_2329, %mul3A_3265 : i32
      %add3A_3267 = arith.constant 272 : i32
      %add3A_3268 = arith.addi %mul3A_3266, %add3A_3267 : i32
      %get3A_3269 = arith.index_cast %add3A_3268 : i32 to index
      %get3A_3270 = tpu.vector_load %arg8[%get3A_3269] {strides = array<i32>} : memref<12800xf32, #tpu.memory_space<vmem>>, vector<16xf32>,
      %mul3A_3271 = arith.mulf %sub3A_2354, %get3A_3270 : vector<16xf32>
      %get3A_3272 = arith.constant 272 : index
      %get3A_3273 = tpu.vector_load %arg10[%get3A_3272] {strides = array<i32>} : memref<400xf32, #tpu.memory_space<vmem>>, vector<16xf32>,
      %mul3A_3274 = arith.mulf %gather3A_2351, %get3A_3273 : vector<16xf32>
      %add3A_3275 = arith.addf %mul3A_3271, %mul3A_3274 : vector<16xf32>
      tpu.vector_store_idx %arg13[%select_n3A_3264], %add3A_3275 masked %and3A_3261 : memref<25040xf32, #tpu.memory_space<vmem>>[vector<16xi32>], vector<16xf32>, vector<16xi1>
      %get3A_3276 = arith.constant 288 : index
      %get3A_3277 = tpu.vector_load %arg7[%get3A_3276] {strides = array<i32>} : memref<400xi32, #tpu.memory_space<vmem>>, vector<16xi32>,
      %sub3A_3278 = arith.constant 0 : i32
      %sub3A_3279 = vector.broadcast %sub3A_3278 : i32 to vector<16xi32>
      %sub3A_3280 = arith.subi %get3A_3277, %sub3A_3279 : vector<16xi32>
      %ge3A_3281 = arith.constant 0 : i32
      %ge3A_3282 = vector.broadcast %ge3A_3281 : i32 to vector<16xi32>
      %ge3A_3283 = arith.cmpi sge, %sub3A_3280, %ge3A_3282 : vector<16xi32>
      %lt3A_3284 = arith.constant 24960 : i32
      %lt3A_3285 = vector.broadcast %lt3A_3284 : i32 to vector<16xi32>
      %lt3A_3286 = arith.cmpi slt, %sub3A_3280, %lt3A_3285 : vector<16xi32>
      %and3A_3287 = arith.andi %ge3A_3283, %lt3A_3286 : vector<16xi1>
      %jit3A_3288 = arith.constant 0 : i32
      %broadcast_in_dim3A_3289 = vector.broadcast %jit3A_3288 : i32 to vector<16xi32>
      %select_n3A_3290 = arith.select %and3A_3287, %sub3A_3280, %broadcast_in_dim3A_3289 : vector<16xi1>, vector<16xi32>
      %mul3A_3291 = arith.constant 400 : i32
      %mul3A_3292 = arith.muli %add3A_2329, %mul3A_3291 : i32
      %add3A_3293 = arith.constant 288 : i32
      %add3A_3294 = arith.addi %mul3A_3292, %add3A_3293 : i32
      %get3A_3295 = arith.index_cast %add3A_3294 : i32 to index
      %get3A_3296 = tpu.vector_load %arg8[%get3A_3295] {strides = array<i32>} : memref<12800xf32, #tpu.memory_space<vmem>>, vector<16xf32>,
      %mul3A_3297 = arith.mulf %sub3A_2354, %get3A_3296 : vector<16xf32>
      %get3A_3298 = arith.constant 288 : index
      %get3A_3299 = tpu.vector_load %arg10[%get3A_3298] {strides = array<i32>} : memref<400xf32, #tpu.memory_space<vmem>>, vector<16xf32>,
      %mul3A_3300 = arith.mulf %gather3A_2351, %get3A_3299 : vector<16xf32>
      %add3A_3301 = arith.addf %mul3A_3297, %mul3A_3300 : vector<16xf32>
      tpu.vector_store_idx %arg13[%select_n3A_3290], %add3A_3301 masked %and3A_3287 : memref<25040xf32, #tpu.memory_space<vmem>>[vector<16xi32>], vector<16xf32>, vector<16xi1>
      %get3A_3302 = arith.constant 304 : index
      %get3A_3303 = tpu.vector_load %arg7[%get3A_3302] {strides = array<i32>} : memref<400xi32, #tpu.memory_space<vmem>>, vector<16xi32>,
      %sub3A_3304 = arith.constant 0 : i32
      %sub3A_3305 = vector.broadcast %sub3A_3304 : i32 to vector<16xi32>
      %sub3A_3306 = arith.subi %get3A_3303, %sub3A_3305 : vector<16xi32>
      %ge3A_3307 = arith.constant 0 : i32
      %ge3A_3308 = vector.broadcast %ge3A_3307 : i32 to vector<16xi32>
      %ge3A_3309 = arith.cmpi sge, %sub3A_3306, %ge3A_3308 : vector<16xi32>
      %lt3A_3310 = arith.constant 24960 : i32
      %lt3A_3311 = vector.broadcast %lt3A_3310 : i32 to vector<16xi32>
      %lt3A_3312 = arith.cmpi slt, %sub3A_3306, %lt3A_3311 : vector<16xi32>
      %and3A_3313 = arith.andi %ge3A_3309, %lt3A_3312 : vector<16xi1>
      %jit3A_3314 = arith.constant 0 : i32
      %broadcast_in_dim3A_3315 = vector.broadcast %jit3A_3314 : i32 to vector<16xi32>
      %select_n3A_3316 = arith.select %and3A_3313, %sub3A_3306, %broadcast_in_dim3A_3315 : vector<16xi1>, vector<16xi32>
      %mul3A_3317 = arith.constant 400 : i32
      %mul3A_3318 = arith.muli %add3A_2329, %mul3A_3317 : i32
      %add3A_3319 = arith.constant 304 : i32
      %add3A_3320 = arith.addi %mul3A_3318, %add3A_3319 : i32
      %get3A_3321 = arith.index_cast %add3A_3320 : i32 to index
      %get3A_3322 = tpu.vector_load %arg8[%get3A_3321] {strides = array<i32>} : memref<12800xf32, #tpu.memory_space<vmem>>, vector<16xf32>,
      %mul3A_3323 = arith.mulf %sub3A_2354, %get3A_3322 : vector<16xf32>
      %get3A_3324 = arith.constant 304 : index
      %get3A_3325 = tpu.vector_load %arg10[%get3A_3324] {strides = array<i32>} : memref<400xf32, #tpu.memory_space<vmem>>, vector<16xf32>,
      %mul3A_3326 = arith.mulf %gather3A_2351, %get3A_3325 : vector<16xf32>
      %add3A_3327 = arith.addf %mul3A_3323, %mul3A_3326 : vector<16xf32>
      tpu.vector_store_idx %arg13[%select_n3A_3316], %add3A_3327 masked %and3A_3313 : memref<25040xf32, #tpu.memory_space<vmem>>[vector<16xi32>], vector<16xf32>, vector<16xi1>
      %get3A_3328 = arith.constant 320 : index
      %get3A_3329 = tpu.vector_load %arg7[%get3A_3328] {strides = array<i32>} : memref<400xi32, #tpu.memory_space<vmem>>, vector<16xi32>,
      %sub3A_3330 = arith.constant 0 : i32
      %sub3A_3331 = vector.broadcast %sub3A_3330 : i32 to vector<16xi32>
      %sub3A_3332 = arith.subi %get3A_3329, %sub3A_3331 : vector<16xi32>
      %ge3A_3333 = arith.constant 0 : i32
      %ge3A_3334 = vector.broadcast %ge3A_3333 : i32 to vector<16xi32>
      %ge3A_3335 = arith.cmpi sge, %sub3A_3332, %ge3A_3334 : vector<16xi32>
      %lt3A_3336 = arith.constant 24960 : i32
      %lt3A_3337 = vector.broadcast %lt3A_3336 : i32 to vector<16xi32>
      %lt3A_3338 = arith.cmpi slt, %sub3A_3332, %lt3A_3337 : vector<16xi32>
      %and3A_3339 = arith.andi %ge3A_3335, %lt3A_3338 : vector<16xi1>
      %jit3A_3340 = arith.constant 0 : i32
      %broadcast_in_dim3A_3341 = vector.broadcast %jit3A_3340 : i32 to vector<16xi32>
      %select_n3A_3342 = arith.select %and3A_3339, %sub3A_3332, %broadcast_in_dim3A_3341 : vector<16xi1>, vector<16xi32>
      %mul3A_3343 = arith.constant 400 : i32
      %mul3A_3344 = arith.muli %add3A_2329, %mul3A_3343 : i32
      %add3A_3345 = arith.constant 320 : i32
      %add3A_3346 = arith.addi %mul3A_3344, %add3A_3345 : i32
      %get3A_3347 = arith.index_cast %add3A_3346 : i32 to index
      %get3A_3348 = tpu.vector_load %arg8[%get3A_3347] {strides = array<i32>} : memref<12800xf32, #tpu.memory_space<vmem>>, vector<16xf32>,
      %mul3A_3349 = arith.mulf %sub3A_2354, %get3A_3348 : vector<16xf32>
      %get3A_3350 = arith.constant 320 : index
      %get3A_3351 = tpu.vector_load %arg10[%get3A_3350] {strides = array<i32>} : memref<400xf32, #tpu.memory_space<vmem>>, vector<16xf32>,
      %mul3A_3352 = arith.mulf %gather3A_2351, %get3A_3351 : vector<16xf32>
      %add3A_3353 = arith.addf %mul3A_3349, %mul3A_3352 : vector<16xf32>
      tpu.vector_store_idx %arg13[%select_n3A_3342], %add3A_3353 masked %and3A_3339 : memref<25040xf32, #tpu.memory_space<vmem>>[vector<16xi32>], vector<16xf32>, vector<16xi1>
      %get3A_3354 = arith.constant 336 : index
      %get3A_3355 = tpu.vector_load %arg7[%get3A_3354] {strides = array<i32>} : memref<400xi32, #tpu.memory_space<vmem>>, vector<16xi32>,
      %sub3A_3356 = arith.constant 0 : i32
      %sub3A_3357 = vector.broadcast %sub3A_3356 : i32 to vector<16xi32>
      %sub3A_3358 = arith.subi %get3A_3355, %sub3A_3357 : vector<16xi32>
      %ge3A_3359 = arith.constant 0 : i32
      %ge3A_3360 = vector.broadcast %ge3A_3359 : i32 to vector<16xi32>
      %ge3A_3361 = arith.cmpi sge, %sub3A_3358, %ge3A_3360 : vector<16xi32>
      %lt3A_3362 = arith.constant 24960 : i32
      %lt3A_3363 = vector.broadcast %lt3A_3362 : i32 to vector<16xi32>
      %lt3A_3364 = arith.cmpi slt, %sub3A_3358, %lt3A_3363 : vector<16xi32>
      %and3A_3365 = arith.andi %ge3A_3361, %lt3A_3364 : vector<16xi1>
      %jit3A_3366 = arith.constant 0 : i32
      %broadcast_in_dim3A_3367 = vector.broadcast %jit3A_3366 : i32 to vector<16xi32>
      %select_n3A_3368 = arith.select %and3A_3365, %sub3A_3358, %broadcast_in_dim3A_3367 : vector<16xi1>, vector<16xi32>
      %mul3A_3369 = arith.constant 400 : i32
      %mul3A_3370 = arith.muli %add3A_2329, %mul3A_3369 : i32
      %add3A_3371 = arith.constant 336 : i32
      %add3A_3372 = arith.addi %mul3A_3370, %add3A_3371 : i32
      %get3A_3373 = arith.index_cast %add3A_3372 : i32 to index
      %get3A_3374 = tpu.vector_load %arg8[%get3A_3373] {strides = array<i32>} : memref<12800xf32, #tpu.memory_space<vmem>>, vector<16xf32>,
      %mul3A_3375 = arith.mulf %sub3A_2354, %get3A_3374 : vector<16xf32>
      %get3A_3376 = arith.constant 336 : index
      %get3A_3377 = tpu.vector_load %arg10[%get3A_3376] {strides = array<i32>} : memref<400xf32, #tpu.memory_space<vmem>>, vector<16xf32>,
      %mul3A_3378 = arith.mulf %gather3A_2351, %get3A_3377 : vector<16xf32>
      %add3A_3379 = arith.addf %mul3A_3375, %mul3A_3378 : vector<16xf32>
      tpu.vector_store_idx %arg13[%select_n3A_3368], %add3A_3379 masked %and3A_3365 : memref<25040xf32, #tpu.memory_space<vmem>>[vector<16xi32>], vector<16xf32>, vector<16xi1>
      %get3A_3380 = arith.constant 352 : index
      %get3A_3381 = tpu.vector_load %arg7[%get3A_3380] {strides = array<i32>} : memref<400xi32, #tpu.memory_space<vmem>>, vector<16xi32>,
      %sub3A_3382 = arith.constant 0 : i32
      %sub3A_3383 = vector.broadcast %sub3A_3382 : i32 to vector<16xi32>
      %sub3A_3384 = arith.subi %get3A_3381, %sub3A_3383 : vector<16xi32>
      %ge3A_3385 = arith.constant 0 : i32
      %ge3A_3386 = vector.broadcast %ge3A_3385 : i32 to vector<16xi32>
      %ge3A_3387 = arith.cmpi sge, %sub3A_3384, %ge3A_3386 : vector<16xi32>
      %lt3A_3388 = arith.constant 24960 : i32
      %lt3A_3389 = vector.broadcast %lt3A_3388 : i32 to vector<16xi32>
      %lt3A_3390 = arith.cmpi slt, %sub3A_3384, %lt3A_3389 : vector<16xi32>
      %and3A_3391 = arith.andi %ge3A_3387, %lt3A_3390 : vector<16xi1>
      %jit3A_3392 = arith.constant 0 : i32
      %broadcast_in_dim3A_3393 = vector.broadcast %jit3A_3392 : i32 to vector<16xi32>
      %select_n3A_3394 = arith.select %and3A_3391, %sub3A_3384, %broadcast_in_dim3A_3393 : vector<16xi1>, vector<16xi32>
      %mul3A_3395 = arith.constant 400 : i32
      %mul3A_3396 = arith.muli %add3A_2329, %mul3A_3395 : i32
      %add3A_3397 = arith.constant 352 : i32
      %add3A_3398 = arith.addi %mul3A_3396, %add3A_3397 : i32
      %get3A_3399 = arith.index_cast %add3A_3398 : i32 to index
      %get3A_3400 = tpu.vector_load %arg8[%get3A_3399] {strides = array<i32>} : memref<12800xf32, #tpu.memory_space<vmem>>, vector<16xf32>,
      %mul3A_3401 = arith.mulf %sub3A_2354, %get3A_3400 : vector<16xf32>
      %get3A_3402 = arith.constant 352 : index
      %get3A_3403 = tpu.vector_load %arg10[%get3A_3402] {strides = array<i32>} : memref<400xf32, #tpu.memory_space<vmem>>, vector<16xf32>,
      %mul3A_3404 = arith.mulf %gather3A_2351, %get3A_3403 : vector<16xf32>
      %add3A_3405 = arith.addf %mul3A_3401, %mul3A_3404 : vector<16xf32>
      tpu.vector_store_idx %arg13[%select_n3A_3394], %add3A_3405 masked %and3A_3391 : memref<25040xf32, #tpu.memory_space<vmem>>[vector<16xi32>], vector<16xf32>, vector<16xi1>
      %get3A_3406 = arith.constant 368 : index
      %get3A_3407 = tpu.vector_load %arg7[%get3A_3406] {strides = array<i32>} : memref<400xi32, #tpu.memory_space<vmem>>, vector<16xi32>,
      %sub3A_3408 = arith.constant 0 : i32
      %sub3A_3409 = vector.broadcast %sub3A_3408 : i32 to vector<16xi32>
      %sub3A_3410 = arith.subi %get3A_3407, %sub3A_3409 : vector<16xi32>
      %ge3A_3411 = arith.constant 0 : i32
      %ge3A_3412 = vector.broadcast %ge3A_3411 : i32 to vector<16xi32>
      %ge3A_3413 = arith.cmpi sge, %sub3A_3410, %ge3A_3412 : vector<16xi32>
      %lt3A_3414 = arith.constant 24960 : i32
      %lt3A_3415 = vector.broadcast %lt3A_3414 : i32 to vector<16xi32>
      %lt3A_3416 = arith.cmpi slt, %sub3A_3410, %lt3A_3415 : vector<16xi32>
      %and3A_3417 = arith.andi %ge3A_3413, %lt3A_3416 : vector<16xi1>
      %jit3A_3418 = arith.constant 0 : i32
      %broadcast_in_dim3A_3419 = vector.broadcast %jit3A_3418 : i32 to vector<16xi32>
      %select_n3A_3420 = arith.select %and3A_3417, %sub3A_3410, %broadcast_in_dim3A_3419 : vector<16xi1>, vector<16xi32>
      %mul3A_3421 = arith.constant 400 : i32
      %mul3A_3422 = arith.muli %add3A_2329, %mul3A_3421 : i32
      %add3A_3423 = arith.constant 368 : i32
      %add3A_3424 = arith.addi %mul3A_3422, %add3A_3423 : i32
      %get3A_3425 = arith.index_cast %add3A_3424 : i32 to index
      %get3A_3426 = tpu.vector_load %arg8[%get3A_3425] {strides = array<i32>} : memref<12800xf32, #tpu.memory_space<vmem>>, vector<16xf32>,
      %mul3A_3427 = arith.mulf %sub3A_2354, %get3A_3426 : vector<16xf32>
      %get3A_3428 = arith.constant 368 : index
      %get3A_3429 = tpu.vector_load %arg10[%get3A_3428] {strides = array<i32>} : memref<400xf32, #tpu.memory_space<vmem>>, vector<16xf32>,
      %mul3A_3430 = arith.mulf %gather3A_2351, %get3A_3429 : vector<16xf32>
      %add3A_3431 = arith.addf %mul3A_3427, %mul3A_3430 : vector<16xf32>
      tpu.vector_store_idx %arg13[%select_n3A_3420], %add3A_3431 masked %and3A_3417 : memref<25040xf32, #tpu.memory_space<vmem>>[vector<16xi32>], vector<16xf32>, vector<16xi1>
      %get3A_3432 = arith.constant 384 : index
      %get3A_3433 = tpu.vector_load %arg7[%get3A_3432] {strides = array<i32>} : memref<400xi32, #tpu.memory_space<vmem>>, vector<16xi32>,
      %sub3A_3434 = arith.constant 0 : i32
      %sub3A_3435 = vector.broadcast %sub3A_3434 : i32 to vector<16xi32>
      %sub3A_3436 = arith.subi %get3A_3433, %sub3A_3435 : vector<16xi32>
      %ge3A_3437 = arith.constant 0 : i32
      %ge3A_3438 = vector.broadcast %ge3A_3437 : i32 to vector<16xi32>
      %ge3A_3439 = arith.cmpi sge, %sub3A_3436, %ge3A_3438 : vector<16xi32>
      %lt3A_3440 = arith.constant 24960 : i32
      %lt3A_3441 = vector.broadcast %lt3A_3440 : i32 to vector<16xi32>
      %lt3A_3442 = arith.cmpi slt, %sub3A_3436, %lt3A_3441 : vector<16xi32>
      %and3A_3443 = arith.andi %ge3A_3439, %lt3A_3442 : vector<16xi1>
      %jit3A_3444 = arith.constant 0 : i32
      %broadcast_in_dim3A_3445 = vector.broadcast %jit3A_3444 : i32 to vector<16xi32>
      %select_n3A_3446 = arith.select %and3A_3443, %sub3A_3436, %broadcast_in_dim3A_3445 : vector<16xi1>, vector<16xi32>
      %mul3A_3447 = arith.constant 400 : i32
      %mul3A_3448 = arith.muli %add3A_2329, %mul3A_3447 : i32
      %add3A_3449 = arith.constant 384 : i32
      %add3A_3450 = arith.addi %mul3A_3448, %add3A_3449 : i32
      %get3A_3451 = arith.index_cast %add3A_3450 : i32 to index
      %get3A_3452 = tpu.vector_load %arg8[%get3A_3451] {strides = array<i32>} : memref<12800xf32, #tpu.memory_space<vmem>>, vector<16xf32>,
      %mul3A_3453 = arith.mulf %sub3A_2354, %get3A_3452 : vector<16xf32>
      %get3A_3454 = arith.constant 384 : index
      %get3A_3455 = tpu.vector_load %arg10[%get3A_3454] {strides = array<i32>} : memref<400xf32, #tpu.memory_space<vmem>>, vector<16xf32>,
      %mul3A_3456 = arith.mulf %gather3A_2351, %get3A_3455 : vector<16xf32>
      %add3A_3457 = arith.addf %mul3A_3453, %mul3A_3456 : vector<16xf32>
      tpu.vector_store_idx %arg13[%select_n3A_3446], %add3A_3457 masked %and3A_3443 : memref<25040xf32, #tpu.memory_space<vmem>>[vector<16xi32>], vector<16xf32>, vector<16xi1>
      %dma_start3A_3458 = arith.constant 0 : i32
      %dma_start3A_3459 = tpu.memref_slice %arg13[%dma_start3A_3458] : memref<25040xf32, #tpu.memory_space<vmem>> -> memref<24960xf32, #tpu.memory_space<vmem>>
      %dma_start3A_3460 = arith.constant 0 : i32
      %dma_start3A_3461 = tpu.memref_slice %arg6[%add3A_2336, %dma_start3A_3460] : memref<1024x50000xf32, #tpu.memory_space<hbm>> -> memref<1x24960xf32, #tpu.memory_space<hbm>>
      %dma_start3A_3462 = tpu.memref_squeeze %dma_start3A_3461 : memref<1x24960xf32, #tpu.memory_space<hbm>> -> memref<24960xf32, #tpu.memory_space<hbm>>
      %dma_start3A_3463 = arith.constant 0 : i32
      %dma_start3A_3464 = tpu.memref_slice %arg6[%add3A_2336, %dma_start3A_3463] : memref<1024x50000xf32, #tpu.memory_space<hbm>> -> memref<1x24960xf32, #tpu.memory_space<hbm>>
      %dma_start3A_3465 = tpu.memref_squeeze %dma_start3A_3464 : memref<1x24960xf32, #tpu.memory_space<hbm>> -> memref<24960xf32, #tpu.memory_space<hbm>>
      %dma_start3A_3466 = arith.constant 0 : i32
      %dma_start3A_3467 = tpu.memref_slice %arg13[%dma_start3A_3466] : memref<25040xf32, #tpu.memory_space<vmem>> -> memref<24960xf32, #tpu.memory_space<vmem>>
      tpu.enqueue_dma source(%dma_start3A_3467 : memref<24960xf32, #tpu.memory_space<vmem>>) target(%dma_start3A_3465 : memref<24960xf32, #tpu.memory_space<hbm>>) target_semaphore(%arg21 : memref<!tpu.dma_semaphore, #tpu.memory_space<semaphore_mem>>)
      %mul3A_3468 = arith.constant 2 : i32
      %mul3A_3469 = arith.muli %scan3A_53, %mul3A_3468 : i32
      %add3A_3470 = arith.constant 1 : i32
      %add3A_3471 = arith.addi %mul3A_3469, %add3A_3470 : i32
      %mul3A_3472 = arith.constant 2 : i32
      %mul3A_3473 = arith.muli %scan3A_53, %mul3A_3472 : i32
      %add3A_3474 = arith.constant 1 : i32
      %add3A_3475 = arith.addi %mul3A_3473, %add3A_3474 : i32
      %mul3A_3476 = arith.constant 32 : i32
      %mul3A_3477 = arith.muli %add3A_3475, %mul3A_3476 : i32
      %add3A_3478 = arith.addi %mul3A_3477, %add3A : i32
      %dma_wait3A_3479 = arith.constant 0 : i32
      %dma_wait3A_3480 = tpu.memref_slice %arg14[%dma_wait3A_3479] : memref<25040xf32, #tpu.memory_space<vmem>> -> memref<25040xf32, #tpu.memory_space<vmem>>
      %dma_wait3A_3481 = arith.constant 24960 : i32
      %dma_wait3A_3482 = tpu.memref_slice %arg2[%add3A_3478, %dma_wait3A_3481] : memref<1024x50000xf32, #tpu.memory_space<hbm>> -> memref<1x25040xf32, #tpu.memory_space<hbm>>
      %dma_wait3A_3483 = tpu.memref_squeeze %dma_wait3A_3482 : memref<1x25040xf32, #tpu.memory_space<hbm>> -> memref<25040xf32, #tpu.memory_space<hbm>>
      %dma_wait3A_3484 = arith.constant 0 : i32
      %dma_wait3A_3485 = tpu.memref_slice %arg14[%dma_wait3A_3484] : memref<25040xf32, #tpu.memory_space<vmem>> -> memref<25040xf32, #tpu.memory_space<vmem>>
      %dma_wait3A_3486 = arith.constant 24960 : i32
      %dma_wait3A_3487 = tpu.memref_slice %arg2[%add3A_3478, %dma_wait3A_3486] : memref<1024x50000xf32, #tpu.memory_space<hbm>> -> memref<1x25040xf32, #tpu.memory_space<hbm>>
      %dma_wait3A_3488 = tpu.memref_squeeze %dma_wait3A_3487 : memref<1x25040xf32, #tpu.memory_space<hbm>> -> memref<25040xf32, #tpu.memory_space<hbm>>
      tpu.wait_dma2 semaphore(%arg18 : memref<!tpu.dma_semaphore, #tpu.memory_space<semaphore_mem>>) src(%dma_wait3A_3488 : memref<25040xf32, #tpu.memory_space<hbm>>) dst(%dma_wait3A_3485 : memref<25040xf32, #tpu.memory_space<vmem>>)
      %broadcast_in_dim3A_3489 = arith.constant 0 : i32
      %broadcast_in_dim3A_3490 = vector.broadcast %broadcast_in_dim3A_3489 : i32 to vector<16xi32>
      %add3A_3491 = vector.broadcast %add3A_3471 : i32 to vector<16xi32>
      %add3A_3492 = arith.addi %broadcast_in_dim3A_3490, %add3A_3491 : vector<16xi32>
      %gather3A_3493 = tpu.vector_load_idx %arg9[%add3A_3492] : memref<32xf32, #tpu.memory_space<vmem>>[vector<16xi32>], vector<16xf32>,
      %sub3A_3494 = arith.constant 1.000000e+00 : f32
      %sub3A_3495 = vector.broadcast %sub3A_3494 : f32 to vector<16xf32>
      %sub3A_3496 = arith.subf %sub3A_3495, %gather3A_3493 : vector<16xf32>
      %get3A_3497 = arith.constant 0 : index
      %get3A_3498 = tpu.vector_load %arg7[%get3A_3497] {strides = array<i32>} : memref<400xi32, #tpu.memory_space<vmem>>, vector<16xi32>,
      %sub3A_3499 = arith.constant 24960 : i32
      %sub3A_3500 = vector.broadcast %sub3A_3499 : i32 to vector<16xi32>
      %sub3A_3501 = arith.subi %get3A_3498, %sub3A_3500 : vector<16xi32>
      %ge3A_3502 = arith.constant 0 : i32
      %ge3A_3503 = vector.broadcast %ge3A_3502 : i32 to vector<16xi32>
      %ge3A_3504 = arith.cmpi sge, %sub3A_3501, %ge3A_3503 : vector<16xi32>
      %lt3A_3505 = arith.constant 25040 : i32
      %lt3A_3506 = vector.broadcast %lt3A_3505 : i32 to vector<16xi32>
      %lt3A_3507 = arith.cmpi slt, %sub3A_3501, %lt3A_3506 : vector<16xi32>
      %and3A_3508 = arith.andi %ge3A_3504, %lt3A_3507 : vector<16xi1>
      %jit3A_3509 = arith.constant 0 : i32
      %broadcast_in_dim3A_3510 = vector.broadcast %jit3A_3509 : i32 to vector<16xi32>
      %select_n3A_3511 = arith.select %and3A_3508, %sub3A_3501, %broadcast_in_dim3A_3510 : vector<16xi1>, vector<16xi32>
      %gather3A_3512 = tpu.vector_load_idx %arg14[%select_n3A_3511] masked %and3A_3508 : memref<25040xf32, #tpu.memory_space<vmem>>[vector<16xi32>], vector<16xf32>, vector<16xi1>
      %swap3A_3513 = arith.constant 0 : index
      %swap3A_3514 = tpu.vector_load %arg10[%swap3A_3513] {strides = array<i32>} : memref<400xf32, #tpu.memory_space<vmem>>, vector<16xf32>,
      tpu.vector_store %arg10[%swap3A_3513], %gather3A_3512 {strides = array<i32>} : memref<400xf32, #tpu.memory_space<vmem>>, vector<16xf32>,
      %get3A_3515 = arith.constant 16 : index
      %get3A_3516 = tpu.vector_load %arg7[%get3A_3515] {strides = array<i32>} : memref<400xi32, #tpu.memory_space<vmem>>, vector<16xi32>,
      %sub3A_3517 = arith.constant 24960 : i32
      %sub3A_3518 = vector.broadcast %sub3A_3517 : i32 to vector<16xi32>
      %sub3A_3519 = arith.subi %get3A_3516, %sub3A_3518 : vector<16xi32>
      %ge3A_3520 = arith.constant 0 : i32
      %ge3A_3521 = vector.broadcast %ge3A_3520 : i32 to vector<16xi32>
      %ge3A_3522 = arith.cmpi sge, %sub3A_3519, %ge3A_3521 : vector<16xi32>
      %lt3A_3523 = arith.constant 25040 : i32
      %lt3A_3524 = vector.broadcast %lt3A_3523 : i32 to vector<16xi32>
      %lt3A_3525 = arith.cmpi slt, %sub3A_3519, %lt3A_3524 : vector<16xi32>
      %and3A_3526 = arith.andi %ge3A_3522, %lt3A_3525 : vector<16xi1>
      %jit3A_3527 = arith.constant 0 : i32
      %broadcast_in_dim3A_3528 = vector.broadcast %jit3A_3527 : i32 to vector<16xi32>
      %select_n3A_3529 = arith.select %and3A_3526, %sub3A_3519, %broadcast_in_dim3A_3528 : vector<16xi1>, vector<16xi32>
      %gather3A_3530 = tpu.vector_load_idx %arg14[%select_n3A_3529] masked %and3A_3526 : memref<25040xf32, #tpu.memory_space<vmem>>[vector<16xi32>], vector<16xf32>, vector<16xi1>
      %swap3A_3531 = arith.constant 16 : index
      %swap3A_3532 = tpu.vector_load %arg10[%swap3A_3531] {strides = array<i32>} : memref<400xf32, #tpu.memory_space<vmem>>, vector<16xf32>,
      tpu.vector_store %arg10[%swap3A_3531], %gather3A_3530 {strides = array<i32>} : memref<400xf32, #tpu.memory_space<vmem>>, vector<16xf32>,
      %get3A_3533 = arith.constant 32 : index
      %get3A_3534 = tpu.vector_load %arg7[%get3A_3533] {strides = array<i32>} : memref<400xi32, #tpu.memory_space<vmem>>, vector<16xi32>,
      %sub3A_3535 = arith.constant 24960 : i32
      %sub3A_3536 = vector.broadcast %sub3A_3535 : i32 to vector<16xi32>
      %sub3A_3537 = arith.subi %get3A_3534, %sub3A_3536 : vector<16xi32>
      %ge3A_3538 = arith.constant 0 : i32
      %ge3A_3539 = vector.broadcast %ge3A_3538 : i32 to vector<16xi32>
      %ge3A_3540 = arith.cmpi sge, %sub3A_3537, %ge3A_3539 : vector<16xi32>
      %lt3A_3541 = arith.constant 25040 : i32
      %lt3A_3542 = vector.broadcast %lt3A_3541 : i32 to vector<16xi32>
      %lt3A_3543 = arith.cmpi slt, %sub3A_3537, %lt3A_3542 : vector<16xi32>
      %and3A_3544 = arith.andi %ge3A_3540, %lt3A_3543 : vector<16xi1>
      %jit3A_3545 = arith.constant 0 : i32
      %broadcast_in_dim3A_3546 = vector.broadcast %jit3A_3545 : i32 to vector<16xi32>
      %select_n3A_3547 = arith.select %and3A_3544, %sub3A_3537, %broadcast_in_dim3A_3546 : vector<16xi1>, vector<16xi32>
      %gather3A_3548 = tpu.vector_load_idx %arg14[%select_n3A_3547] masked %and3A_3544 : memref<25040xf32, #tpu.memory_space<vmem>>[vector<16xi32>], vector<16xf32>, vector<16xi1>
      %swap3A_3549 = arith.constant 32 : index
      %swap3A_3550 = tpu.vector_load %arg10[%swap3A_3549] {strides = array<i32>} : memref<400xf32, #tpu.memory_space<vmem>>, vector<16xf32>,
      tpu.vector_store %arg10[%swap3A_3549], %gather3A_3548 {strides = array<i32>} : memref<400xf32, #tpu.memory_space<vmem>>, vector<16xf32>,
      %get3A_3551 = arith.constant 48 : index
      %get3A_3552 = tpu.vector_load %arg7[%get3A_3551] {strides = array<i32>} : memref<400xi32, #tpu.memory_space<vmem>>, vector<16xi32>,
      %sub3A_3553 = arith.constant 24960 : i32
      %sub3A_3554 = vector.broadcast %sub3A_3553 : i32 to vector<16xi32>
      %sub3A_3555 = arith.subi %get3A_3552, %sub3A_3554 : vector<16xi32>
      %ge3A_3556 = arith.constant 0 : i32
      %ge3A_3557 = vector.broadcast %ge3A_3556 : i32 to vector<16xi32>
      %ge3A_3558 = arith.cmpi sge, %sub3A_3555, %ge3A_3557 : vector<16xi32>
      %lt3A_3559 = arith.constant 25040 : i32
      %lt3A_3560 = vector.broadcast %lt3A_3559 : i32 to vector<16xi32>
      %lt3A_3561 = arith.cmpi slt, %sub3A_3555, %lt3A_3560 : vector<16xi32>
      %and3A_3562 = arith.andi %ge3A_3558, %lt3A_3561 : vector<16xi1>
      %jit3A_3563 = arith.constant 0 : i32
      %broadcast_in_dim3A_3564 = vector.broadcast %jit3A_3563 : i32 to vector<16xi32>
      %select_n3A_3565 = arith.select %and3A_3562, %sub3A_3555, %broadcast_in_dim3A_3564 : vector<16xi1>, vector<16xi32>
      %gather3A_3566 = tpu.vector_load_idx %arg14[%select_n3A_3565] masked %and3A_3562 : memref<25040xf32, #tpu.memory_space<vmem>>[vector<16xi32>], vector<16xf32>, vector<16xi1>
      %swap3A_3567 = arith.constant 48 : index
      %swap3A_3568 = tpu.vector_load %arg10[%swap3A_3567] {strides = array<i32>} : memref<400xf32, #tpu.memory_space<vmem>>, vector<16xf32>,
      tpu.vector_store %arg10[%swap3A_3567], %gather3A_3566 {strides = array<i32>} : memref<400xf32, #tpu.memory_space<vmem>>, vector<16xf32>,
      %get3A_3569 = arith.constant 64 : index
      %get3A_3570 = tpu.vector_load %arg7[%get3A_3569] {strides = array<i32>} : memref<400xi32, #tpu.memory_space<vmem>>, vector<16xi32>,
      %sub3A_3571 = arith.constant 24960 : i32
      %sub3A_3572 = vector.broadcast %sub3A_3571 : i32 to vector<16xi32>
      %sub3A_3573 = arith.subi %get3A_3570, %sub3A_3572 : vector<16xi32>
      %ge3A_3574 = arith.constant 0 : i32
      %ge3A_3575 = vector.broadcast %ge3A_3574 : i32 to vector<16xi32>
      %ge3A_3576 = arith.cmpi sge, %sub3A_3573, %ge3A_3575 : vector<16xi32>
      %lt3A_3577 = arith.constant 25040 : i32
      %lt3A_3578 = vector.broadcast %lt3A_3577 : i32 to vector<16xi32>
      %lt3A_3579 = arith.cmpi slt, %sub3A_3573, %lt3A_3578 : vector<16xi32>
      %and3A_3580 = arith.andi %ge3A_3576, %lt3A_3579 : vector<16xi1>
      %jit3A_3581 = arith.constant 0 : i32
      %broadcast_in_dim3A_3582 = vector.broadcast %jit3A_3581 : i32 to vector<16xi32>
      %select_n3A_3583 = arith.select %and3A_3580, %sub3A_3573, %broadcast_in_dim3A_3582 : vector<16xi1>, vector<16xi32>
      %gather3A_3584 = tpu.vector_load_idx %arg14[%select_n3A_3583] masked %and3A_3580 : memref<25040xf32, #tpu.memory_space<vmem>>[vector<16xi32>], vector<16xf32>, vector<16xi1>
      %swap3A_3585 = arith.constant 64 : index
      %swap3A_3586 = tpu.vector_load %arg10[%swap3A_3585] {strides = array<i32>} : memref<400xf32, #tpu.memory_space<vmem>>, vector<16xf32>,
      tpu.vector_store %arg10[%swap3A_3585], %gather3A_3584 {strides = array<i32>} : memref<400xf32, #tpu.memory_space<vmem>>, vector<16xf32>,
      %get3A_3587 = arith.constant 80 : index
      %get3A_3588 = tpu.vector_load %arg7[%get3A_3587] {strides = array<i32>} : memref<400xi32, #tpu.memory_space<vmem>>, vector<16xi32>,
      %sub3A_3589 = arith.constant 24960 : i32
      %sub3A_3590 = vector.broadcast %sub3A_3589 : i32 to vector<16xi32>
      %sub3A_3591 = arith.subi %get3A_3588, %sub3A_3590 : vector<16xi32>
      %ge3A_3592 = arith.constant 0 : i32
      %ge3A_3593 = vector.broadcast %ge3A_3592 : i32 to vector<16xi32>
      %ge3A_3594 = arith.cmpi sge, %sub3A_3591, %ge3A_3593 : vector<16xi32>
      %lt3A_3595 = arith.constant 25040 : i32
      %lt3A_3596 = vector.broadcast %lt3A_3595 : i32 to vector<16xi32>
      %lt3A_3597 = arith.cmpi slt, %sub3A_3591, %lt3A_3596 : vector<16xi32>
      %and3A_3598 = arith.andi %ge3A_3594, %lt3A_3597 : vector<16xi1>
      %jit3A_3599 = arith.constant 0 : i32
      %broadcast_in_dim3A_3600 = vector.broadcast %jit3A_3599 : i32 to vector<16xi32>
      %select_n3A_3601 = arith.select %and3A_3598, %sub3A_3591, %broadcast_in_dim3A_3600 : vector<16xi1>, vector<16xi32>
      %gather3A_3602 = tpu.vector_load_idx %arg14[%select_n3A_3601] masked %and3A_3598 : memref<25040xf32, #tpu.memory_space<vmem>>[vector<16xi32>], vector<16xf32>, vector<16xi1>
      %swap3A_3603 = arith.constant 80 : index
      %swap3A_3604 = tpu.vector_load %arg10[%swap3A_3603] {strides = array<i32>} : memref<400xf32, #tpu.memory_space<vmem>>, vector<16xf32>,
      tpu.vector_store %arg10[%swap3A_3603], %gather3A_3602 {strides = array<i32>} : memref<400xf32, #tpu.memory_space<vmem>>, vector<16xf32>,
      %get3A_3605 = arith.constant 96 : index
      %get3A_3606 = tpu.vector_load %arg7[%get3A_3605] {strides = array<i32>} : memref<400xi32, #tpu.memory_space<vmem>>, vector<16xi32>,
      %sub3A_3607 = arith.constant 24960 : i32
      %sub3A_3608 = vector.broadcast %sub3A_3607 : i32 to vector<16xi32>
      %sub3A_3609 = arith.subi %get3A_3606, %sub3A_3608 : vector<16xi32>
      %ge3A_3610 = arith.constant 0 : i32
      %ge3A_3611 = vector.broadcast %ge3A_3610 : i32 to vector<16xi32>
      %ge3A_3612 = arith.cmpi sge, %sub3A_3609, %ge3A_3611 : vector<16xi32>
      %lt3A_3613 = arith.constant 25040 : i32
      %lt3A_3614 = vector.broadcast %lt3A_3613 : i32 to vector<16xi32>
      %lt3A_3615 = arith.cmpi slt, %sub3A_3609, %lt3A_3614 : vector<16xi32>
      %and3A_3616 = arith.andi %ge3A_3612, %lt3A_3615 : vector<16xi1>
      %jit3A_3617 = arith.constant 0 : i32
      %broadcast_in_dim3A_3618 = vector.broadcast %jit3A_3617 : i32 to vector<16xi32>
      %select_n3A_3619 = arith.select %and3A_3616, %sub3A_3609, %broadcast_in_dim3A_3618 : vector<16xi1>, vector<16xi32>
      %gather3A_3620 = tpu.vector_load_idx %arg14[%select_n3A_3619] masked %and3A_3616 : memref<25040xf32, #tpu.memory_space<vmem>>[vector<16xi32>], vector<16xf32>, vector<16xi1>
      %swap3A_3621 = arith.constant 96 : index
      %swap3A_3622 = tpu.vector_load %arg10[%swap3A_3621] {strides = array<i32>} : memref<400xf32, #tpu.memory_space<vmem>>, vector<16xf32>,
      tpu.vector_store %arg10[%swap3A_3621], %gather3A_3620 {strides = array<i32>} : memref<400xf32, #tpu.memory_space<vmem>>, vector<16xf32>,
      %get3A_3623 = arith.constant 112 : index
      %get3A_3624 = tpu.vector_load %arg7[%get3A_3623] {strides = array<i32>} : memref<400xi32, #tpu.memory_space<vmem>>, vector<16xi32>,
      %sub3A_3625 = arith.constant 24960 : i32
      %sub3A_3626 = vector.broadcast %sub3A_3625 : i32 to vector<16xi32>
      %sub3A_3627 = arith.subi %get3A_3624, %sub3A_3626 : vector<16xi32>
      %ge3A_3628 = arith.constant 0 : i32
      %ge3A_3629 = vector.broadcast %ge3A_3628 : i32 to vector<16xi32>
      %ge3A_3630 = arith.cmpi sge, %sub3A_3627, %ge3A_3629 : vector<16xi32>
      %lt3A_3631 = arith.constant 25040 : i32
      %lt3A_3632 = vector.broadcast %lt3A_3631 : i32 to vector<16xi32>
      %lt3A_3633 = arith.cmpi slt, %sub3A_3627, %lt3A_3632 : vector<16xi32>
      %and3A_3634 = arith.andi %ge3A_3630, %lt3A_3633 : vector<16xi1>
      %jit3A_3635 = arith.constant 0 : i32
      %broadcast_in_dim3A_3636 = vector.broadcast %jit3A_3635 : i32 to vector<16xi32>
      %select_n3A_3637 = arith.select %and3A_3634, %sub3A_3627, %broadcast_in_dim3A_3636 : vector<16xi1>, vector<16xi32>
      %gather3A_3638 = tpu.vector_load_idx %arg14[%select_n3A_3637] masked %and3A_3634 : memref<25040xf32, #tpu.memory_space<vmem>>[vector<16xi32>], vector<16xf32>, vector<16xi1>
      %swap3A_3639 = arith.constant 112 : index
      %swap3A_3640 = tpu.vector_load %arg10[%swap3A_3639] {strides = array<i32>} : memref<400xf32, #tpu.memory_space<vmem>>, vector<16xf32>,
      tpu.vector_store %arg10[%swap3A_3639], %gather3A_3638 {strides = array<i32>} : memref<400xf32, #tpu.memory_space<vmem>>, vector<16xf32>,
      %get3A_3641 = arith.constant 128 : index
      %get3A_3642 = tpu.vector_load %arg7[%get3A_3641] {strides = array<i32>} : memref<400xi32, #tpu.memory_space<vmem>>, vector<16xi32>,
      %sub3A_3643 = arith.constant 24960 : i32
      %sub3A_3644 = vector.broadcast %sub3A_3643 : i32 to vector<16xi32>
      %sub3A_3645 = arith.subi %get3A_3642, %sub3A_3644 : vector<16xi32>
      %ge3A_3646 = arith.constant 0 : i32
      %ge3A_3647 = vector.broadcast %ge3A_3646 : i32 to vector<16xi32>
      %ge3A_3648 = arith.cmpi sge, %sub3A_3645, %ge3A_3647 : vector<16xi32>
      %lt3A_3649 = arith.constant 25040 : i32
      %lt3A_3650 = vector.broadcast %lt3A_3649 : i32 to vector<16xi32>
      %lt3A_3651 = arith.cmpi slt, %sub3A_3645, %lt3A_3650 : vector<16xi32>
      %and3A_3652 = arith.andi %ge3A_3648, %lt3A_3651 : vector<16xi1>
      %jit3A_3653 = arith.constant 0 : i32
      %broadcast_in_dim3A_3654 = vector.broadcast %jit3A_3653 : i32 to vector<16xi32>
      %select_n3A_3655 = arith.select %and3A_3652, %sub3A_3645, %broadcast_in_dim3A_3654 : vector<16xi1>, vector<16xi32>
      %gather3A_3656 = tpu.vector_load_idx %arg14[%select_n3A_3655] masked %and3A_3652 : memref<25040xf32, #tpu.memory_space<vmem>>[vector<16xi32>], vector<16xf32>, vector<16xi1>
      %swap3A_3657 = arith.constant 128 : index
      %swap3A_3658 = tpu.vector_load %arg10[%swap3A_3657] {strides = array<i32>} : memref<400xf32, #tpu.memory_space<vmem>>, vector<16xf32>,
      tpu.vector_store %arg10[%swap3A_3657], %gather3A_3656 {strides = array<i32>} : memref<400xf32, #tpu.memory_space<vmem>>, vector<16xf32>,
      %get3A_3659 = arith.constant 144 : index
      %get3A_3660 = tpu.vector_load %arg7[%get3A_3659] {strides = array<i32>} : memref<400xi32, #tpu.memory_space<vmem>>, vector<16xi32>,
      %sub3A_3661 = arith.constant 24960 : i32
      %sub3A_3662 = vector.broadcast %sub3A_3661 : i32 to vector<16xi32>
      %sub3A_3663 = arith.subi %get3A_3660, %sub3A_3662 : vector<16xi32>
      %ge3A_3664 = arith.constant 0 : i32
      %ge3A_3665 = vector.broadcast %ge3A_3664 : i32 to vector<16xi32>
      %ge3A_3666 = arith.cmpi sge, %sub3A_3663, %ge3A_3665 : vector<16xi32>
      %lt3A_3667 = arith.constant 25040 : i32
      %lt3A_3668 = vector.broadcast %lt3A_3667 : i32 to vector<16xi32>
      %lt3A_3669 = arith.cmpi slt, %sub3A_3663, %lt3A_3668 : vector<16xi32>
      %and3A_3670 = arith.andi %ge3A_3666, %lt3A_3669 : vector<16xi1>
      %jit3A_3671 = arith.constant 0 : i32
      %broadcast_in_dim3A_3672 = vector.broadcast %jit3A_3671 : i32 to vector<16xi32>
      %select_n3A_3673 = arith.select %and3A_3670, %sub3A_3663, %broadcast_in_dim3A_3672 : vector<16xi1>, vector<16xi32>
      %gather3A_3674 = tpu.vector_load_idx %arg14[%select_n3A_3673] masked %and3A_3670 : memref<25040xf32, #tpu.memory_space<vmem>>[vector<16xi32>], vector<16xf32>, vector<16xi1>
      %swap3A_3675 = arith.constant 144 : index
      %swap3A_3676 = tpu.vector_load %arg10[%swap3A_3675] {strides = array<i32>} : memref<400xf32, #tpu.memory_space<vmem>>, vector<16xf32>,
      tpu.vector_store %arg10[%swap3A_3675], %gather3A_3674 {strides = array<i32>} : memref<400xf32, #tpu.memory_space<vmem>>, vector<16xf32>,
      %get3A_3677 = arith.constant 160 : index
      %get3A_3678 = tpu.vector_load %arg7[%get3A_3677] {strides = array<i32>} : memref<400xi32, #tpu.memory_space<vmem>>, vector<16xi32>,
      %sub3A_3679 = arith.constant 24960 : i32
      %sub3A_3680 = vector.broadcast %sub3A_3679 : i32 to vector<16xi32>
      %sub3A_3681 = arith.subi %get3A_3678, %sub3A_3680 : vector<16xi32>
      %ge3A_3682 = arith.constant 0 : i32
      %ge3A_3683 = vector.broadcast %ge3A_3682 : i32 to vector<16xi32>
      %ge3A_3684 = arith.cmpi sge, %sub3A_3681, %ge3A_3683 : vector<16xi32>
      %lt3A_3685 = arith.constant 25040 : i32
      %lt3A_3686 = vector.broadcast %lt3A_3685 : i32 to vector<16xi32>
      %lt3A_3687 = arith.cmpi slt, %sub3A_3681, %lt3A_3686 : vector<16xi32>
      %and3A_3688 = arith.andi %ge3A_3684, %lt3A_3687 : vector<16xi1>
      %jit3A_3689 = arith.constant 0 : i32
      %broadcast_in_dim3A_3690 = vector.broadcast %jit3A_3689 : i32 to vector<16xi32>
      %select_n3A_3691 = arith.select %and3A_3688, %sub3A_3681, %broadcast_in_dim3A_3690 : vector<16xi1>, vector<16xi32>
      %gather3A_3692 = tpu.vector_load_idx %arg14[%select_n3A_3691] masked %and3A_3688 : memref<25040xf32, #tpu.memory_space<vmem>>[vector<16xi32>], vector<16xf32>, vector<16xi1>
      %swap3A_3693 = arith.constant 160 : index
      %swap3A_3694 = tpu.vector_load %arg10[%swap3A_3693] {strides = array<i32>} : memref<400xf32, #tpu.memory_space<vmem>>, vector<16xf32>,
      tpu.vector_store %arg10[%swap3A_3693], %gather3A_3692 {strides = array<i32>} : memref<400xf32, #tpu.memory_space<vmem>>, vector<16xf32>,
      %get3A_3695 = arith.constant 176 : index
      %get3A_3696 = tpu.vector_load %arg7[%get3A_3695] {strides = array<i32>} : memref<400xi32, #tpu.memory_space<vmem>>, vector<16xi32>,
      %sub3A_3697 = arith.constant 24960 : i32
      %sub3A_3698 = vector.broadcast %sub3A_3697 : i32 to vector<16xi32>
      %sub3A_3699 = arith.subi %get3A_3696, %sub3A_3698 : vector<16xi32>
      %ge3A_3700 = arith.constant 0 : i32
      %ge3A_3701 = vector.broadcast %ge3A_3700 : i32 to vector<16xi32>
      %ge3A_3702 = arith.cmpi sge, %sub3A_3699, %ge3A_3701 : vector<16xi32>
      %lt3A_3703 = arith.constant 25040 : i32
      %lt3A_3704 = vector.broadcast %lt3A_3703 : i32 to vector<16xi32>
      %lt3A_3705 = arith.cmpi slt, %sub3A_3699, %lt3A_3704 : vector<16xi32>
      %and3A_3706 = arith.andi %ge3A_3702, %lt3A_3705 : vector<16xi1>
      %jit3A_3707 = arith.constant 0 : i32
      %broadcast_in_dim3A_3708 = vector.broadcast %jit3A_3707 : i32 to vector<16xi32>
      %select_n3A_3709 = arith.select %and3A_3706, %sub3A_3699, %broadcast_in_dim3A_3708 : vector<16xi1>, vector<16xi32>
      %gather3A_3710 = tpu.vector_load_idx %arg14[%select_n3A_3709] masked %and3A_3706 : memref<25040xf32, #tpu.memory_space<vmem>>[vector<16xi32>], vector<16xf32>, vector<16xi1>
      %swap3A_3711 = arith.constant 176 : index
      %swap3A_3712 = tpu.vector_load %arg10[%swap3A_3711] {strides = array<i32>} : memref<400xf32, #tpu.memory_space<vmem>>, vector<16xf32>,
      tpu.vector_store %arg10[%swap3A_3711], %gather3A_3710 {strides = array<i32>} : memref<400xf32, #tpu.memory_space<vmem>>, vector<16xf32>,
      %get3A_3713 = arith.constant 192 : index
      %get3A_3714 = tpu.vector_load %arg7[%get3A_3713] {strides = array<i32>} : memref<400xi32, #tpu.memory_space<vmem>>, vector<16xi32>,
      %sub3A_3715 = arith.constant 24960 : i32
      %sub3A_3716 = vector.broadcast %sub3A_3715 : i32 to vector<16xi32>
      %sub3A_3717 = arith.subi %get3A_3714, %sub3A_3716 : vector<16xi32>
      %ge3A_3718 = arith.constant 0 : i32
      %ge3A_3719 = vector.broadcast %ge3A_3718 : i32 to vector<16xi32>
      %ge3A_3720 = arith.cmpi sge, %sub3A_3717, %ge3A_3719 : vector<16xi32>
      %lt3A_3721 = arith.constant 25040 : i32
      %lt3A_3722 = vector.broadcast %lt3A_3721 : i32 to vector<16xi32>
      %lt3A_3723 = arith.cmpi slt, %sub3A_3717, %lt3A_3722 : vector<16xi32>
      %and3A_3724 = arith.andi %ge3A_3720, %lt3A_3723 : vector<16xi1>
      %jit3A_3725 = arith.constant 0 : i32
      %broadcast_in_dim3A_3726 = vector.broadcast %jit3A_3725 : i32 to vector<16xi32>
      %select_n3A_3727 = arith.select %and3A_3724, %sub3A_3717, %broadcast_in_dim3A_3726 : vector<16xi1>, vector<16xi32>
      %gather3A_3728 = tpu.vector_load_idx %arg14[%select_n3A_3727] masked %and3A_3724 : memref<25040xf32, #tpu.memory_space<vmem>>[vector<16xi32>], vector<16xf32>, vector<16xi1>
      %swap3A_3729 = arith.constant 192 : index
      %swap3A_3730 = tpu.vector_load %arg10[%swap3A_3729] {strides = array<i32>} : memref<400xf32, #tpu.memory_space<vmem>>, vector<16xf32>,
      tpu.vector_store %arg10[%swap3A_3729], %gather3A_3728 {strides = array<i32>} : memref<400xf32, #tpu.memory_space<vmem>>, vector<16xf32>,
      %get3A_3731 = arith.constant 208 : index
      %get3A_3732 = tpu.vector_load %arg7[%get3A_3731] {strides = array<i32>} : memref<400xi32, #tpu.memory_space<vmem>>, vector<16xi32>,
      %sub3A_3733 = arith.constant 24960 : i32
      %sub3A_3734 = vector.broadcast %sub3A_3733 : i32 to vector<16xi32>
      %sub3A_3735 = arith.subi %get3A_3732, %sub3A_3734 : vector<16xi32>
      %ge3A_3736 = arith.constant 0 : i32
      %ge3A_3737 = vector.broadcast %ge3A_3736 : i32 to vector<16xi32>
      %ge3A_3738 = arith.cmpi sge, %sub3A_3735, %ge3A_3737 : vector<16xi32>
      %lt3A_3739 = arith.constant 25040 : i32
      %lt3A_3740 = vector.broadcast %lt3A_3739 : i32 to vector<16xi32>
      %lt3A_3741 = arith.cmpi slt, %sub3A_3735, %lt3A_3740 : vector<16xi32>
      %and3A_3742 = arith.andi %ge3A_3738, %lt3A_3741 : vector<16xi1>
      %jit3A_3743 = arith.constant 0 : i32
      %broadcast_in_dim3A_3744 = vector.broadcast %jit3A_3743 : i32 to vector<16xi32>
      %select_n3A_3745 = arith.select %and3A_3742, %sub3A_3735, %broadcast_in_dim3A_3744 : vector<16xi1>, vector<16xi32>
      %gather3A_3746 = tpu.vector_load_idx %arg14[%select_n3A_3745] masked %and3A_3742 : memref<25040xf32, #tpu.memory_space<vmem>>[vector<16xi32>], vector<16xf32>, vector<16xi1>
      %swap3A_3747 = arith.constant 208 : index
      %swap3A_3748 = tpu.vector_load %arg10[%swap3A_3747] {strides = array<i32>} : memref<400xf32, #tpu.memory_space<vmem>>, vector<16xf32>,
      tpu.vector_store %arg10[%swap3A_3747], %gather3A_3746 {strides = array<i32>} : memref<400xf32, #tpu.memory_space<vmem>>, vector<16xf32>,
      %get3A_3749 = arith.constant 224 : index
      %get3A_3750 = tpu.vector_load %arg7[%get3A_3749] {strides = array<i32>} : memref<400xi32, #tpu.memory_space<vmem>>, vector<16xi32>,
      %sub3A_3751 = arith.constant 24960 : i32
      %sub3A_3752 = vector.broadcast %sub3A_3751 : i32 to vector<16xi32>
      %sub3A_3753 = arith.subi %get3A_3750, %sub3A_3752 : vector<16xi32>
      %ge3A_3754 = arith.constant 0 : i32
      %ge3A_3755 = vector.broadcast %ge3A_3754 : i32 to vector<16xi32>
      %ge3A_3756 = arith.cmpi sge, %sub3A_3753, %ge3A_3755 : vector<16xi32>
      %lt3A_3757 = arith.constant 25040 : i32
      %lt3A_3758 = vector.broadcast %lt3A_3757 : i32 to vector<16xi32>
      %lt3A_3759 = arith.cmpi slt, %sub3A_3753, %lt3A_3758 : vector<16xi32>
      %and3A_3760 = arith.andi %ge3A_3756, %lt3A_3759 : vector<16xi1>
      %jit3A_3761 = arith.constant 0 : i32
      %broadcast_in_dim3A_3762 = vector.broadcast %jit3A_3761 : i32 to vector<16xi32>
      %select_n3A_3763 = arith.select %and3A_3760, %sub3A_3753, %broadcast_in_dim3A_3762 : vector<16xi1>, vector<16xi32>
      %gather3A_3764 = tpu.vector_load_idx %arg14[%select_n3A_3763] masked %and3A_3760 : memref<25040xf32, #tpu.memory_space<vmem>>[vector<16xi32>], vector<16xf32>, vector<16xi1>
      %swap3A_3765 = arith.constant 224 : index
      %swap3A_3766 = tpu.vector_load %arg10[%swap3A_3765] {strides = array<i32>} : memref<400xf32, #tpu.memory_space<vmem>>, vector<16xf32>,
      tpu.vector_store %arg10[%swap3A_3765], %gather3A_3764 {strides = array<i32>} : memref<400xf32, #tpu.memory_space<vmem>>, vector<16xf32>,
      %get3A_3767 = arith.constant 240 : index
      %get3A_3768 = tpu.vector_load %arg7[%get3A_3767] {strides = array<i32>} : memref<400xi32, #tpu.memory_space<vmem>>, vector<16xi32>,
      %sub3A_3769 = arith.constant 24960 : i32
      %sub3A_3770 = vector.broadcast %sub3A_3769 : i32 to vector<16xi32>
      %sub3A_3771 = arith.subi %get3A_3768, %sub3A_3770 : vector<16xi32>
      %ge3A_3772 = arith.constant 0 : i32
      %ge3A_3773 = vector.broadcast %ge3A_3772 : i32 to vector<16xi32>
      %ge3A_3774 = arith.cmpi sge, %sub3A_3771, %ge3A_3773 : vector<16xi32>
      %lt3A_3775 = arith.constant 25040 : i32
      %lt3A_3776 = vector.broadcast %lt3A_3775 : i32 to vector<16xi32>
      %lt3A_3777 = arith.cmpi slt, %sub3A_3771, %lt3A_3776 : vector<16xi32>
      %and3A_3778 = arith.andi %ge3A_3774, %lt3A_3777 : vector<16xi1>
      %jit3A_3779 = arith.constant 0 : i32
      %broadcast_in_dim3A_3780 = vector.broadcast %jit3A_3779 : i32 to vector<16xi32>
      %select_n3A_3781 = arith.select %and3A_3778, %sub3A_3771, %broadcast_in_dim3A_3780 : vector<16xi1>, vector<16xi32>
      %gather3A_3782 = tpu.vector_load_idx %arg14[%select_n3A_3781] masked %and3A_3778 : memref<25040xf32, #tpu.memory_space<vmem>>[vector<16xi32>], vector<16xf32>, vector<16xi1>
      %swap3A_3783 = arith.constant 240 : index
      %swap3A_3784 = tpu.vector_load %arg10[%swap3A_3783] {strides = array<i32>} : memref<400xf32, #tpu.memory_space<vmem>>, vector<16xf32>,
      tpu.vector_store %arg10[%swap3A_3783], %gather3A_3782 {strides = array<i32>} : memref<400xf32, #tpu.memory_space<vmem>>, vector<16xf32>,
      %get3A_3785 = arith.constant 256 : index
      %get3A_3786 = tpu.vector_load %arg7[%get3A_3785] {strides = array<i32>} : memref<400xi32, #tpu.memory_space<vmem>>, vector<16xi32>,
      %sub3A_3787 = arith.constant 24960 : i32
      %sub3A_3788 = vector.broadcast %sub3A_3787 : i32 to vector<16xi32>
      %sub3A_3789 = arith.subi %get3A_3786, %sub3A_3788 : vector<16xi32>
      %ge3A_3790 = arith.constant 0 : i32
      %ge3A_3791 = vector.broadcast %ge3A_3790 : i32 to vector<16xi32>
      %ge3A_3792 = arith.cmpi sge, %sub3A_3789, %ge3A_3791 : vector<16xi32>
      %lt3A_3793 = arith.constant 25040 : i32
      %lt3A_3794 = vector.broadcast %lt3A_3793 : i32 to vector<16xi32>
      %lt3A_3795 = arith.cmpi slt, %sub3A_3789, %lt3A_3794 : vector<16xi32>
      %and3A_3796 = arith.andi %ge3A_3792, %lt3A_3795 : vector<16xi1>
      %jit3A_3797 = arith.constant 0 : i32
      %broadcast_in_dim3A_3798 = vector.broadcast %jit3A_3797 : i32 to vector<16xi32>
      %select_n3A_3799 = arith.select %and3A_3796, %sub3A_3789, %broadcast_in_dim3A_3798 : vector<16xi1>, vector<16xi32>
      %gather3A_3800 = tpu.vector_load_idx %arg14[%select_n3A_3799] masked %and3A_3796 : memref<25040xf32, #tpu.memory_space<vmem>>[vector<16xi32>], vector<16xf32>, vector<16xi1>
      %swap3A_3801 = arith.constant 256 : index
      %swap3A_3802 = tpu.vector_load %arg10[%swap3A_3801] {strides = array<i32>} : memref<400xf32, #tpu.memory_space<vmem>>, vector<16xf32>,
      tpu.vector_store %arg10[%swap3A_3801], %gather3A_3800 {strides = array<i32>} : memref<400xf32, #tpu.memory_space<vmem>>, vector<16xf32>,
      %get3A_3803 = arith.constant 272 : index
      %get3A_3804 = tpu.vector_load %arg7[%get3A_3803] {strides = array<i32>} : memref<400xi32, #tpu.memory_space<vmem>>, vector<16xi32>,
      %sub3A_3805 = arith.constant 24960 : i32
      %sub3A_3806 = vector.broadcast %sub3A_3805 : i32 to vector<16xi32>
      %sub3A_3807 = arith.subi %get3A_3804, %sub3A_3806 : vector<16xi32>
      %ge3A_3808 = arith.constant 0 : i32
      %ge3A_3809 = vector.broadcast %ge3A_3808 : i32 to vector<16xi32>
      %ge3A_3810 = arith.cmpi sge, %sub3A_3807, %ge3A_3809 : vector<16xi32>
      %lt3A_3811 = arith.constant 25040 : i32
      %lt3A_3812 = vector.broadcast %lt3A_3811 : i32 to vector<16xi32>
      %lt3A_3813 = arith.cmpi slt, %sub3A_3807, %lt3A_3812 : vector<16xi32>
      %and3A_3814 = arith.andi %ge3A_3810, %lt3A_3813 : vector<16xi1>
      %jit3A_3815 = arith.constant 0 : i32
      %broadcast_in_dim3A_3816 = vector.broadcast %jit3A_3815 : i32 to vector<16xi32>
      %select_n3A_3817 = arith.select %and3A_3814, %sub3A_3807, %broadcast_in_dim3A_3816 : vector<16xi1>, vector<16xi32>
      %gather3A_3818 = tpu.vector_load_idx %arg14[%select_n3A_3817] masked %and3A_3814 : memref<25040xf32, #tpu.memory_space<vmem>>[vector<16xi32>], vector<16xf32>, vector<16xi1>
      %swap3A_3819 = arith.constant 272 : index
      %swap3A_3820 = tpu.vector_load %arg10[%swap3A_3819] {strides = array<i32>} : memref<400xf32, #tpu.memory_space<vmem>>, vector<16xf32>,
      tpu.vector_store %arg10[%swap3A_3819], %gather3A_3818 {strides = array<i32>} : memref<400xf32, #tpu.memory_space<vmem>>, vector<16xf32>,
      %get3A_3821 = arith.constant 288 : index
      %get3A_3822 = tpu.vector_load %arg7[%get3A_3821] {strides = array<i32>} : memref<400xi32, #tpu.memory_space<vmem>>, vector<16xi32>,
      %sub3A_3823 = arith.constant 24960 : i32
      %sub3A_3824 = vector.broadcast %sub3A_3823 : i32 to vector<16xi32>
      %sub3A_3825 = arith.subi %get3A_3822, %sub3A_3824 : vector<16xi32>
      %ge3A_3826 = arith.constant 0 : i32
      %ge3A_3827 = vector.broadcast %ge3A_3826 : i32 to vector<16xi32>
      %ge3A_3828 = arith.cmpi sge, %sub3A_3825, %ge3A_3827 : vector<16xi32>
      %lt3A_3829 = arith.constant 25040 : i32
      %lt3A_3830 = vector.broadcast %lt3A_3829 : i32 to vector<16xi32>
      %lt3A_3831 = arith.cmpi slt, %sub3A_3825, %lt3A_3830 : vector<16xi32>
      %and3A_3832 = arith.andi %ge3A_3828, %lt3A_3831 : vector<16xi1>
      %jit3A_3833 = arith.constant 0 : i32
      %broadcast_in_dim3A_3834 = vector.broadcast %jit3A_3833 : i32 to vector<16xi32>
      %select_n3A_3835 = arith.select %and3A_3832, %sub3A_3825, %broadcast_in_dim3A_3834 : vector<16xi1>, vector<16xi32>
      %gather3A_3836 = tpu.vector_load_idx %arg14[%select_n3A_3835] masked %and3A_3832 : memref<25040xf32, #tpu.memory_space<vmem>>[vector<16xi32>], vector<16xf32>, vector<16xi1>
      %swap3A_3837 = arith.constant 288 : index
      %swap3A_3838 = tpu.vector_load %arg10[%swap3A_3837] {strides = array<i32>} : memref<400xf32, #tpu.memory_space<vmem>>, vector<16xf32>,
      tpu.vector_store %arg10[%swap3A_3837], %gather3A_3836 {strides = array<i32>} : memref<400xf32, #tpu.memory_space<vmem>>, vector<16xf32>,
      %get3A_3839 = arith.constant 304 : index
      %get3A_3840 = tpu.vector_load %arg7[%get3A_3839] {strides = array<i32>} : memref<400xi32, #tpu.memory_space<vmem>>, vector<16xi32>,
      %sub3A_3841 = arith.constant 24960 : i32
      %sub3A_3842 = vector.broadcast %sub3A_3841 : i32 to vector<16xi32>
      %sub3A_3843 = arith.subi %get3A_3840, %sub3A_3842 : vector<16xi32>
      %ge3A_3844 = arith.constant 0 : i32
      %ge3A_3845 = vector.broadcast %ge3A_3844 : i32 to vector<16xi32>
      %ge3A_3846 = arith.cmpi sge, %sub3A_3843, %ge3A_3845 : vector<16xi32>
      %lt3A_3847 = arith.constant 25040 : i32
      %lt3A_3848 = vector.broadcast %lt3A_3847 : i32 to vector<16xi32>
      %lt3A_3849 = arith.cmpi slt, %sub3A_3843, %lt3A_3848 : vector<16xi32>
      %and3A_3850 = arith.andi %ge3A_3846, %lt3A_3849 : vector<16xi1>
      %jit3A_3851 = arith.constant 0 : i32
      %broadcast_in_dim3A_3852 = vector.broadcast %jit3A_3851 : i32 to vector<16xi32>
      %select_n3A_3853 = arith.select %and3A_3850, %sub3A_3843, %broadcast_in_dim3A_3852 : vector<16xi1>, vector<16xi32>
      %gather3A_3854 = tpu.vector_load_idx %arg14[%select_n3A_3853] masked %and3A_3850 : memref<25040xf32, #tpu.memory_space<vmem>>[vector<16xi32>], vector<16xf32>, vector<16xi1>
      %swap3A_3855 = arith.constant 304 : index
      %swap3A_3856 = tpu.vector_load %arg10[%swap3A_3855] {strides = array<i32>} : memref<400xf32, #tpu.memory_space<vmem>>, vector<16xf32>,
      tpu.vector_store %arg10[%swap3A_3855], %gather3A_3854 {strides = array<i32>} : memref<400xf32, #tpu.memory_space<vmem>>, vector<16xf32>,
      %get3A_3857 = arith.constant 320 : index
      %get3A_3858 = tpu.vector_load %arg7[%get3A_3857] {strides = array<i32>} : memref<400xi32, #tpu.memory_space<vmem>>, vector<16xi32>,
      %sub3A_3859 = arith.constant 24960 : i32
      %sub3A_3860 = vector.broadcast %sub3A_3859 : i32 to vector<16xi32>
      %sub3A_3861 = arith.subi %get3A_3858, %sub3A_3860 : vector<16xi32>
      %ge3A_3862 = arith.constant 0 : i32
      %ge3A_3863 = vector.broadcast %ge3A_3862 : i32 to vector<16xi32>
      %ge3A_3864 = arith.cmpi sge, %sub3A_3861, %ge3A_3863 : vector<16xi32>
      %lt3A_3865 = arith.constant 25040 : i32
      %lt3A_3866 = vector.broadcast %lt3A_3865 : i32 to vector<16xi32>
      %lt3A_3867 = arith.cmpi slt, %sub3A_3861, %lt3A_3866 : vector<16xi32>
      %and3A_3868 = arith.andi %ge3A_3864, %lt3A_3867 : vector<16xi1>
      %jit3A_3869 = arith.constant 0 : i32
      %broadcast_in_dim3A_3870 = vector.broadcast %jit3A_3869 : i32 to vector<16xi32>
      %select_n3A_3871 = arith.select %and3A_3868, %sub3A_3861, %broadcast_in_dim3A_3870 : vector<16xi1>, vector<16xi32>
      %gather3A_3872 = tpu.vector_load_idx %arg14[%select_n3A_3871] masked %and3A_3868 : memref<25040xf32, #tpu.memory_space<vmem>>[vector<16xi32>], vector<16xf32>, vector<16xi1>
      %swap3A_3873 = arith.constant 320 : index
      %swap3A_3874 = tpu.vector_load %arg10[%swap3A_3873] {strides = array<i32>} : memref<400xf32, #tpu.memory_space<vmem>>, vector<16xf32>,
      tpu.vector_store %arg10[%swap3A_3873], %gather3A_3872 {strides = array<i32>} : memref<400xf32, #tpu.memory_space<vmem>>, vector<16xf32>,
      %get3A_3875 = arith.constant 336 : index
      %get3A_3876 = tpu.vector_load %arg7[%get3A_3875] {strides = array<i32>} : memref<400xi32, #tpu.memory_space<vmem>>, vector<16xi32>,
      %sub3A_3877 = arith.constant 24960 : i32
      %sub3A_3878 = vector.broadcast %sub3A_3877 : i32 to vector<16xi32>
      %sub3A_3879 = arith.subi %get3A_3876, %sub3A_3878 : vector<16xi32>
      %ge3A_3880 = arith.constant 0 : i32
      %ge3A_3881 = vector.broadcast %ge3A_3880 : i32 to vector<16xi32>
      %ge3A_3882 = arith.cmpi sge, %sub3A_3879, %ge3A_3881 : vector<16xi32>
      %lt3A_3883 = arith.constant 25040 : i32
      %lt3A_3884 = vector.broadcast %lt3A_3883 : i32 to vector<16xi32>
      %lt3A_3885 = arith.cmpi slt, %sub3A_3879, %lt3A_3884 : vector<16xi32>
      %and3A_3886 = arith.andi %ge3A_3882, %lt3A_3885 : vector<16xi1>
      %jit3A_3887 = arith.constant 0 : i32
      %broadcast_in_dim3A_3888 = vector.broadcast %jit3A_3887 : i32 to vector<16xi32>
      %select_n3A_3889 = arith.select %and3A_3886, %sub3A_3879, %broadcast_in_dim3A_3888 : vector<16xi1>, vector<16xi32>
      %gather3A_3890 = tpu.vector_load_idx %arg14[%select_n3A_3889] masked %and3A_3886 : memref<25040xf32, #tpu.memory_space<vmem>>[vector<16xi32>], vector<16xf32>, vector<16xi1>
      %swap3A_3891 = arith.constant 336 : index
      %swap3A_3892 = tpu.vector_load %arg10[%swap3A_3891] {strides = array<i32>} : memref<400xf32, #tpu.memory_space<vmem>>, vector<16xf32>,
      tpu.vector_store %arg10[%swap3A_3891], %gather3A_3890 {strides = array<i32>} : memref<400xf32, #tpu.memory_space<vmem>>, vector<16xf32>,
      %get3A_3893 = arith.constant 352 : index
      %get3A_3894 = tpu.vector_load %arg7[%get3A_3893] {strides = array<i32>} : memref<400xi32, #tpu.memory_space<vmem>>, vector<16xi32>,
      %sub3A_3895 = arith.constant 24960 : i32
      %sub3A_3896 = vector.broadcast %sub3A_3895 : i32 to vector<16xi32>
      %sub3A_3897 = arith.subi %get3A_3894, %sub3A_3896 : vector<16xi32>
      %ge3A_3898 = arith.constant 0 : i32
      %ge3A_3899 = vector.broadcast %ge3A_3898 : i32 to vector<16xi32>
      %ge3A_3900 = arith.cmpi sge, %sub3A_3897, %ge3A_3899 : vector<16xi32>
      %lt3A_3901 = arith.constant 25040 : i32
      %lt3A_3902 = vector.broadcast %lt3A_3901 : i32 to vector<16xi32>
      %lt3A_3903 = arith.cmpi slt, %sub3A_3897, %lt3A_3902 : vector<16xi32>
      %and3A_3904 = arith.andi %ge3A_3900, %lt3A_3903 : vector<16xi1>
      %jit3A_3905 = arith.constant 0 : i32
      %broadcast_in_dim3A_3906 = vector.broadcast %jit3A_3905 : i32 to vector<16xi32>
      %select_n3A_3907 = arith.select %and3A_3904, %sub3A_3897, %broadcast_in_dim3A_3906 : vector<16xi1>, vector<16xi32>
      %gather3A_3908 = tpu.vector_load_idx %arg14[%select_n3A_3907] masked %and3A_3904 : memref<25040xf32, #tpu.memory_space<vmem>>[vector<16xi32>], vector<16xf32>, vector<16xi1>
      %swap3A_3909 = arith.constant 352 : index
      %swap3A_3910 = tpu.vector_load %arg10[%swap3A_3909] {strides = array<i32>} : memref<400xf32, #tpu.memory_space<vmem>>, vector<16xf32>,
      tpu.vector_store %arg10[%swap3A_3909], %gather3A_3908 {strides = array<i32>} : memref<400xf32, #tpu.memory_space<vmem>>, vector<16xf32>,
      %get3A_3911 = arith.constant 368 : index
      %get3A_3912 = tpu.vector_load %arg7[%get3A_3911] {strides = array<i32>} : memref<400xi32, #tpu.memory_space<vmem>>, vector<16xi32>,
      %sub3A_3913 = arith.constant 24960 : i32
      %sub3A_3914 = vector.broadcast %sub3A_3913 : i32 to vector<16xi32>
      %sub3A_3915 = arith.subi %get3A_3912, %sub3A_3914 : vector<16xi32>
      %ge3A_3916 = arith.constant 0 : i32
      %ge3A_3917 = vector.broadcast %ge3A_3916 : i32 to vector<16xi32>
      %ge3A_3918 = arith.cmpi sge, %sub3A_3915, %ge3A_3917 : vector<16xi32>
      %lt3A_3919 = arith.constant 25040 : i32
      %lt3A_3920 = vector.broadcast %lt3A_3919 : i32 to vector<16xi32>
      %lt3A_3921 = arith.cmpi slt, %sub3A_3915, %lt3A_3920 : vector<16xi32>
      %and3A_3922 = arith.andi %ge3A_3918, %lt3A_3921 : vector<16xi1>
      %jit3A_3923 = arith.constant 0 : i32
      %broadcast_in_dim3A_3924 = vector.broadcast %jit3A_3923 : i32 to vector<16xi32>
      %select_n3A_3925 = arith.select %and3A_3922, %sub3A_3915, %broadcast_in_dim3A_3924 : vector<16xi1>, vector<16xi32>
      %gather3A_3926 = tpu.vector_load_idx %arg14[%select_n3A_3925] masked %and3A_3922 : memref<25040xf32, #tpu.memory_space<vmem>>[vector<16xi32>], vector<16xf32>, vector<16xi1>
      %swap3A_3927 = arith.constant 368 : index
      %swap3A_3928 = tpu.vector_load %arg10[%swap3A_3927] {strides = array<i32>} : memref<400xf32, #tpu.memory_space<vmem>>, vector<16xf32>,
      tpu.vector_store %arg10[%swap3A_3927], %gather3A_3926 {strides = array<i32>} : memref<400xf32, #tpu.memory_space<vmem>>, vector<16xf32>,
      %get3A_3929 = arith.constant 384 : index
      %get3A_3930 = tpu.vector_load %arg7[%get3A_3929] {strides = array<i32>} : memref<400xi32, #tpu.memory_space<vmem>>, vector<16xi32>,
      %sub3A_3931 = arith.constant 24960 : i32
      %sub3A_3932 = vector.broadcast %sub3A_3931 : i32 to vector<16xi32>
      %sub3A_3933 = arith.subi %get3A_3930, %sub3A_3932 : vector<16xi32>
      %ge3A_3934 = arith.constant 0 : i32
      %ge3A_3935 = vector.broadcast %ge3A_3934 : i32 to vector<16xi32>
      %ge3A_3936 = arith.cmpi sge, %sub3A_3933, %ge3A_3935 : vector<16xi32>
      %lt3A_3937 = arith.constant 25040 : i32
      %lt3A_3938 = vector.broadcast %lt3A_3937 : i32 to vector<16xi32>
      %lt3A_3939 = arith.cmpi slt, %sub3A_3933, %lt3A_3938 : vector<16xi32>
      %and3A_3940 = arith.andi %ge3A_3936, %lt3A_3939 : vector<16xi1>
      %jit3A_3941 = arith.constant 0 : i32
      %broadcast_in_dim3A_3942 = vector.broadcast %jit3A_3941 : i32 to vector<16xi32>
      %select_n3A_3943 = arith.select %and3A_3940, %sub3A_3933, %broadcast_in_dim3A_3942 : vector<16xi1>, vector<16xi32>
      %gather3A_3944 = tpu.vector_load_idx %arg14[%select_n3A_3943] masked %and3A_3940 : memref<25040xf32, #tpu.memory_space<vmem>>[vector<16xi32>], vector<16xf32>, vector<16xi1>
      %swap3A_3945 = arith.constant 384 : index
      %swap3A_3946 = tpu.vector_load %arg10[%swap3A_3945] {strides = array<i32>} : memref<400xf32, #tpu.memory_space<vmem>>, vector<16xf32>,
      tpu.vector_store %arg10[%swap3A_3945], %gather3A_3944 {strides = array<i32>} : memref<400xf32, #tpu.memory_space<vmem>>, vector<16xf32>,
      %parallel_loop3A_3947 = arith.constant 0 : i32
      %parallel_loop3A_3948 = arith.constant 1565 : i32
      %parallel_loop3A_3949 = arith.constant 1 : i32
      scf.for %parallel_loop3A_4696 = %parallel_loop3A_3947 to %parallel_loop3A_3948 step %parallel_loop3A_3949  : i32 {
        %parallel_loop3A_4697 = arith.constant 16 : i32
        %parallel_loop3A_4698 = arith.muli %parallel_loop3A_4696, %parallel_loop3A_4697 : i32
        %parallel_loop3A_4699 = arith.index_cast %parallel_loop3A_4698 : i32 to index
        %parallel_loop3A_4700 = tpu.vector_load %arg14[%parallel_loop3A_4699] {strides = array<i32>} : memref<25040xf32, #tpu.memory_space<vmem>>, vector<16xf32>,
        %parallel_loop3A_4701 = arith.mulf %parallel_loop3A_4700, %gather3A_3493 : vector<16xf32>
        %parallel_loop3A_4702 = arith.index_cast %parallel_loop3A_4698 : i32 to index
        %parallel_loop3A_4703 = tpu.vector_load %arg14[%parallel_loop3A_4702] {strides = array<i32>} : memref<25040xf32, #tpu.memory_space<vmem>>, vector<16xf32>,
        tpu.vector_store %arg14[%parallel_loop3A_4702], %parallel_loop3A_4701 {strides = array<i32>} : memref<25040xf32, #tpu.memory_space<vmem>>, vector<16xf32>,
      } {sc.loop_unroll_factor = 8 : i64, sc.parallel_access}
      %get3A_3950 = arith.constant 0 : index
      %get3A_3951 = tpu.vector_load %arg7[%get3A_3950] {strides = array<i32>} : memref<400xi32, #tpu.memory_space<vmem>>, vector<16xi32>,
      %sub3A_3952 = arith.constant 24960 : i32
      %sub3A_3953 = vector.broadcast %sub3A_3952 : i32 to vector<16xi32>
      %sub3A_3954 = arith.subi %get3A_3951, %sub3A_3953 : vector<16xi32>
      %ge3A_3955 = arith.constant 0 : i32
      %ge3A_3956 = vector.broadcast %ge3A_3955 : i32 to vector<16xi32>
      %ge3A_3957 = arith.cmpi sge, %sub3A_3954, %ge3A_3956 : vector<16xi32>
      %lt3A_3958 = arith.constant 25040 : i32
      %lt3A_3959 = vector.broadcast %lt3A_3958 : i32 to vector<16xi32>
      %lt3A_3960 = arith.cmpi slt, %sub3A_3954, %lt3A_3959 : vector<16xi32>
      %and3A_3961 = arith.andi %ge3A_3957, %lt3A_3960 : vector<16xi1>
      %jit3A_3962 = arith.constant 0 : i32
      %broadcast_in_dim3A_3963 = vector.broadcast %jit3A_3962 : i32 to vector<16xi32>
      %select_n3A_3964 = arith.select %and3A_3961, %sub3A_3954, %broadcast_in_dim3A_3963 : vector<16xi1>, vector<16xi32>
      %mul3A_3965 = arith.constant 400 : i32
      %mul3A_3966 = arith.muli %add3A_3471, %mul3A_3965 : i32
      %add3A_3967 = arith.constant 0 : i32
      %add3A_3968 = arith.addi %mul3A_3966, %add3A_3967 : i32
      %get3A_3969 = arith.index_cast %add3A_3968 : i32 to index
      %get3A_3970 = tpu.vector_load %arg8[%get3A_3969] {strides = array<i32>} : memref<12800xf32, #tpu.memory_space<vmem>>, vector<16xf32>,
      %mul3A_3971 = arith.mulf %sub3A_3496, %get3A_3970 : vector<16xf32>
      %get3A_3972 = arith.constant 0 : index
      %get3A_3973 = tpu.vector_load %arg10[%get3A_3972] {strides = array<i32>} : memref<400xf32, #tpu.memory_space<vmem>>, vector<16xf32>,
      %mul3A_3974 = arith.mulf %gather3A_3493, %get3A_3973 : vector<16xf32>
      %add3A_3975 = arith.addf %mul3A_3971, %mul3A_3974 : vector<16xf32>
      tpu.vector_store_idx %arg14[%select_n3A_3964], %add3A_3975 masked %and3A_3961 : memref<25040xf32, #tpu.memory_space<vmem>>[vector<16xi32>], vector<16xf32>, vector<16xi1>
      %get3A_3976 = arith.constant 16 : index
      %get3A_3977 = tpu.vector_load %arg7[%get3A_3976] {strides = array<i32>} : memref<400xi32, #tpu.memory_space<vmem>>, vector<16xi32>,
      %sub3A_3978 = arith.constant 24960 : i32
      %sub3A_3979 = vector.broadcast %sub3A_3978 : i32 to vector<16xi32>
      %sub3A_3980 = arith.subi %get3A_3977, %sub3A_3979 : vector<16xi32>
      %ge3A_3981 = arith.constant 0 : i32
      %ge3A_3982 = vector.broadcast %ge3A_3981 : i32 to vector<16xi32>
      %ge3A_3983 = arith.cmpi sge, %sub3A_3980, %ge3A_3982 : vector<16xi32>
      %lt3A_3984 = arith.constant 25040 : i32
      %lt3A_3985 = vector.broadcast %lt3A_3984 : i32 to vector<16xi32>
      %lt3A_3986 = arith.cmpi slt, %sub3A_3980, %lt3A_3985 : vector<16xi32>
      %and3A_3987 = arith.andi %ge3A_3983, %lt3A_3986 : vector<16xi1>
      %jit3A_3988 = arith.constant 0 : i32
      %broadcast_in_dim3A_3989 = vector.broadcast %jit3A_3988 : i32 to vector<16xi32>
      %select_n3A_3990 = arith.select %and3A_3987, %sub3A_3980, %broadcast_in_dim3A_3989 : vector<16xi1>, vector<16xi32>
      %mul3A_3991 = arith.constant 400 : i32
      %mul3A_3992 = arith.muli %add3A_3471, %mul3A_3991 : i32
      %add3A_3993 = arith.constant 16 : i32
      %add3A_3994 = arith.addi %mul3A_3992, %add3A_3993 : i32
      %get3A_3995 = arith.index_cast %add3A_3994 : i32 to index
      %get3A_3996 = tpu.vector_load %arg8[%get3A_3995] {strides = array<i32>} : memref<12800xf32, #tpu.memory_space<vmem>>, vector<16xf32>,
      %mul3A_3997 = arith.mulf %sub3A_3496, %get3A_3996 : vector<16xf32>
      %get3A_3998 = arith.constant 16 : index
      %get3A_3999 = tpu.vector_load %arg10[%get3A_3998] {strides = array<i32>} : memref<400xf32, #tpu.memory_space<vmem>>, vector<16xf32>,
      %mul3A_4000 = arith.mulf %gather3A_3493, %get3A_3999 : vector<16xf32>
      %add3A_4001 = arith.addf %mul3A_3997, %mul3A_4000 : vector<16xf32>
      tpu.vector_store_idx %arg14[%select_n3A_3990], %add3A_4001 masked %and3A_3987 : memref<25040xf32, #tpu.memory_space<vmem>>[vector<16xi32>], vector<16xf32>, vector<16xi1>
      %get3A_4002 = arith.constant 32 : index
      %get3A_4003 = tpu.vector_load %arg7[%get3A_4002] {strides = array<i32>} : memref<400xi32, #tpu.memory_space<vmem>>, vector<16xi32>,
      %sub3A_4004 = arith.constant 24960 : i32
      %sub3A_4005 = vector.broadcast %sub3A_4004 : i32 to vector<16xi32>
      %sub3A_4006 = arith.subi %get3A_4003, %sub3A_4005 : vector<16xi32>
      %ge3A_4007 = arith.constant 0 : i32
      %ge3A_4008 = vector.broadcast %ge3A_4007 : i32 to vector<16xi32>
      %ge3A_4009 = arith.cmpi sge, %sub3A_4006, %ge3A_4008 : vector<16xi32>
      %lt3A_4010 = arith.constant 25040 : i32
      %lt3A_4011 = vector.broadcast %lt3A_4010 : i32 to vector<16xi32>
      %lt3A_4012 = arith.cmpi slt, %sub3A_4006, %lt3A_4011 : vector<16xi32>
      %and3A_4013 = arith.andi %ge3A_4009, %lt3A_4012 : vector<16xi1>
      %jit3A_4014 = arith.constant 0 : i32
      %broadcast_in_dim3A_4015 = vector.broadcast %jit3A_4014 : i32 to vector<16xi32>
      %select_n3A_4016 = arith.select %and3A_4013, %sub3A_4006, %broadcast_in_dim3A_4015 : vector<16xi1>, vector<16xi32>
      %mul3A_4017 = arith.constant 400 : i32
      %mul3A_4018 = arith.muli %add3A_3471, %mul3A_4017 : i32
      %add3A_4019 = arith.constant 32 : i32
      %add3A_4020 = arith.addi %mul3A_4018, %add3A_4019 : i32
      %get3A_4021 = arith.index_cast %add3A_4020 : i32 to index
      %get3A_4022 = tpu.vector_load %arg8[%get3A_4021] {strides = array<i32>} : memref<12800xf32, #tpu.memory_space<vmem>>, vector<16xf32>,
      %mul3A_4023 = arith.mulf %sub3A_3496, %get3A_4022 : vector<16xf32>
      %get3A_4024 = arith.constant 32 : index
      %get3A_4025 = tpu.vector_load %arg10[%get3A_4024] {strides = array<i32>} : memref<400xf32, #tpu.memory_space<vmem>>, vector<16xf32>,
      %mul3A_4026 = arith.mulf %gather3A_3493, %get3A_4025 : vector<16xf32>
      %add3A_4027 = arith.addf %mul3A_4023, %mul3A_4026 : vector<16xf32>
      tpu.vector_store_idx %arg14[%select_n3A_4016], %add3A_4027 masked %and3A_4013 : memref<25040xf32, #tpu.memory_space<vmem>>[vector<16xi32>], vector<16xf32>, vector<16xi1>
      %get3A_4028 = arith.constant 48 : index
      %get3A_4029 = tpu.vector_load %arg7[%get3A_4028] {strides = array<i32>} : memref<400xi32, #tpu.memory_space<vmem>>, vector<16xi32>,
      %sub3A_4030 = arith.constant 24960 : i32
      %sub3A_4031 = vector.broadcast %sub3A_4030 : i32 to vector<16xi32>
      %sub3A_4032 = arith.subi %get3A_4029, %sub3A_4031 : vector<16xi32>
      %ge3A_4033 = arith.constant 0 : i32
      %ge3A_4034 = vector.broadcast %ge3A_4033 : i32 to vector<16xi32>
      %ge3A_4035 = arith.cmpi sge, %sub3A_4032, %ge3A_4034 : vector<16xi32>
      %lt3A_4036 = arith.constant 25040 : i32
      %lt3A_4037 = vector.broadcast %lt3A_4036 : i32 to vector<16xi32>
      %lt3A_4038 = arith.cmpi slt, %sub3A_4032, %lt3A_4037 : vector<16xi32>
      %and3A_4039 = arith.andi %ge3A_4035, %lt3A_4038 : vector<16xi1>
      %jit3A_4040 = arith.constant 0 : i32
      %broadcast_in_dim3A_4041 = vector.broadcast %jit3A_4040 : i32 to vector<16xi32>
      %select_n3A_4042 = arith.select %and3A_4039, %sub3A_4032, %broadcast_in_dim3A_4041 : vector<16xi1>, vector<16xi32>
      %mul3A_4043 = arith.constant 400 : i32
      %mul3A_4044 = arith.muli %add3A_3471, %mul3A_4043 : i32
      %add3A_4045 = arith.constant 48 : i32
      %add3A_4046 = arith.addi %mul3A_4044, %add3A_4045 : i32
      %get3A_4047 = arith.index_cast %add3A_4046 : i32 to index
      %get3A_4048 = tpu.vector_load %arg8[%get3A_4047] {strides = array<i32>} : memref<12800xf32, #tpu.memory_space<vmem>>, vector<16xf32>,
      %mul3A_4049 = arith.mulf %sub3A_3496, %get3A_4048 : vector<16xf32>
      %get3A_4050 = arith.constant 48 : index
      %get3A_4051 = tpu.vector_load %arg10[%get3A_4050] {strides = array<i32>} : memref<400xf32, #tpu.memory_space<vmem>>, vector<16xf32>,
      %mul3A_4052 = arith.mulf %gather3A_3493, %get3A_4051 : vector<16xf32>
      %add3A_4053 = arith.addf %mul3A_4049, %mul3A_4052 : vector<16xf32>
      tpu.vector_store_idx %arg14[%select_n3A_4042], %add3A_4053 masked %and3A_4039 : memref<25040xf32, #tpu.memory_space<vmem>>[vector<16xi32>], vector<16xf32>, vector<16xi1>
      %get3A_4054 = arith.constant 64 : index
      %get3A_4055 = tpu.vector_load %arg7[%get3A_4054] {strides = array<i32>} : memref<400xi32, #tpu.memory_space<vmem>>, vector<16xi32>,
      %sub3A_4056 = arith.constant 24960 : i32
      %sub3A_4057 = vector.broadcast %sub3A_4056 : i32 to vector<16xi32>
      %sub3A_4058 = arith.subi %get3A_4055, %sub3A_4057 : vector<16xi32>
      %ge3A_4059 = arith.constant 0 : i32
      %ge3A_4060 = vector.broadcast %ge3A_4059 : i32 to vector<16xi32>
      %ge3A_4061 = arith.cmpi sge, %sub3A_4058, %ge3A_4060 : vector<16xi32>
      %lt3A_4062 = arith.constant 25040 : i32
      %lt3A_4063 = vector.broadcast %lt3A_4062 : i32 to vector<16xi32>
      %lt3A_4064 = arith.cmpi slt, %sub3A_4058, %lt3A_4063 : vector<16xi32>
      %and3A_4065 = arith.andi %ge3A_4061, %lt3A_4064 : vector<16xi1>
      %jit3A_4066 = arith.constant 0 : i32
      %broadcast_in_dim3A_4067 = vector.broadcast %jit3A_4066 : i32 to vector<16xi32>
      %select_n3A_4068 = arith.select %and3A_4065, %sub3A_4058, %broadcast_in_dim3A_4067 : vector<16xi1>, vector<16xi32>
      %mul3A_4069 = arith.constant 400 : i32
      %mul3A_4070 = arith.muli %add3A_3471, %mul3A_4069 : i32
      %add3A_4071 = arith.constant 64 : i32
      %add3A_4072 = arith.addi %mul3A_4070, %add3A_4071 : i32
      %get3A_4073 = arith.index_cast %add3A_4072 : i32 to index
      %get3A_4074 = tpu.vector_load %arg8[%get3A_4073] {strides = array<i32>} : memref<12800xf32, #tpu.memory_space<vmem>>, vector<16xf32>,
      %mul3A_4075 = arith.mulf %sub3A_3496, %get3A_4074 : vector<16xf32>
      %get3A_4076 = arith.constant 64 : index
      %get3A_4077 = tpu.vector_load %arg10[%get3A_4076] {strides = array<i32>} : memref<400xf32, #tpu.memory_space<vmem>>, vector<16xf32>,
      %mul3A_4078 = arith.mulf %gather3A_3493, %get3A_4077 : vector<16xf32>
      %add3A_4079 = arith.addf %mul3A_4075, %mul3A_4078 : vector<16xf32>
      tpu.vector_store_idx %arg14[%select_n3A_4068], %add3A_4079 masked %and3A_4065 : memref<25040xf32, #tpu.memory_space<vmem>>[vector<16xi32>], vector<16xf32>, vector<16xi1>
      %get3A_4080 = arith.constant 80 : index
      %get3A_4081 = tpu.vector_load %arg7[%get3A_4080] {strides = array<i32>} : memref<400xi32, #tpu.memory_space<vmem>>, vector<16xi32>,
      %sub3A_4082 = arith.constant 24960 : i32
      %sub3A_4083 = vector.broadcast %sub3A_4082 : i32 to vector<16xi32>
      %sub3A_4084 = arith.subi %get3A_4081, %sub3A_4083 : vector<16xi32>
      %ge3A_4085 = arith.constant 0 : i32
      %ge3A_4086 = vector.broadcast %ge3A_4085 : i32 to vector<16xi32>
      %ge3A_4087 = arith.cmpi sge, %sub3A_4084, %ge3A_4086 : vector<16xi32>
      %lt3A_4088 = arith.constant 25040 : i32
      %lt3A_4089 = vector.broadcast %lt3A_4088 : i32 to vector<16xi32>
      %lt3A_4090 = arith.cmpi slt, %sub3A_4084, %lt3A_4089 : vector<16xi32>
      %and3A_4091 = arith.andi %ge3A_4087, %lt3A_4090 : vector<16xi1>
      %jit3A_4092 = arith.constant 0 : i32
      %broadcast_in_dim3A_4093 = vector.broadcast %jit3A_4092 : i32 to vector<16xi32>
      %select_n3A_4094 = arith.select %and3A_4091, %sub3A_4084, %broadcast_in_dim3A_4093 : vector<16xi1>, vector<16xi32>
      %mul3A_4095 = arith.constant 400 : i32
      %mul3A_4096 = arith.muli %add3A_3471, %mul3A_4095 : i32
      %add3A_4097 = arith.constant 80 : i32
      %add3A_4098 = arith.addi %mul3A_4096, %add3A_4097 : i32
      %get3A_4099 = arith.index_cast %add3A_4098 : i32 to index
      %get3A_4100 = tpu.vector_load %arg8[%get3A_4099] {strides = array<i32>} : memref<12800xf32, #tpu.memory_space<vmem>>, vector<16xf32>,
      %mul3A_4101 = arith.mulf %sub3A_3496, %get3A_4100 : vector<16xf32>
      %get3A_4102 = arith.constant 80 : index
      %get3A_4103 = tpu.vector_load %arg10[%get3A_4102] {strides = array<i32>} : memref<400xf32, #tpu.memory_space<vmem>>, vector<16xf32>,
      %mul3A_4104 = arith.mulf %gather3A_3493, %get3A_4103 : vector<16xf32>
      %add3A_4105 = arith.addf %mul3A_4101, %mul3A_4104 : vector<16xf32>
      tpu.vector_store_idx %arg14[%select_n3A_4094], %add3A_4105 masked %and3A_4091 : memref<25040xf32, #tpu.memory_space<vmem>>[vector<16xi32>], vector<16xf32>, vector<16xi1>
      %get3A_4106 = arith.constant 96 : index
      %get3A_4107 = tpu.vector_load %arg7[%get3A_4106] {strides = array<i32>} : memref<400xi32, #tpu.memory_space<vmem>>, vector<16xi32>,
      %sub3A_4108 = arith.constant 24960 : i32
      %sub3A_4109 = vector.broadcast %sub3A_4108 : i32 to vector<16xi32>
      %sub3A_4110 = arith.subi %get3A_4107, %sub3A_4109 : vector<16xi32>
      %ge3A_4111 = arith.constant 0 : i32
      %ge3A_4112 = vector.broadcast %ge3A_4111 : i32 to vector<16xi32>
      %ge3A_4113 = arith.cmpi sge, %sub3A_4110, %ge3A_4112 : vector<16xi32>
      %lt3A_4114 = arith.constant 25040 : i32
      %lt3A_4115 = vector.broadcast %lt3A_4114 : i32 to vector<16xi32>
      %lt3A_4116 = arith.cmpi slt, %sub3A_4110, %lt3A_4115 : vector<16xi32>
      %and3A_4117 = arith.andi %ge3A_4113, %lt3A_4116 : vector<16xi1>
      %jit3A_4118 = arith.constant 0 : i32
      %broadcast_in_dim3A_4119 = vector.broadcast %jit3A_4118 : i32 to vector<16xi32>
      %select_n3A_4120 = arith.select %and3A_4117, %sub3A_4110, %broadcast_in_dim3A_4119 : vector<16xi1>, vector<16xi32>
      %mul3A_4121 = arith.constant 400 : i32
      %mul3A_4122 = arith.muli %add3A_3471, %mul3A_4121 : i32
      %add3A_4123 = arith.constant 96 : i32
      %add3A_4124 = arith.addi %mul3A_4122, %add3A_4123 : i32
      %get3A_4125 = arith.index_cast %add3A_4124 : i32 to index
      %get3A_4126 = tpu.vector_load %arg8[%get3A_4125] {strides = array<i32>} : memref<12800xf32, #tpu.memory_space<vmem>>, vector<16xf32>,
      %mul3A_4127 = arith.mulf %sub3A_3496, %get3A_4126 : vector<16xf32>
      %get3A_4128 = arith.constant 96 : index
      %get3A_4129 = tpu.vector_load %arg10[%get3A_4128] {strides = array<i32>} : memref<400xf32, #tpu.memory_space<vmem>>, vector<16xf32>,
      %mul3A_4130 = arith.mulf %gather3A_3493, %get3A_4129 : vector<16xf32>
      %add3A_4131 = arith.addf %mul3A_4127, %mul3A_4130 : vector<16xf32>
      tpu.vector_store_idx %arg14[%select_n3A_4120], %add3A_4131 masked %and3A_4117 : memref<25040xf32, #tpu.memory_space<vmem>>[vector<16xi32>], vector<16xf32>, vector<16xi1>
      %get3A_4132 = arith.constant 112 : index
      %get3A_4133 = tpu.vector_load %arg7[%get3A_4132] {strides = array<i32>} : memref<400xi32, #tpu.memory_space<vmem>>, vector<16xi32>,
      %sub3A_4134 = arith.constant 24960 : i32
      %sub3A_4135 = vector.broadcast %sub3A_4134 : i32 to vector<16xi32>
      %sub3A_4136 = arith.subi %get3A_4133, %sub3A_4135 : vector<16xi32>
      %ge3A_4137 = arith.constant 0 : i32
      %ge3A_4138 = vector.broadcast %ge3A_4137 : i32 to vector<16xi32>
      %ge3A_4139 = arith.cmpi sge, %sub3A_4136, %ge3A_4138 : vector<16xi32>
      %lt3A_4140 = arith.constant 25040 : i32
      %lt3A_4141 = vector.broadcast %lt3A_4140 : i32 to vector<16xi32>
      %lt3A_4142 = arith.cmpi slt, %sub3A_4136, %lt3A_4141 : vector<16xi32>
      %and3A_4143 = arith.andi %ge3A_4139, %lt3A_4142 : vector<16xi1>
      %jit3A_4144 = arith.constant 0 : i32
      %broadcast_in_dim3A_4145 = vector.broadcast %jit3A_4144 : i32 to vector<16xi32>
      %select_n3A_4146 = arith.select %and3A_4143, %sub3A_4136, %broadcast_in_dim3A_4145 : vector<16xi1>, vector<16xi32>
      %mul3A_4147 = arith.constant 400 : i32
      %mul3A_4148 = arith.muli %add3A_3471, %mul3A_4147 : i32
      %add3A_4149 = arith.constant 112 : i32
      %add3A_4150 = arith.addi %mul3A_4148, %add3A_4149 : i32
      %get3A_4151 = arith.index_cast %add3A_4150 : i32 to index
      %get3A_4152 = tpu.vector_load %arg8[%get3A_4151] {strides = array<i32>} : memref<12800xf32, #tpu.memory_space<vmem>>, vector<16xf32>,
      %mul3A_4153 = arith.mulf %sub3A_3496, %get3A_4152 : vector<16xf32>
      %get3A_4154 = arith.constant 112 : index
      %get3A_4155 = tpu.vector_load %arg10[%get3A_4154] {strides = array<i32>} : memref<400xf32, #tpu.memory_space<vmem>>, vector<16xf32>,
      %mul3A_4156 = arith.mulf %gather3A_3493, %get3A_4155 : vector<16xf32>
      %add3A_4157 = arith.addf %mul3A_4153, %mul3A_4156 : vector<16xf32>
      tpu.vector_store_idx %arg14[%select_n3A_4146], %add3A_4157 masked %and3A_4143 : memref<25040xf32, #tpu.memory_space<vmem>>[vector<16xi32>], vector<16xf32>, vector<16xi1>
      %get3A_4158 = arith.constant 128 : index
      %get3A_4159 = tpu.vector_load %arg7[%get3A_4158] {strides = array<i32>} : memref<400xi32, #tpu.memory_space<vmem>>, vector<16xi32>,
      %sub3A_4160 = arith.constant 24960 : i32
      %sub3A_4161 = vector.broadcast %sub3A_4160 : i32 to vector<16xi32>
      %sub3A_4162 = arith.subi %get3A_4159, %sub3A_4161 : vector<16xi32>
      %ge3A_4163 = arith.constant 0 : i32
      %ge3A_4164 = vector.broadcast %ge3A_4163 : i32 to vector<16xi32>
      %ge3A_4165 = arith.cmpi sge, %sub3A_4162, %ge3A_4164 : vector<16xi32>
      %lt3A_4166 = arith.constant 25040 : i32
      %lt3A_4167 = vector.broadcast %lt3A_4166 : i32 to vector<16xi32>
      %lt3A_4168 = arith.cmpi slt, %sub3A_4162, %lt3A_4167 : vector<16xi32>
      %and3A_4169 = arith.andi %ge3A_4165, %lt3A_4168 : vector<16xi1>
      %jit3A_4170 = arith.constant 0 : i32
      %broadcast_in_dim3A_4171 = vector.broadcast %jit3A_4170 : i32 to vector<16xi32>
      %select_n3A_4172 = arith.select %and3A_4169, %sub3A_4162, %broadcast_in_dim3A_4171 : vector<16xi1>, vector<16xi32>
      %mul3A_4173 = arith.constant 400 : i32
      %mul3A_4174 = arith.muli %add3A_3471, %mul3A_4173 : i32
      %add3A_4175 = arith.constant 128 : i32
      %add3A_4176 = arith.addi %mul3A_4174, %add3A_4175 : i32
      %get3A_4177 = arith.index_cast %add3A_4176 : i32 to index
      %get3A_4178 = tpu.vector_load %arg8[%get3A_4177] {strides = array<i32>} : memref<12800xf32, #tpu.memory_space<vmem>>, vector<16xf32>,
      %mul3A_4179 = arith.mulf %sub3A_3496, %get3A_4178 : vector<16xf32>
      %get3A_4180 = arith.constant 128 : index
      %get3A_4181 = tpu.vector_load %arg10[%get3A_4180] {strides = array<i32>} : memref<400xf32, #tpu.memory_space<vmem>>, vector<16xf32>,
      %mul3A_4182 = arith.mulf %gather3A_3493, %get3A_4181 : vector<16xf32>
      %add3A_4183 = arith.addf %mul3A_4179, %mul3A_4182 : vector<16xf32>
      tpu.vector_store_idx %arg14[%select_n3A_4172], %add3A_4183 masked %and3A_4169 : memref<25040xf32, #tpu.memory_space<vmem>>[vector<16xi32>], vector<16xf32>, vector<16xi1>
      %get3A_4184 = arith.constant 144 : index
      %get3A_4185 = tpu.vector_load %arg7[%get3A_4184] {strides = array<i32>} : memref<400xi32, #tpu.memory_space<vmem>>, vector<16xi32>,
      %sub3A_4186 = arith.constant 24960 : i32
      %sub3A_4187 = vector.broadcast %sub3A_4186 : i32 to vector<16xi32>
      %sub3A_4188 = arith.subi %get3A_4185, %sub3A_4187 : vector<16xi32>
      %ge3A_4189 = arith.constant 0 : i32
      %ge3A_4190 = vector.broadcast %ge3A_4189 : i32 to vector<16xi32>
      %ge3A_4191 = arith.cmpi sge, %sub3A_4188, %ge3A_4190 : vector<16xi32>
      %lt3A_4192 = arith.constant 25040 : i32
      %lt3A_4193 = vector.broadcast %lt3A_4192 : i32 to vector<16xi32>
      %lt3A_4194 = arith.cmpi slt, %sub3A_4188, %lt3A_4193 : vector<16xi32>
      %and3A_4195 = arith.andi %ge3A_4191, %lt3A_4194 : vector<16xi1>
      %jit3A_4196 = arith.constant 0 : i32
      %broadcast_in_dim3A_4197 = vector.broadcast %jit3A_4196 : i32 to vector<16xi32>
      %select_n3A_4198 = arith.select %and3A_4195, %sub3A_4188, %broadcast_in_dim3A_4197 : vector<16xi1>, vector<16xi32>
      %mul3A_4199 = arith.constant 400 : i32
      %mul3A_4200 = arith.muli %add3A_3471, %mul3A_4199 : i32
      %add3A_4201 = arith.constant 144 : i32
      %add3A_4202 = arith.addi %mul3A_4200, %add3A_4201 : i32
      %get3A_4203 = arith.index_cast %add3A_4202 : i32 to index
      %get3A_4204 = tpu.vector_load %arg8[%get3A_4203] {strides = array<i32>} : memref<12800xf32, #tpu.memory_space<vmem>>, vector<16xf32>,
      %mul3A_4205 = arith.mulf %sub3A_3496, %get3A_4204 : vector<16xf32>
      %get3A_4206 = arith.constant 144 : index
      %get3A_4207 = tpu.vector_load %arg10[%get3A_4206] {strides = array<i32>} : memref<400xf32, #tpu.memory_space<vmem>>, vector<16xf32>,
      %mul3A_4208 = arith.mulf %gather3A_3493, %get3A_4207 : vector<16xf32>
      %add3A_4209 = arith.addf %mul3A_4205, %mul3A_4208 : vector<16xf32>
      tpu.vector_store_idx %arg14[%select_n3A_4198], %add3A_4209 masked %and3A_4195 : memref<25040xf32, #tpu.memory_space<vmem>>[vector<16xi32>], vector<16xf32>, vector<16xi1>
      %get3A_4210 = arith.constant 160 : index
      %get3A_4211 = tpu.vector_load %arg7[%get3A_4210] {strides = array<i32>} : memref<400xi32, #tpu.memory_space<vmem>>, vector<16xi32>,
      %sub3A_4212 = arith.constant 24960 : i32
      %sub3A_4213 = vector.broadcast %sub3A_4212 : i32 to vector<16xi32>
      %sub3A_4214 = arith.subi %get3A_4211, %sub3A_4213 : vector<16xi32>
      %ge3A_4215 = arith.constant 0 : i32
      %ge3A_4216 = vector.broadcast %ge3A_4215 : i32 to vector<16xi32>
      %ge3A_4217 = arith.cmpi sge, %sub3A_4214, %ge3A_4216 : vector<16xi32>
      %lt3A_4218 = arith.constant 25040 : i32
      %lt3A_4219 = vector.broadcast %lt3A_4218 : i32 to vector<16xi32>
      %lt3A_4220 = arith.cmpi slt, %sub3A_4214, %lt3A_4219 : vector<16xi32>
      %and3A_4221 = arith.andi %ge3A_4217, %lt3A_4220 : vector<16xi1>
      %jit3A_4222 = arith.constant 0 : i32
      %broadcast_in_dim3A_4223 = vector.broadcast %jit3A_4222 : i32 to vector<16xi32>
      %select_n3A_4224 = arith.select %and3A_4221, %sub3A_4214, %broadcast_in_dim3A_4223 : vector<16xi1>, vector<16xi32>
      %mul3A_4225 = arith.constant 400 : i32
      %mul3A_4226 = arith.muli %add3A_3471, %mul3A_4225 : i32
      %add3A_4227 = arith.constant 160 : i32
      %add3A_4228 = arith.addi %mul3A_4226, %add3A_4227 : i32
      %get3A_4229 = arith.index_cast %add3A_4228 : i32 to index
      %get3A_4230 = tpu.vector_load %arg8[%get3A_4229] {strides = array<i32>} : memref<12800xf32, #tpu.memory_space<vmem>>, vector<16xf32>,
      %mul3A_4231 = arith.mulf %sub3A_3496, %get3A_4230 : vector<16xf32>
      %get3A_4232 = arith.constant 160 : index
      %get3A_4233 = tpu.vector_load %arg10[%get3A_4232] {strides = array<i32>} : memref<400xf32, #tpu.memory_space<vmem>>, vector<16xf32>,
      %mul3A_4234 = arith.mulf %gather3A_3493, %get3A_4233 : vector<16xf32>
      %add3A_4235 = arith.addf %mul3A_4231, %mul3A_4234 : vector<16xf32>
      tpu.vector_store_idx %arg14[%select_n3A_4224], %add3A_4235 masked %and3A_4221 : memref<25040xf32, #tpu.memory_space<vmem>>[vector<16xi32>], vector<16xf32>, vector<16xi1>
      %get3A_4236 = arith.constant 176 : index
      %get3A_4237 = tpu.vector_load %arg7[%get3A_4236] {strides = array<i32>} : memref<400xi32, #tpu.memory_space<vmem>>, vector<16xi32>,
      %sub3A_4238 = arith.constant 24960 : i32
      %sub3A_4239 = vector.broadcast %sub3A_4238 : i32 to vector<16xi32>
      %sub3A_4240 = arith.subi %get3A_4237, %sub3A_4239 : vector<16xi32>
      %ge3A_4241 = arith.constant 0 : i32
      %ge3A_4242 = vector.broadcast %ge3A_4241 : i32 to vector<16xi32>
      %ge3A_4243 = arith.cmpi sge, %sub3A_4240, %ge3A_4242 : vector<16xi32>
      %lt3A_4244 = arith.constant 25040 : i32
      %lt3A_4245 = vector.broadcast %lt3A_4244 : i32 to vector<16xi32>
      %lt3A_4246 = arith.cmpi slt, %sub3A_4240, %lt3A_4245 : vector<16xi32>
      %and3A_4247 = arith.andi %ge3A_4243, %lt3A_4246 : vector<16xi1>
      %jit3A_4248 = arith.constant 0 : i32
      %broadcast_in_dim3A_4249 = vector.broadcast %jit3A_4248 : i32 to vector<16xi32>
      %select_n3A_4250 = arith.select %and3A_4247, %sub3A_4240, %broadcast_in_dim3A_4249 : vector<16xi1>, vector<16xi32>
      %mul3A_4251 = arith.constant 400 : i32
      %mul3A_4252 = arith.muli %add3A_3471, %mul3A_4251 : i32
      %add3A_4253 = arith.constant 176 : i32
      %add3A_4254 = arith.addi %mul3A_4252, %add3A_4253 : i32
      %get3A_4255 = arith.index_cast %add3A_4254 : i32 to index
      %get3A_4256 = tpu.vector_load %arg8[%get3A_4255] {strides = array<i32>} : memref<12800xf32, #tpu.memory_space<vmem>>, vector<16xf32>,
      %mul3A_4257 = arith.mulf %sub3A_3496, %get3A_4256 : vector<16xf32>
      %get3A_4258 = arith.constant 176 : index
      %get3A_4259 = tpu.vector_load %arg10[%get3A_4258] {strides = array<i32>} : memref<400xf32, #tpu.memory_space<vmem>>, vector<16xf32>,
      %mul3A_4260 = arith.mulf %gather3A_3493, %get3A_4259 : vector<16xf32>
      %add3A_4261 = arith.addf %mul3A_4257, %mul3A_4260 : vector<16xf32>
      tpu.vector_store_idx %arg14[%select_n3A_4250], %add3A_4261 masked %and3A_4247 : memref<25040xf32, #tpu.memory_space<vmem>>[vector<16xi32>], vector<16xf32>, vector<16xi1>
      %get3A_4262 = arith.constant 192 : index
      %get3A_4263 = tpu.vector_load %arg7[%get3A_4262] {strides = array<i32>} : memref<400xi32, #tpu.memory_space<vmem>>, vector<16xi32>,
      %sub3A_4264 = arith.constant 24960 : i32
      %sub3A_4265 = vector.broadcast %sub3A_4264 : i32 to vector<16xi32>
      %sub3A_4266 = arith.subi %get3A_4263, %sub3A_4265 : vector<16xi32>
      %ge3A_4267 = arith.constant 0 : i32
      %ge3A_4268 = vector.broadcast %ge3A_4267 : i32 to vector<16xi32>
      %ge3A_4269 = arith.cmpi sge, %sub3A_4266, %ge3A_4268 : vector<16xi32>
      %lt3A_4270 = arith.constant 25040 : i32
      %lt3A_4271 = vector.broadcast %lt3A_4270 : i32 to vector<16xi32>
      %lt3A_4272 = arith.cmpi slt, %sub3A_4266, %lt3A_4271 : vector<16xi32>
      %and3A_4273 = arith.andi %ge3A_4269, %lt3A_4272 : vector<16xi1>
      %jit3A_4274 = arith.constant 0 : i32
      %broadcast_in_dim3A_4275 = vector.broadcast %jit3A_4274 : i32 to vector<16xi32>
      %select_n3A_4276 = arith.select %and3A_4273, %sub3A_4266, %broadcast_in_dim3A_4275 : vector<16xi1>, vector<16xi32>
      %mul3A_4277 = arith.constant 400 : i32
      %mul3A_4278 = arith.muli %add3A_3471, %mul3A_4277 : i32
      %add3A_4279 = arith.constant 192 : i32
      %add3A_4280 = arith.addi %mul3A_4278, %add3A_4279 : i32
      %get3A_4281 = arith.index_cast %add3A_4280 : i32 to index
      %get3A_4282 = tpu.vector_load %arg8[%get3A_4281] {strides = array<i32>} : memref<12800xf32, #tpu.memory_space<vmem>>, vector<16xf32>,
      %mul3A_4283 = arith.mulf %sub3A_3496, %get3A_4282 : vector<16xf32>
      %get3A_4284 = arith.constant 192 : index
      %get3A_4285 = tpu.vector_load %arg10[%get3A_4284] {strides = array<i32>} : memref<400xf32, #tpu.memory_space<vmem>>, vector<16xf32>,
      %mul3A_4286 = arith.mulf %gather3A_3493, %get3A_4285 : vector<16xf32>
      %add3A_4287 = arith.addf %mul3A_4283, %mul3A_4286 : vector<16xf32>
      tpu.vector_store_idx %arg14[%select_n3A_4276], %add3A_4287 masked %and3A_4273 : memref<25040xf32, #tpu.memory_space<vmem>>[vector<16xi32>], vector<16xf32>, vector<16xi1>
      %get3A_4288 = arith.constant 208 : index
      %get3A_4289 = tpu.vector_load %arg7[%get3A_4288] {strides = array<i32>} : memref<400xi32, #tpu.memory_space<vmem>>, vector<16xi32>,
      %sub3A_4290 = arith.constant 24960 : i32
      %sub3A_4291 = vector.broadcast %sub3A_4290 : i32 to vector<16xi32>
      %sub3A_4292 = arith.subi %get3A_4289, %sub3A_4291 : vector<16xi32>
      %ge3A_4293 = arith.constant 0 : i32
      %ge3A_4294 = vector.broadcast %ge3A_4293 : i32 to vector<16xi32>
      %ge3A_4295 = arith.cmpi sge, %sub3A_4292, %ge3A_4294 : vector<16xi32>
      %lt3A_4296 = arith.constant 25040 : i32
      %lt3A_4297 = vector.broadcast %lt3A_4296 : i32 to vector<16xi32>
      %lt3A_4298 = arith.cmpi slt, %sub3A_4292, %lt3A_4297 : vector<16xi32>
      %and3A_4299 = arith.andi %ge3A_4295, %lt3A_4298 : vector<16xi1>
      %jit3A_4300 = arith.constant 0 : i32
      %broadcast_in_dim3A_4301 = vector.broadcast %jit3A_4300 : i32 to vector<16xi32>
      %select_n3A_4302 = arith.select %and3A_4299, %sub3A_4292, %broadcast_in_dim3A_4301 : vector<16xi1>, vector<16xi32>
      %mul3A_4303 = arith.constant 400 : i32
      %mul3A_4304 = arith.muli %add3A_3471, %mul3A_4303 : i32
      %add3A_4305 = arith.constant 208 : i32
      %add3A_4306 = arith.addi %mul3A_4304, %add3A_4305 : i32
      %get3A_4307 = arith.index_cast %add3A_4306 : i32 to index
      %get3A_4308 = tpu.vector_load %arg8[%get3A_4307] {strides = array<i32>} : memref<12800xf32, #tpu.memory_space<vmem>>, vector<16xf32>,
      %mul3A_4309 = arith.mulf %sub3A_3496, %get3A_4308 : vector<16xf32>
      %get3A_4310 = arith.constant 208 : index
      %get3A_4311 = tpu.vector_load %arg10[%get3A_4310] {strides = array<i32>} : memref<400xf32, #tpu.memory_space<vmem>>, vector<16xf32>,
      %mul3A_4312 = arith.mulf %gather3A_3493, %get3A_4311 : vector<16xf32>
      %add3A_4313 = arith.addf %mul3A_4309, %mul3A_4312 : vector<16xf32>
      tpu.vector_store_idx %arg14[%select_n3A_4302], %add3A_4313 masked %and3A_4299 : memref<25040xf32, #tpu.memory_space<vmem>>[vector<16xi32>], vector<16xf32>, vector<16xi1>
      %get3A_4314 = arith.constant 224 : index
      %get3A_4315 = tpu.vector_load %arg7[%get3A_4314] {strides = array<i32>} : memref<400xi32, #tpu.memory_space<vmem>>, vector<16xi32>,
      %sub3A_4316 = arith.constant 24960 : i32
      %sub3A_4317 = vector.broadcast %sub3A_4316 : i32 to vector<16xi32>
      %sub3A_4318 = arith.subi %get3A_4315, %sub3A_4317 : vector<16xi32>
      %ge3A_4319 = arith.constant 0 : i32
      %ge3A_4320 = vector.broadcast %ge3A_4319 : i32 to vector<16xi32>
      %ge3A_4321 = arith.cmpi sge, %sub3A_4318, %ge3A_4320 : vector<16xi32>
      %lt3A_4322 = arith.constant 25040 : i32
      %lt3A_4323 = vector.broadcast %lt3A_4322 : i32 to vector<16xi32>
      %lt3A_4324 = arith.cmpi slt, %sub3A_4318, %lt3A_4323 : vector<16xi32>
      %and3A_4325 = arith.andi %ge3A_4321, %lt3A_4324 : vector<16xi1>
      %jit3A_4326 = arith.constant 0 : i32
      %broadcast_in_dim3A_4327 = vector.broadcast %jit3A_4326 : i32 to vector<16xi32>
      %select_n3A_4328 = arith.select %and3A_4325, %sub3A_4318, %broadcast_in_dim3A_4327 : vector<16xi1>, vector<16xi32>
      %mul3A_4329 = arith.constant 400 : i32
      %mul3A_4330 = arith.muli %add3A_3471, %mul3A_4329 : i32
      %add3A_4331 = arith.constant 224 : i32
      %add3A_4332 = arith.addi %mul3A_4330, %add3A_4331 : i32
      %get3A_4333 = arith.index_cast %add3A_4332 : i32 to index
      %get3A_4334 = tpu.vector_load %arg8[%get3A_4333] {strides = array<i32>} : memref<12800xf32, #tpu.memory_space<vmem>>, vector<16xf32>,
      %mul3A_4335 = arith.mulf %sub3A_3496, %get3A_4334 : vector<16xf32>
      %get3A_4336 = arith.constant 224 : index
      %get3A_4337 = tpu.vector_load %arg10[%get3A_4336] {strides = array<i32>} : memref<400xf32, #tpu.memory_space<vmem>>, vector<16xf32>,
      %mul3A_4338 = arith.mulf %gather3A_3493, %get3A_4337 : vector<16xf32>
      %add3A_4339 = arith.addf %mul3A_4335, %mul3A_4338 : vector<16xf32>
      tpu.vector_store_idx %arg14[%select_n3A_4328], %add3A_4339 masked %and3A_4325 : memref<25040xf32, #tpu.memory_space<vmem>>[vector<16xi32>], vector<16xf32>, vector<16xi1>
      %get3A_4340 = arith.constant 240 : index
      %get3A_4341 = tpu.vector_load %arg7[%get3A_4340] {strides = array<i32>} : memref<400xi32, #tpu.memory_space<vmem>>, vector<16xi32>,
      %sub3A_4342 = arith.constant 24960 : i32
      %sub3A_4343 = vector.broadcast %sub3A_4342 : i32 to vector<16xi32>
      %sub3A_4344 = arith.subi %get3A_4341, %sub3A_4343 : vector<16xi32>
      %ge3A_4345 = arith.constant 0 : i32
      %ge3A_4346 = vector.broadcast %ge3A_4345 : i32 to vector<16xi32>
      %ge3A_4347 = arith.cmpi sge, %sub3A_4344, %ge3A_4346 : vector<16xi32>
      %lt3A_4348 = arith.constant 25040 : i32
      %lt3A_4349 = vector.broadcast %lt3A_4348 : i32 to vector<16xi32>
      %lt3A_4350 = arith.cmpi slt, %sub3A_4344, %lt3A_4349 : vector<16xi32>
      %and3A_4351 = arith.andi %ge3A_4347, %lt3A_4350 : vector<16xi1>
      %jit3A_4352 = arith.constant 0 : i32
      %broadcast_in_dim3A_4353 = vector.broadcast %jit3A_4352 : i32 to vector<16xi32>
      %select_n3A_4354 = arith.select %and3A_4351, %sub3A_4344, %broadcast_in_dim3A_4353 : vector<16xi1>, vector<16xi32>
      %mul3A_4355 = arith.constant 400 : i32
      %mul3A_4356 = arith.muli %add3A_3471, %mul3A_4355 : i32
      %add3A_4357 = arith.constant 240 : i32
      %add3A_4358 = arith.addi %mul3A_4356, %add3A_4357 : i32
      %get3A_4359 = arith.index_cast %add3A_4358 : i32 to index
      %get3A_4360 = tpu.vector_load %arg8[%get3A_4359] {strides = array<i32>} : memref<12800xf32, #tpu.memory_space<vmem>>, vector<16xf32>,
      %mul3A_4361 = arith.mulf %sub3A_3496, %get3A_4360 : vector<16xf32>
      %get3A_4362 = arith.constant 240 : index
      %get3A_4363 = tpu.vector_load %arg10[%get3A_4362] {strides = array<i32>} : memref<400xf32, #tpu.memory_space<vmem>>, vector<16xf32>,
      %mul3A_4364 = arith.mulf %gather3A_3493, %get3A_4363 : vector<16xf32>
      %add3A_4365 = arith.addf %mul3A_4361, %mul3A_4364 : vector<16xf32>
      tpu.vector_store_idx %arg14[%select_n3A_4354], %add3A_4365 masked %and3A_4351 : memref<25040xf32, #tpu.memory_space<vmem>>[vector<16xi32>], vector<16xf32>, vector<16xi1>
      %get3A_4366 = arith.constant 256 : index
      %get3A_4367 = tpu.vector_load %arg7[%get3A_4366] {strides = array<i32>} : memref<400xi32, #tpu.memory_space<vmem>>, vector<16xi32>,
      %sub3A_4368 = arith.constant 24960 : i32
      %sub3A_4369 = vector.broadcast %sub3A_4368 : i32 to vector<16xi32>
      %sub3A_4370 = arith.subi %get3A_4367, %sub3A_4369 : vector<16xi32>
      %ge3A_4371 = arith.constant 0 : i32
      %ge3A_4372 = vector.broadcast %ge3A_4371 : i32 to vector<16xi32>
      %ge3A_4373 = arith.cmpi sge, %sub3A_4370, %ge3A_4372 : vector<16xi32>
      %lt3A_4374 = arith.constant 25040 : i32
      %lt3A_4375 = vector.broadcast %lt3A_4374 : i32 to vector<16xi32>
      %lt3A_4376 = arith.cmpi slt, %sub3A_4370, %lt3A_4375 : vector<16xi32>
      %and3A_4377 = arith.andi %ge3A_4373, %lt3A_4376 : vector<16xi1>
      %jit3A_4378 = arith.constant 0 : i32
      %broadcast_in_dim3A_4379 = vector.broadcast %jit3A_4378 : i32 to vector<16xi32>
      %select_n3A_4380 = arith.select %and3A_4377, %sub3A_4370, %broadcast_in_dim3A_4379 : vector<16xi1>, vector<16xi32>
      %mul3A_4381 = arith.constant 400 : i32
      %mul3A_4382 = arith.muli %add3A_3471, %mul3A_4381 : i32
      %add3A_4383 = arith.constant 256 : i32
      %add3A_4384 = arith.addi %mul3A_4382, %add3A_4383 : i32
      %get3A_4385 = arith.index_cast %add3A_4384 : i32 to index
      %get3A_4386 = tpu.vector_load %arg8[%get3A_4385] {strides = array<i32>} : memref<12800xf32, #tpu.memory_space<vmem>>, vector<16xf32>,
      %mul3A_4387 = arith.mulf %sub3A_3496, %get3A_4386 : vector<16xf32>
      %get3A_4388 = arith.constant 256 : index
      %get3A_4389 = tpu.vector_load %arg10[%get3A_4388] {strides = array<i32>} : memref<400xf32, #tpu.memory_space<vmem>>, vector<16xf32>,
      %mul3A_4390 = arith.mulf %gather3A_3493, %get3A_4389 : vector<16xf32>
      %add3A_4391 = arith.addf %mul3A_4387, %mul3A_4390 : vector<16xf32>
      tpu.vector_store_idx %arg14[%select_n3A_4380], %add3A_4391 masked %and3A_4377 : memref<25040xf32, #tpu.memory_space<vmem>>[vector<16xi32>], vector<16xf32>, vector<16xi1>
      %get3A_4392 = arith.constant 272 : index
      %get3A_4393 = tpu.vector_load %arg7[%get3A_4392] {strides = array<i32>} : memref<400xi32, #tpu.memory_space<vmem>>, vector<16xi32>,
      %sub3A_4394 = arith.constant 24960 : i32
      %sub3A_4395 = vector.broadcast %sub3A_4394 : i32 to vector<16xi32>
      %sub3A_4396 = arith.subi %get3A_4393, %sub3A_4395 : vector<16xi32>
      %ge3A_4397 = arith.constant 0 : i32
      %ge3A_4398 = vector.broadcast %ge3A_4397 : i32 to vector<16xi32>
      %ge3A_4399 = arith.cmpi sge, %sub3A_4396, %ge3A_4398 : vector<16xi32>
      %lt3A_4400 = arith.constant 25040 : i32
      %lt3A_4401 = vector.broadcast %lt3A_4400 : i32 to vector<16xi32>
      %lt3A_4402 = arith.cmpi slt, %sub3A_4396, %lt3A_4401 : vector<16xi32>
      %and3A_4403 = arith.andi %ge3A_4399, %lt3A_4402 : vector<16xi1>
      %jit3A_4404 = arith.constant 0 : i32
      %broadcast_in_dim3A_4405 = vector.broadcast %jit3A_4404 : i32 to vector<16xi32>
      %select_n3A_4406 = arith.select %and3A_4403, %sub3A_4396, %broadcast_in_dim3A_4405 : vector<16xi1>, vector<16xi32>
      %mul3A_4407 = arith.constant 400 : i32
      %mul3A_4408 = arith.muli %add3A_3471, %mul3A_4407 : i32
      %add3A_4409 = arith.constant 272 : i32
      %add3A_4410 = arith.addi %mul3A_4408, %add3A_4409 : i32
      %get3A_4411 = arith.index_cast %add3A_4410 : i32 to index
      %get3A_4412 = tpu.vector_load %arg8[%get3A_4411] {strides = array<i32>} : memref<12800xf32, #tpu.memory_space<vmem>>, vector<16xf32>,
      %mul3A_4413 = arith.mulf %sub3A_3496, %get3A_4412 : vector<16xf32>
      %get3A_4414 = arith.constant 272 : index
      %get3A_4415 = tpu.vector_load %arg10[%get3A_4414] {strides = array<i32>} : memref<400xf32, #tpu.memory_space<vmem>>, vector<16xf32>,
      %mul3A_4416 = arith.mulf %gather3A_3493, %get3A_4415 : vector<16xf32>
      %add3A_4417 = arith.addf %mul3A_4413, %mul3A_4416 : vector<16xf32>
      tpu.vector_store_idx %arg14[%select_n3A_4406], %add3A_4417 masked %and3A_4403 : memref<25040xf32, #tpu.memory_space<vmem>>[vector<16xi32>], vector<16xf32>, vector<16xi1>
      %get3A_4418 = arith.constant 288 : index
      %get3A_4419 = tpu.vector_load %arg7[%get3A_4418] {strides = array<i32>} : memref<400xi32, #tpu.memory_space<vmem>>, vector<16xi32>,
      %sub3A_4420 = arith.constant 24960 : i32
      %sub3A_4421 = vector.broadcast %sub3A_4420 : i32 to vector<16xi32>
      %sub3A_4422 = arith.subi %get3A_4419, %sub3A_4421 : vector<16xi32>
      %ge3A_4423 = arith.constant 0 : i32
      %ge3A_4424 = vector.broadcast %ge3A_4423 : i32 to vector<16xi32>
      %ge3A_4425 = arith.cmpi sge, %sub3A_4422, %ge3A_4424 : vector<16xi32>
      %lt3A_4426 = arith.constant 25040 : i32
      %lt3A_4427 = vector.broadcast %lt3A_4426 : i32 to vector<16xi32>
      %lt3A_4428 = arith.cmpi slt, %sub3A_4422, %lt3A_4427 : vector<16xi32>
      %and3A_4429 = arith.andi %ge3A_4425, %lt3A_4428 : vector<16xi1>
      %jit3A_4430 = arith.constant 0 : i32
      %broadcast_in_dim3A_4431 = vector.broadcast %jit3A_4430 : i32 to vector<16xi32>
      %select_n3A_4432 = arith.select %and3A_4429, %sub3A_4422, %broadcast_in_dim3A_4431 : vector<16xi1>, vector<16xi32>
      %mul3A_4433 = arith.constant 400 : i32
      %mul3A_4434 = arith.muli %add3A_3471, %mul3A_4433 : i32
      %add3A_4435 = arith.constant 288 : i32
      %add3A_4436 = arith.addi %mul3A_4434, %add3A_4435 : i32
      %get3A_4437 = arith.index_cast %add3A_4436 : i32 to index
      %get3A_4438 = tpu.vector_load %arg8[%get3A_4437] {strides = array<i32>} : memref<12800xf32, #tpu.memory_space<vmem>>, vector<16xf32>,
      %mul3A_4439 = arith.mulf %sub3A_3496, %get3A_4438 : vector<16xf32>
      %get3A_4440 = arith.constant 288 : index
      %get3A_4441 = tpu.vector_load %arg10[%get3A_4440] {strides = array<i32>} : memref<400xf32, #tpu.memory_space<vmem>>, vector<16xf32>,
      %mul3A_4442 = arith.mulf %gather3A_3493, %get3A_4441 : vector<16xf32>
      %add3A_4443 = arith.addf %mul3A_4439, %mul3A_4442 : vector<16xf32>
      tpu.vector_store_idx %arg14[%select_n3A_4432], %add3A_4443 masked %and3A_4429 : memref<25040xf32, #tpu.memory_space<vmem>>[vector<16xi32>], vector<16xf32>, vector<16xi1>
      %get3A_4444 = arith.constant 304 : index
      %get3A_4445 = tpu.vector_load %arg7[%get3A_4444] {strides = array<i32>} : memref<400xi32, #tpu.memory_space<vmem>>, vector<16xi32>,
      %sub3A_4446 = arith.constant 24960 : i32
      %sub3A_4447 = vector.broadcast %sub3A_4446 : i32 to vector<16xi32>
      %sub3A_4448 = arith.subi %get3A_4445, %sub3A_4447 : vector<16xi32>
      %ge3A_4449 = arith.constant 0 : i32
      %ge3A_4450 = vector.broadcast %ge3A_4449 : i32 to vector<16xi32>
      %ge3A_4451 = arith.cmpi sge, %sub3A_4448, %ge3A_4450 : vector<16xi32>
      %lt3A_4452 = arith.constant 25040 : i32
      %lt3A_4453 = vector.broadcast %lt3A_4452 : i32 to vector<16xi32>
      %lt3A_4454 = arith.cmpi slt, %sub3A_4448, %lt3A_4453 : vector<16xi32>
      %and3A_4455 = arith.andi %ge3A_4451, %lt3A_4454 : vector<16xi1>
      %jit3A_4456 = arith.constant 0 : i32
      %broadcast_in_dim3A_4457 = vector.broadcast %jit3A_4456 : i32 to vector<16xi32>
      %select_n3A_4458 = arith.select %and3A_4455, %sub3A_4448, %broadcast_in_dim3A_4457 : vector<16xi1>, vector<16xi32>
      %mul3A_4459 = arith.constant 400 : i32
      %mul3A_4460 = arith.muli %add3A_3471, %mul3A_4459 : i32
      %add3A_4461 = arith.constant 304 : i32
      %add3A_4462 = arith.addi %mul3A_4460, %add3A_4461 : i32
      %get3A_4463 = arith.index_cast %add3A_4462 : i32 to index
      %get3A_4464 = tpu.vector_load %arg8[%get3A_4463] {strides = array<i32>} : memref<12800xf32, #tpu.memory_space<vmem>>, vector<16xf32>,
      %mul3A_4465 = arith.mulf %sub3A_3496, %get3A_4464 : vector<16xf32>
      %get3A_4466 = arith.constant 304 : index
      %get3A_4467 = tpu.vector_load %arg10[%get3A_4466] {strides = array<i32>} : memref<400xf32, #tpu.memory_space<vmem>>, vector<16xf32>,
      %mul3A_4468 = arith.mulf %gather3A_3493, %get3A_4467 : vector<16xf32>
      %add3A_4469 = arith.addf %mul3A_4465, %mul3A_4468 : vector<16xf32>
      tpu.vector_store_idx %arg14[%select_n3A_4458], %add3A_4469 masked %and3A_4455 : memref<25040xf32, #tpu.memory_space<vmem>>[vector<16xi32>], vector<16xf32>, vector<16xi1>
      %get3A_4470 = arith.constant 320 : index
      %get3A_4471 = tpu.vector_load %arg7[%get3A_4470] {strides = array<i32>} : memref<400xi32, #tpu.memory_space<vmem>>, vector<16xi32>,
      %sub3A_4472 = arith.constant 24960 : i32
      %sub3A_4473 = vector.broadcast %sub3A_4472 : i32 to vector<16xi32>
      %sub3A_4474 = arith.subi %get3A_4471, %sub3A_4473 : vector<16xi32>
      %ge3A_4475 = arith.constant 0 : i32
      %ge3A_4476 = vector.broadcast %ge3A_4475 : i32 to vector<16xi32>
      %ge3A_4477 = arith.cmpi sge, %sub3A_4474, %ge3A_4476 : vector<16xi32>
      %lt3A_4478 = arith.constant 25040 : i32
      %lt3A_4479 = vector.broadcast %lt3A_4478 : i32 to vector<16xi32>
      %lt3A_4480 = arith.cmpi slt, %sub3A_4474, %lt3A_4479 : vector<16xi32>
      %and3A_4481 = arith.andi %ge3A_4477, %lt3A_4480 : vector<16xi1>
      %jit3A_4482 = arith.constant 0 : i32
      %broadcast_in_dim3A_4483 = vector.broadcast %jit3A_4482 : i32 to vector<16xi32>
      %select_n3A_4484 = arith.select %and3A_4481, %sub3A_4474, %broadcast_in_dim3A_4483 : vector<16xi1>, vector<16xi32>
      %mul3A_4485 = arith.constant 400 : i32
      %mul3A_4486 = arith.muli %add3A_3471, %mul3A_4485 : i32
      %add3A_4487 = arith.constant 320 : i32
      %add3A_4488 = arith.addi %mul3A_4486, %add3A_4487 : i32
      %get3A_4489 = arith.index_cast %add3A_4488 : i32 to index
      %get3A_4490 = tpu.vector_load %arg8[%get3A_4489] {strides = array<i32>} : memref<12800xf32, #tpu.memory_space<vmem>>, vector<16xf32>,
      %mul3A_4491 = arith.mulf %sub3A_3496, %get3A_4490 : vector<16xf32>
      %get3A_4492 = arith.constant 320 : index
      %get3A_4493 = tpu.vector_load %arg10[%get3A_4492] {strides = array<i32>} : memref<400xf32, #tpu.memory_space<vmem>>, vector<16xf32>,
      %mul3A_4494 = arith.mulf %gather3A_3493, %get3A_4493 : vector<16xf32>
      %add3A_4495 = arith.addf %mul3A_4491, %mul3A_4494 : vector<16xf32>
      tpu.vector_store_idx %arg14[%select_n3A_4484], %add3A_4495 masked %and3A_4481 : memref<25040xf32, #tpu.memory_space<vmem>>[vector<16xi32>], vector<16xf32>, vector<16xi1>
      %get3A_4496 = arith.constant 336 : index
      %get3A_4497 = tpu.vector_load %arg7[%get3A_4496] {strides = array<i32>} : memref<400xi32, #tpu.memory_space<vmem>>, vector<16xi32>,
      %sub3A_4498 = arith.constant 24960 : i32
      %sub3A_4499 = vector.broadcast %sub3A_4498 : i32 to vector<16xi32>
      %sub3A_4500 = arith.subi %get3A_4497, %sub3A_4499 : vector<16xi32>
      %ge3A_4501 = arith.constant 0 : i32
      %ge3A_4502 = vector.broadcast %ge3A_4501 : i32 to vector<16xi32>
      %ge3A_4503 = arith.cmpi sge, %sub3A_4500, %ge3A_4502 : vector<16xi32>
      %lt3A_4504 = arith.constant 25040 : i32
      %lt3A_4505 = vector.broadcast %lt3A_4504 : i32 to vector<16xi32>
      %lt3A_4506 = arith.cmpi slt, %sub3A_4500, %lt3A_4505 : vector<16xi32>
      %and3A_4507 = arith.andi %ge3A_4503, %lt3A_4506 : vector<16xi1>
      %jit3A_4508 = arith.constant 0 : i32
      %broadcast_in_dim3A_4509 = vector.broadcast %jit3A_4508 : i32 to vector<16xi32>
      %select_n3A_4510 = arith.select %and3A_4507, %sub3A_4500, %broadcast_in_dim3A_4509 : vector<16xi1>, vector<16xi32>
      %mul3A_4511 = arith.constant 400 : i32
      %mul3A_4512 = arith.muli %add3A_3471, %mul3A_4511 : i32
      %add3A_4513 = arith.constant 336 : i32
      %add3A_4514 = arith.addi %mul3A_4512, %add3A_4513 : i32
      %get3A_4515 = arith.index_cast %add3A_4514 : i32 to index
      %get3A_4516 = tpu.vector_load %arg8[%get3A_4515] {strides = array<i32>} : memref<12800xf32, #tpu.memory_space<vmem>>, vector<16xf32>,
      %mul3A_4517 = arith.mulf %sub3A_3496, %get3A_4516 : vector<16xf32>
      %get3A_4518 = arith.constant 336 : index
      %get3A_4519 = tpu.vector_load %arg10[%get3A_4518] {strides = array<i32>} : memref<400xf32, #tpu.memory_space<vmem>>, vector<16xf32>,
      %mul3A_4520 = arith.mulf %gather3A_3493, %get3A_4519 : vector<16xf32>
      %add3A_4521 = arith.addf %mul3A_4517, %mul3A_4520 : vector<16xf32>
      tpu.vector_store_idx %arg14[%select_n3A_4510], %add3A_4521 masked %and3A_4507 : memref<25040xf32, #tpu.memory_space<vmem>>[vector<16xi32>], vector<16xf32>, vector<16xi1>
      %get3A_4522 = arith.constant 352 : index
      %get3A_4523 = tpu.vector_load %arg7[%get3A_4522] {strides = array<i32>} : memref<400xi32, #tpu.memory_space<vmem>>, vector<16xi32>,
      %sub3A_4524 = arith.constant 24960 : i32
      %sub3A_4525 = vector.broadcast %sub3A_4524 : i32 to vector<16xi32>
      %sub3A_4526 = arith.subi %get3A_4523, %sub3A_4525 : vector<16xi32>
      %ge3A_4527 = arith.constant 0 : i32
      %ge3A_4528 = vector.broadcast %ge3A_4527 : i32 to vector<16xi32>
      %ge3A_4529 = arith.cmpi sge, %sub3A_4526, %ge3A_4528 : vector<16xi32>
      %lt3A_4530 = arith.constant 25040 : i32
      %lt3A_4531 = vector.broadcast %lt3A_4530 : i32 to vector<16xi32>
      %lt3A_4532 = arith.cmpi slt, %sub3A_4526, %lt3A_4531 : vector<16xi32>
      %and3A_4533 = arith.andi %ge3A_4529, %lt3A_4532 : vector<16xi1>
      %jit3A_4534 = arith.constant 0 : i32
      %broadcast_in_dim3A_4535 = vector.broadcast %jit3A_4534 : i32 to vector<16xi32>
      %select_n3A_4536 = arith.select %and3A_4533, %sub3A_4526, %broadcast_in_dim3A_4535 : vector<16xi1>, vector<16xi32>
      %mul3A_4537 = arith.constant 400 : i32
      %mul3A_4538 = arith.muli %add3A_3471, %mul3A_4537 : i32
      %add3A_4539 = arith.constant 352 : i32
      %add3A_4540 = arith.addi %mul3A_4538, %add3A_4539 : i32
      %get3A_4541 = arith.index_cast %add3A_4540 : i32 to index
      %get3A_4542 = tpu.vector_load %arg8[%get3A_4541] {strides = array<i32>} : memref<12800xf32, #tpu.memory_space<vmem>>, vector<16xf32>,
      %mul3A_4543 = arith.mulf %sub3A_3496, %get3A_4542 : vector<16xf32>
      %get3A_4544 = arith.constant 352 : index
      %get3A_4545 = tpu.vector_load %arg10[%get3A_4544] {strides = array<i32>} : memref<400xf32, #tpu.memory_space<vmem>>, vector<16xf32>,
      %mul3A_4546 = arith.mulf %gather3A_3493, %get3A_4545 : vector<16xf32>
      %add3A_4547 = arith.addf %mul3A_4543, %mul3A_4546 : vector<16xf32>
      tpu.vector_store_idx %arg14[%select_n3A_4536], %add3A_4547 masked %and3A_4533 : memref<25040xf32, #tpu.memory_space<vmem>>[vector<16xi32>], vector<16xf32>, vector<16xi1>
      %get3A_4548 = arith.constant 368 : index
      %get3A_4549 = tpu.vector_load %arg7[%get3A_4548] {strides = array<i32>} : memref<400xi32, #tpu.memory_space<vmem>>, vector<16xi32>,
      %sub3A_4550 = arith.constant 24960 : i32
      %sub3A_4551 = vector.broadcast %sub3A_4550 : i32 to vector<16xi32>
      %sub3A_4552 = arith.subi %get3A_4549, %sub3A_4551 : vector<16xi32>
      %ge3A_4553 = arith.constant 0 : i32
      %ge3A_4554 = vector.broadcast %ge3A_4553 : i32 to vector<16xi32>
      %ge3A_4555 = arith.cmpi sge, %sub3A_4552, %ge3A_4554 : vector<16xi32>
      %lt3A_4556 = arith.constant 25040 : i32
      %lt3A_4557 = vector.broadcast %lt3A_4556 : i32 to vector<16xi32>
      %lt3A_4558 = arith.cmpi slt, %sub3A_4552, %lt3A_4557 : vector<16xi32>
      %and3A_4559 = arith.andi %ge3A_4555, %lt3A_4558 : vector<16xi1>
      %jit3A_4560 = arith.constant 0 : i32
      %broadcast_in_dim3A_4561 = vector.broadcast %jit3A_4560 : i32 to vector<16xi32>
      %select_n3A_4562 = arith.select %and3A_4559, %sub3A_4552, %broadcast_in_dim3A_4561 : vector<16xi1>, vector<16xi32>
      %mul3A_4563 = arith.constant 400 : i32
      %mul3A_4564 = arith.muli %add3A_3471, %mul3A_4563 : i32
      %add3A_4565 = arith.constant 368 : i32
      %add3A_4566 = arith.addi %mul3A_4564, %add3A_4565 : i32
      %get3A_4567 = arith.index_cast %add3A_4566 : i32 to index
      %get3A_4568 = tpu.vector_load %arg8[%get3A_4567] {strides = array<i32>} : memref<12800xf32, #tpu.memory_space<vmem>>, vector<16xf32>,
      %mul3A_4569 = arith.mulf %sub3A_3496, %get3A_4568 : vector<16xf32>
      %get3A_4570 = arith.constant 368 : index
      %get3A_4571 = tpu.vector_load %arg10[%get3A_4570] {strides = array<i32>} : memref<400xf32, #tpu.memory_space<vmem>>, vector<16xf32>,
      %mul3A_4572 = arith.mulf %gather3A_3493, %get3A_4571 : vector<16xf32>
      %add3A_4573 = arith.addf %mul3A_4569, %mul3A_4572 : vector<16xf32>
      tpu.vector_store_idx %arg14[%select_n3A_4562], %add3A_4573 masked %and3A_4559 : memref<25040xf32, #tpu.memory_space<vmem>>[vector<16xi32>], vector<16xf32>, vector<16xi1>
      %get3A_4574 = arith.constant 384 : index
      %get3A_4575 = tpu.vector_load %arg7[%get3A_4574] {strides = array<i32>} : memref<400xi32, #tpu.memory_space<vmem>>, vector<16xi32>,
      %sub3A_4576 = arith.constant 24960 : i32
      %sub3A_4577 = vector.broadcast %sub3A_4576 : i32 to vector<16xi32>
      %sub3A_4578 = arith.subi %get3A_4575, %sub3A_4577 : vector<16xi32>
      %ge3A_4579 = arith.constant 0 : i32
      %ge3A_4580 = vector.broadcast %ge3A_4579 : i32 to vector<16xi32>
      %ge3A_4581 = arith.cmpi sge, %sub3A_4578, %ge3A_4580 : vector<16xi32>
      %lt3A_4582 = arith.constant 25040 : i32
      %lt3A_4583 = vector.broadcast %lt3A_4582 : i32 to vector<16xi32>
      %lt3A_4584 = arith.cmpi slt, %sub3A_4578, %lt3A_4583 : vector<16xi32>
      %and3A_4585 = arith.andi %ge3A_4581, %lt3A_4584 : vector<16xi1>
      %jit3A_4586 = arith.constant 0 : i32
      %broadcast_in_dim3A_4587 = vector.broadcast %jit3A_4586 : i32 to vector<16xi32>
      %select_n3A_4588 = arith.select %and3A_4585, %sub3A_4578, %broadcast_in_dim3A_4587 : vector<16xi1>, vector<16xi32>
      %mul3A_4589 = arith.constant 400 : i32
      %mul3A_4590 = arith.muli %add3A_3471, %mul3A_4589 : i32
      %add3A_4591 = arith.constant 384 : i32
      %add3A_4592 = arith.addi %mul3A_4590, %add3A_4591 : i32
      %get3A_4593 = arith.index_cast %add3A_4592 : i32 to index
      %get3A_4594 = tpu.vector_load %arg8[%get3A_4593] {strides = array<i32>} : memref<12800xf32, #tpu.memory_space<vmem>>, vector<16xf32>,
      %mul3A_4595 = arith.mulf %sub3A_3496, %get3A_4594 : vector<16xf32>
      %get3A_4596 = arith.constant 384 : index
      %get3A_4597 = tpu.vector_load %arg10[%get3A_4596] {strides = array<i32>} : memref<400xf32, #tpu.memory_space<vmem>>, vector<16xf32>,
      %mul3A_4598 = arith.mulf %gather3A_3493, %get3A_4597 : vector<16xf32>
      %add3A_4599 = arith.addf %mul3A_4595, %mul3A_4598 : vector<16xf32>
      tpu.vector_store_idx %arg14[%select_n3A_4588], %add3A_4599 masked %and3A_4585 : memref<25040xf32, #tpu.memory_space<vmem>>[vector<16xi32>], vector<16xf32>, vector<16xi1>
      %dma_start3A_4600 = arith.constant 0 : i32
      %dma_start3A_4601 = tpu.memref_slice %arg14[%dma_start3A_4600] : memref<25040xf32, #tpu.memory_space<vmem>> -> memref<25040xf32, #tpu.memory_space<vmem>>
      %dma_start3A_4602 = arith.constant 24960 : i32
      %dma_start3A_4603 = tpu.memref_slice %arg6[%add3A_3478, %dma_start3A_4602] : memref<1024x50000xf32, #tpu.memory_space<hbm>> -> memref<1x25040xf32, #tpu.memory_space<hbm>>
      %dma_start3A_4604 = tpu.memref_squeeze %dma_start3A_4603 : memref<1x25040xf32, #tpu.memory_space<hbm>> -> memref<25040xf32, #tpu.memory_space<hbm>>
      %dma_start3A_4605 = arith.constant 24960 : i32
      %dma_start3A_4606 = tpu.memref_slice %arg6[%add3A_3478, %dma_start3A_4605] : memref<1024x50000xf32, #tpu.memory_space<hbm>> -> memref<1x25040xf32, #tpu.memory_space<hbm>>
      %dma_start3A_4607 = tpu.memref_squeeze %dma_start3A_4606 : memref<1x25040xf32, #tpu.memory_space<hbm>> -> memref<25040xf32, #tpu.memory_space<hbm>>
      %dma_start3A_4608 = arith.constant 0 : i32
      %dma_start3A_4609 = tpu.memref_slice %arg14[%dma_start3A_4608] : memref<25040xf32, #tpu.memory_space<vmem>> -> memref<25040xf32, #tpu.memory_space<vmem>>
      tpu.enqueue_dma source(%dma_start3A_4609 : memref<25040xf32, #tpu.memory_space<vmem>>) target(%dma_start3A_4607 : memref<25040xf32, #tpu.memory_space<hbm>>) target_semaphore(%arg22 : memref<!tpu.dma_semaphore, #tpu.memory_space<semaphore_mem>>)
      %mul3A_4610 = arith.constant 2 : i32
      %mul3A_4611 = arith.muli %scan3A_53, %mul3A_4610 : i32
      %add3A_4612 = arith.constant 0 : i32
      %add3A_4613 = arith.addi %mul3A_4611, %add3A_4612 : i32
      %mul3A_4614 = arith.constant 32 : i32
      %mul3A_4615 = arith.muli %add3A_4613, %mul3A_4614 : i32
      %add3A_4616 = arith.addi %mul3A_4615, %add3A : i32
      %dma_wait3A_4617 = arith.constant 0 : i32
      %dma_wait3A_4618 = tpu.memref_slice %arg11[%dma_wait3A_4617] : memref<25040xf32, #tpu.memory_space<vmem>> -> memref<24960xf32, #tpu.memory_space<vmem>>
      %dma_wait3A_4619 = arith.constant 0 : i32
      %dma_wait3A_4620 = tpu.memref_slice %arg6[%add3A_4616, %dma_wait3A_4619] : memref<1024x50000xf32, #tpu.memory_space<hbm>> -> memref<1x24960xf32, #tpu.memory_space<hbm>>
      %dma_wait3A_4621 = tpu.memref_squeeze %dma_wait3A_4620 : memref<1x24960xf32, #tpu.memory_space<hbm>> -> memref<24960xf32, #tpu.memory_space<hbm>>
      %dma_wait3A_4622 = arith.constant 0 : i32
      %dma_wait3A_4623 = tpu.memref_slice %arg6[%add3A_4616, %dma_wait3A_4622] : memref<1024x50000xf32, #tpu.memory_space<hbm>> -> memref<1x24960xf32, #tpu.memory_space<hbm>>
      %dma_wait3A_4624 = tpu.memref_squeeze %dma_wait3A_4623 : memref<1x24960xf32, #tpu.memory_space<hbm>> -> memref<24960xf32, #tpu.memory_space<hbm>>
      %dma_wait3A_4625 = arith.constant 0 : i32
      %dma_wait3A_4626 = tpu.memref_slice %arg11[%dma_wait3A_4625] : memref<25040xf32, #tpu.memory_space<vmem>> -> memref<24960xf32, #tpu.memory_space<vmem>>
      tpu.wait_dma2 semaphore(%arg19 : memref<!tpu.dma_semaphore, #tpu.memory_space<semaphore_mem>>) src(%dma_wait3A_4626 : memref<24960xf32, #tpu.memory_space<vmem>>) dst(%dma_wait3A_4624 : memref<24960xf32, #tpu.memory_space<hbm>>)
      %lt3A_4627 = arith.constant 15 : i32
      %lt3A_4628 = arith.cmpi slt, %scan3A_53, %lt3A_4627 : i32
      %convert_element_type3A = arith.extui %lt3A_4628 : i1 to i32
      %cond3A = arith.constant 0 : i32
      %cond3A_4629 = arith.cmpi ne, %convert_element_type3A, %cond3A : i32
      scf.if %cond3A_4629 {
        %mul3A_4696 = arith.constant 2 : i32
        %mul3A_4697 = arith.muli %scan3A_53, %mul3A_4696 : i32
        %add3A_4698 = arith.constant 2 : i32
        %add3A_4699 = arith.addi %mul3A_4697, %add3A_4698 : i32
        %add3A_4700 = arith.constant 0 : i32
        %add3A_4701 = arith.addi %add3A_4699, %add3A_4700 : i32
        %mul3A_4702 = arith.constant 32 : i32
        %mul3A_4703 = arith.muli %add3A_4701, %mul3A_4702 : i32
        %add3A_4704 = arith.addi %mul3A_4703, %add3A : i32
        %dma_start3A_4705 = arith.constant 0 : i32
        %dma_start3A_4706 = tpu.memref_slice %arg11[%dma_start3A_4705] : memref<25040xf32, #tpu.memory_space<vmem>> -> memref<24960xf32, #tpu.memory_space<vmem>>
        %dma_start3A_4707 = arith.constant 0 : i32
        %dma_start3A_4708 = tpu.memref_slice %arg2[%add3A_4704, %dma_start3A_4707] : memref<1024x50000xf32, #tpu.memory_space<hbm>> -> memref<1x24960xf32, #tpu.memory_space<hbm>>
        %dma_start3A_4709 = tpu.memref_squeeze %dma_start3A_4708 : memref<1x24960xf32, #tpu.memory_space<hbm>> -> memref<24960xf32, #tpu.memory_space<hbm>>
        %dma_start3A_4710 = arith.constant 0 : i32
        %dma_start3A_4711 = tpu.memref_slice %arg11[%dma_start3A_4710] : memref<25040xf32, #tpu.memory_space<vmem>> -> memref<24960xf32, #tpu.memory_space<vmem>>
        %dma_start3A_4712 = arith.constant 0 : i32
        %dma_start3A_4713 = tpu.memref_slice %arg2[%add3A_4704, %dma_start3A_4712] : memref<1024x50000xf32, #tpu.memory_space<hbm>> -> memref<1x24960xf32, #tpu.memory_space<hbm>>
        %dma_start3A_4714 = tpu.memref_squeeze %dma_start3A_4713 : memref<1x24960xf32, #tpu.memory_space<hbm>> -> memref<24960xf32, #tpu.memory_space<hbm>>
        tpu.enqueue_dma source(%dma_start3A_4714 : memref<24960xf32, #tpu.memory_space<hbm>>) target(%dma_start3A_4711 : memref<24960xf32, #tpu.memory_space<vmem>>) target_semaphore(%arg15 : memref<!tpu.dma_semaphore, #tpu.memory_space<semaphore_mem>>)
      } else {
      }
      %mul3A_4630 = arith.constant 2 : i32
      %mul3A_4631 = arith.muli %scan3A_53, %mul3A_4630 : i32
      %add3A_4632 = arith.constant 0 : i32
      %add3A_4633 = arith.addi %mul3A_4631, %add3A_4632 : i32
      %mul3A_4634 = arith.constant 32 : i32
      %mul3A_4635 = arith.muli %add3A_4633, %mul3A_4634 : i32
      %add3A_4636 = arith.addi %mul3A_4635, %add3A : i32
      %dma_wait3A_4637 = arith.constant 0 : i32
      %dma_wait3A_4638 = tpu.memref_slice %arg12[%dma_wait3A_4637] : memref<25040xf32, #tpu.memory_space<vmem>> -> memref<25040xf32, #tpu.memory_space<vmem>>
      %dma_wait3A_4639 = arith.constant 24960 : i32
      %dma_wait3A_4640 = tpu.memref_slice %arg6[%add3A_4636, %dma_wait3A_4639] : memref<1024x50000xf32, #tpu.memory_space<hbm>> -> memref<1x25040xf32, #tpu.memory_space<hbm>>
      %dma_wait3A_4641 = tpu.memref_squeeze %dma_wait3A_4640 : memref<1x25040xf32, #tpu.memory_space<hbm>> -> memref<25040xf32, #tpu.memory_space<hbm>>
      %dma_wait3A_4642 = arith.constant 24960 : i32
      %dma_wait3A_4643 = tpu.memref_slice %arg6[%add3A_4636, %dma_wait3A_4642] : memref<1024x50000xf32, #tpu.memory_space<hbm>> -> memref<1x25040xf32, #tpu.memory_space<hbm>>
      %dma_wait3A_4644 = tpu.memref_squeeze %dma_wait3A_4643 : memref<1x25040xf32, #tpu.memory_space<hbm>> -> memref<25040xf32, #tpu.memory_space<hbm>>
      %dma_wait3A_4645 = arith.constant 0 : i32
      %dma_wait3A_4646 = tpu.memref_slice %arg12[%dma_wait3A_4645] : memref<25040xf32, #tpu.memory_space<vmem>> -> memref<25040xf32, #tpu.memory_space<vmem>>
      tpu.wait_dma2 semaphore(%arg20 : memref<!tpu.dma_semaphore, #tpu.memory_space<semaphore_mem>>) src(%dma_wait3A_4646 : memref<25040xf32, #tpu.memory_space<vmem>>) dst(%dma_wait3A_4644 : memref<25040xf32, #tpu.memory_space<hbm>>)
      %lt3A_4647 = arith.constant 15 : i32
      %lt3A_4648 = arith.cmpi slt, %scan3A_53, %lt3A_4647 : i32
      %convert_element_type3A_4649 = arith.extui %lt3A_4648 : i1 to i32
      %cond3A_4650 = arith.constant 0 : i32
      %cond3A_4651 = arith.cmpi ne, %convert_element_type3A_4649, %cond3A_4650 : i32
      scf.if %cond3A_4651 {
        %mul3A_4696 = arith.constant 2 : i32
        %mul3A_4697 = arith.muli %scan3A_53, %mul3A_4696 : i32
        %add3A_4698 = arith.constant 2 : i32
        %add3A_4699 = arith.addi %mul3A_4697, %add3A_4698 : i32
        %add3A_4700 = arith.constant 0 : i32
        %add3A_4701 = arith.addi %add3A_4699, %add3A_4700 : i32
        %mul3A_4702 = arith.constant 32 : i32
        %mul3A_4703 = arith.muli %add3A_4701, %mul3A_4702 : i32
        %add3A_4704 = arith.addi %mul3A_4703, %add3A : i32
        %dma_start3A_4705 = arith.constant 0 : i32
        %dma_start3A_4706 = tpu.memref_slice %arg12[%dma_start3A_4705] : memref<25040xf32, #tpu.memory_space<vmem>> -> memref<25040xf32, #tpu.memory_space<vmem>>
        %dma_start3A_4707 = arith.constant 24960 : i32
        %dma_start3A_4708 = tpu.memref_slice %arg2[%add3A_4704, %dma_start3A_4707] : memref<1024x50000xf32, #tpu.memory_space<hbm>> -> memref<1x25040xf32, #tpu.memory_space<hbm>>
        %dma_start3A_4709 = tpu.memref_squeeze %dma_start3A_4708 : memref<1x25040xf32, #tpu.memory_space<hbm>> -> memref<25040xf32, #tpu.memory_space<hbm>>
        %dma_start3A_4710 = arith.constant 0 : i32
        %dma_start3A_4711 = tpu.memref_slice %arg12[%dma_start3A_4710] : memref<25040xf32, #tpu.memory_space<vmem>> -> memref<25040xf32, #tpu.memory_space<vmem>>
        %dma_start3A_4712 = arith.constant 24960 : i32
        %dma_start3A_4713 = tpu.memref_slice %arg2[%add3A_4704, %dma_start3A_4712] : memref<1024x50000xf32, #tpu.memory_space<hbm>> -> memref<1x25040xf32, #tpu.memory_space<hbm>>
        %dma_start3A_4714 = tpu.memref_squeeze %dma_start3A_4713 : memref<1x25040xf32, #tpu.memory_space<hbm>> -> memref<25040xf32, #tpu.memory_space<hbm>>
        tpu.enqueue_dma source(%dma_start3A_4714 : memref<25040xf32, #tpu.memory_space<hbm>>) target(%dma_start3A_4711 : memref<25040xf32, #tpu.memory_space<vmem>>) target_semaphore(%arg16 : memref<!tpu.dma_semaphore, #tpu.memory_space<semaphore_mem>>)
      } else {
      }
      %mul3A_4652 = arith.constant 2 : i32
      %mul3A_4653 = arith.muli %scan3A_53, %mul3A_4652 : i32
      %add3A_4654 = arith.constant 1 : i32
      %add3A_4655 = arith.addi %mul3A_4653, %add3A_4654 : i32
      %mul3A_4656 = arith.constant 32 : i32
      %mul3A_4657 = arith.muli %add3A_4655, %mul3A_4656 : i32
      %add3A_4658 = arith.addi %mul3A_4657, %add3A : i32
      %dma_wait3A_4659 = arith.constant 0 : i32
      %dma_wait3A_4660 = tpu.memref_slice %arg13[%dma_wait3A_4659] : memref<25040xf32, #tpu.memory_space<vmem>> -> memref<24960xf32, #tpu.memory_space<vmem>>
      %dma_wait3A_4661 = arith.constant 0 : i32
      %dma_wait3A_4662 = tpu.memref_slice %arg6[%add3A_4658, %dma_wait3A_4661] : memref<1024x50000xf32, #tpu.memory_space<hbm>> -> memref<1x24960xf32, #tpu.memory_space<hbm>>
      %dma_wait3A_4663 = tpu.memref_squeeze %dma_wait3A_4662 : memref<1x24960xf32, #tpu.memory_space<hbm>> -> memref<24960xf32, #tpu.memory_space<hbm>>
      %dma_wait3A_4664 = arith.constant 0 : i32
      %dma_wait3A_4665 = tpu.memref_slice %arg6[%add3A_4658, %dma_wait3A_4664] : memref<1024x50000xf32, #tpu.memory_space<hbm>> -> memref<1x24960xf32, #tpu.memory_space<hbm>>
      %dma_wait3A_4666 = tpu.memref_squeeze %dma_wait3A_4665 : memref<1x24960xf32, #tpu.memory_space<hbm>> -> memref<24960xf32, #tpu.memory_space<hbm>>
      %dma_wait3A_4667 = arith.constant 0 : i32
      %dma_wait3A_4668 = tpu.memref_slice %arg13[%dma_wait3A_4667] : memref<25040xf32, #tpu.memory_space<vmem>> -> memref<24960xf32, #tpu.memory_space<vmem>>
      tpu.wait_dma2 semaphore(%arg21 : memref<!tpu.dma_semaphore, #tpu.memory_space<semaphore_mem>>) src(%dma_wait3A_4668 : memref<24960xf32, #tpu.memory_space<vmem>>) dst(%dma_wait3A_4666 : memref<24960xf32, #tpu.memory_space<hbm>>)
      %lt3A_4669 = arith.constant 15 : i32
      %lt3A_4670 = arith.cmpi slt, %scan3A_53, %lt3A_4669 : i32
      %convert_element_type3A_4671 = arith.extui %lt3A_4670 : i1 to i32
      %cond3A_4672 = arith.constant 0 : i32
      %cond3A_4673 = arith.cmpi ne, %convert_element_type3A_4671, %cond3A_4672 : i32
      scf.if %cond3A_4673 {
        %mul3A_4696 = arith.constant 2 : i32
        %mul3A_4697 = arith.muli %scan3A_53, %mul3A_4696 : i32
        %add3A_4698 = arith.constant 2 : i32
        %add3A_4699 = arith.addi %mul3A_4697, %add3A_4698 : i32
        %add3A_4700 = arith.constant 1 : i32
        %add3A_4701 = arith.addi %add3A_4699, %add3A_4700 : i32
        %mul3A_4702 = arith.constant 32 : i32
        %mul3A_4703 = arith.muli %add3A_4701, %mul3A_4702 : i32
        %add3A_4704 = arith.addi %mul3A_4703, %add3A : i32
        %dma_start3A_4705 = arith.constant 0 : i32
        %dma_start3A_4706 = tpu.memref_slice %arg13[%dma_start3A_4705] : memref<25040xf32, #tpu.memory_space<vmem>> -> memref<24960xf32, #tpu.memory_space<vmem>>
        %dma_start3A_4707 = arith.constant 0 : i32
        %dma_start3A_4708 = tpu.memref_slice %arg2[%add3A_4704, %dma_start3A_4707] : memref<1024x50000xf32, #tpu.memory_space<hbm>> -> memref<1x24960xf32, #tpu.memory_space<hbm>>
        %dma_start3A_4709 = tpu.memref_squeeze %dma_start3A_4708 : memref<1x24960xf32, #tpu.memory_space<hbm>> -> memref<24960xf32, #tpu.memory_space<hbm>>
        %dma_start3A_4710 = arith.constant 0 : i32
        %dma_start3A_4711 = tpu.memref_slice %arg13[%dma_start3A_4710] : memref<25040xf32, #tpu.memory_space<vmem>> -> memref<24960xf32, #tpu.memory_space<vmem>>
        %dma_start3A_4712 = arith.constant 0 : i32
        %dma_start3A_4713 = tpu.memref_slice %arg2[%add3A_4704, %dma_start3A_4712] : memref<1024x50000xf32, #tpu.memory_space<hbm>> -> memref<1x24960xf32, #tpu.memory_space<hbm>>
        %dma_start3A_4714 = tpu.memref_squeeze %dma_start3A_4713 : memref<1x24960xf32, #tpu.memory_space<hbm>> -> memref<24960xf32, #tpu.memory_space<hbm>>
        tpu.enqueue_dma source(%dma_start3A_4714 : memref<24960xf32, #tpu.memory_space<hbm>>) target(%dma_start3A_4711 : memref<24960xf32, #tpu.memory_space<vmem>>) target_semaphore(%arg17 : memref<!tpu.dma_semaphore, #tpu.memory_space<semaphore_mem>>)
      } else {
      }
      %mul3A_4674 = arith.constant 2 : i32
      %mul3A_4675 = arith.muli %scan3A_53, %mul3A_4674 : i32
      %add3A_4676 = arith.constant 1 : i32
      %add3A_4677 = arith.addi %mul3A_4675, %add3A_4676 : i32
      %mul3A_4678 = arith.constant 32 : i32
      %mul3A_4679 = arith.muli %add3A_4677, %mul3A_4678 : i32
      %add3A_4680 = arith.addi %mul3A_4679, %add3A : i32
      %dma_wait3A_4681 = arith.constant 0 : i32
      %dma_wait3A_4682 = tpu.memref_slice %arg14[%dma_wait3A_4681] : memref<25040xf32, #tpu.memory_space<vmem>> -> memref<25040xf32, #tpu.memory_space<vmem>>
      %dma_wait3A_4683 = arith.constant 24960 : i32
      %dma_wait3A_4684 = tpu.memref_slice %arg6[%add3A_4680, %dma_wait3A_4683] : memref<1024x50000xf32, #tpu.memory_space<hbm>> -> memref<1x25040xf32, #tpu.memory_space<hbm>>
      %dma_wait3A_4685 = tpu.memref_squeeze %dma_wait3A_4684 : memref<1x25040xf32, #tpu.memory_space<hbm>> -> memref<25040xf32, #tpu.memory_space<hbm>>
      %dma_wait3A_4686 = arith.constant 24960 : i32
      %dma_wait3A_4687 = tpu.memref_slice %arg6[%add3A_4680, %dma_wait3A_4686] : memref<1024x50000xf32, #tpu.memory_space<hbm>> -> memref<1x25040xf32, #tpu.memory_space<hbm>>
      %dma_wait3A_4688 = tpu.memref_squeeze %dma_wait3A_4687 : memref<1x25040xf32, #tpu.memory_space<hbm>> -> memref<25040xf32, #tpu.memory_space<hbm>>
      %dma_wait3A_4689 = arith.constant 0 : i32
      %dma_wait3A_4690 = tpu.memref_slice %arg14[%dma_wait3A_4689] : memref<25040xf32, #tpu.memory_space<vmem>> -> memref<25040xf32, #tpu.memory_space<vmem>>
      tpu.wait_dma2 semaphore(%arg22 : memref<!tpu.dma_semaphore, #tpu.memory_space<semaphore_mem>>) src(%dma_wait3A_4690 : memref<25040xf32, #tpu.memory_space<vmem>>) dst(%dma_wait3A_4688 : memref<25040xf32, #tpu.memory_space<hbm>>)
      %lt3A_4691 = arith.constant 15 : i32
      %lt3A_4692 = arith.cmpi slt, %scan3A_53, %lt3A_4691 : i32
      %convert_element_type3A_4693 = arith.extui %lt3A_4692 : i1 to i32
      %cond3A_4694 = arith.constant 0 : i32
      %cond3A_4695 = arith.cmpi ne, %convert_element_type3A_4693, %cond3A_4694 : i32
      scf.if %cond3A_4695 {
        %mul3A_4696 = arith.constant 2 : i32
        %mul3A_4697 = arith.muli %scan3A_53, %mul3A_4696 : i32
        %add3A_4698 = arith.constant 2 : i32
        %add3A_4699 = arith.addi %mul3A_4697, %add3A_4698 : i32
        %add3A_4700 = arith.constant 1 : i32
        %add3A_4701 = arith.addi %add3A_4699, %add3A_4700 : i32
        %mul3A_4702 = arith.constant 32 : i32
        %mul3A_4703 = arith.muli %add3A_4701, %mul3A_4702 : i32
        %add3A_4704 = arith.addi %mul3A_4703, %add3A : i32
        %dma_start3A_4705 = arith.constant 0 : i32
        %dma_start3A_4706 = tpu.memref_slice %arg14[%dma_start3A_4705] : memref<25040xf32, #tpu.memory_space<vmem>> -> memref<25040xf32, #tpu.memory_space<vmem>>
        %dma_start3A_4707 = arith.constant 24960 : i32
        %dma_start3A_4708 = tpu.memref_slice %arg2[%add3A_4704, %dma_start3A_4707] : memref<1024x50000xf32, #tpu.memory_space<hbm>> -> memref<1x25040xf32, #tpu.memory_space<hbm>>
        %dma_start3A_4709 = tpu.memref_squeeze %dma_start3A_4708 : memref<1x25040xf32, #tpu.memory_space<hbm>> -> memref<25040xf32, #tpu.memory_space<hbm>>
        %dma_start3A_4710 = arith.constant 0 : i32
        %dma_start3A_4711 = tpu.memref_slice %arg14[%dma_start3A_4710] : memref<25040xf32, #tpu.memory_space<vmem>> -> memref<25040xf32, #tpu.memory_space<vmem>>
        %dma_start3A_4712 = arith.constant 24960 : i32
        %dma_start3A_4713 = tpu.memref_slice %arg2[%add3A_4704, %dma_start3A_4712] : memref<1024x50000xf32, #tpu.memory_space<hbm>> -> memref<1x25040xf32, #tpu.memory_space<hbm>>
        %dma_start3A_4714 = tpu.memref_squeeze %dma_start3A_4713 : memref<1x25040xf32, #tpu.memory_space<hbm>> -> memref<25040xf32, #tpu.memory_space<hbm>>
        tpu.enqueue_dma source(%dma_start3A_4714 : memref<25040xf32, #tpu.memory_space<hbm>>) target(%dma_start3A_4711 : memref<25040xf32, #tpu.memory_space<vmem>>) target_semaphore(%arg18 : memref<!tpu.dma_semaphore, #tpu.memory_space<semaphore_mem>>)
      } else {
      }
    }
    %scan3A_52 = arith.constant 16 : i32
    return
  }
}

</mosaic_0001>

<sc_bundles>
// kernel: _dist_gen.3.cloned.1.call-start
scs
__scs_entry_jumppad:
0x0: {  	(pc) =	sbr.rel $0x88, $3  }
0x1: {  	(tag) =	ssettag $0x0;
	lr =	simm.s32 $0x1  }
0x2: {  	[smem:$0x3F9D] =	sst lr;
	_ =	strace $0xD0000000  }
0x3: {  	_ = 	snop  }
0x4: {  	_ = 	snop  }
0x5: {  	_ = 	snop  }
0x6: {  	_ = 	snop  }
0x7: {  	_ = 	snop  }
__scs_overlays_trampoline_lowered:
0x8: {  	[smem:$0x3FAC] =	sst s0  }
0x9: {  	[smem:$0x3FAD] =	sst s1  }
0xa: {  	[smem:$0x3FAE] =	sst s2  }
0xb: {  	[smem:$0x3FAF] =	sst s3  }
0xc: {  	[smem:$0x3FB0] =	sst s4  }
0xd: {  	[smem:$0x3FB1] =	sst s5  }
0xe: {  	[smem:$0x3FB2] =	sst s6  }
0xf: {  	[smem:$0x3FB3] =	sst s7  }
0x10: {  	[smem:$0x3FB4] =	sst s8  }
0x11: {  	[smem:$0x3FB5] =	sst s9;
	s0 =	simm.s32 @!p0 $0x0  }
0x12: {  	s1 =	sld [smem:$0x3F9B];
	s0 =	simm.s32 @p0 $0x1  }
0x13: {  	[smem:$0x3FB6] =	sst s0;
	s0 =	simm.s32 @!p1 $0x0  }
0x14: {  	s2 =	sld [smem:$0x3F9A];
	s0 =	simm.s32 @p1 $0x1  }
0x15: {  	[smem:$0x3FB7] =	sst s0;
	s0 =	simm.s32 @!p2 $0x0  }
0x16: {  	s3 =	sld [smem:$0x3FDB];
	s0 =	simm.s32 @p2 $0x1  }
0x17: {  	s4 =	simm.s32 $0x1BF5;
	[smem:$0x3FB9] =	sst s0  }
0x18: {  	s0 =	sld [smem:$0x3F9C];
	_ =	swait.ge [sflag:s4], $0x0  }
0x19: {  	s7 =	sld [smem:$0x3F9D]  }
0x1a: {  	s8 =	sadd.s32 $0xFFFFE003, lr  }
0x1b: {  	s9 =	sadd.s32 $0xFFFFFEF7, lr;
	s5 =	simm.s32 $0xFFFFFFFF;
	p2 =	slt.u32 s8, $0xFFFFF086  }
0x1c: {  	p1 =	slt.u32 s9, $0xF7A;
	s5 =	simm.s32 @!p2 $0x0  }
0x1d: {  	s5 =	simm.s32 @p1 $0x1;
	p0 =	seq.s32 s7, s2  }
0x1e: {  	s7 =	smul.u32 @!p0 $0xF7A, s2;
	p2 =	seq.s32 @!p0 s5, $0x0  }
0x1f: {  	s9 =	smul.u32 $0xF7A, s1;
	s8 =	simm.s32 @!p0 $0x1BF5;
	p2 =	por !p2, p0  }
0x20: {  	[sflag:s8] =	ssyncset.s32 @!p0 $0xFFFFF086;
	s6 =	sadd.s32 @!p0 s3, s7;
	s7 =	simm.s32 @!p0 $0x108  }
0x21: {  	s3 =	sadd.s32 s3, s9;
	s6 =	sadd.s32 @!p0 $0x88, s6;
	s7 =	simm.s32 @p2 $0x1082  }
0x22: {  	[simem:s7], [sflag:s8] =	dma.local @!p0 [hbm:s6], $0xF7A  }
0x23: {  	s9 =	sor.u32 $0xD0000000, s2;
	s6 =	simm.s32 $0x108;
	_ =	swait.ge @!p0 [sflag:s8], $0x0  }
0x24: {  	s3 =	sadd.s32 $0x88, s3;
	s6 =	simm.s32 @!p1 $0x1082;
	[sflag:s4] =	ssyncset.s32 $0xFFFFF086  }
0x25: {  	[simem:s6], [sflag:s4] =	dma.local [hbm:s3], $0xF7A  }
0x26: {  	[smem:$0x3F9D] =	sst s1;
	(tag) =	ssettag s2;
	_ =	strace s9  }
0x27: {  	s1 =	sld [smem:$0x3FAD]  }
0x28: {  	s2 =	sld [smem:$0x3FAE]  }
0x29: {  	s4 =	sld [smem:$0x3FB0]  }
0x2a: {  	p0 =	seq.s32 s5, $0x0;
	s5 =	sld [smem:$0x3FB1]  }
0x2b: {  	s6 =	sld [smem:$0x3FB2]  }
0x2c: {  	s7 =	sld [smem:$0x3FB3]  }
0x2d: {  	s3 =	simm.s32 $0x108;
	s8 =	sld [smem:$0x3FB4]  }
0x2e: {  	s3 =	simm.s32 @!p0 $0x1082;
	s9 =	sld [smem:$0x3FB5]  }
0x2f: {  	lr =	sadd.s32 s0, s3;
	s0 =	sld [smem:$0x3FAC]  }
0x30: {  	s3 =	sld [smem:$0x3FAF]  }
0x31: {  	[smem:$0x3FB8] =	sst s10  }
0x32: {  	s10 =	sld [smem:$0x3FB6];
	_ =	sdelay $0x3  }
0x33: {  	p0 =	seq.s32 s10, $0x1;
	s10 =	sld [smem:$0x3FB8];
	_ =	sdelay $0x3  }
0x34: {  	[smem:$0x3FB8] =	sst s10  }
0x35: {  	s10 =	sld [smem:$0x3FB7];
	_ =	sdelay $0x3  }
0x36: {  	p1 =	seq.s32 s10, $0x1;
	s10 =	sld [smem:$0x3FB8];
	_ =	sdelay $0x3  }
0x37: {  	[smem:$0x3FB8] =	sst s10  }
0x38: {  	s10 =	sld [smem:$0x3FB9]  }
0x39: {  	_ = 	snop;
	(pc) =	sbr.ind lr, $3  }
0x3a: {  	_ = 	snop  }
0x3b: {  	_ = 	snop  }
0x3c: {  	p2 =	seq.s32 s10, $0x1;
	s10 =	sld [smem:$0x3FB8]  }
0x3d: {  	_ =	shalt  }
0x3e: {  	_ =	shalt  }
0x3f: {  	_ =	shalt  }
0x40: {  	_ =	shalt  }
0x41: {  	_ =	shalt  }
0x42: {  	_ =	shalt  }
0x43: {  	_ =	shalt  }
0x44: {  	_ =	shalt  }
0x45: {  	_ =	shalt  }
0x46: {  	_ =	shalt  }
0x47: {  	_ =	shalt  }
0x48: {  	_ =	shalt  }
0x49: {  	_ =	shalt  }
0x4a: {  	_ =	shalt  }
0x4b: {  	_ =	shalt  }
0x4c: {  	_ =	shalt  }
0x4d: {  	_ =	shalt  }
0x4e: {  	_ =	shalt  }
0x4f: {  	_ =	shalt  }
0x50: {  	_ =	shalt  }
0x51: {  	_ =	shalt  }
0x52: {  	_ =	shalt  }
0x53: {  	_ =	shalt  }
0x54: {  	_ =	shalt  }
0x55: {  	_ =	shalt  }
0x56: {  	_ =	shalt  }
0x57: {  	_ =	shalt  }
0x58: {  	_ =	shalt  }
0x59: {  	_ =	shalt  }
0x5a: {  	_ =	shalt  }
0x5b: {  	_ =	shalt  }
0x5c: {  	_ =	shalt  }
0x5d: {  	_ =	shalt  }
0x5e: {  	_ =	shalt  }
0x5f: {  	_ =	shalt  }
0x60: {  	_ =	shalt  }
0x61: {  	_ =	shalt  }
0x62: {  	_ =	shalt  }
0x63: {  	_ =	shalt  }
0x64: {  	_ =	shalt  }
0x65: {  	_ =	shalt  }
0x66: {  	_ =	shalt  }
0x67: {  	_ =	shalt  }
0x68: {  	_ =	shalt  }
0x69: {  	_ =	shalt  }
0x6a: {  	_ =	shalt  }
0x6b: {  	_ =	shalt  }
0x6c: {  	_ =	shalt  }
0x6d: {  	_ =	shalt  }
0x6e: {  	_ =	shalt  }
0x6f: {  	_ =	shalt  }
0x70: {  	_ =	shalt  }
0x71: {  	_ =	shalt  }
0x72: {  	_ =	shalt  }
0x73: {  	_ =	shalt  }
0x74: {  	_ =	shalt  }
0x75: {  	_ =	shalt  }
0x76: {  	_ =	shalt  }
0x77: {  	_ =	shalt  }
0x78: {  	_ =	shalt  }
0x79: {  	_ =	shalt  }
0x7a: {  	_ =	shalt  }
0x7b: {  	_ =	shalt  }
0x7c: {  	_ =	shalt  }
0x7d: {  	_ =	shalt  }
0x7e: {  	_ =	shalt  }
0x7f: {  	_ =	shalt  }
0x80: {  	_ =	shalt  }
0x81: {  	_ =	shalt  }
0x82: {  	_ =	shalt  }
0x83: {  	_ =	shalt  }
0x84: {  	_ =	shalt  }
0x85: {  	_ =	shalt  }
0x86: {  	_ =	shalt  }
0x87: {  	_ =	shalt  }
.Lfunc_end0:
.L_simem_size_0:
called_computation_lowered:
.L_overlay_start_0:
0x88: {  	s2 =	sld [smem:$0x3FD9]  }
0x89: {  	s3 =	sld [smem:$0x3FFE];
	_ =	sdelay $0x1  }
0x8a: {  	s1 =	srdreg.scid  }
0x8b: {  	s0 =	sand.u32 $0x1, s1  }
0x8c: {  	s17 =	sshll.u32 s0, $0xA;
	s2 =	sadd.s32 s3, s2  }
0x8d: {  	s2 =	sadd.s32 s2, s17  }
0x8e: {  	[smem:$0x3FC4] =	sst s2  }
0x8f: {  	_ = 	snop  }
0x90: {  	s2 =	sld [smem:$0x3FC8]  }
0x91: {  	s18 =	sld [smem:$0x3FC7]  }
0x92: {  	s4 =	sld [smem:$0x3FC6];
	(tm) =	ssettm $0x1  }
0x93: {  	s5 =	sld [smem:$0x3FFB];
	_ =	sdelay $0x3  }
0x94: {  	_ =	strace s5  }
0x95: {  	s5 =	sld [smem:$0x3FFC];
	_ =	sdelay $0x3  }
0x96: {  	_ =	strace s5  }
0x97: {  	s5 =	sld [smem:$0x3FFD];
	_ =	sdelay $0x3  }
0x98: {  	_ =	strace s5  }
0x99: {  	_ =	strace $0x8FFFFFFF  }
0x9a: {  	s19 =	sld [smem:$0x3FDB];
	_ =	sdelay $0x1  }
0x9b: {  	s6 =	simm.s32 $_scs_section_size  }
0x9c: {  	s7 =	simm.s32 $_size__tile_overlayer_lowered;
	s8 =	simm.s32 $_tile_overlayer_lowered  }
0x9d: {  	s22 =	simm.s32 $0x1BFF;
	s21 =	sshll.u32 s8, $0x1;
	s5 =	sadd.s32 s6, s19  }
0x9e: {  	s9 =	simm.s32 $0x0;
	s20 =	sshll.u32 s7, $0x1;
	s7 =	sadd.s32 s21, s5  }
0x9f: {  	[timem:s9], [sflag:s22] =	dma.local [hbm:s7], s20  }
0xa0: {  	_ =	swait.ge [sflag:s22], s20  }
0xa1: {  	s6 =	ssub.s32 $0x0, s20;
	[sflag:s22] =	ssyncset.done $0x0  }
0xa2: {  	[sflag:s22] =	ssyncadd.s32 s6;
	_ =	sdelay $0x1  }
0xa3: {  	s23 =	simm.s32 $0x1B8B  }
0xa4: {  	_ =	swait.ge [sflag:s23], $0x1  }
0xa5: {  	[sflag:s23] =	ssyncset.done $0x0  }
0xa6: {  	s25 =	simm.s32 $0x1B8E;
	s24 =	sld [smem:$0x3FFE];
	[sflag:s23] =	ssyncadd.s32 $0xFFFFFFFF  }
0xa7: {  	s26 =	simm.s32 $execute0_lowered;
	[smem:$0x3FD2] =	sst s25  }
0xa8: {  	s7 =	sshll.u32 s26, $0x1;
	_ =	strace $0x80000046;
	[dreg:$0x1] =	wrdreg $0xFFFFFFFF  }
0xa9: {  	s28 =	simm.s32 $_size_execute0_lowered;
	s5 =	sadd.s32 s5, s7;
	[dreg:$0x0] =	wrdreg $0x0  }
0xaa: {  	s7 =	sshll.u32 s28, $0x1;
	[dreg:$0x2] =	wrdreg s5  }
0xab: {  	[dreg:$0x3] =	wrdreg s7  }
0xac: {  	[dreg:$0x4] =	wrdreg $0xC0  }
0xad: {  	_ =	task [dreg:s9], $0x5FFFF  }
0xae: {  	[dreg:$0x1] =	wrdreg $0xFFFFFFFF  }
0xaf: {  	[dreg:$0x0] =	wrdreg $0x60  }
0xb0: {  	[dreg:$0x2] =	wrdreg s24  }
0xb1: {  	[dreg:$0x3] =	wrdreg s2  }
0xb2: {  	[dreg:$0x4] =	wrdreg s18  }
0xb3: {  	[dreg:$0x5] =	wrdreg s4  }
0xb4: {  	[dreg:$0x6] =	wrdreg $0x9  }
0xb5: {  	_ =	task.clear_ibuf [dreg:s9], $0x7FFFF;
	_ =	strace $0x90000046  }
0xb6: {  	s29 =	simm.s32 $0x9;
	_ =	strace $0x80000048  }
0xb7: {  	_ =	swait.ge [sflag:s29], $0x1  }
0xb8: {  	[sflag:s29] =	ssyncadd.s32 $0xFFFFFFFF  }
0xb9: {  	_ =	strace $0x90000048  }
0xba: {  	_ =	sfence  }
0xbb: {  	s30 =	sld [smem:$0x0];
	_ =	sdelay $0x2  }
0xbc: {  	s31 =	sshll.u32 s1, $0xD;
	s1 =	sshrl.u32 s1, $0x2  }
0xbd: {  	s3 =	sand.u32 $0x4000, s31;
	s1 =	sadd.s32 s1, s30  }
0xbe: {  	s0 =	sor.u32 s3, s0;
	s1 =	sshll.u32 s1, $0x11  }
0xbf: {  	s0 =	sor.u32 s1, s0  }
0xc0: {  	s0 =	sadd.s32 $0x8F2B, s0  }
0xc1: {  	[sflag:s0] =	ssyncadd.remote.s32 $0x1  }
0xc2: {  	_ =	sfence.sel $0xFFFF  }
0xc3: {  	[dreg:$0x0] =	wrdreg $0xFFFFFFFF;
	(pc) =	sbr.abs _section_cstart, $3  }
0xc4: {  	[dreg:$0x1] =	wrdreg $0xFFFFFFFF  }
0xc5: {  	_ =	task.clear_ibuf [dreg:s9], $0x2FFFF;
	_ =	strace $0x9FFFFFFF  }
0xc6: {  	(tm) =	ssettm $0x7FFFFFFF  }
0xc7: {  	_ =	shalt  }
tec
execute0_lowered:
.L_overlay_start_1:
0x0: {  	(tag) =	ssettag $0x1  }
0x1: {  	s0 =	rddreg [dreg:$0x0]  }
0x2: {  	s1 =	rddreg [dreg:$0x1]  }
0x3: {  	s2 =	rddreg [dreg:$0x2]  }
0x4: {  	s7 =	rddreg [dreg:$0x3];
	s4 =	simm.s32 $0x0;
	s3 =	srdreg.scid  }
0x5: {  	s6 =	stileid.u32;
	s28 =	simm.s32 $0x1;
	s29 =	simm.s32 $0x2  }
0x6: {  	s30 =	simm.s32 $0x3;
	s31 =	simm.s32 $0x4;
	[smem:$0x7FF] =	sst s4  }
0x7: {  	s14 =	sand.u32 $0x1, s3;
	s3 =	sshll.u32 s6, $0x1;
	s4 =	sadd.s32 $0x400, s0  }
0x8: {  	s8 =	sshrl.u32 s6, $0x2;
	s6 =	sadd.s32 $0x61C400, s0;
	_ =	strace $0x80000047  }
0x9: {  	s5 =	sor.u32 s14, s3;
	s9 =	ssub.s32 $0x2, s14;
	s11 =	smul.u32 $0x61C00, s8  }
0xa: {  	s20 =	sshll.u32 s8, $0xC;
	s21 =	smul.u32 $0x19000, s8;
	s8 =	sshll.u32 s8, $0xA  }
0xb: {  	s26 =	sor.u32 $0x40, s3;
	s10 =	sshll.u32 s5, $0x7;
	s12 =	sshrl.u32 s9, $0x1  }
0xc: {  	[dreg:$0xc] =	wrdreg s26;
	s26 =	simm.s32 $0x7;
	s5 =	sand.u32 $0x380, s10  }
0xd: {  	s0 =	ssub.s32 s9, s12;
	s14 =	sor.u32 $0x30C00, s10;
	s15 =	sor.u32 s11, s5  }
0xe: {  	s22 =	sor.u32 s20, s5;
	s8 =	sor.u32 s8, s5;
	s23 =	sor.u32 s21, s5  }
0xf: {  	s0 =	smax.u32 s0, $0x1;
	s20 =	simm.s32 $0x3680;
	s21 =	simm.s32 $0x9880  }
0x10: {  	s11 =	sshrl.u32 s15, $0x3;
	s16 =	sadd.s32 $0x30C00, s15;
	s13 =	sadd.s32 $0x187000, s15  }
0x11: {  	s9 =	sadd.s32 $0x1B7C00, s15;
	s24 =	sshrl.u32 s8, $0x3;
	s25 =	sshrl.u32 s23, $0x3  }
0x12: {  	[dreg:$0xd] =	wrdreg s0;
	s23 =	simm.s32 $0x15C80;
	s0 =	simm.s32 $0x5  }
0x13: {  	s8 =	simm.s32 $0x0;
	s11 =	sadd.s32 s4, s11;
	s17 =	sshrl.u32 s16, $0x3  }
0x14: {  	s18 =	sshrl.u32 s13, $0x3;
	s9 =	sshrl.u32 s9, $0x3;
	s2 =	sadd.s32 s2, s24  }
0x15: {  	s1 =	sadd.s32 s1, s25;
	s16 =	sor.u32 $0x60, s3;
	[dreg:$0x5] =	wrdreg s11  }
0x16: {  	s25 =	simm.s32 $0x3400;
	s11 =	sadd.s32 s4, s17;
	[dreg:$0xa] =	wrdreg s2  }
.Ltmp0:
0x17: {  	s19 =	sadd.s32 s4, s18;
	[dreg:$0xb] =	wrdreg s1;
	(pc) =	sbr.rel .LBB2_1-.Ltmp0, $4  }
0x18: {  	s9 =	sadd.s32 s4, s9;
	s18 =	simm.s32 $0x80;
	[dreg:$0x6] =	wrdreg s11  }
0x19: {  	s1 =	simm.s32 $0x6;
	[dreg:$0x8] =	wrdreg s9;
	s9 =	sshrl.u32 s22, $0x3  }
0x1a: {  	s2 =	simm.s32 $0x8;
	[dreg:$0x7] =	wrdreg s19;
	s7 =	sadd.s32 s7, s9  }
0x1b: {  	s19 =	simm.s32 $0x400;
	s22 =	simm.s32 $0xFA80;
	[dreg:$0x9] =	wrdreg s7  }
.LBB2_16:
0x1c: {  	_ =	swait.ge [sflag:s1], $0x6200  }
0x1d: {  	[sflag:s1] =	ssyncset.done $0x0  }
0x1e: {  	[sflag:s1] =	ssyncadd.s32 $0xFFFF9E00  }
0x1f: {  	_ =	swait.ge [sflag:s26], $0x6180  }
0x20: {  	[sflag:s26] =	ssyncset.done $0x0  }
0x21: {  	[sflag:s26] =	ssyncadd.s32 $0xFFFF9E80  }
0x22: {  	_ =	swait.ge [sflag:s2], $0x6200  }
0x23: {  	s8 =	rddreg [dreg:$0xe]  }
0x24: {  	s7 =	rddreg [dreg:$0xd];
	s8 =	sadd.s32 $0x1, s8  }
0x25: {  	p0 =	sne.s32 s8, s7  }
.Ltmp1:
0x26: {  	_ = 	snop;
	(pc) =	sbr.rel @!p0 .LBB2_17-.Ltmp1, $3  }
0x27: {  	_ =	sdelay $0x1  }
0x28: {  	[sflag:s2] =	ssyncset.done $0x0  }
0x29: {  	[sflag:s2] =	ssyncadd.s32 $0xFFFF9E00  }
.LBB2_1:
0x2a: {  	[dreg:$0xe] =	wrdreg s8  }
0x2b: {  	s7 =	rddreg [dreg:$0x5]  }
0x2c: {  	[tilespmem:s20], [sflag:$0x1] =	stream.strided.gather [hbm4b:s7+s18], $0x6180, s19, s18, $0x38;
	[tilespmem:$0x1BE80] =	vst v63  }
0x2d: {  	s9 =	rddreg [dreg:$0x6]  }
0x2e: {  	[tilespmem:s21], [sflag:$0x2] =	stream.strided.gather [hbm4b:s9+s18], $0x6200, s19, s18, $0x38;
	[tilespmem:$0x1BE80] =	vst v63  }
0x2f: {  	s10 =	rddreg [dreg:$0x7]  }
0x30: {  	[tilespmem:s22], [sflag:$0x3] =	stream.strided.gather [hbm4b:s10+s18], $0x6180, s19, s18, $0x38;
	[tilespmem:$0x1BE80] =	vst v63  }
0x31: {  	s11 =	rddreg [dreg:$0x8]  }
0x32: {  	[tilespmem:s23], [sflag:$0x4] =	stream.strided.gather [hbm4b:s11+s18], $0x6200, s19, s18, $0x38;
	[tilespmem:$0x1BE80] =	vst v63  }
0x33: {  	s12 =	simm.s32 $0x0;
	s13 =	rddreg [dreg:$0x9];
	s9 =	simm.s32 $0x9  }
0x34: {  	[tilespmem:s12], [sflag:$0x9] =	stream.strided.gather [hbm4b:s13+s18], $0x200, s19, s18, $0x38;
	[tilespmem:$0x1BE80] =	vst v63  }
0x35: {  	_ =	swait.ge [sflag:s9], $0x200  }
0x36: {  	[sflag:s9] =	ssyncset.done $0x0  }
0x37: {  	s15 =	rddreg [dreg:$0xa];
	[sflag:s9] =	ssyncadd.s32 $0xFFFFFE00  }
0x38: {  	[tilespmem:s25], [sflag:$0x9] =	stream.linear.gather [hbm4b:s15+s12], $0x80, $0x38;
	[tilespmem:$0x1BE80] =	vst v63  }
0x39: {  	_ =	swait.ge [sflag:s9], $0x80  }
0x3a: {  	[sflag:s9] =	ssyncset.done $0x0  }
0x3b: {  	s24 =	simm.s32 $0x200;
	s17 =	rddreg [dreg:$0xb];
	[sflag:s9] =	ssyncadd.s32 $0xFFFFFF80  }
0x3c: {  	[tilespmem:s24], [sflag:$0x9] =	stream.strided.gather [hbm4b:s17+s18], $0x3200, s19, s18, $0x38;
	[tilespmem:$0x1BE80] =	vst v63  }
0x3d: {  	_ =	swait.ge [sflag:s9], $0x3200  }
0x3e: {  	[sflag:s9] =	ssyncset.done $0x0  }
0x3f: {  	s8 =	simm.s32 $0x0;
	[sflag:s9] =	ssyncadd.s32 $0xFFFFCE00  }
.LBB2_2:
0x40: {  	_ =	swait.ge [sflag:s28], $0x6180  }
0x41: {  	[sflag:s28] =	ssyncset.done $0x0  }
0x42: {  	[sflag:s28] =	ssyncadd.s32 $0xFFFF9E80  }
0x43: {  	v0 =	vld [tilespmem:$0x0];
	_ =	sdelay $0x4  }
0x44: {  	vm0 =	vlt.u32 v0, $0x6180  }
0x45: {  	v2 =	vld [tilespmem:$0x10];
	v1 =	vnsel vm0, $0x0, v0;
	_ =	sdelay $0x1  }
0x46: {  	s10 =	sshll.u32 s8, $0x1  }
0x47: {  	v0 =	vmov s10  }
0x48: {  	v0 =	vbroadcast v0, $0x0  }
0x49: {  	vm4 =	vlt.u32 v2, $0x6180;
	v3 =	vld.idx.msk [tilespmem:v1+s20+$0x0], vm0  }
0x4a: {  	v4 =	vld [tilespmem:$0x20];
	v2 =	vnsel vm4, $0x0, v2;
	_ =	sdelay $0x3  }
0x4b: {  	v1 =	vld.idx.msk [tilespmem:v0+s25+$0x0], $0xffff;
	[tilespmem:$0x3480] =	vst v3  }
0x4c: {  	vm5 =	vlt.u32 v4, $0x6180;
	v2 =	vld.idx.msk [tilespmem:v2+s20+$0x0], vm4  }
0x4d: {  	v3 =	vnsel vm5, $0x0, v4;
	v4 =	vld [tilespmem:$0x30];
	_ =	sdelay $0x3  }
0x4e: {  	[tilespmem:$0x3490] =	vst v2  }
0x4f: {  	vm6 =	vlt.u32 v4, $0x6180;
	v2 =	vld.idx.msk [tilespmem:v3+s20+$0x0], vm5  }
0x50: {  	v3 =	vnsel vm6, $0x0, v4;
	v4 =	vld [tilespmem:$0x40];
	_ =	sdelay $0x3  }
0x51: {  	[tilespmem:$0x34A0] =	vst v2  }
0x52: {  	vm7 =	vlt.u32 v4, $0x6180;
	v2 =	vld.idx.msk [tilespmem:v3+s20+$0x0], vm6  }
0x53: {  	v3 =	vnsel vm7, $0x0, v4;
	v4 =	vld [tilespmem:$0x50];
	_ =	sdelay $0x3  }
0x54: {  	[tilespmem:$0x34B0] =	vst v2  }
0x55: {  	vm8 =	vlt.u32 v4, $0x6180;
	v2 =	vld.idx.msk [tilespmem:v3+s20+$0x0], vm7  }
0x56: {  	v3 =	vnsel vm8, $0x0, v4;
	v4 =	vld [tilespmem:$0x60];
	_ =	sdelay $0x3  }
0x57: {  	[tilespmem:$0x34C0] =	vst v2  }
0x58: {  	vm9 =	vlt.u32 v4, $0x6180;
	v2 =	vld.idx.msk [tilespmem:v3+s20+$0x0], vm8  }
0x59: {  	v3 =	vnsel vm9, $0x0, v4;
	v4 =	vld [tilespmem:$0x70];
	_ =	sdelay $0x3  }
0x5a: {  	[tilespmem:$0x34D0] =	vst v2  }
0x5b: {  	vm10 =	vlt.u32 v4, $0x6180;
	v2 =	vld.idx.msk [tilespmem:v3+s20+$0x0], vm9  }
0x5c: {  	v3 =	vnsel vm10, $0x0, v4;
	v4 =	vld [tilespmem:$0x80];
	_ =	sdelay $0x3  }
0x5d: {  	[tilespmem:$0x34E0] =	vst v2  }
0x5e: {  	vm11 =	vlt.u32 v4, $0x6180;
	v2 =	vld.idx.msk [tilespmem:v3+s20+$0x0], vm10  }
0x5f: {  	v3 =	vnsel vm11, $0x0, v4;
	v4 =	vld [tilespmem:$0x90];
	_ =	sdelay $0x3  }
0x60: {  	[tilespmem:$0x34F0] =	vst v2  }
0x61: {  	vm12 =	vlt.u32 v4, $0x6180;
	v2 =	vld.idx.msk [tilespmem:v3+s20+$0x0], vm11  }
0x62: {  	v3 =	vnsel vm12, $0x0, v4;
	v4 =	vld [tilespmem:$0xA0];
	_ =	sdelay $0x3  }
0x63: {  	[tilespmem:$0x3500] =	vst v2  }
0x64: {  	vm13 =	vlt.u32 v4, $0x6180;
	v2 =	vld.idx.msk [tilespmem:v3+s20+$0x0], vm12  }
0x65: {  	v3 =	vnsel vm13, $0x0, v4;
	v4 =	vld [tilespmem:$0xB0];
	_ =	sdelay $0x3  }
0x66: {  	[tilespmem:$0x3510] =	vst v2  }
0x67: {  	vm14 =	vlt.u32 v4, $0x6180;
	v2 =	vld.idx.msk [tilespmem:v3+s20+$0x0], vm13  }
0x68: {  	v3 =	vnsel vm14, $0x0, v4;
	v4 =	vld [tilespmem:$0xC0];
	_ =	sdelay $0x3  }
0x69: {  	[tilespmem:$0x3520] =	vst v2  }
0x6a: {  	vm15 =	vlt.u32 v4, $0x6180;
	v2 =	vld.idx.msk [tilespmem:v3+s20+$0x0], vm14  }
0x6b: {  	v3 =	vnsel vm15, $0x0, v4;
	v4 =	vld [tilespmem:$0xD0];
	_ =	sdelay $0x3  }
0x6c: {  	[tilespmem:$0x3530] =	vst v2  }
0x6d: {  	vm4 =	vlt.u32 v4, $0x6180;
	v2 =	vld.idx.msk [tilespmem:v3+s20+$0x0], vm15  }
0x6e: {  	v3 =	vnsel vm4, $0x0, v4;
	v4 =	vld [tilespmem:$0xE0];
	_ =	sdelay $0x3  }
0x6f: {  	[tilespmem:$0x3540] =	vst v2  }
0x70: {  	vm5 =	vlt.u32 v4, $0x6180;
	v2 =	vld.idx.msk [tilespmem:v3+s20+$0x0], vm4  }
0x71: {  	v3 =	vnsel vm5, $0x0, v4;
	v4 =	vld [tilespmem:$0xF0];
	_ =	sdelay $0x3  }
0x72: {  	[tilespmem:$0x3550] =	vst v2  }
0x73: {  	vm6 =	vlt.u32 v4, $0x6180;
	v2 =	vld.idx.msk [tilespmem:v3+s20+$0x0], vm5  }
0x74: {  	v3 =	vnsel vm6, $0x0, v4;
	v4 =	vld [tilespmem:$0x100];
	_ =	sdelay $0x3  }
0x75: {  	[tilespmem:$0x3560] =	vst v2  }
0x76: {  	vm7 =	vlt.u32 v4, $0x6180;
	v2 =	vld.idx.msk [tilespmem:v3+s20+$0x0], vm6  }
0x77: {  	v3 =	vnsel vm7, $0x0, v4;
	v4 =	vld [tilespmem:$0x110];
	_ =	sdelay $0x3  }
0x78: {  	[tilespmem:$0x3570] =	vst v2  }
0x79: {  	vm8 =	vlt.u32 v4, $0x6180;
	v2 =	vld.idx.msk [tilespmem:v3+s20+$0x0], vm7  }
0x7a: {  	v3 =	vnsel vm8, $0x0, v4;
	v4 =	vld [tilespmem:$0x120];
	_ =	sdelay $0x3  }
0x7b: {  	[tilespmem:$0x3580] =	vst v2  }
0x7c: {  	vm9 =	vlt.u32 v4, $0x6180;
	v2 =	vld.idx.msk [tilespmem:v3+s20+$0x0], vm8  }
0x7d: {  	v3 =	vnsel vm9, $0x0, v4;
	v4 =	vld [tilespmem:$0x130];
	_ =	sdelay $0x3  }
0x7e: {  	[tilespmem:$0x3590] =	vst v2  }
0x7f: {  	vm10 =	vlt.u32 v4, $0x6180;
	v2 =	vld.idx.msk [tilespmem:v3+s20+$0x0], vm9  }
0x80: {  	v3 =	vnsel vm10, $0x0, v4;
	v4 =	vld [tilespmem:$0x140];
	_ =	sdelay $0x3  }
0x81: {  	[tilespmem:$0x35A0] =	vst v2  }
0x82: {  	vm11 =	vlt.u32 v4, $0x6180;
	v2 =	vld.idx.msk [tilespmem:v3+s20+$0x0], vm10  }
0x83: {  	v3 =	vnsel vm11, $0x0, v4;
	v4 =	vld [tilespmem:$0x150];
	_ =	sdelay $0x3  }
0x84: {  	[tilespmem:$0x35B0] =	vst v2  }
0x85: {  	vm12 =	vlt.u32 v4, $0x6180;
	v2 =	vld.idx.msk [tilespmem:v3+s20+$0x0], vm11  }
0x86: {  	v3 =	vnsel vm12, $0x0, v4;
	v4 =	vld [tilespmem:$0x160];
	_ =	sdelay $0x3  }
0x87: {  	[tilespmem:$0x35C0] =	vst v2  }
0x88: {  	vm13 =	vlt.u32 v4, $0x6180;
	v2 =	vld.idx.msk [tilespmem:v3+s20+$0x0], vm12  }
0x89: {  	v3 =	vnsel vm13, $0x0, v4;
	v4 =	vld [tilespmem:$0x170];
	_ =	sdelay $0x3  }
0x8a: {  	[tilespmem:$0x35D0] =	vst v2  }
0x8b: {  	vm14 =	vlt.u32 v4, $0x6180;
	v2 =	vld.idx.msk [tilespmem:v3+s20+$0x0], vm13  }
0x8c: {  	v3 =	vnsel vm14, $0x0, v4;
	v4 =	vld [tilespmem:$0x180];
	_ =	sdelay $0x3  }
0x8d: {  	[tilespmem:$0x35E0] =	vst v2  }
0x8e: {  	vm15 =	vlt.u32 v4, $0x6180;
	v2 =	vld.idx.msk [tilespmem:v3+s20+$0x0], vm14  }
0x8f: {  	v3 =	vnsel vm15, $0x0, v4;
	_ =	sdelay $0x3  }
0x90: {  	[tilespmem:$0x35F0] =	vst v2  }
0x91: {  	v2 =	vld.idx.msk [tilespmem:v3+s20+$0x0], vm15;
	_ =	sdelay $0x4  }
0x92: {  	s9 =	simm.s32 $0x36C0;
	[tilespmem:$0x3600] =	vst v2  }
0x93: {  	v4 =	vld [tilespmem:s9+$0x30]  }
0x94: {  	v6 =	vld [tilespmem:s9+$0xFFFFFFD0]  }
0x95: {  	v8 =	vld [tilespmem:s9+$0xFFFFFFE0]  }
0x96: {  	v5 =	vld [tilespmem:s9+$0xFFFFFFF0]  }
0x97: {  	v3 =	vld [tilespmem:s9+$0x0]  }
0x98: {  	v2 =	vld [tilespmem:s9+$0x10];
	v9 =	vmul.f32 v4, v1  }
0x99: {  	v4 =	vld [tilespmem:s9+$0x20];
	v7 =	vmul.f32 v6, v1  }
0x9a: {  	s11 =	simm.s32 $0x0;
	s7 =	simm.s32 $0x3740;
	v6 =	vld [tilespmem:s9+$0xFFFFFFC0];
	v8 =	vmul.f32 v8, v1;
	[tilespmem:s9+$0x30] =	vst v9  }
.LBB2_3:
0x9b: {  	v9 =	vld [tilespmem:s7+$0x30];
	s11 =	sadd.s32 $0x8, s11;
	[tilespmem:s9+$0xFFFFFFD0] =	vst v7;
	v5 =	vmul.f32 v5, v1  }
0x9c: {  	v7 =	vld [tilespmem:s7+$0xFFFFFFD0];
	p0 =	slt.u32 s11, $0x610;
	[tilespmem:s9+$0xFFFFFFE0] =	vst v8;
	v3 =	vmul.f32 v3, v1  }
0x9d: {  	v8 =	vld [tilespmem:s7+$0xFFFFFFE0];
	[tilespmem:s9+$0xFFFFFFF0] =	vst v5;
	v2 =	vmul.f32 v2, v1  }
.Ltmp2:
0x9e: {  	v5 =	vld [tilespmem:s7+$0xFFFFFFF0];
	[tilespmem:s9+$0x0] =	vst v3;
	v4 =	vmul.f32 v4, v1;
	(pc) =	sbr.rel @p0 .LBB2_3-.Ltmp2, $4  }
0x9f: {  	v3 =	vld [tilespmem:s7+$0x0];
	v6 =	vmul.f32 v6, v1;
	[tilespmem:s9+$0x10] =	vst v2  }
0xa0: {  	v2 =	vld [tilespmem:s7+$0x10];
	v9 =	vmul.f32 v9, v1;
	[tilespmem:s9+$0x20] =	vst v4  }
0xa1: {  	v7 =	vmul.f32 v7, v1;
	v4 =	vld [tilespmem:s7+$0x20];
	[tilespmem:s9+$0xFFFFFFC0] =	vst v6;
	s9 =	smov.u32 s7  }
0xa2: {  	s7 =	sadd.s32 $0x80, s7;
	v6 =	vld [tilespmem:s9+$0xFFFFFFC0];
	v8 =	vmul.f32 v8, v1;
	[tilespmem:s9+$0x30] =	vst v9  }
0xa3: {  	[tilespmem:s9+$0xFFFFFFD0] =	vst v7;
	v5 =	vmul.f32 v5, v1  }
0xa4: {  	[tilespmem:s9+$0xFFFFFFE0] =	vst v8;
	v3 =	vmul.f32 v3, v1  }
0xa5: {  	[tilespmem:s9+$0xFFFFFFF0] =	vst v5;
	v2 =	vmul.f32 v2, v1  }
0xa6: {  	[tilespmem:s9+$0x0] =	vst v3;
	v3 =	vmul.f32 v4, v1  }
0xa7: {  	v4 =	vmul.f32 v6, v1;
	[tilespmem:s9+$0x10] =	vst v2  }
0xa8: {  	[tilespmem:s9+$0x20] =	vst v3  }
0xa9: {  	s11 =	smul.u32 $0x320, s8;
	[tilespmem:s9+$0xFFFFFFC0] =	vst v4  }
0xaa: {  	v3 =	vld [tilespmem:$0x0]  }
0xab: {  	v4 =	vld [tilespmem:s11+$0x200]  }
0xac: {  	v5 =	vld [tilespmem:$0x3480];
	_ =	sdelay $0x2  }
0xad: {  	v2 =	vsub.f32 $1.000000000e+00, v1;
	vm0 =	vlt.u32 v3, $0x6180  }
0xae: {  	v3 =	vnsel vm0, $0x0, v3  }
0xaf: {  	v4 =	vmul.f32 v4, v2;
	v5 =	vmul.f32 v5, v1;
	_ =	sdelay $0x1  }
0xb0: {  	v4 =	vadd.f32 v5, v4;
	_ =	sdelay $0x1  }
0xb1: {  	[tilespmem:v3+s20+$0x0] =	vst.idx.msk vm0, v4  }
0xb2: {  	v3 =	vld [tilespmem:$0x10]  }
0xb3: {  	v4 =	vld [tilespmem:s11+$0x210]  }
0xb4: {  	v5 =	vld [tilespmem:$0x3490];
	_ =	sdelay $0x2  }
0xb5: {  	vm15 =	vlt.u32 v3, $0x6180  }
0xb6: {  	v3 =	vnsel vm15, $0x0, v3  }
0xb7: {  	v4 =	vmul.f32 v4, v2;
	v5 =	vmul.f32 v5, v1;
	_ =	sdelay $0x1  }
0xb8: {  	v4 =	vadd.f32 v5, v4;
	_ =	sdelay $0x1  }
0xb9: {  	[tilespmem:v3+s20+$0x0] =	vst.idx.msk vm15, v4  }
0xba: {  	v3 =	vld [tilespmem:$0x20]  }
0xbb: {  	v4 =	vld [tilespmem:s11+$0x220]  }
0xbc: {  	v5 =	vld [tilespmem:$0x34A0];
	_ =	sdelay $0x2  }
0xbd: {  	vm4 =	vlt.u32 v3, $0x6180  }
0xbe: {  	v3 =	vnsel vm4, $0x0, v3  }
0xbf: {  	v4 =	vmul.f32 v4, v2;
	v5 =	vmul.f32 v5, v1;
	_ =	sdelay $0x1  }
0xc0: {  	v4 =	vadd.f32 v5, v4;
	_ =	sdelay $0x1  }
0xc1: {  	[tilespmem:v3+s20+$0x0] =	vst.idx.msk vm4, v4  }
0xc2: {  	v3 =	vld [tilespmem:$0x30]  }
0xc3: {  	v4 =	vld [tilespmem:s11+$0x230]  }
0xc4: {  	v5 =	vld [tilespmem:$0x34B0];
	_ =	sdelay $0x2  }
0xc5: {  	vm5 =	vlt.u32 v3, $0x6180  }
0xc6: {  	v3 =	vnsel vm5, $0x0, v3  }
0xc7: {  	v4 =	vmul.f32 v4, v2;
	v5 =	vmul.f32 v5, v1;
	_ =	sdelay $0x1  }
0xc8: {  	v4 =	vadd.f32 v5, v4;
	_ =	sdelay $0x1  }
0xc9: {  	[tilespmem:v3+s20+$0x0] =	vst.idx.msk vm5, v4  }
0xca: {  	v3 =	vld [tilespmem:$0x40]  }
0xcb: {  	v4 =	vld [tilespmem:s11+$0x240]  }
0xcc: {  	v5 =	vld [tilespmem:$0x34C0];
	_ =	sdelay $0x2  }
0xcd: {  	vm6 =	vlt.u32 v3, $0x6180  }
0xce: {  	v3 =	vnsel vm6, $0x0, v3  }
0xcf: {  	v4 =	vmul.f32 v4, v2;
	v5 =	vmul.f32 v5, v1;
	_ =	sdelay $0x1  }
0xd0: {  	v4 =	vadd.f32 v5, v4;
	_ =	sdelay $0x1  }
0xd1: {  	[tilespmem:v3+s20+$0x0] =	vst.idx.msk vm6, v4  }
0xd2: {  	v3 =	vld [tilespmem:$0x50]  }
0xd3: {  	v4 =	vld [tilespmem:s11+$0x250]  }
0xd4: {  	v5 =	vld [tilespmem:$0x34D0];
	_ =	sdelay $0x2  }
0xd5: {  	vm7 =	vlt.u32 v3, $0x6180  }
0xd6: {  	v3 =	vnsel vm7, $0x0, v3  }
0xd7: {  	v4 =	vmul.f32 v4, v2;
	v5 =	vmul.f32 v5, v1;
	_ =	sdelay $0x1  }
0xd8: {  	v4 =	vadd.f32 v5, v4;
	_ =	sdelay $0x1  }
0xd9: {  	[tilespmem:v3+s20+$0x0] =	vst.idx.msk vm7, v4  }
0xda: {  	v3 =	vld [tilespmem:$0x60]  }
0xdb: {  	v4 =	vld [tilespmem:s11+$0x260]  }
0xdc: {  	v5 =	vld [tilespmem:$0x34E0];
	_ =	sdelay $0x2  }
0xdd: {  	vm8 =	vlt.u32 v3, $0x6180  }
0xde: {  	v3 =	vnsel vm8, $0x0, v3  }
0xdf: {  	v4 =	vmul.f32 v4, v2;
	v5 =	vmul.f32 v5, v1;
	_ =	sdelay $0x1  }
0xe0: {  	v4 =	vadd.f32 v5, v4;
	_ =	sdelay $0x1  }
0xe1: {  	[tilespmem:v3+s20+$0x0] =	vst.idx.msk vm8, v4  }
0xe2: {  	v3 =	vld [tilespmem:$0x70]  }
0xe3: {  	v4 =	vld [tilespmem:s11+$0x270]  }
0xe4: {  	v5 =	vld [tilespmem:$0x34F0];
	_ =	sdelay $0x2  }
0xe5: {  	vm9 =	vlt.u32 v3, $0x6180  }
0xe6: {  	v3 =	vnsel vm9, $0x0, v3  }
0xe7: {  	v4 =	vmul.f32 v4, v2;
	v5 =	vmul.f32 v5, v1;
	_ =	sdelay $0x1  }
0xe8: {  	v4 =	vadd.f32 v5, v4;
	_ =	sdelay $0x1  }
0xe9: {  	[tilespmem:v3+s20+$0x0] =	vst.idx.msk vm9, v4  }
0xea: {  	s12 =	sand.u32 $0x3FE0, s11;
	v3 =	vld [tilespmem:$0x80]  }
0xeb: {  	v4 =	vld [tilespmem:s12+$0x280]  }
0xec: {  	v5 =	vld [tilespmem:$0x3500];
	_ =	sdelay $0x2  }
0xed: {  	vm10 =	vlt.u32 v3, $0x6180  }
0xee: {  	v3 =	vnsel vm10, $0x0, v3  }
0xef: {  	v4 =	vmul.f32 v4, v2;
	v5 =	vmul.f32 v5, v1;
	_ =	sdelay $0x1  }
0xf0: {  	v4 =	vadd.f32 v5, v4;
	_ =	sdelay $0x1  }
0xf1: {  	[tilespmem:v3+s20+$0x0] =	vst.idx.msk vm10, v4  }
0xf2: {  	v3 =	vld [tilespmem:$0x90]  }
0xf3: {  	v4 =	vld [tilespmem:s11+$0x290]  }
0xf4: {  	v5 =	vld [tilespmem:$0x3510];
	_ =	sdelay $0x2  }
0xf5: {  	vm11 =	vlt.u32 v3, $0x6180  }
0xf6: {  	v3 =	vnsel vm11, $0x0, v3  }
0xf7: {  	v4 =	vmul.f32 v4, v2;
	v5 =	vmul.f32 v5, v1;
	_ =	sdelay $0x1  }
0xf8: {  	v4 =	vadd.f32 v5, v4;
	_ =	sdelay $0x1  }
0xf9: {  	[tilespmem:v3+s20+$0x0] =	vst.idx.msk vm11, v4  }
0xfa: {  	v3 =	vld [tilespmem:$0xA0]  }
0xfb: {  	v4 =	vld [tilespmem:s11+$0x2A0]  }
0xfc: {  	v5 =	vld [tilespmem:$0x3520];
	_ =	sdelay $0x2  }
0xfd: {  	vm12 =	vlt.u32 v3, $0x6180  }
0xfe: {  	v3 =	vnsel vm12, $0x0, v3  }
0xff: {  	v4 =	vmul.f32 v4, v2;
	v5 =	vmul.f32 v5, v1;
	_ =	sdelay $0x1  }
0x100: {  	v4 =	vadd.f32 v5, v4;
	_ =	sdelay $0x1  }
0x101: {  	[tilespmem:v3+s20+$0x0] =	vst.idx.msk vm12, v4  }
0x102: {  	v3 =	vld [tilespmem:$0xB0]  }
0x103: {  	v4 =	vld [tilespmem:s11+$0x2B0]  }
0x104: {  	v5 =	vld [tilespmem:$0x3530];
	_ =	sdelay $0x2  }
0x105: {  	vm13 =	vlt.u32 v3, $0x6180  }
0x106: {  	v3 =	vnsel vm13, $0x0, v3  }
0x107: {  	v4 =	vmul.f32 v4, v2;
	v5 =	vmul.f32 v5, v1;
	_ =	sdelay $0x1  }
0x108: {  	v4 =	vadd.f32 v5, v4;
	_ =	sdelay $0x1  }
0x109: {  	[tilespmem:v3+s20+$0x0] =	vst.idx.msk vm13, v4  }
0x10a: {  	v3 =	vld [tilespmem:$0xC0]  }
0x10b: {  	v4 =	vld [tilespmem:s11+$0x2C0]  }
0x10c: {  	v5 =	vld [tilespmem:$0x3540];
	_ =	sdelay $0x2  }
0x10d: {  	vm14 =	vlt.u32 v3, $0x6180  }
0x10e: {  	v3 =	vnsel vm14, $0x0, v3  }
0x10f: {  	v4 =	vmul.f32 v4, v2;
	v5 =	vmul.f32 v5, v1;
	_ =	sdelay $0x1  }
0x110: {  	v4 =	vadd.f32 v5, v4;
	_ =	sdelay $0x1  }
0x111: {  	[tilespmem:v3+s20+$0x0] =	vst.idx.msk vm14, v4  }
0x112: {  	v3 =	vld [tilespmem:$0xD0]  }
0x113: {  	v4 =	vld [tilespmem:s11+$0x2D0]  }
0x114: {  	v5 =	vld [tilespmem:$0x3550];
	_ =	sdelay $0x2  }
0x115: {  	vm15 =	vlt.u32 v3, $0x6180  }
0x116: {  	v3 =	vnsel vm15, $0x0, v3  }
0x117: {  	v4 =	vmul.f32 v4, v2;
	v5 =	vmul.f32 v5, v1;
	_ =	sdelay $0x1  }
0x118: {  	v4 =	vadd.f32 v5, v4;
	_ =	sdelay $0x1  }
0x119: {  	[tilespmem:v3+s20+$0x0] =	vst.idx.msk vm15, v4  }
0x11a: {  	v3 =	vld [tilespmem:$0xE0]  }
0x11b: {  	v4 =	vld [tilespmem:s11+$0x2E0]  }
0x11c: {  	v5 =	vld [tilespmem:$0x3560];
	_ =	sdelay $0x2  }
0x11d: {  	vm4 =	vlt.u32 v3, $0x6180  }
0x11e: {  	v3 =	vnsel vm4, $0x0, v3  }
0x11f: {  	v4 =	vmul.f32 v4, v2;
	v5 =	vmul.f32 v5, v1;
	_ =	sdelay $0x1  }
0x120: {  	v4 =	vadd.f32 v5, v4;
	_ =	sdelay $0x1  }
0x121: {  	[tilespmem:v3+s20+$0x0] =	vst.idx.msk vm4, v4  }
0x122: {  	v3 =	vld [tilespmem:$0xF0]  }
0x123: {  	v4 =	vld [tilespmem:s11+$0x2F0]  }
0x124: {  	v5 =	vld [tilespmem:$0x3570];
	_ =	sdelay $0x2  }
0x125: {  	vm5 =	vlt.u32 v3, $0x6180  }
0x126: {  	v3 =	vnsel vm5, $0x0, v3  }
0x127: {  	v4 =	vmul.f32 v4, v2;
	v5 =	vmul.f32 v5, v1;
	_ =	sdelay $0x1  }
0x128: {  	v4 =	vadd.f32 v5, v4;
	_ =	sdelay $0x1  }
0x129: {  	[tilespmem:v3+s20+$0x0] =	vst.idx.msk vm5, v4  }
0x12a: {  	v3 =	vld [tilespmem:$0x100]  }
0x12b: {  	v4 =	vld [tilespmem:s12+$0x300]  }
0x12c: {  	v5 =	vld [tilespmem:$0x3580];
	_ =	sdelay $0x2  }
0x12d: {  	vm6 =	vlt.u32 v3, $0x6180  }
0x12e: {  	v3 =	vnsel vm6, $0x0, v3  }
0x12f: {  	v4 =	vmul.f32 v4, v2;
	v5 =	vmul.f32 v5, v1;
	_ =	sdelay $0x1  }
0x130: {  	v4 =	vadd.f32 v5, v4;
	_ =	sdelay $0x1  }
0x131: {  	[tilespmem:v3+s20+$0x0] =	vst.idx.msk vm6, v4  }
0x132: {  	v3 =	vld [tilespmem:$0x110]  }
0x133: {  	v4 =	vld [tilespmem:s11+$0x310]  }
0x134: {  	v5 =	vld [tilespmem:$0x3590];
	_ =	sdelay $0x2  }
0x135: {  	vm7 =	vlt.u32 v3, $0x6180  }
0x136: {  	v3 =	vnsel vm7, $0x0, v3  }
0x137: {  	v4 =	vmul.f32 v4, v2;
	v5 =	vmul.f32 v5, v1;
	_ =	sdelay $0x1  }
0x138: {  	v4 =	vadd.f32 v5, v4;
	_ =	sdelay $0x1  }
0x139: {  	[tilespmem:v3+s20+$0x0] =	vst.idx.msk vm7, v4  }
0x13a: {  	v3 =	vld [tilespmem:$0x120]  }
0x13b: {  	v4 =	vld [tilespmem:s11+$0x320]  }
0x13c: {  	v5 =	vld [tilespmem:$0x35A0];
	_ =	sdelay $0x2  }
0x13d: {  	vm8 =	vlt.u32 v3, $0x6180  }
0x13e: {  	v3 =	vnsel vm8, $0x0, v3  }
0x13f: {  	v4 =	vmul.f32 v4, v2;
	v5 =	vmul.f32 v5, v1;
	_ =	sdelay $0x1  }
0x140: {  	v4 =	vadd.f32 v5, v4;
	_ =	sdelay $0x1  }
0x141: {  	[tilespmem:v3+s20+$0x0] =	vst.idx.msk vm8, v4  }
0x142: {  	v3 =	vld [tilespmem:$0x130]  }
0x143: {  	v4 =	vld [tilespmem:s11+$0x330]  }
0x144: {  	v5 =	vld [tilespmem:$0x35B0];
	_ =	sdelay $0x2  }
0x145: {  	vm9 =	vlt.u32 v3, $0x6180  }
0x146: {  	v3 =	vnsel vm9, $0x0, v3  }
0x147: {  	v4 =	vmul.f32 v4, v2;
	v5 =	vmul.f32 v5, v1;
	_ =	sdelay $0x1  }
0x148: {  	v4 =	vadd.f32 v5, v4;
	_ =	sdelay $0x1  }
0x149: {  	[tilespmem:v3+s20+$0x0] =	vst.idx.msk vm9, v4  }
0x14a: {  	v3 =	vld [tilespmem:$0x140]  }
0x14b: {  	v4 =	vld [tilespmem:s11+$0x340]  }
0x14c: {  	v5 =	vld [tilespmem:$0x35C0];
	_ =	sdelay $0x2  }
0x14d: {  	vm10 =	vlt.u32 v3, $0x6180  }
0x14e: {  	v3 =	vnsel vm10, $0x0, v3  }
0x14f: {  	v4 =	vmul.f32 v4, v2;
	v5 =	vmul.f32 v5, v1;
	_ =	sdelay $0x1  }
0x150: {  	v4 =	vadd.f32 v5, v4;
	_ =	sdelay $0x1  }
0x151: {  	[tilespmem:v3+s20+$0x0] =	vst.idx.msk vm10, v4  }
0x152: {  	v3 =	vld [tilespmem:$0x150]  }
0x153: {  	v4 =	vld [tilespmem:s11+$0x350]  }
0x154: {  	v5 =	vld [tilespmem:$0x35D0];
	_ =	sdelay $0x2  }
0x155: {  	vm11 =	vlt.u32 v3, $0x6180  }
0x156: {  	v3 =	vnsel vm11, $0x0, v3  }
0x157: {  	v4 =	vmul.f32 v4, v2;
	v5 =	vmul.f32 v5, v1;
	_ =	sdelay $0x1  }
0x158: {  	v4 =	vadd.f32 v5, v4;
	_ =	sdelay $0x1  }
0x159: {  	[tilespmem:v3+s20+$0x0] =	vst.idx.msk vm11, v4  }
0x15a: {  	v3 =	vld [tilespmem:$0x160]  }
0x15b: {  	v4 =	vld [tilespmem:s11+$0x360]  }
0x15c: {  	v5 =	vld [tilespmem:$0x35E0];
	_ =	sdelay $0x2  }
0x15d: {  	vm12 =	vlt.u32 v3, $0x6180  }
0x15e: {  	v3 =	vnsel vm12, $0x0, v3  }
0x15f: {  	v4 =	vmul.f32 v4, v2;
	v5 =	vmul.f32 v5, v1;
	_ =	sdelay $0x1  }
0x160: {  	v4 =	vadd.f32 v5, v4;
	_ =	sdelay $0x1  }
0x161: {  	[tilespmem:v3+s20+$0x0] =	vst.idx.msk vm12, v4  }
0x162: {  	v3 =	vld [tilespmem:$0x170]  }
0x163: {  	v4 =	vld [tilespmem:s11+$0x370]  }
0x164: {  	v5 =	vld [tilespmem:$0x35F0];
	_ =	sdelay $0x2  }
0x165: {  	vm13 =	vlt.u32 v3, $0x6180  }
0x166: {  	v3 =	vnsel vm13, $0x0, v3  }
0x167: {  	v4 =	vmul.f32 v4, v2;
	v5 =	vmul.f32 v5, v1;
	_ =	sdelay $0x1  }
0x168: {  	v4 =	vadd.f32 v5, v4;
	_ =	sdelay $0x1  }
0x169: {  	[tilespmem:v3+s20+$0x0] =	vst.idx.msk vm13, v4  }
0x16a: {  	v3 =	vld [tilespmem:$0x180]  }
0x16b: {  	v4 =	vld [tilespmem:s12+$0x380]  }
0x16c: {  	v5 =	vld [tilespmem:$0x3600];
	_ =	sdelay $0x1  }
0x16d: {  	s9 =	sshll.u32 s8, $0x6  }
0x16e: {  	s7 =	sor.u32 s3, s9;
	vm14 =	vlt.u32 v3, $0x6180  }
0x16f: {  	s7 =	sshrl.u32 s7, $0x3;
	v3 =	vnsel vm14, $0x0, v3  }
0x170: {  	s13 =	smul.u32 $0x61C00, s7;
	v2 =	vmul.f32 v4, v2;
	v1 =	vmul.f32 v5, v1;
	_ =	sdelay $0x1  }
0x171: {  	s7 =	sor.u32 s5, s13;
	v1 =	vadd.f32 v1, v2  }
0x172: {  	s7 =	sshrl.u32 s7, $0x3  }
0x173: {  	s7 =	sadd.s32 s6, s7;
	[tilespmem:v3+s20+$0x0] =	vst.idx.msk vm14, v1  }
0x174: {  	[hbm4b:s7+s18] =	stream.strided.scatter [tilespmem:s20], [sflag:$0x5], $0x6180, s19, s18, $0x38;
	[tilespmem:$0x1BE80] =	vst v63  }
0x175: {  	_ =	swait.ge [sflag:s29], $0x6200  }
0x176: {  	[sflag:s29] =	ssyncset.done $0x0  }
0x177: {  	[sflag:s29] =	ssyncadd.s32 $0xFFFF9E00  }
0x178: {  	v1 =	vld [tilespmem:$0x0];
	_ =	sdelay $0x4  }
0x179: {  	v1 =	vadd.s32 $0xFFFF9E80, v1  }
0x17a: {  	v2 =	vld [tilespmem:$0x10];
	vm15 =	vlt.u32 v1, $0x61D0  }
0x17b: {  	v1 =	vnsel vm15, $0x0, v1;
	_ =	sdelay $0x3  }
0x17c: {  	v3 =	vld [tilespmem:$0x20];
	v2 =	vadd.s32 $0xFFFF9E80, v2  }
0x17d: {  	vm4 =	vlt.u32 v2, $0x61D0;
	v1 =	vld.idx.msk [tilespmem:v1+s21+$0x0], vm15  }
0x17e: {  	v2 =	vnsel vm4, $0x0, v2;
	_ =	sdelay $0x2  }
0x17f: {  	v0 =	vld.idx.msk [tilespmem:v0+s25+$0x0], $0xffff  }
0x180: {  	[tilespmem:$0x3480] =	vst v1;
	v1 =	vadd.s32 $0xFFFF9E80, v3;
	v3 =	vld [tilespmem:$0x30]  }
0x181: {  	v2 =	vld.idx.msk [tilespmem:v2+s21+$0x0], vm4;
	vm5 =	vlt.u32 v1, $0x61D0  }
0x182: {  	v1 =	vnsel vm5, $0x0, v1;
	_ =	sdelay $0x3  }
0x183: {  	[tilespmem:$0x3490] =	vst v2;
	v2 =	vadd.s32 $0xFFFF9E80, v3;
	v3 =	vld [tilespmem:$0x40]  }
0x184: {  	v1 =	vld.idx.msk [tilespmem:v1+s21+$0x0], vm5;
	vm6 =	vlt.u32 v2, $0x61D0  }
0x185: {  	v2 =	vnsel vm6, $0x0, v2;
	_ =	sdelay $0x3  }
0x186: {  	[tilespmem:$0x34A0] =	vst v1;
	v1 =	vadd.s32 $0xFFFF9E80, v3;
	v3 =	vld [tilespmem:$0x50]  }
0x187: {  	v2 =	vld.idx.msk [tilespmem:v2+s21+$0x0], vm6;
	vm7 =	vlt.u32 v1, $0x61D0  }
0x188: {  	v1 =	vnsel vm7, $0x0, v1;
	_ =	sdelay $0x3  }
0x189: {  	[tilespmem:$0x34B0] =	vst v2;
	v2 =	vadd.s32 $0xFFFF9E80, v3;
	v3 =	vld [tilespmem:$0x60]  }
0x18a: {  	v1 =	vld.idx.msk [tilespmem:v1+s21+$0x0], vm7;
	vm8 =	vlt.u32 v2, $0x61D0  }
0x18b: {  	v2 =	vnsel vm8, $0x0, v2;
	_ =	sdelay $0x3  }
0x18c: {  	[tilespmem:$0x34C0] =	vst v1;
	v1 =	vadd.s32 $0xFFFF9E80, v3;
	v3 =	vld [tilespmem:$0x70]  }
0x18d: {  	v2 =	vld.idx.msk [tilespmem:v2+s21+$0x0], vm8;
	vm9 =	vlt.u32 v1, $0x61D0  }
0x18e: {  	v1 =	vnsel vm9, $0x0, v1;
	_ =	sdelay $0x3  }
0x18f: {  	[tilespmem:$0x34D0] =	vst v2;
	v2 =	vadd.s32 $0xFFFF9E80, v3;
	v3 =	vld [tilespmem:$0x80]  }
0x190: {  	v1 =	vld.idx.msk [tilespmem:v1+s21+$0x0], vm9;
	vm10 =	vlt.u32 v2, $0x61D0  }
0x191: {  	v2 =	vnsel vm10, $0x0, v2;
	_ =	sdelay $0x3  }
0x192: {  	[tilespmem:$0x34E0] =	vst v1;
	v1 =	vadd.s32 $0xFFFF9E80, v3;
	v3 =	vld [tilespmem:$0x90]  }
0x193: {  	v2 =	vld.idx.msk [tilespmem:v2+s21+$0x0], vm10;
	vm11 =	vlt.u32 v1, $0x61D0  }
0x194: {  	v1 =	vnsel vm11, $0x0, v1;
	_ =	sdelay $0x3  }
0x195: {  	[tilespmem:$0x34F0] =	vst v2;
	v2 =	vadd.s32 $0xFFFF9E80, v3;
	v3 =	vld [tilespmem:$0xA0]  }
0x196: {  	v1 =	vld.idx.msk [tilespmem:v1+s21+$0x0], vm11;
	vm12 =	vlt.u32 v2, $0x61D0  }
0x197: {  	v2 =	vnsel vm12, $0x0, v2;
	_ =	sdelay $0x3  }
0x198: {  	[tilespmem:$0x3500] =	vst v1;
	v1 =	vadd.s32 $0xFFFF9E80, v3;
	v3 =	vld [tilespmem:$0xB0]  }
0x199: {  	v2 =	vld.idx.msk [tilespmem:v2+s21+$0x0], vm12;
	vm13 =	vlt.u32 v1, $0x61D0  }
0x19a: {  	v1 =	vnsel vm13, $0x0, v1;
	_ =	sdelay $0x3  }
0x19b: {  	[tilespmem:$0x3510] =	vst v2;
	v2 =	vadd.s32 $0xFFFF9E80, v3;
	v3 =	vld [tilespmem:$0xC0]  }
0x19c: {  	v1 =	vld.idx.msk [tilespmem:v1+s21+$0x0], vm13;
	vm14 =	vlt.u32 v2, $0x61D0  }
0x19d: {  	v2 =	vnsel vm14, $0x0, v2;
	_ =	sdelay $0x3  }
0x19e: {  	[tilespmem:$0x3520] =	vst v1;
	v1 =	vadd.s32 $0xFFFF9E80, v3;
	v3 =	vld [tilespmem:$0xD0]  }
0x19f: {  	v2 =	vld.idx.msk [tilespmem:v2+s21+$0x0], vm14;
	vm15 =	vlt.u32 v1, $0x61D0  }
0x1a0: {  	v1 =	vnsel vm15, $0x0, v1;
	_ =	sdelay $0x3  }
0x1a1: {  	[tilespmem:$0x3530] =	vst v2;
	v2 =	vadd.s32 $0xFFFF9E80, v3;
	v3 =	vld [tilespmem:$0xE0]  }
0x1a2: {  	v1 =	vld.idx.msk [tilespmem:v1+s21+$0x0], vm15;
	vm4 =	vlt.u32 v2, $0x61D0  }
0x1a3: {  	v2 =	vnsel vm4, $0x0, v2;
	_ =	sdelay $0x3  }
0x1a4: {  	[tilespmem:$0x3540] =	vst v1;
	v1 =	vadd.s32 $0xFFFF9E80, v3;
	v3 =	vld [tilespmem:$0xF0]  }
0x1a5: {  	v2 =	vld.idx.msk [tilespmem:v2+s21+$0x0], vm4;
	vm5 =	vlt.u32 v1, $0x61D0  }
0x1a6: {  	v1 =	vnsel vm5, $0x0, v1;
	_ =	sdelay $0x3  }
0x1a7: {  	[tilespmem:$0x3550] =	vst v2;
	v2 =	vadd.s32 $0xFFFF9E80, v3;
	v3 =	vld [tilespmem:$0x100]  }
0x1a8: {  	v1 =	vld.idx.msk [tilespmem:v1+s21+$0x0], vm5;
	vm6 =	vlt.u32 v2, $0x61D0  }
0x1a9: {  	v2 =	vnsel vm6, $0x0, v2;
	_ =	sdelay $0x3  }
0x1aa: {  	[tilespmem:$0x3560] =	vst v1;
	v1 =	vadd.s32 $0xFFFF9E80, v3;
	v3 =	vld [tilespmem:$0x110]  }
0x1ab: {  	v2 =	vld.idx.msk [tilespmem:v2+s21+$0x0], vm6;
	vm7 =	vlt.u32 v1, $0x61D0  }
0x1ac: {  	v1 =	vnsel vm7, $0x0, v1;
	_ =	sdelay $0x3  }
0x1ad: {  	[tilespmem:$0x3570] =	vst v2;
	v2 =	vadd.s32 $0xFFFF9E80, v3;
	v3 =	vld [tilespmem:$0x120]  }
0x1ae: {  	v1 =	vld.idx.msk [tilespmem:v1+s21+$0x0], vm7;
	vm8 =	vlt.u32 v2, $0x61D0  }
0x1af: {  	v2 =	vnsel vm8, $0x0, v2;
	_ =	sdelay $0x3  }
0x1b0: {  	[tilespmem:$0x3580] =	vst v1;
	v1 =	vadd.s32 $0xFFFF9E80, v3;
	v3 =	vld [tilespmem:$0x130]  }
0x1b1: {  	v2 =	vld.idx.msk [tilespmem:v2+s21+$0x0], vm8;
	vm9 =	vlt.u32 v1, $0x61D0  }
0x1b2: {  	v1 =	vnsel vm9, $0x0, v1;
	_ =	sdelay $0x3  }
0x1b3: {  	[tilespmem:$0x3590] =	vst v2;
	v2 =	vadd.s32 $0xFFFF9E80, v3;
	v3 =	vld [tilespmem:$0x140]  }
0x1b4: {  	v1 =	vld.idx.msk [tilespmem:v1+s21+$0x0], vm9;
	vm10 =	vlt.u32 v2, $0x61D0  }
0x1b5: {  	v2 =	vnsel vm10, $0x0, v2;
	_ =	sdelay $0x3  }
0x1b6: {  	[tilespmem:$0x35A0] =	vst v1;
	v1 =	vadd.s32 $0xFFFF9E80, v3;
	v3 =	vld [tilespmem:$0x150]  }
0x1b7: {  	v2 =	vld.idx.msk [tilespmem:v2+s21+$0x0], vm10;
	vm11 =	vlt.u32 v1, $0x61D0  }
0x1b8: {  	v1 =	vnsel vm11, $0x0, v1;
	_ =	sdelay $0x3  }
0x1b9: {  	[tilespmem:$0x35B0] =	vst v2;
	v2 =	vadd.s32 $0xFFFF9E80, v3;
	v3 =	vld [tilespmem:$0x160]  }
0x1ba: {  	v1 =	vld.idx.msk [tilespmem:v1+s21+$0x0], vm11;
	vm12 =	vlt.u32 v2, $0x61D0  }
0x1bb: {  	v2 =	vnsel vm12, $0x0, v2;
	_ =	sdelay $0x3  }
0x1bc: {  	[tilespmem:$0x35C0] =	vst v1;
	v1 =	vadd.s32 $0xFFFF9E80, v3;
	v3 =	vld [tilespmem:$0x170]  }
0x1bd: {  	v2 =	vld.idx.msk [tilespmem:v2+s21+$0x0], vm12;
	vm13 =	vlt.u32 v1, $0x61D0  }
0x1be: {  	v1 =	vnsel vm13, $0x0, v1;
	_ =	sdelay $0x3  }
0x1bf: {  	[tilespmem:$0x35D0] =	vst v2;
	v2 =	vadd.s32 $0xFFFF9E80, v3;
	v3 =	vld [tilespmem:$0x180]  }
0x1c0: {  	v1 =	vld.idx.msk [tilespmem:v1+s21+$0x0], vm13;
	vm14 =	vlt.u32 v2, $0x61D0  }
0x1c1: {  	v2 =	vnsel vm14, $0x0, v2;
	_ =	sdelay $0x3  }
0x1c2: {  	[tilespmem:$0x35E0] =	vst v1;
	v1 =	vadd.s32 $0xFFFF9E80, v3  }
0x1c3: {  	v2 =	vld.idx.msk [tilespmem:v2+s21+$0x0], vm14;
	vm15 =	vlt.u32 v1, $0x61D0  }
0x1c4: {  	v1 =	vnsel vm15, $0x0, v1;
	_ =	sdelay $0x3  }
0x1c5: {  	[tilespmem:$0x35F0] =	vst v2  }
0x1c6: {  	v1 =	vld.idx.msk [tilespmem:v1+s21+$0x0], vm15;
	_ =	sdelay $0x4  }
0x1c7: {  	s17 =	simm.s32 $0x98C0;
	[tilespmem:$0x3600] =	vst v1  }
0x1c8: {  	v3 =	vld [tilespmem:s17+$0x30]  }
0x1c9: {  	v5 =	vld [tilespmem:s17+$0xFFFFFFD0]  }
0x1ca: {  	v7 =	vld [tilespmem:s17+$0xFFFFFFE0]  }
0x1cb: {  	v4 =	vld [tilespmem:s17+$0xFFFFFFF0]  }
0x1cc: {  	v2 =	vld [tilespmem:s17+$0x0]  }
0x1cd: {  	v1 =	vld [tilespmem:s17+$0x10];
	v8 =	vmul.f32 v3, v0  }
0x1ce: {  	v3 =	vld [tilespmem:s17+$0x20];
	v6 =	vmul.f32 v5, v0  }
0x1cf: {  	s24 =	simm.s32 $0x0;
	s7 =	simm.s32 $0x9940;
	v5 =	vld [tilespmem:s17+$0xFFFFFFC0];
	v7 =	vmul.f32 v7, v0;
	[tilespmem:s17+$0x30] =	vst v8  }
.LBB2_5:
0x1d0: {  	v8 =	vld [tilespmem:s7+$0x30];
	s24 =	sadd.s32 $0x8, s24;
	[tilespmem:s17+$0xFFFFFFD0] =	vst v6;
	v4 =	vmul.f32 v4, v0  }
0x1d1: {  	v6 =	vld [tilespmem:s7+$0xFFFFFFD0];
	p0 =	slt.u32 s24, $0x610;
	[tilespmem:s17+$0xFFFFFFE0] =	vst v7;
	v2 =	vmul.f32 v2, v0  }
0x1d2: {  	v7 =	vld [tilespmem:s7+$0xFFFFFFE0];
	[tilespmem:s17+$0xFFFFFFF0] =	vst v4;
	v1 =	vmul.f32 v1, v0  }
.Ltmp3:
0x1d3: {  	v4 =	vld [tilespmem:s7+$0xFFFFFFF0];
	[tilespmem:s17+$0x0] =	vst v2;
	v3 =	vmul.f32 v3, v0;
	(pc) =	sbr.rel @p0 .LBB2_5-.Ltmp3, $4  }
0x1d4: {  	v2 =	vld [tilespmem:s7+$0x0];
	v5 =	vmul.f32 v5, v0;
	[tilespmem:s17+$0x10] =	vst v1  }
0x1d5: {  	v1 =	vld [tilespmem:s7+$0x10];
	v8 =	vmul.f32 v8, v0;
	[tilespmem:s17+$0x20] =	vst v3  }
0x1d6: {  	v6 =	vmul.f32 v6, v0;
	v3 =	vld [tilespmem:s7+$0x20];
	[tilespmem:s17+$0xFFFFFFC0] =	vst v5;
	s17 =	smov.u32 s7  }
0x1d7: {  	s15 =	simm.s32 $0x0;
	s7 =	sadd.s32 $0x80, s7;
	v5 =	vld [tilespmem:s17+$0xFFFFFFC0];
	v7 =	vmul.f32 v7, v0;
	[tilespmem:s17+$0x30] =	vst v8  }
0x1d8: {  	[tilespmem:s17+$0xFFFFFFD0] =	vst v6;
	v4 =	vmul.f32 v4, v0  }
0x1d9: {  	[tilespmem:s17+$0xFFFFFFE0] =	vst v7;
	v2 =	vmul.f32 v2, v0  }
0x1da: {  	[tilespmem:s17+$0xFFFFFFF0] =	vst v4;
	v1 =	vmul.f32 v1, v0  }
0x1db: {  	[tilespmem:s17+$0x0] =	vst v2;
	v2 =	vmul.f32 v3, v0  }
0x1dc: {  	v3 =	vmul.f32 v5, v0;
	[tilespmem:s17+$0x10] =	vst v1  }
0x1dd: {  	[tilespmem:s17+$0x20] =	vst v2  }
0x1de: {  	[tilespmem:s17+$0xFFFFFFC0] =	vst v3  }
.LBB2_7:
0x1df: {  	s7 =	sshra.s32 s15, $0x2  }
0x1e0: {  	v1 =	vld [tilespmem:s7+$0xFA00];
	_ =	sdelay $0x1  }
0x1e1: {  	p0 =	sne.s32 s15, $0x100  }
.Ltmp4:
0x1e2: {  	_ = 	snop;
	(pc) =	sbr.rel @p0 .LBB2_7-.Ltmp4, $3  }
0x1e3: {  	_ = 	snop  }
0x1e4: {  	v1 =	vmul.f32 v1, v0;
	_ =	sdelay $0x1  }
0x1e5: {  	s15 =	sadd.s32 $0x40, s15;
	[tilespmem:s7+$0xFA00] =	vst v1  }
0x1e6: {  	v1 =	vld [tilespmem:$0x0];
	_ =	sdelay $0x1  }
0x1e7: {  	v2 =	vld [tilespmem:s11+$0x200]  }
0x1e8: {  	v3 =	vld [tilespmem:$0x3480];
	_ =	sdelay $0x1  }
0x1e9: {  	v4 =	vadd.s32 $0xFFFF9E80, v1  }
0x1ea: {  	v1 =	vsub.f32 $1.000000000e+00, v0;
	vm0 =	vlt.u32 v4, $0x61D0  }
0x1eb: {  	v4 =	vnsel vm0, $0x0, v4  }
0x1ec: {  	v3 =	vmul.f32 v3, v0;
	v2 =	vmul.f32 v2, v1;
	_ =	sdelay $0x1  }
0x1ed: {  	v2 =	vadd.f32 v3, v2;
	_ =	sdelay $0x1  }
0x1ee: {  	[tilespmem:v4+s21+$0x0] =	vst.idx.msk vm0, v2  }
0x1ef: {  	v2 =	vld [tilespmem:$0x10];
	_ =	sdelay $0x1  }
0x1f0: {  	v3 =	vld [tilespmem:s11+$0x210]  }
0x1f1: {  	v4 =	vld [tilespmem:$0x3490];
	_ =	sdelay $0x1  }
0x1f2: {  	v2 =	vadd.s32 $0xFFFF9E80, v2  }
0x1f3: {  	vm15 =	vlt.u32 v2, $0x61D0  }
0x1f4: {  	v2 =	vnsel vm15, $0x0, v2  }
0x1f5: {  	v3 =	vmul.f32 v3, v1;
	v4 =	vmul.f32 v4, v0;
	_ =	sdelay $0x1  }
0x1f6: {  	v3 =	vadd.f32 v4, v3;
	_ =	sdelay $0x1  }
0x1f7: {  	[tilespmem:v2+s21+$0x0] =	vst.idx.msk vm15, v3  }
0x1f8: {  	v2 =	vld [tilespmem:$0x20];
	_ =	sdelay $0x1  }
0x1f9: {  	v3 =	vld [tilespmem:s11+$0x220]  }
0x1fa: {  	v4 =	vld [tilespmem:$0x34A0];
	_ =	sdelay $0x1  }
0x1fb: {  	v2 =	vadd.s32 $0xFFFF9E80, v2  }
0x1fc: {  	vm4 =	vlt.u32 v2, $0x61D0  }
0x1fd: {  	v2 =	vnsel vm4, $0x0, v2  }
0x1fe: {  	v3 =	vmul.f32 v3, v1;
	v4 =	vmul.f32 v4, v0;
	_ =	sdelay $0x1  }
0x1ff: {  	v3 =	vadd.f32 v4, v3;
	_ =	sdelay $0x1  }
0x200: {  	[tilespmem:v2+s21+$0x0] =	vst.idx.msk vm4, v3  }
0x201: {  	v2 =	vld [tilespmem:$0x30];
	_ =	sdelay $0x1  }
0x202: {  	v3 =	vld [tilespmem:s11+$0x230]  }
0x203: {  	v4 =	vld [tilespmem:$0x34B0];
	_ =	sdelay $0x1  }
0x204: {  	v2 =	vadd.s32 $0xFFFF9E80, v2  }
0x205: {  	vm5 =	vlt.u32 v2, $0x61D0  }
0x206: {  	v2 =	vnsel vm5, $0x0, v2  }
0x207: {  	v3 =	vmul.f32 v3, v1;
	v4 =	vmul.f32 v4, v0;
	_ =	sdelay $0x1  }
0x208: {  	v3 =	vadd.f32 v4, v3;
	_ =	sdelay $0x1  }
0x209: {  	[tilespmem:v2+s21+$0x0] =	vst.idx.msk vm5, v3  }
0x20a: {  	v2 =	vld [tilespmem:$0x40];
	_ =	sdelay $0x1  }
0x20b: {  	v3 =	vld [tilespmem:s11+$0x240]  }
0x20c: {  	v4 =	vld [tilespmem:$0x34C0];
	_ =	sdelay $0x1  }
0x20d: {  	v2 =	vadd.s32 $0xFFFF9E80, v2  }
0x20e: {  	vm6 =	vlt.u32 v2, $0x61D0  }
0x20f: {  	v2 =	vnsel vm6, $0x0, v2  }
0x210: {  	v3 =	vmul.f32 v3, v1;
	v4 =	vmul.f32 v4, v0;
	_ =	sdelay $0x1  }
0x211: {  	v3 =	vadd.f32 v4, v3;
	_ =	sdelay $0x1  }
0x212: {  	[tilespmem:v2+s21+$0x0] =	vst.idx.msk vm6, v3  }
0x213: {  	v2 =	vld [tilespmem:$0x50];
	_ =	sdelay $0x1  }
0x214: {  	v3 =	vld [tilespmem:s11+$0x250]  }
0x215: {  	v4 =	vld [tilespmem:$0x34D0];
	_ =	sdelay $0x1  }
0x216: {  	v2 =	vadd.s32 $0xFFFF9E80, v2  }
0x217: {  	vm7 =	vlt.u32 v2, $0x61D0  }
0x218: {  	v2 =	vnsel vm7, $0x0, v2  }
0x219: {  	v3 =	vmul.f32 v3, v1;
	v4 =	vmul.f32 v4, v0;
	_ =	sdelay $0x1  }
0x21a: {  	v3 =	vadd.f32 v4, v3;
	_ =	sdelay $0x1  }
0x21b: {  	[tilespmem:v2+s21+$0x0] =	vst.idx.msk vm7, v3  }
0x21c: {  	v2 =	vld [tilespmem:$0x60];
	_ =	sdelay $0x1  }
0x21d: {  	v3 =	vld [tilespmem:s11+$0x260]  }
0x21e: {  	v4 =	vld [tilespmem:$0x34E0];
	_ =	sdelay $0x1  }
0x21f: {  	v2 =	vadd.s32 $0xFFFF9E80, v2  }
0x220: {  	vm8 =	vlt.u32 v2, $0x61D0  }
0x221: {  	v2 =	vnsel vm8, $0x0, v2  }
0x222: {  	v3 =	vmul.f32 v3, v1;
	v4 =	vmul.f32 v4, v0;
	_ =	sdelay $0x1  }
0x223: {  	v3 =	vadd.f32 v4, v3;
	_ =	sdelay $0x1  }
0x224: {  	[tilespmem:v2+s21+$0x0] =	vst.idx.msk vm8, v3  }
0x225: {  	v2 =	vld [tilespmem:$0x70];
	_ =	sdelay $0x1  }
0x226: {  	v3 =	vld [tilespmem:s11+$0x270]  }
0x227: {  	v4 =	vld [tilespmem:$0x34F0];
	_ =	sdelay $0x1  }
0x228: {  	v2 =	vadd.s32 $0xFFFF9E80, v2  }
0x229: {  	vm9 =	vlt.u32 v2, $0x61D0  }
0x22a: {  	v2 =	vnsel vm9, $0x0, v2  }
0x22b: {  	v3 =	vmul.f32 v3, v1;
	v4 =	vmul.f32 v4, v0;
	_ =	sdelay $0x1  }
0x22c: {  	v3 =	vadd.f32 v4, v3;
	_ =	sdelay $0x1  }
0x22d: {  	[tilespmem:v2+s21+$0x0] =	vst.idx.msk vm9, v3  }
0x22e: {  	v2 =	vld [tilespmem:$0x80];
	_ =	sdelay $0x1  }
0x22f: {  	v3 =	vld [tilespmem:s12+$0x280]  }
0x230: {  	v4 =	vld [tilespmem:$0x3500];
	_ =	sdelay $0x1  }
0x231: {  	v2 =	vadd.s32 $0xFFFF9E80, v2  }
0x232: {  	vm10 =	vlt.u32 v2, $0x61D0  }
0x233: {  	v2 =	vnsel vm10, $0x0, v2  }
0x234: {  	v3 =	vmul.f32 v3, v1;
	v4 =	vmul.f32 v4, v0;
	_ =	sdelay $0x1  }
0x235: {  	v3 =	vadd.f32 v4, v3;
	_ =	sdelay $0x1  }
0x236: {  	[tilespmem:v2+s21+$0x0] =	vst.idx.msk vm10, v3  }
0x237: {  	v2 =	vld [tilespmem:$0x90];
	_ =	sdelay $0x1  }
0x238: {  	v3 =	vld [tilespmem:s11+$0x290]  }
0x239: {  	v4 =	vld [tilespmem:$0x3510];
	_ =	sdelay $0x1  }
0x23a: {  	v2 =	vadd.s32 $0xFFFF9E80, v2  }
0x23b: {  	vm11 =	vlt.u32 v2, $0x61D0  }
0x23c: {  	v2 =	vnsel vm11, $0x0, v2  }
0x23d: {  	v3 =	vmul.f32 v3, v1;
	v4 =	vmul.f32 v4, v0;
	_ =	sdelay $0x1  }
0x23e: {  	v3 =	vadd.f32 v4, v3;
	_ =	sdelay $0x1  }
0x23f: {  	[tilespmem:v2+s21+$0x0] =	vst.idx.msk vm11, v3  }
0x240: {  	v2 =	vld [tilespmem:$0xA0];
	_ =	sdelay $0x1  }
0x241: {  	v3 =	vld [tilespmem:s11+$0x2A0]  }
0x242: {  	v4 =	vld [tilespmem:$0x3520];
	_ =	sdelay $0x1  }
0x243: {  	v2 =	vadd.s32 $0xFFFF9E80, v2  }
0x244: {  	vm12 =	vlt.u32 v2, $0x61D0  }
0x245: {  	v2 =	vnsel vm12, $0x0, v2  }
0x246: {  	v3 =	vmul.f32 v3, v1;
	v4 =	vmul.f32 v4, v0;
	_ =	sdelay $0x1  }
0x247: {  	v3 =	vadd.f32 v4, v3;
	_ =	sdelay $0x1  }
0x248: {  	[tilespmem:v2+s21+$0x0] =	vst.idx.msk vm12, v3  }
0x249: {  	v2 =	vld [tilespmem:$0xB0];
	_ =	sdelay $0x1  }
0x24a: {  	v3 =	vld [tilespmem:s11+$0x2B0]  }
0x24b: {  	v4 =	vld [tilespmem:$0x3530];
	_ =	sdelay $0x1  }
0x24c: {  	v2 =	vadd.s32 $0xFFFF9E80, v2  }
0x24d: {  	vm13 =	vlt.u32 v2, $0x61D0  }
0x24e: {  	v2 =	vnsel vm13, $0x0, v2  }
0x24f: {  	v3 =	vmul.f32 v3, v1;
	v4 =	vmul.f32 v4, v0;
	_ =	sdelay $0x1  }
0x250: {  	v3 =	vadd.f32 v4, v3;
	_ =	sdelay $0x1  }
0x251: {  	[tilespmem:v2+s21+$0x0] =	vst.idx.msk vm13, v3  }
0x252: {  	v2 =	vld [tilespmem:$0xC0];
	_ =	sdelay $0x1  }
0x253: {  	v3 =	vld [tilespmem:s11+$0x2C0]  }
0x254: {  	v4 =	vld [tilespmem:$0x3540];
	_ =	sdelay $0x1  }
0x255: {  	v2 =	vadd.s32 $0xFFFF9E80, v2  }
0x256: {  	vm14 =	vlt.u32 v2, $0x61D0  }
0x257: {  	v2 =	vnsel vm14, $0x0, v2  }
0x258: {  	v3 =	vmul.f32 v3, v1;
	v4 =	vmul.f32 v4, v0;
	_ =	sdelay $0x1  }
0x259: {  	v3 =	vadd.f32 v4, v3;
	_ =	sdelay $0x1  }
0x25a: {  	[tilespmem:v2+s21+$0x0] =	vst.idx.msk vm14, v3  }
0x25b: {  	v2 =	vld [tilespmem:$0xD0];
	_ =	sdelay $0x1  }
0x25c: {  	v3 =	vld [tilespmem:s11+$0x2D0]  }
0x25d: {  	v4 =	vld [tilespmem:$0x3550];
	_ =	sdelay $0x1  }
0x25e: {  	v2 =	vadd.s32 $0xFFFF9E80, v2  }
0x25f: {  	vm15 =	vlt.u32 v2, $0x61D0  }
0x260: {  	v2 =	vnsel vm15, $0x0, v2  }
0x261: {  	v3 =	vmul.f32 v3, v1;
	v4 =	vmul.f32 v4, v0;
	_ =	sdelay $0x1  }
0x262: {  	v3 =	vadd.f32 v4, v3;
	_ =	sdelay $0x1  }
0x263: {  	[tilespmem:v2+s21+$0x0] =	vst.idx.msk vm15, v3  }
0x264: {  	v2 =	vld [tilespmem:$0xE0];
	_ =	sdelay $0x1  }
0x265: {  	v3 =	vld [tilespmem:s11+$0x2E0]  }
0x266: {  	v4 =	vld [tilespmem:$0x3560];
	_ =	sdelay $0x1  }
0x267: {  	v2 =	vadd.s32 $0xFFFF9E80, v2  }
0x268: {  	vm4 =	vlt.u32 v2, $0x61D0  }
0x269: {  	v2 =	vnsel vm4, $0x0, v2  }
0x26a: {  	v3 =	vmul.f32 v3, v1;
	v4 =	vmul.f32 v4, v0;
	_ =	sdelay $0x1  }
0x26b: {  	v3 =	vadd.f32 v4, v3;
	_ =	sdelay $0x1  }
0x26c: {  	[tilespmem:v2+s21+$0x0] =	vst.idx.msk vm4, v3  }
0x26d: {  	v2 =	vld [tilespmem:$0xF0];
	_ =	sdelay $0x1  }
0x26e: {  	v3 =	vld [tilespmem:s11+$0x2F0]  }
0x26f: {  	v4 =	vld [tilespmem:$0x3570];
	_ =	sdelay $0x1  }
0x270: {  	v2 =	vadd.s32 $0xFFFF9E80, v2  }
0x271: {  	vm5 =	vlt.u32 v2, $0x61D0  }
0x272: {  	v2 =	vnsel vm5, $0x0, v2  }
0x273: {  	v3 =	vmul.f32 v3, v1;
	v4 =	vmul.f32 v4, v0;
	_ =	sdelay $0x1  }
0x274: {  	v3 =	vadd.f32 v4, v3;
	_ =	sdelay $0x1  }
0x275: {  	[tilespmem:v2+s21+$0x0] =	vst.idx.msk vm5, v3  }
0x276: {  	v2 =	vld [tilespmem:$0x100];
	_ =	sdelay $0x1  }
0x277: {  	v3 =	vld [tilespmem:s12+$0x300]  }
0x278: {  	v4 =	vld [tilespmem:$0x3580];
	_ =	sdelay $0x1  }
0x279: {  	v2 =	vadd.s32 $0xFFFF9E80, v2  }
0x27a: {  	vm6 =	vlt.u32 v2, $0x61D0  }
0x27b: {  	v2 =	vnsel vm6, $0x0, v2  }
0x27c: {  	v3 =	vmul.f32 v3, v1;
	v4 =	vmul.f32 v4, v0;
	_ =	sdelay $0x1  }
0x27d: {  	v3 =	vadd.f32 v4, v3;
	_ =	sdelay $0x1  }
0x27e: {  	[tilespmem:v2+s21+$0x0] =	vst.idx.msk vm6, v3  }
0x27f: {  	v2 =	vld [tilespmem:$0x110];
	_ =	sdelay $0x1  }
0x280: {  	v3 =	vld [tilespmem:s11+$0x310]  }
0x281: {  	v4 =	vld [tilespmem:$0x3590];
	_ =	sdelay $0x1  }
0x282: {  	v2 =	vadd.s32 $0xFFFF9E80, v2  }
0x283: {  	vm7 =	vlt.u32 v2, $0x61D0  }
0x284: {  	v2 =	vnsel vm7, $0x0, v2  }
0x285: {  	v3 =	vmul.f32 v3, v1;
	v4 =	vmul.f32 v4, v0;
	_ =	sdelay $0x1  }
0x286: {  	v3 =	vadd.f32 v4, v3;
	_ =	sdelay $0x1  }
0x287: {  	[tilespmem:v2+s21+$0x0] =	vst.idx.msk vm7, v3  }
0x288: {  	v2 =	vld [tilespmem:$0x120];
	_ =	sdelay $0x1  }
0x289: {  	v3 =	vld [tilespmem:s11+$0x320]  }
0x28a: {  	v4 =	vld [tilespmem:$0x35A0];
	_ =	sdelay $0x1  }
0x28b: {  	v2 =	vadd.s32 $0xFFFF9E80, v2  }
0x28c: {  	vm8 =	vlt.u32 v2, $0x61D0  }
0x28d: {  	v2 =	vnsel vm8, $0x0, v2  }
0x28e: {  	v3 =	vmul.f32 v3, v1;
	v4 =	vmul.f32 v4, v0;
	_ =	sdelay $0x1  }
0x28f: {  	v3 =	vadd.f32 v4, v3;
	_ =	sdelay $0x1  }
0x290: {  	[tilespmem:v2+s21+$0x0] =	vst.idx.msk vm8, v3  }
0x291: {  	v2 =	vld [tilespmem:$0x130];
	_ =	sdelay $0x1  }
0x292: {  	v3 =	vld [tilespmem:s11+$0x330]  }
0x293: {  	v4 =	vld [tilespmem:$0x35B0];
	_ =	sdelay $0x1  }
0x294: {  	v2 =	vadd.s32 $0xFFFF9E80, v2  }
0x295: {  	vm9 =	vlt.u32 v2, $0x61D0  }
0x296: {  	v2 =	vnsel vm9, $0x0, v2  }
0x297: {  	v3 =	vmul.f32 v3, v1;
	v4 =	vmul.f32 v4, v0;
	_ =	sdelay $0x1  }
0x298: {  	v3 =	vadd.f32 v4, v3;
	_ =	sdelay $0x1  }
0x299: {  	[tilespmem:v2+s21+$0x0] =	vst.idx.msk vm9, v3  }
0x29a: {  	v2 =	vld [tilespmem:$0x140];
	_ =	sdelay $0x1  }
0x29b: {  	v3 =	vld [tilespmem:s11+$0x340]  }
0x29c: {  	v4 =	vld [tilespmem:$0x35C0];
	_ =	sdelay $0x1  }
0x29d: {  	v2 =	vadd.s32 $0xFFFF9E80, v2  }
0x29e: {  	vm10 =	vlt.u32 v2, $0x61D0  }
0x29f: {  	v2 =	vnsel vm10, $0x0, v2  }
0x2a0: {  	v3 =	vmul.f32 v3, v1;
	v4 =	vmul.f32 v4, v0;
	_ =	sdelay $0x1  }
0x2a1: {  	v3 =	vadd.f32 v4, v3;
	_ =	sdelay $0x1  }
0x2a2: {  	[tilespmem:v2+s21+$0x0] =	vst.idx.msk vm10, v3  }
0x2a3: {  	v2 =	vld [tilespmem:$0x150];
	_ =	sdelay $0x1  }
0x2a4: {  	v3 =	vld [tilespmem:s11+$0x350]  }
0x2a5: {  	v4 =	vld [tilespmem:$0x35D0];
	_ =	sdelay $0x1  }
0x2a6: {  	v2 =	vadd.s32 $0xFFFF9E80, v2  }
0x2a7: {  	vm11 =	vlt.u32 v2, $0x61D0  }
0x2a8: {  	v2 =	vnsel vm11, $0x0, v2  }
0x2a9: {  	v3 =	vmul.f32 v3, v1;
	v4 =	vmul.f32 v4, v0;
	_ =	sdelay $0x1  }
0x2aa: {  	v3 =	vadd.f32 v4, v3;
	_ =	sdelay $0x1  }
0x2ab: {  	[tilespmem:v2+s21+$0x0] =	vst.idx.msk vm11, v3  }
0x2ac: {  	v2 =	vld [tilespmem:$0x160];
	_ =	sdelay $0x1  }
0x2ad: {  	v3 =	vld [tilespmem:s11+$0x360]  }
0x2ae: {  	v4 =	vld [tilespmem:$0x35E0];
	_ =	sdelay $0x1  }
0x2af: {  	v2 =	vadd.s32 $0xFFFF9E80, v2  }
0x2b0: {  	vm12 =	vlt.u32 v2, $0x61D0  }
0x2b1: {  	v2 =	vnsel vm12, $0x0, v2  }
0x2b2: {  	v3 =	vmul.f32 v3, v1;
	v4 =	vmul.f32 v4, v0;
	_ =	sdelay $0x1  }
0x2b3: {  	v3 =	vadd.f32 v4, v3;
	_ =	sdelay $0x1  }
0x2b4: {  	[tilespmem:v2+s21+$0x0] =	vst.idx.msk vm12, v3  }
0x2b5: {  	v2 =	vld [tilespmem:$0x170];
	_ =	sdelay $0x1  }
0x2b6: {  	v3 =	vld [tilespmem:s11+$0x370]  }
0x2b7: {  	v4 =	vld [tilespmem:$0x35F0];
	_ =	sdelay $0x1  }
0x2b8: {  	v2 =	vadd.s32 $0xFFFF9E80, v2  }
0x2b9: {  	vm13 =	vlt.u32 v2, $0x61D0  }
0x2ba: {  	v2 =	vnsel vm13, $0x0, v2  }
0x2bb: {  	v3 =	vmul.f32 v3, v1;
	v4 =	vmul.f32 v4, v0;
	_ =	sdelay $0x1  }
0x2bc: {  	v3 =	vadd.f32 v4, v3;
	_ =	sdelay $0x1  }
0x2bd: {  	[tilespmem:v2+s21+$0x0] =	vst.idx.msk vm13, v3  }
0x2be: {  	v2 =	vld [tilespmem:$0x180];
	_ =	sdelay $0x1  }
0x2bf: {  	v3 =	vld [tilespmem:s12+$0x380]  }
0x2c0: {  	v4 =	vld [tilespmem:$0x3600];
	_ =	sdelay $0x1  }
0x2c1: {  	v2 =	vadd.s32 $0xFFFF9E80, v2  }
0x2c2: {  	vm14 =	vlt.u32 v2, $0x61D0  }
0x2c3: {  	v2 =	vnsel vm14, $0x0, v2  }
0x2c4: {  	v1 =	vmul.f32 v3, v1;
	v0 =	vmul.f32 v4, v0;
	_ =	sdelay $0x1  }
0x2c5: {  	s7 =	sadd.s32 s14, s13;
	v0 =	vadd.f32 v0, v1  }
0x2c6: {  	s7 =	sshrl.u32 s7, $0x3  }
0x2c7: {  	s7 =	sadd.s32 s6, s7;
	[tilespmem:v2+s21+$0x0] =	vst.idx.msk vm14, v0  }
0x2c8: {  	[hbm4b:s7+s18] =	stream.strided.scatter [tilespmem:s21], [sflag:$0x6], $0x6200, s19, s18, $0x38;
	[tilespmem:$0x1BE80] =	vst v63  }
0x2c9: {  	_ =	swait.ge [sflag:s30], $0x6180  }
0x2ca: {  	[sflag:s30] =	ssyncset.done $0x0  }
0x2cb: {  	[sflag:s30] =	ssyncadd.s32 $0xFFFF9E80  }
0x2cc: {  	v0 =	vld [tilespmem:$0x0];
	_ =	sdelay $0x4  }
0x2cd: {  	vm15 =	vlt.u32 v0, $0x6180  }
0x2ce: {  	v2 =	vld [tilespmem:$0x10];
	v1 =	vnsel vm15, $0x0, v0;
	_ =	sdelay $0x3  }
0x2cf: {  	s12 =	sor.u32 $0x1, s10  }
0x2d0: {  	vm4 =	vlt.u32 v2, $0x6180;
	v0 =	vmov s12;
	v3 =	vld.idx.msk [tilespmem:v1+s22+$0x0], vm15  }
0x2d1: {  	v4 =	vld [tilespmem:$0x20];
	v2 =	vnsel vm4, $0x0, v2;
	_ =	sdelay $0x3  }
0x2d2: {  	v1 =	vld.idx.msk [tilespmem:v0+s25+$0x0], $0xffff;
	[tilespmem:$0x3480] =	vst v3  }
0x2d3: {  	vm5 =	vlt.u32 v4, $0x6180;
	v2 =	vld.idx.msk [tilespmem:v2+s22+$0x0], vm4  }
0x2d4: {  	v3 =	vnsel vm5, $0x0, v4;
	v4 =	vld [tilespmem:$0x30];
	_ =	sdelay $0x3  }
0x2d5: {  	[tilespmem:$0x3490] =	vst v2  }
0x2d6: {  	vm6 =	vlt.u32 v4, $0x6180;
	v2 =	vld.idx.msk [tilespmem:v3+s22+$0x0], vm5  }
0x2d7: {  	v3 =	vnsel vm6, $0x0, v4;
	v4 =	vld [tilespmem:$0x40];
	_ =	sdelay $0x3  }
0x2d8: {  	[tilespmem:$0x34A0] =	vst v2  }
0x2d9: {  	vm7 =	vlt.u32 v4, $0x6180;
	v2 =	vld.idx.msk [tilespmem:v3+s22+$0x0], vm6  }
0x2da: {  	v3 =	vnsel vm7, $0x0, v4;
	v4 =	vld [tilespmem:$0x50];
	_ =	sdelay $0x3  }
0x2db: {  	[tilespmem:$0x34B0] =	vst v2  }
0x2dc: {  	vm8 =	vlt.u32 v4, $0x6180;
	v2 =	vld.idx.msk [tilespmem:v3+s22+$0x0], vm7  }
0x2dd: {  	v3 =	vnsel vm8, $0x0, v4;
	v4 =	vld [tilespmem:$0x60];
	_ =	sdelay $0x3  }
0x2de: {  	[tilespmem:$0x34C0] =	vst v2  }
0x2df: {  	vm9 =	vlt.u32 v4, $0x6180;
	v2 =	vld.idx.msk [tilespmem:v3+s22+$0x0], vm8  }
0x2e0: {  	v3 =	vnsel vm9, $0x0, v4;
	v4 =	vld [tilespmem:$0x70];
	_ =	sdelay $0x3  }
0x2e1: {  	[tilespmem:$0x34D0] =	vst v2  }
0x2e2: {  	vm10 =	vlt.u32 v4, $0x6180;
	v2 =	vld.idx.msk [tilespmem:v3+s22+$0x0], vm9  }
0x2e3: {  	v3 =	vnsel vm10, $0x0, v4;
	v4 =	vld [tilespmem:$0x80];
	_ =	sdelay $0x3  }
0x2e4: {  	[tilespmem:$0x34E0] =	vst v2  }
0x2e5: {  	vm11 =	vlt.u32 v4, $0x6180;
	v2 =	vld.idx.msk [tilespmem:v3+s22+$0x0], vm10  }
0x2e6: {  	v3 =	vnsel vm11, $0x0, v4;
	v4 =	vld [tilespmem:$0x90];
	_ =	sdelay $0x3  }
0x2e7: {  	[tilespmem:$0x34F0] =	vst v2  }
0x2e8: {  	vm12 =	vlt.u32 v4, $0x6180;
	v2 =	vld.idx.msk [tilespmem:v3+s22+$0x0], vm11  }
0x2e9: {  	v3 =	vnsel vm12, $0x0, v4;
	v4 =	vld [tilespmem:$0xA0];
	_ =	sdelay $0x3  }
0x2ea: {  	[tilespmem:$0x3500] =	vst v2  }
0x2eb: {  	vm13 =	vlt.u32 v4, $0x6180;
	v2 =	vld.idx.msk [tilespmem:v3+s22+$0x0], vm12  }
0x2ec: {  	v3 =	vnsel vm13, $0x0, v4;
	v4 =	vld [tilespmem:$0xB0];
	_ =	sdelay $0x3  }
0x2ed: {  	[tilespmem:$0x3510] =	vst v2  }
0x2ee: {  	vm14 =	vlt.u32 v4, $0x6180;
	v2 =	vld.idx.msk [tilespmem:v3+s22+$0x0], vm13  }
0x2ef: {  	v3 =	vnsel vm14, $0x0, v4;
	v4 =	vld [tilespmem:$0xC0];
	_ =	sdelay $0x3  }
0x2f0: {  	[tilespmem:$0x3520] =	vst v2  }
0x2f1: {  	vm15 =	vlt.u32 v4, $0x6180;
	v2 =	vld.idx.msk [tilespmem:v3+s22+$0x0], vm14  }
0x2f2: {  	v3 =	vnsel vm15, $0x0, v4;
	v4 =	vld [tilespmem:$0xD0];
	_ =	sdelay $0x3  }
0x2f3: {  	[tilespmem:$0x3530] =	vst v2  }
0x2f4: {  	vm4 =	vlt.u32 v4, $0x6180;
	v2 =	vld.idx.msk [tilespmem:v3+s22+$0x0], vm15  }
0x2f5: {  	v3 =	vnsel vm4, $0x0, v4;
	v4 =	vld [tilespmem:$0xE0];
	_ =	sdelay $0x3  }
0x2f6: {  	[tilespmem:$0x3540] =	vst v2  }
0x2f7: {  	vm5 =	vlt.u32 v4, $0x6180;
	v2 =	vld.idx.msk [tilespmem:v3+s22+$0x0], vm4  }
0x2f8: {  	v3 =	vnsel vm5, $0x0, v4;
	v4 =	vld [tilespmem:$0xF0];
	_ =	sdelay $0x3  }
0x2f9: {  	[tilespmem:$0x3550] =	vst v2  }
0x2fa: {  	vm6 =	vlt.u32 v4, $0x6180;
	v2 =	vld.idx.msk [tilespmem:v3+s22+$0x0], vm5  }
0x2fb: {  	v3 =	vnsel vm6, $0x0, v4;
	v4 =	vld [tilespmem:$0x100];
	_ =	sdelay $0x3  }
0x2fc: {  	[tilespmem:$0x3560] =	vst v2  }
0x2fd: {  	vm7 =	vlt.u32 v4, $0x6180;
	v2 =	vld.idx.msk [tilespmem:v3+s22+$0x0], vm6  }
0x2fe: {  	v3 =	vnsel vm7, $0x0, v4;
	v4 =	vld [tilespmem:$0x110];
	_ =	sdelay $0x3  }
0x2ff: {  	[tilespmem:$0x3570] =	vst v2  }
0x300: {  	vm8 =	vlt.u32 v4, $0x6180;
	v2 =	vld.idx.msk [tilespmem:v3+s22+$0x0], vm7  }
0x301: {  	v3 =	vnsel vm8, $0x0, v4;
	v4 =	vld [tilespmem:$0x120];
	_ =	sdelay $0x3  }
0x302: {  	[tilespmem:$0x3580] =	vst v2  }
0x303: {  	vm9 =	vlt.u32 v4, $0x6180;
	v2 =	vld.idx.msk [tilespmem:v3+s22+$0x0], vm8  }
0x304: {  	v3 =	vnsel vm9, $0x0, v4;
	v4 =	vld [tilespmem:$0x130];
	_ =	sdelay $0x3  }
0x305: {  	[tilespmem:$0x3590] =	vst v2  }
0x306: {  	vm10 =	vlt.u32 v4, $0x6180;
	v2 =	vld.idx.msk [tilespmem:v3+s22+$0x0], vm9  }
0x307: {  	v3 =	vnsel vm10, $0x0, v4;
	v4 =	vld [tilespmem:$0x140];
	_ =	sdelay $0x3  }
0x308: {  	[tilespmem:$0x35A0] =	vst v2  }
0x309: {  	vm11 =	vlt.u32 v4, $0x6180;
	v2 =	vld.idx.msk [tilespmem:v3+s22+$0x0], vm10  }
0x30a: {  	v3 =	vnsel vm11, $0x0, v4;
	v4 =	vld [tilespmem:$0x150];
	_ =	sdelay $0x3  }
0x30b: {  	[tilespmem:$0x35B0] =	vst v2  }
0x30c: {  	vm12 =	vlt.u32 v4, $0x6180;
	v2 =	vld.idx.msk [tilespmem:v3+s22+$0x0], vm11  }
0x30d: {  	v3 =	vnsel vm12, $0x0, v4;
	v4 =	vld [tilespmem:$0x160];
	_ =	sdelay $0x3  }
0x30e: {  	[tilespmem:$0x35C0] =	vst v2  }
0x30f: {  	vm13 =	vlt.u32 v4, $0x6180;
	v2 =	vld.idx.msk [tilespmem:v3+s22+$0x0], vm12  }
0x310: {  	v3 =	vnsel vm13, $0x0, v4;
	v4 =	vld [tilespmem:$0x170];
	_ =	sdelay $0x3  }
0x311: {  	[tilespmem:$0x35D0] =	vst v2  }
0x312: {  	vm14 =	vlt.u32 v4, $0x6180;
	v2 =	vld.idx.msk [tilespmem:v3+s22+$0x0], vm13  }
0x313: {  	v3 =	vnsel vm14, $0x0, v4;
	v4 =	vld [tilespmem:$0x180];
	_ =	sdelay $0x3  }
0x314: {  	[tilespmem:$0x35E0] =	vst v2  }
0x315: {  	vm15 =	vlt.u32 v4, $0x6180;
	v2 =	vld.idx.msk [tilespmem:v3+s22+$0x0], vm14  }
0x316: {  	v3 =	vnsel vm15, $0x0, v4;
	_ =	sdelay $0x3  }
0x317: {  	[tilespmem:$0x35F0] =	vst v2  }
0x318: {  	v2 =	vld.idx.msk [tilespmem:v3+s22+$0x0], vm15;
	_ =	sdelay $0x4  }
0x319: {  	s10 =	simm.s32 $0xFAC0;
	[tilespmem:$0x3600] =	vst v2  }
0x31a: {  	v4 =	vld [tilespmem:s10+$0x30]  }
0x31b: {  	v6 =	vld [tilespmem:s10+$0xFFFFFFD0]  }
0x31c: {  	v8 =	vld [tilespmem:s10+$0xFFFFFFE0]  }
0x31d: {  	v5 =	vld [tilespmem:s10+$0xFFFFFFF0]  }
0x31e: {  	v3 =	vld [tilespmem:s10+$0x0]  }
0x31f: {  	v2 =	vld [tilespmem:s10+$0x10];
	v9 =	vmul.f32 v4, v1  }
0x320: {  	v4 =	vld [tilespmem:s10+$0x20];
	v7 =	vmul.f32 v6, v1  }
0x321: {  	s11 =	simm.s32 $0x0;
	s7 =	simm.s32 $0xFB40;
	v6 =	vld [tilespmem:s10+$0xFFFFFFC0];
	v8 =	vmul.f32 v8, v1;
	[tilespmem:s10+$0x30] =	vst v9  }
.LBB2_9:
0x322: {  	v9 =	vld [tilespmem:s7+$0x30];
	s11 =	sadd.s32 $0x8, s11;
	[tilespmem:s10+$0xFFFFFFD0] =	vst v7;
	v5 =	vmul.f32 v5, v1  }
0x323: {  	v7 =	vld [tilespmem:s7+$0xFFFFFFD0];
	p0 =	slt.u32 s11, $0x610;
	[tilespmem:s10+$0xFFFFFFE0] =	vst v8;
	v3 =	vmul.f32 v3, v1  }
0x324: {  	v8 =	vld [tilespmem:s7+$0xFFFFFFE0];
	[tilespmem:s10+$0xFFFFFFF0] =	vst v5;
	v2 =	vmul.f32 v2, v1  }
.Ltmp5:
0x325: {  	v5 =	vld [tilespmem:s7+$0xFFFFFFF0];
	[tilespmem:s10+$0x0] =	vst v3;
	v4 =	vmul.f32 v4, v1;
	(pc) =	sbr.rel @p0 .LBB2_9-.Ltmp5, $4  }
0x326: {  	v3 =	vld [tilespmem:s7+$0x0];
	v6 =	vmul.f32 v6, v1;
	[tilespmem:s10+$0x10] =	vst v2  }
0x327: {  	v2 =	vld [tilespmem:s7+$0x10];
	v9 =	vmul.f32 v9, v1;
	[tilespmem:s10+$0x20] =	vst v4  }
0x328: {  	v7 =	vmul.f32 v7, v1;
	v4 =	vld [tilespmem:s7+$0x20];
	[tilespmem:s10+$0xFFFFFFC0] =	vst v6;
	s10 =	smov.u32 s7  }
0x329: {  	s7 =	sadd.s32 $0x80, s7;
	v6 =	vld [tilespmem:s10+$0xFFFFFFC0];
	v8 =	vmul.f32 v8, v1;
	[tilespmem:s10+$0x30] =	vst v9  }
0x32a: {  	[tilespmem:s10+$0xFFFFFFD0] =	vst v7;
	v5 =	vmul.f32 v5, v1  }
0x32b: {  	[tilespmem:s10+$0xFFFFFFE0] =	vst v8;
	v3 =	vmul.f32 v3, v1  }
0x32c: {  	[tilespmem:s10+$0xFFFFFFF0] =	vst v5;
	v2 =	vmul.f32 v2, v1  }
0x32d: {  	[tilespmem:s10+$0x0] =	vst v3;
	v3 =	vmul.f32 v4, v1  }
0x32e: {  	v4 =	vmul.f32 v6, v1;
	[tilespmem:s10+$0x10] =	vst v2  }
0x32f: {  	[tilespmem:s10+$0x20] =	vst v3  }
0x330: {  	[tilespmem:s10+$0xFFFFFFC0] =	vst v4  }
0x331: {  	s10 =	smul.u32 $0x190, s12;
	v3 =	vld [tilespmem:$0x0]  }
0x332: {  	v5 =	vld [tilespmem:$0x3480]  }
0x333: {  	v4 =	vld [tilespmem:s10+$0x200];
	_ =	sdelay $0x2  }
0x334: {  	v2 =	vsub.f32 $1.000000000e+00, v1;
	vm0 =	vlt.u32 v3, $0x6180  }
0x335: {  	v3 =	vnsel vm0, $0x0, v3  }
0x336: {  	v5 =	vmul.f32 v5, v1;
	v4 =	vmul.f32 v4, v2;
	_ =	sdelay $0x1  }
0x337: {  	v4 =	vadd.f32 v5, v4;
	_ =	sdelay $0x1  }
0x338: {  	[tilespmem:v3+s22+$0x0] =	vst.idx.msk vm0, v4  }
0x339: {  	v3 =	vld [tilespmem:$0x10]  }
0x33a: {  	v4 =	vld [tilespmem:s10+$0x210]  }
0x33b: {  	v5 =	vld [tilespmem:$0x3490];
	_ =	sdelay $0x2  }
0x33c: {  	vm15 =	vlt.u32 v3, $0x6180  }
0x33d: {  	v3 =	vnsel vm15, $0x0, v3  }
0x33e: {  	v4 =	vmul.f32 v4, v2;
	v5 =	vmul.f32 v5, v1;
	_ =	sdelay $0x1  }
0x33f: {  	v4 =	vadd.f32 v5, v4;
	_ =	sdelay $0x1  }
0x340: {  	[tilespmem:v3+s22+$0x0] =	vst.idx.msk vm15, v4  }
0x341: {  	v3 =	vld [tilespmem:$0x20]  }
0x342: {  	v4 =	vld [tilespmem:s10+$0x220]  }
0x343: {  	v5 =	vld [tilespmem:$0x34A0];
	_ =	sdelay $0x2  }
0x344: {  	vm4 =	vlt.u32 v3, $0x6180  }
0x345: {  	v3 =	vnsel vm4, $0x0, v3  }
0x346: {  	v4 =	vmul.f32 v4, v2;
	v5 =	vmul.f32 v5, v1;
	_ =	sdelay $0x1  }
0x347: {  	v4 =	vadd.f32 v5, v4;
	_ =	sdelay $0x1  }
0x348: {  	[tilespmem:v3+s22+$0x0] =	vst.idx.msk vm4, v4  }
0x349: {  	v3 =	vld [tilespmem:$0x30]  }
0x34a: {  	v4 =	vld [tilespmem:s10+$0x230]  }
0x34b: {  	v5 =	vld [tilespmem:$0x34B0];
	_ =	sdelay $0x2  }
0x34c: {  	vm5 =	vlt.u32 v3, $0x6180  }
0x34d: {  	v3 =	vnsel vm5, $0x0, v3  }
0x34e: {  	v4 =	vmul.f32 v4, v2;
	v5 =	vmul.f32 v5, v1;
	_ =	sdelay $0x1  }
0x34f: {  	v4 =	vadd.f32 v5, v4;
	_ =	sdelay $0x1  }
0x350: {  	[tilespmem:v3+s22+$0x0] =	vst.idx.msk vm5, v4  }
0x351: {  	v3 =	vld [tilespmem:$0x40]  }
0x352: {  	v4 =	vld [tilespmem:s10+$0x240]  }
0x353: {  	v5 =	vld [tilespmem:$0x34C0];
	_ =	sdelay $0x2  }
0x354: {  	vm6 =	vlt.u32 v3, $0x6180  }
0x355: {  	v3 =	vnsel vm6, $0x0, v3  }
0x356: {  	v4 =	vmul.f32 v4, v2;
	v5 =	vmul.f32 v5, v1;
	_ =	sdelay $0x1  }
0x357: {  	v4 =	vadd.f32 v5, v4;
	_ =	sdelay $0x1  }
0x358: {  	[tilespmem:v3+s22+$0x0] =	vst.idx.msk vm6, v4  }
0x359: {  	v3 =	vld [tilespmem:$0x50]  }
0x35a: {  	v4 =	vld [tilespmem:s10+$0x250]  }
0x35b: {  	v5 =	vld [tilespmem:$0x34D0];
	_ =	sdelay $0x2  }
0x35c: {  	vm7 =	vlt.u32 v3, $0x6180  }
0x35d: {  	v3 =	vnsel vm7, $0x0, v3  }
0x35e: {  	v4 =	vmul.f32 v4, v2;
	v5 =	vmul.f32 v5, v1;
	_ =	sdelay $0x1  }
0x35f: {  	v4 =	vadd.f32 v5, v4;
	_ =	sdelay $0x1  }
0x360: {  	[tilespmem:v3+s22+$0x0] =	vst.idx.msk vm7, v4  }
0x361: {  	v3 =	vld [tilespmem:$0x60]  }
0x362: {  	v4 =	vld [tilespmem:s10+$0x260]  }
0x363: {  	v5 =	vld [tilespmem:$0x34E0];
	_ =	sdelay $0x2  }
0x364: {  	vm8 =	vlt.u32 v3, $0x6180  }
0x365: {  	v3 =	vnsel vm8, $0x0, v3  }
0x366: {  	v4 =	vmul.f32 v4, v2;
	v5 =	vmul.f32 v5, v1;
	_ =	sdelay $0x1  }
0x367: {  	v4 =	vadd.f32 v5, v4;
	_ =	sdelay $0x1  }
0x368: {  	[tilespmem:v3+s22+$0x0] =	vst.idx.msk vm8, v4  }
0x369: {  	v3 =	vld [tilespmem:$0x70]  }
0x36a: {  	v4 =	vld [tilespmem:s10+$0x270]  }
0x36b: {  	v5 =	vld [tilespmem:$0x34F0];
	_ =	sdelay $0x2  }
0x36c: {  	vm9 =	vlt.u32 v3, $0x6180  }
0x36d: {  	v3 =	vnsel vm9, $0x0, v3  }
0x36e: {  	v4 =	vmul.f32 v4, v2;
	v5 =	vmul.f32 v5, v1;
	_ =	sdelay $0x1  }
0x36f: {  	v4 =	vadd.f32 v5, v4;
	_ =	sdelay $0x1  }
0x370: {  	[tilespmem:v3+s22+$0x0] =	vst.idx.msk vm9, v4  }
0x371: {  	s11 =	sand.u32 $0x3FF0, s10;
	v3 =	vld [tilespmem:$0x80]  }
0x372: {  	v4 =	vld [tilespmem:s11+$0x280]  }
0x373: {  	v5 =	vld [tilespmem:$0x3500];
	_ =	sdelay $0x2  }
0x374: {  	vm10 =	vlt.u32 v3, $0x6180  }
0x375: {  	v3 =	vnsel vm10, $0x0, v3  }
0x376: {  	v4 =	vmul.f32 v4, v2;
	v5 =	vmul.f32 v5, v1;
	_ =	sdelay $0x1  }
0x377: {  	v4 =	vadd.f32 v5, v4;
	_ =	sdelay $0x1  }
0x378: {  	[tilespmem:v3+s22+$0x0] =	vst.idx.msk vm10, v4  }
0x379: {  	v3 =	vld [tilespmem:$0x90]  }
0x37a: {  	v4 =	vld [tilespmem:s10+$0x290]  }
0x37b: {  	v5 =	vld [tilespmem:$0x3510];
	_ =	sdelay $0x2  }
0x37c: {  	vm11 =	vlt.u32 v3, $0x6180  }
0x37d: {  	v3 =	vnsel vm11, $0x0, v3  }
0x37e: {  	v4 =	vmul.f32 v4, v2;
	v5 =	vmul.f32 v5, v1;
	_ =	sdelay $0x1  }
0x37f: {  	v4 =	vadd.f32 v5, v4;
	_ =	sdelay $0x1  }
0x380: {  	[tilespmem:v3+s22+$0x0] =	vst.idx.msk vm11, v4  }
0x381: {  	v3 =	vld [tilespmem:$0xA0]  }
0x382: {  	v4 =	vld [tilespmem:s10+$0x2A0]  }
0x383: {  	v5 =	vld [tilespmem:$0x3520];
	_ =	sdelay $0x2  }
0x384: {  	vm12 =	vlt.u32 v3, $0x6180  }
0x385: {  	v3 =	vnsel vm12, $0x0, v3  }
0x386: {  	v4 =	vmul.f32 v4, v2;
	v5 =	vmul.f32 v5, v1;
	_ =	sdelay $0x1  }
0x387: {  	v4 =	vadd.f32 v5, v4;
	_ =	sdelay $0x1  }
0x388: {  	[tilespmem:v3+s22+$0x0] =	vst.idx.msk vm12, v4  }
0x389: {  	v3 =	vld [tilespmem:$0xB0]  }
0x38a: {  	v4 =	vld [tilespmem:s10+$0x2B0]  }
0x38b: {  	v5 =	vld [tilespmem:$0x3530];
	_ =	sdelay $0x2  }
0x38c: {  	vm13 =	vlt.u32 v3, $0x6180  }
0x38d: {  	v3 =	vnsel vm13, $0x0, v3  }
0x38e: {  	v4 =	vmul.f32 v4, v2;
	v5 =	vmul.f32 v5, v1;
	_ =	sdelay $0x1  }
0x38f: {  	v4 =	vadd.f32 v5, v4;
	_ =	sdelay $0x1  }
0x390: {  	[tilespmem:v3+s22+$0x0] =	vst.idx.msk vm13, v4  }
0x391: {  	v3 =	vld [tilespmem:$0xC0]  }
0x392: {  	v4 =	vld [tilespmem:s10+$0x2C0]  }
0x393: {  	v5 =	vld [tilespmem:$0x3540];
	_ =	sdelay $0x2  }
0x394: {  	vm14 =	vlt.u32 v3, $0x6180  }
0x395: {  	v3 =	vnsel vm14, $0x0, v3  }
0x396: {  	v4 =	vmul.f32 v4, v2;
	v5 =	vmul.f32 v5, v1;
	_ =	sdelay $0x1  }
0x397: {  	v4 =	vadd.f32 v5, v4;
	_ =	sdelay $0x1  }
0x398: {  	[tilespmem:v3+s22+$0x0] =	vst.idx.msk vm14, v4  }
0x399: {  	v3 =	vld [tilespmem:$0xD0]  }
0x39a: {  	v4 =	vld [tilespmem:s10+$0x2D0]  }
0x39b: {  	v5 =	vld [tilespmem:$0x3550];
	_ =	sdelay $0x2  }
0x39c: {  	vm15 =	vlt.u32 v3, $0x6180  }
0x39d: {  	v3 =	vnsel vm15, $0x0, v3  }
0x39e: {  	v4 =	vmul.f32 v4, v2;
	v5 =	vmul.f32 v5, v1;
	_ =	sdelay $0x1  }
0x39f: {  	v4 =	vadd.f32 v5, v4;
	_ =	sdelay $0x1  }
0x3a0: {  	[tilespmem:v3+s22+$0x0] =	vst.idx.msk vm15, v4  }
0x3a1: {  	v3 =	vld [tilespmem:$0xE0]  }
0x3a2: {  	v4 =	vld [tilespmem:s10+$0x2E0]  }
0x3a3: {  	v5 =	vld [tilespmem:$0x3560];
	_ =	sdelay $0x2  }
0x3a4: {  	vm4 =	vlt.u32 v3, $0x6180  }
0x3a5: {  	v3 =	vnsel vm4, $0x0, v3  }
0x3a6: {  	v4 =	vmul.f32 v4, v2;
	v5 =	vmul.f32 v5, v1;
	_ =	sdelay $0x1  }
0x3a7: {  	v4 =	vadd.f32 v5, v4;
	_ =	sdelay $0x1  }
0x3a8: {  	[tilespmem:v3+s22+$0x0] =	vst.idx.msk vm4, v4  }
0x3a9: {  	v3 =	vld [tilespmem:$0xF0]  }
0x3aa: {  	v4 =	vld [tilespmem:s10+$0x2F0]  }
0x3ab: {  	v5 =	vld [tilespmem:$0x3570];
	_ =	sdelay $0x2  }
0x3ac: {  	vm5 =	vlt.u32 v3, $0x6180  }
0x3ad: {  	v3 =	vnsel vm5, $0x0, v3  }
0x3ae: {  	v4 =	vmul.f32 v4, v2;
	v5 =	vmul.f32 v5, v1;
	_ =	sdelay $0x1  }
0x3af: {  	v4 =	vadd.f32 v5, v4;
	_ =	sdelay $0x1  }
0x3b0: {  	[tilespmem:v3+s22+$0x0] =	vst.idx.msk vm5, v4  }
0x3b1: {  	v3 =	vld [tilespmem:$0x100]  }
0x3b2: {  	v4 =	vld [tilespmem:s11+$0x300]  }
0x3b3: {  	v5 =	vld [tilespmem:$0x3580];
	_ =	sdelay $0x2  }
0x3b4: {  	vm6 =	vlt.u32 v3, $0x6180  }
0x3b5: {  	v3 =	vnsel vm6, $0x0, v3  }
0x3b6: {  	v4 =	vmul.f32 v4, v2;
	v5 =	vmul.f32 v5, v1;
	_ =	sdelay $0x1  }
0x3b7: {  	v4 =	vadd.f32 v5, v4;
	_ =	sdelay $0x1  }
0x3b8: {  	[tilespmem:v3+s22+$0x0] =	vst.idx.msk vm6, v4  }
0x3b9: {  	v3 =	vld [tilespmem:$0x110]  }
0x3ba: {  	v4 =	vld [tilespmem:s10+$0x310]  }
0x3bb: {  	v5 =	vld [tilespmem:$0x3590];
	_ =	sdelay $0x2  }
0x3bc: {  	vm7 =	vlt.u32 v3, $0x6180  }
0x3bd: {  	v3 =	vnsel vm7, $0x0, v3  }
0x3be: {  	v4 =	vmul.f32 v4, v2;
	v5 =	vmul.f32 v5, v1;
	_ =	sdelay $0x1  }
0x3bf: {  	v4 =	vadd.f32 v5, v4;
	_ =	sdelay $0x1  }
0x3c0: {  	[tilespmem:v3+s22+$0x0] =	vst.idx.msk vm7, v4  }
0x3c1: {  	v3 =	vld [tilespmem:$0x120]  }
0x3c2: {  	v4 =	vld [tilespmem:s10+$0x320]  }
0x3c3: {  	v5 =	vld [tilespmem:$0x35A0];
	_ =	sdelay $0x2  }
0x3c4: {  	vm8 =	vlt.u32 v3, $0x6180  }
0x3c5: {  	v3 =	vnsel vm8, $0x0, v3  }
0x3c6: {  	v4 =	vmul.f32 v4, v2;
	v5 =	vmul.f32 v5, v1;
	_ =	sdelay $0x1  }
0x3c7: {  	v4 =	vadd.f32 v5, v4;
	_ =	sdelay $0x1  }
0x3c8: {  	[tilespmem:v3+s22+$0x0] =	vst.idx.msk vm8, v4  }
0x3c9: {  	v3 =	vld [tilespmem:$0x130]  }
0x3ca: {  	v4 =	vld [tilespmem:s10+$0x330]  }
0x3cb: {  	v5 =	vld [tilespmem:$0x35B0];
	_ =	sdelay $0x2  }
0x3cc: {  	vm9 =	vlt.u32 v3, $0x6180  }
0x3cd: {  	v3 =	vnsel vm9, $0x0, v3  }
0x3ce: {  	v4 =	vmul.f32 v4, v2;
	v5 =	vmul.f32 v5, v1;
	_ =	sdelay $0x1  }
0x3cf: {  	v4 =	vadd.f32 v5, v4;
	_ =	sdelay $0x1  }
0x3d0: {  	[tilespmem:v3+s22+$0x0] =	vst.idx.msk vm9, v4  }
0x3d1: {  	v3 =	vld [tilespmem:$0x140]  }
0x3d2: {  	v4 =	vld [tilespmem:s10+$0x340]  }
0x3d3: {  	v5 =	vld [tilespmem:$0x35C0];
	_ =	sdelay $0x2  }
0x3d4: {  	vm10 =	vlt.u32 v3, $0x6180  }
0x3d5: {  	v3 =	vnsel vm10, $0x0, v3  }
0x3d6: {  	v4 =	vmul.f32 v4, v2;
	v5 =	vmul.f32 v5, v1;
	_ =	sdelay $0x1  }
0x3d7: {  	v4 =	vadd.f32 v5, v4;
	_ =	sdelay $0x1  }
0x3d8: {  	[tilespmem:v3+s22+$0x0] =	vst.idx.msk vm10, v4  }
0x3d9: {  	v3 =	vld [tilespmem:$0x150]  }
0x3da: {  	v4 =	vld [tilespmem:s10+$0x350]  }
0x3db: {  	v5 =	vld [tilespmem:$0x35D0];
	_ =	sdelay $0x2  }
0x3dc: {  	vm11 =	vlt.u32 v3, $0x6180  }
0x3dd: {  	v3 =	vnsel vm11, $0x0, v3  }
0x3de: {  	v4 =	vmul.f32 v4, v2;
	v5 =	vmul.f32 v5, v1;
	_ =	sdelay $0x1  }
0x3df: {  	v4 =	vadd.f32 v5, v4;
	_ =	sdelay $0x1  }
0x3e0: {  	[tilespmem:v3+s22+$0x0] =	vst.idx.msk vm11, v4  }
0x3e1: {  	v3 =	vld [tilespmem:$0x160]  }
0x3e2: {  	v4 =	vld [tilespmem:s10+$0x360]  }
0x3e3: {  	v5 =	vld [tilespmem:$0x35E0];
	_ =	sdelay $0x2  }
0x3e4: {  	vm12 =	vlt.u32 v3, $0x6180  }
0x3e5: {  	v3 =	vnsel vm12, $0x0, v3  }
0x3e6: {  	v4 =	vmul.f32 v4, v2;
	v5 =	vmul.f32 v5, v1;
	_ =	sdelay $0x1  }
0x3e7: {  	v4 =	vadd.f32 v5, v4;
	_ =	sdelay $0x1  }
0x3e8: {  	[tilespmem:v3+s22+$0x0] =	vst.idx.msk vm12, v4  }
0x3e9: {  	v3 =	vld [tilespmem:$0x170]  }
0x3ea: {  	v4 =	vld [tilespmem:s10+$0x370]  }
0x3eb: {  	v5 =	vld [tilespmem:$0x35F0];
	_ =	sdelay $0x2  }
0x3ec: {  	vm13 =	vlt.u32 v3, $0x6180  }
0x3ed: {  	v3 =	vnsel vm13, $0x0, v3  }
0x3ee: {  	v4 =	vmul.f32 v4, v2;
	v5 =	vmul.f32 v5, v1;
	_ =	sdelay $0x1  }
0x3ef: {  	v4 =	vadd.f32 v5, v4;
	_ =	sdelay $0x1  }
0x3f0: {  	[tilespmem:v3+s22+$0x0] =	vst.idx.msk vm13, v4  }
0x3f1: {  	v3 =	vld [tilespmem:$0x180]  }
0x3f2: {  	v4 =	vld [tilespmem:s11+$0x380]  }
0x3f3: {  	v5 =	vld [tilespmem:$0x3600];
	_ =	sdelay $0x1  }
0x3f4: {  	s7 =	sshll.u32 s12, $0x5  }
0x3f5: {  	s7 =	sor.u32 s3, s7;
	vm14 =	vlt.u32 v3, $0x6180  }
0x3f6: {  	s7 =	sshrl.u32 s7, $0x3;
	v3 =	vnsel vm14, $0x0, v3  }
0x3f7: {  	s12 =	smul.u32 $0x61C00, s7;
	v2 =	vmul.f32 v4, v2;
	v1 =	vmul.f32 v5, v1;
	_ =	sdelay $0x1  }
0x3f8: {  	s7 =	sor.u32 s5, s12;
	v1 =	vadd.f32 v1, v2  }
0x3f9: {  	s7 =	sshrl.u32 s7, $0x3  }
0x3fa: {  	s7 =	sadd.s32 s6, s7;
	[tilespmem:v3+s22+$0x0] =	vst.idx.msk vm14, v1  }
0x3fb: {  	[hbm4b:s7+s18] =	stream.strided.scatter [tilespmem:s22], [sflag:$0x7], $0x6180, s19, s18, $0x38;
	[tilespmem:$0x1BE80] =	vst v63  }
0x3fc: {  	_ =	swait.ge [sflag:s31], $0x6200  }
0x3fd: {  	[sflag:s31] =	ssyncset.done $0x0  }
0x3fe: {  	[sflag:s31] =	ssyncadd.s32 $0xFFFF9E00  }
0x3ff: {  	v1 =	vld [tilespmem:$0x0];
	_ =	sdelay $0x4  }
0x400: {  	v1 =	vadd.s32 $0xFFFF9E80, v1  }
0x401: {  	v2 =	vld [tilespmem:$0x10];
	vm15 =	vlt.u32 v1, $0x61D0  }
0x402: {  	v1 =	vnsel vm15, $0x0, v1;
	_ =	sdelay $0x3  }
0x403: {  	v3 =	vld [tilespmem:$0x20];
	v2 =	vadd.s32 $0xFFFF9E80, v2  }
0x404: {  	vm4 =	vlt.u32 v2, $0x61D0;
	v1 =	vld.idx.msk [tilespmem:v1+s23+$0x0], vm15  }
0x405: {  	v2 =	vnsel vm4, $0x0, v2;
	_ =	sdelay $0x2  }
0x406: {  	v0 =	vld.idx.msk [tilespmem:v0+s25+$0x0], $0xffff  }
0x407: {  	[tilespmem:$0x3480] =	vst v1;
	v1 =	vadd.s32 $0xFFFF9E80, v3;
	v3 =	vld [tilespmem:$0x30]  }
0x408: {  	v2 =	vld.idx.msk [tilespmem:v2+s23+$0x0], vm4;
	vm5 =	vlt.u32 v1, $0x61D0  }
0x409: {  	v1 =	vnsel vm5, $0x0, v1;
	_ =	sdelay $0x3  }
0x40a: {  	[tilespmem:$0x3490] =	vst v2;
	v2 =	vadd.s32 $0xFFFF9E80, v3;
	v3 =	vld [tilespmem:$0x40]  }
0x40b: {  	v1 =	vld.idx.msk [tilespmem:v1+s23+$0x0], vm5;
	vm6 =	vlt.u32 v2, $0x61D0  }
0x40c: {  	v2 =	vnsel vm6, $0x0, v2;
	_ =	sdelay $0x3  }
0x40d: {  	[tilespmem:$0x34A0] =	vst v1;
	v1 =	vadd.s32 $0xFFFF9E80, v3;
	v3 =	vld [tilespmem:$0x50]  }
0x40e: {  	v2 =	vld.idx.msk [tilespmem:v2+s23+$0x0], vm6;
	vm7 =	vlt.u32 v1, $0x61D0  }
0x40f: {  	v1 =	vnsel vm7, $0x0, v1;
	_ =	sdelay $0x3  }
0x410: {  	[tilespmem:$0x34B0] =	vst v2;
	v2 =	vadd.s32 $0xFFFF9E80, v3;
	v3 =	vld [tilespmem:$0x60]  }
0x411: {  	v1 =	vld.idx.msk [tilespmem:v1+s23+$0x0], vm7;
	vm8 =	vlt.u32 v2, $0x61D0  }
0x412: {  	v2 =	vnsel vm8, $0x0, v2;
	_ =	sdelay $0x3  }
0x413: {  	[tilespmem:$0x34C0] =	vst v1;
	v1 =	vadd.s32 $0xFFFF9E80, v3;
	v3 =	vld [tilespmem:$0x70]  }
0x414: {  	v2 =	vld.idx.msk [tilespmem:v2+s23+$0x0], vm8;
	vm9 =	vlt.u32 v1, $0x61D0  }
0x415: {  	v1 =	vnsel vm9, $0x0, v1;
	_ =	sdelay $0x3  }
0x416: {  	[tilespmem:$0x34D0] =	vst v2;
	v2 =	vadd.s32 $0xFFFF9E80, v3;
	v3 =	vld [tilespmem:$0x80]  }
0x417: {  	v1 =	vld.idx.msk [tilespmem:v1+s23+$0x0], vm9;
	vm10 =	vlt.u32 v2, $0x61D0  }
0x418: {  	v2 =	vnsel vm10, $0x0, v2;
	_ =	sdelay $0x3  }
0x419: {  	[tilespmem:$0x34E0] =	vst v1;
	v1 =	vadd.s32 $0xFFFF9E80, v3;
	v3 =	vld [tilespmem:$0x90]  }
0x41a: {  	v2 =	vld.idx.msk [tilespmem:v2+s23+$0x0], vm10;
	vm11 =	vlt.u32 v1, $0x61D0  }
0x41b: {  	v1 =	vnsel vm11, $0x0, v1;
	_ =	sdelay $0x3  }
0x41c: {  	[tilespmem:$0x34F0] =	vst v2;
	v2 =	vadd.s32 $0xFFFF9E80, v3;
	v3 =	vld [tilespmem:$0xA0]  }
0x41d: {  	v1 =	vld.idx.msk [tilespmem:v1+s23+$0x0], vm11;
	vm12 =	vlt.u32 v2, $0x61D0  }
0x41e: {  	v2 =	vnsel vm12, $0x0, v2;
	_ =	sdelay $0x3  }
0x41f: {  	[tilespmem:$0x3500] =	vst v1;
	v1 =	vadd.s32 $0xFFFF9E80, v3;
	v3 =	vld [tilespmem:$0xB0]  }
0x420: {  	v2 =	vld.idx.msk [tilespmem:v2+s23+$0x0], vm12;
	vm13 =	vlt.u32 v1, $0x61D0  }
0x421: {  	v1 =	vnsel vm13, $0x0, v1;
	_ =	sdelay $0x3  }
0x422: {  	[tilespmem:$0x3510] =	vst v2;
	v2 =	vadd.s32 $0xFFFF9E80, v3;
	v3 =	vld [tilespmem:$0xC0]  }
0x423: {  	v1 =	vld.idx.msk [tilespmem:v1+s23+$0x0], vm13;
	vm14 =	vlt.u32 v2, $0x61D0  }
0x424: {  	v2 =	vnsel vm14, $0x0, v2;
	_ =	sdelay $0x3  }
0x425: {  	[tilespmem:$0x3520] =	vst v1;
	v1 =	vadd.s32 $0xFFFF9E80, v3;
	v3 =	vld [tilespmem:$0xD0]  }
0x426: {  	v2 =	vld.idx.msk [tilespmem:v2+s23+$0x0], vm14;
	vm15 =	vlt.u32 v1, $0x61D0  }
0x427: {  	v1 =	vnsel vm15, $0x0, v1;
	_ =	sdelay $0x3  }
0x428: {  	[tilespmem:$0x3530] =	vst v2;
	v2 =	vadd.s32 $0xFFFF9E80, v3;
	v3 =	vld [tilespmem:$0xE0]  }
0x429: {  	v1 =	vld.idx.msk [tilespmem:v1+s23+$0x0], vm15;
	vm4 =	vlt.u32 v2, $0x61D0  }
0x42a: {  	v2 =	vnsel vm4, $0x0, v2;
	_ =	sdelay $0x3  }
0x42b: {  	[tilespmem:$0x3540] =	vst v1;
	v1 =	vadd.s32 $0xFFFF9E80, v3;
	v3 =	vld [tilespmem:$0xF0]  }
0x42c: {  	v2 =	vld.idx.msk [tilespmem:v2+s23+$0x0], vm4;
	vm5 =	vlt.u32 v1, $0x61D0  }
0x42d: {  	v1 =	vnsel vm5, $0x0, v1;
	_ =	sdelay $0x3  }
0x42e: {  	[tilespmem:$0x3550] =	vst v2;
	v2 =	vadd.s32 $0xFFFF9E80, v3;
	v3 =	vld [tilespmem:$0x100]  }
0x42f: {  	v1 =	vld.idx.msk [tilespmem:v1+s23+$0x0], vm5;
	vm6 =	vlt.u32 v2, $0x61D0  }
0x430: {  	v2 =	vnsel vm6, $0x0, v2;
	_ =	sdelay $0x3  }
0x431: {  	[tilespmem:$0x3560] =	vst v1;
	v1 =	vadd.s32 $0xFFFF9E80, v3;
	v3 =	vld [tilespmem:$0x110]  }
0x432: {  	v2 =	vld.idx.msk [tilespmem:v2+s23+$0x0], vm6;
	vm7 =	vlt.u32 v1, $0x61D0  }
0x433: {  	v1 =	vnsel vm7, $0x0, v1;
	_ =	sdelay $0x3  }
0x434: {  	[tilespmem:$0x3570] =	vst v2;
	v2 =	vadd.s32 $0xFFFF9E80, v3;
	v3 =	vld [tilespmem:$0x120]  }
0x435: {  	v1 =	vld.idx.msk [tilespmem:v1+s23+$0x0], vm7;
	vm8 =	vlt.u32 v2, $0x61D0  }
0x436: {  	v2 =	vnsel vm8, $0x0, v2;
	_ =	sdelay $0x3  }
0x437: {  	[tilespmem:$0x3580] =	vst v1;
	v1 =	vadd.s32 $0xFFFF9E80, v3;
	v3 =	vld [tilespmem:$0x130]  }
0x438: {  	v2 =	vld.idx.msk [tilespmem:v2+s23+$0x0], vm8;
	vm9 =	vlt.u32 v1, $0x61D0  }
0x439: {  	v1 =	vnsel vm9, $0x0, v1;
	_ =	sdelay $0x3  }
0x43a: {  	[tilespmem:$0x3590] =	vst v2;
	v2 =	vadd.s32 $0xFFFF9E80, v3;
	v3 =	vld [tilespmem:$0x140]  }
0x43b: {  	v1 =	vld.idx.msk [tilespmem:v1+s23+$0x0], vm9;
	vm10 =	vlt.u32 v2, $0x61D0  }
0x43c: {  	v2 =	vnsel vm10, $0x0, v2;
	_ =	sdelay $0x3  }
0x43d: {  	[tilespmem:$0x35A0] =	vst v1;
	v1 =	vadd.s32 $0xFFFF9E80, v3;
	v3 =	vld [tilespmem:$0x150]  }
0x43e: {  	v2 =	vld.idx.msk [tilespmem:v2+s23+$0x0], vm10;
	vm11 =	vlt.u32 v1, $0x61D0  }
0x43f: {  	v1 =	vnsel vm11, $0x0, v1;
	_ =	sdelay $0x3  }
0x440: {  	[tilespmem:$0x35B0] =	vst v2;
	v2 =	vadd.s32 $0xFFFF9E80, v3;
	v3 =	vld [tilespmem:$0x160]  }
0x441: {  	v1 =	vld.idx.msk [tilespmem:v1+s23+$0x0], vm11;
	vm12 =	vlt.u32 v2, $0x61D0  }
0x442: {  	v2 =	vnsel vm12, $0x0, v2;
	_ =	sdelay $0x3  }
0x443: {  	[tilespmem:$0x35C0] =	vst v1;
	v1 =	vadd.s32 $0xFFFF9E80, v3;
	v3 =	vld [tilespmem:$0x170]  }
0x444: {  	v2 =	vld.idx.msk [tilespmem:v2+s23+$0x0], vm12;
	vm13 =	vlt.u32 v1, $0x61D0  }
0x445: {  	v1 =	vnsel vm13, $0x0, v1;
	_ =	sdelay $0x3  }
0x446: {  	[tilespmem:$0x35D0] =	vst v2;
	v2 =	vadd.s32 $0xFFFF9E80, v3;
	v3 =	vld [tilespmem:$0x180]  }
0x447: {  	v1 =	vld.idx.msk [tilespmem:v1+s23+$0x0], vm13;
	vm14 =	vlt.u32 v2, $0x61D0  }
0x448: {  	v2 =	vnsel vm14, $0x0, v2;
	_ =	sdelay $0x3  }
0x449: {  	[tilespmem:$0x35E0] =	vst v1;
	v1 =	vadd.s32 $0xFFFF9E80, v3  }
0x44a: {  	v2 =	vld.idx.msk [tilespmem:v2+s23+$0x0], vm14;
	vm15 =	vlt.u32 v1, $0x61D0  }
0x44b: {  	v1 =	vnsel vm15, $0x0, v1;
	_ =	sdelay $0x3  }
0x44c: {  	[tilespmem:$0x35F0] =	vst v2  }
0x44d: {  	v1 =	vld.idx.msk [tilespmem:v1+s23+$0x0], vm15;
	_ =	sdelay $0x4  }
0x44e: {  	s13 =	simm.s32 $0x15CC0;
	[tilespmem:$0x3600] =	vst v1  }
0x44f: {  	v3 =	vld [tilespmem:s13+$0x30]  }
0x450: {  	v5 =	vld [tilespmem:s13+$0xFFFFFFD0]  }
0x451: {  	v7 =	vld [tilespmem:s13+$0xFFFFFFE0]  }
0x452: {  	v4 =	vld [tilespmem:s13+$0xFFFFFFF0]  }
0x453: {  	v2 =	vld [tilespmem:s13+$0x0]  }
0x454: {  	v1 =	vld [tilespmem:s13+$0x10];
	v8 =	vmul.f32 v3, v0  }
0x455: {  	v3 =	vld [tilespmem:s13+$0x20];
	v6 =	vmul.f32 v5, v0  }
0x456: {  	s17 =	simm.s32 $0x0;
	s7 =	simm.s32 $0x15D40;
	v5 =	vld [tilespmem:s13+$0xFFFFFFC0];
	v7 =	vmul.f32 v7, v0;
	[tilespmem:s13+$0x30] =	vst v8  }
.LBB2_11:
0x457: {  	v8 =	vld [tilespmem:s7+$0x30];
	s17 =	sadd.s32 $0x8, s17;
	[tilespmem:s13+$0xFFFFFFD0] =	vst v6;
	v4 =	vmul.f32 v4, v0  }
0x458: {  	v6 =	vld [tilespmem:s7+$0xFFFFFFD0];
	p0 =	slt.u32 s17, $0x610;
	[tilespmem:s13+$0xFFFFFFE0] =	vst v7;
	v2 =	vmul.f32 v2, v0  }
0x459: {  	v7 =	vld [tilespmem:s7+$0xFFFFFFE0];
	[tilespmem:s13+$0xFFFFFFF0] =	vst v4;
	v1 =	vmul.f32 v1, v0  }
.Ltmp6:
0x45a: {  	v4 =	vld [tilespmem:s7+$0xFFFFFFF0];
	[tilespmem:s13+$0x0] =	vst v2;
	v3 =	vmul.f32 v3, v0;
	(pc) =	sbr.rel @p0 .LBB2_11-.Ltmp6, $4  }
0x45b: {  	v2 =	vld [tilespmem:s7+$0x0];
	v5 =	vmul.f32 v5, v0;
	[tilespmem:s13+$0x10] =	vst v1  }
0x45c: {  	v1 =	vld [tilespmem:s7+$0x10];
	v8 =	vmul.f32 v8, v0;
	[tilespmem:s13+$0x20] =	vst v3  }
0x45d: {  	v6 =	vmul.f32 v6, v0;
	v3 =	vld [tilespmem:s7+$0x20];
	[tilespmem:s13+$0xFFFFFFC0] =	vst v5;
	s13 =	smov.u32 s7  }
0x45e: {  	s15 =	simm.s32 $0x0;
	s7 =	sadd.s32 $0x80, s7;
	v5 =	vld [tilespmem:s13+$0xFFFFFFC0];
	v7 =	vmul.f32 v7, v0;
	[tilespmem:s13+$0x30] =	vst v8  }
0x45f: {  	[tilespmem:s13+$0xFFFFFFD0] =	vst v6;
	v4 =	vmul.f32 v4, v0  }
0x460: {  	[tilespmem:s13+$0xFFFFFFE0] =	vst v7;
	v2 =	vmul.f32 v2, v0  }
0x461: {  	[tilespmem:s13+$0xFFFFFFF0] =	vst v4;
	v1 =	vmul.f32 v1, v0  }
0x462: {  	[tilespmem:s13+$0x0] =	vst v2;
	v2 =	vmul.f32 v3, v0  }
0x463: {  	v3 =	vmul.f32 v5, v0;
	[tilespmem:s13+$0x10] =	vst v1  }
0x464: {  	[tilespmem:s13+$0x20] =	vst v2  }
0x465: {  	[tilespmem:s13+$0xFFFFFFC0] =	vst v3  }
.LBB2_13:
0x466: {  	s7 =	sshra.s32 s15, $0x2  }
0x467: {  	v1 =	vld [tilespmem:s7+$0x1BE00];
	_ =	sdelay $0x1  }
0x468: {  	p0 =	sne.s32 s15, $0x100  }
.Ltmp7:
0x469: {  	_ = 	snop;
	(pc) =	sbr.rel @p0 .LBB2_13-.Ltmp7, $3  }
0x46a: {  	_ = 	snop  }
0x46b: {  	v1 =	vmul.f32 v1, v0;
	_ =	sdelay $0x1  }
0x46c: {  	s15 =	sadd.s32 $0x40, s15;
	[tilespmem:s7+$0x1BE00] =	vst v1  }
0x46d: {  	v1 =	vld [tilespmem:$0x0];
	_ =	sdelay $0x1  }
0x46e: {  	v2 =	vld [tilespmem:s10+$0x200]  }
0x46f: {  	v3 =	vld [tilespmem:$0x3480];
	_ =	sdelay $0x1  }
0x470: {  	v4 =	vadd.s32 $0xFFFF9E80, v1  }
0x471: {  	v38 =	vsub.f32 $1.000000000e+00, v0;
	vm0 =	vlt.u32 v4, $0x61D0  }
0x472: {  	v4 =	vnsel vm0, $0x0, v4  }
0x473: {  	v2 =	vmul.f32 v2, v38;
	v3 =	vmul.f32 v3, v0;
	_ =	sdelay $0x1  }
0x474: {  	v2 =	vadd.f32 v3, v2;
	_ =	sdelay $0x1  }
0x475: {  	[tilespmem:v4+s23+$0x0] =	vst.idx.msk vm0, v2  }
0x476: {  	v2 =	vld [tilespmem:$0x10];
	_ =	sdelay $0x1  }
0x477: {  	v39 =	vld [tilespmem:s10+$0x210]  }
0x478: {  	v4 =	vld [tilespmem:$0x3490];
	_ =	sdelay $0x1  }
0x479: {  	v2 =	vadd.s32 $0xFFFF9E80, v2  }
0x47a: {  	vm4 =	vlt.u32 v2, $0x61D0  }
0x47b: {  	v2 =	vnsel vm4, $0x0, v2  }
0x47c: {  	v3 =	vmul.f32 v39, v38;
	v4 =	vmul.f32 v4, v0;
	_ =	sdelay $0x1  }
0x47d: {  	v3 =	vadd.f32 v4, v3;
	_ =	sdelay $0x1  }
0x47e: {  	[tilespmem:v2+s23+$0x0] =	vst.idx.msk vm4, v3  }
0x47f: {  	v2 =	vld [tilespmem:$0x20];
	_ =	sdelay $0x1  }
0x480: {  	v3 =	vld [tilespmem:s10+$0x220]  }
0x481: {  	v40 =	vld [tilespmem:$0x34A0];
	_ =	sdelay $0x1  }
0x482: {  	v2 =	vadd.s32 $0xFFFF9E80, v2  }
0x483: {  	vm5 =	vlt.u32 v2, $0x61D0  }
0x484: {  	v2 =	vnsel vm5, $0x0, v2  }
0x485: {  	v3 =	vmul.f32 v3, v38;
	v4 =	vmul.f32 v40, v0;
	_ =	sdelay $0x1  }
0x486: {  	v3 =	vadd.f32 v4, v3;
	_ =	sdelay $0x1  }
0x487: {  	[tilespmem:v2+s23+$0x0] =	vst.idx.msk vm5, v3  }
0x488: {  	v2 =	vld [tilespmem:$0x30];
	_ =	sdelay $0x1  }
0x489: {  	v3 =	vld [tilespmem:s10+$0x230]  }
0x48a: {  	v41 =	vld [tilespmem:$0x34B0];
	_ =	sdelay $0x1  }
0x48b: {  	v2 =	vadd.s32 $0xFFFF9E80, v2  }
0x48c: {  	vm6 =	vlt.u32 v2, $0x61D0  }
0x48d: {  	v2 =	vnsel vm6, $0x0, v2  }
0x48e: {  	v3 =	vmul.f32 v3, v38;
	v4 =	vmul.f32 v41, v0;
	_ =	sdelay $0x1  }
0x48f: {  	v3 =	vadd.f32 v4, v3;
	_ =	sdelay $0x1  }
0x490: {  	[tilespmem:v2+s23+$0x0] =	vst.idx.msk vm6, v3  }
0x491: {  	v2 =	vld [tilespmem:$0x40];
	_ =	sdelay $0x1  }
0x492: {  	v3 =	vld [tilespmem:s10+$0x240]  }
0x493: {  	v42 =	vld [tilespmem:$0x34C0];
	_ =	sdelay $0x1  }
0x494: {  	v2 =	vadd.s32 $0xFFFF9E80, v2  }
0x495: {  	vm7 =	vlt.u32 v2, $0x61D0  }
0x496: {  	v2 =	vnsel vm7, $0x0, v2  }
0x497: {  	v3 =	vmul.f32 v3, v38;
	v4 =	vmul.f32 v42, v0;
	_ =	sdelay $0x1  }
0x498: {  	v3 =	vadd.f32 v4, v3;
	_ =	sdelay $0x1  }
0x499: {  	[tilespmem:v2+s23+$0x0] =	vst.idx.msk vm7, v3  }
0x49a: {  	v2 =	vld [tilespmem:$0x50];
	_ =	sdelay $0x1  }
0x49b: {  	v3 =	vld [tilespmem:s10+$0x250]  }
0x49c: {  	v43 =	vld [tilespmem:$0x34D0];
	_ =	sdelay $0x1  }
0x49d: {  	v2 =	vadd.s32 $0xFFFF9E80, v2  }
0x49e: {  	vm8 =	vlt.u32 v2, $0x61D0  }
0x49f: {  	v2 =	vnsel vm8, $0x0, v2  }
0x4a0: {  	v3 =	vmul.f32 v3, v38;
	v4 =	vmul.f32 v43, v0;
	_ =	sdelay $0x1  }
0x4a1: {  	v3 =	vadd.f32 v4, v3;
	_ =	sdelay $0x1  }
0x4a2: {  	[tilespmem:v2+s23+$0x0] =	vst.idx.msk vm8, v3  }
0x4a3: {  	v2 =	vld [tilespmem:$0x60];
	_ =	sdelay $0x1  }
0x4a4: {  	v3 =	vld [tilespmem:s10+$0x260]  }
0x4a5: {  	v44 =	vld [tilespmem:$0x34E0];
	_ =	sdelay $0x1  }
0x4a6: {  	v2 =	vadd.s32 $0xFFFF9E80, v2  }
0x4a7: {  	vm9 =	vlt.u32 v2, $0x61D0  }
0x4a8: {  	v2 =	vnsel vm9, $0x0, v2  }
0x4a9: {  	v3 =	vmul.f32 v3, v38;
	v4 =	vmul.f32 v44, v0;
	_ =	sdelay $0x1  }
0x4aa: {  	v3 =	vadd.f32 v4, v3;
	_ =	sdelay $0x1  }
0x4ab: {  	[tilespmem:v2+s23+$0x0] =	vst.idx.msk vm9, v3  }
0x4ac: {  	v2 =	vld [tilespmem:$0x70];
	_ =	sdelay $0x1  }
0x4ad: {  	v3 =	vld [tilespmem:s10+$0x270]  }
0x4ae: {  	v45 =	vld [tilespmem:$0x34F0];
	_ =	sdelay $0x1  }
0x4af: {  	v2 =	vadd.s32 $0xFFFF9E80, v2  }
0x4b0: {  	vm10 =	vlt.u32 v2, $0x61D0  }
0x4b1: {  	v2 =	vnsel vm10, $0x0, v2  }
0x4b2: {  	v3 =	vmul.f32 v3, v38;
	v4 =	vmul.f32 v45, v0;
	_ =	sdelay $0x1  }
0x4b3: {  	v3 =	vadd.f32 v4, v3;
	_ =	sdelay $0x1  }
0x4b4: {  	[tilespmem:v2+s23+$0x0] =	vst.idx.msk vm10, v3  }
0x4b5: {  	v2 =	vld [tilespmem:$0x80];
	_ =	sdelay $0x1  }
0x4b6: {  	v3 =	vld [tilespmem:s11+$0x280]  }
0x4b7: {  	v46 =	vld [tilespmem:$0x3500];
	_ =	sdelay $0x1  }
0x4b8: {  	v2 =	vadd.s32 $0xFFFF9E80, v2  }
0x4b9: {  	vm11 =	vlt.u32 v2, $0x61D0  }
0x4ba: {  	v2 =	vnsel vm11, $0x0, v2  }
0x4bb: {  	v3 =	vmul.f32 v3, v38;
	v4 =	vmul.f32 v46, v0;
	_ =	sdelay $0x1  }
0x4bc: {  	v3 =	vadd.f32 v4, v3;
	_ =	sdelay $0x1  }
0x4bd: {  	[tilespmem:v2+s23+$0x0] =	vst.idx.msk vm11, v3  }
0x4be: {  	v2 =	vld [tilespmem:$0x90];
	_ =	sdelay $0x1  }
0x4bf: {  	v3 =	vld [tilespmem:s10+$0x290]  }
0x4c0: {  	v47 =	vld [tilespmem:$0x3510];
	_ =	sdelay $0x1  }
0x4c1: {  	v2 =	vadd.s32 $0xFFFF9E80, v2  }
0x4c2: {  	vm12 =	vlt.u32 v2, $0x61D0  }
0x4c3: {  	v2 =	vnsel vm12, $0x0, v2  }
0x4c4: {  	v3 =	vmul.f32 v3, v38;
	v4 =	vmul.f32 v47, v0;
	_ =	sdelay $0x1  }
0x4c5: {  	v3 =	vadd.f32 v4, v3;
	_ =	sdelay $0x1  }
0x4c6: {  	[tilespmem:v2+s23+$0x0] =	vst.idx.msk vm12, v3  }
0x4c7: {  	v2 =	vld [tilespmem:$0xA0];
	_ =	sdelay $0x1  }
0x4c8: {  	v3 =	vld [tilespmem:s10+$0x2A0]  }
0x4c9: {  	v48 =	vld [tilespmem:$0x3520];
	_ =	sdelay $0x1  }
0x4ca: {  	v2 =	vadd.s32 $0xFFFF9E80, v2  }
0x4cb: {  	vm13 =	vlt.u32 v2, $0x61D0  }
0x4cc: {  	v2 =	vnsel vm13, $0x0, v2  }
0x4cd: {  	v3 =	vmul.f32 v3, v38;
	v4 =	vmul.f32 v48, v0;
	_ =	sdelay $0x1  }
0x4ce: {  	v3 =	vadd.f32 v4, v3;
	_ =	sdelay $0x1  }
0x4cf: {  	[tilespmem:v2+s23+$0x0] =	vst.idx.msk vm13, v3  }
0x4d0: {  	v2 =	vld [tilespmem:$0xB0];
	_ =	sdelay $0x1  }
0x4d1: {  	v3 =	vld [tilespmem:s10+$0x2B0]  }
0x4d2: {  	v49 =	vld [tilespmem:$0x3530];
	_ =	sdelay $0x1  }
0x4d3: {  	v2 =	vadd.s32 $0xFFFF9E80, v2  }
0x4d4: {  	vm14 =	vlt.u32 v2, $0x61D0  }
0x4d5: {  	v2 =	vnsel vm14, $0x0, v2  }
0x4d6: {  	v3 =	vmul.f32 v3, v38;
	v4 =	vmul.f32 v49, v0;
	_ =	sdelay $0x1  }
0x4d7: {  	v3 =	vadd.f32 v4, v3;
	_ =	sdelay $0x1  }
0x4d8: {  	[tilespmem:v2+s23+$0x0] =	vst.idx.msk vm14, v3  }
0x4d9: {  	v2 =	vld [tilespmem:$0xC0];
	_ =	sdelay $0x1  }
0x4da: {  	v3 =	vld [tilespmem:s10+$0x2C0]  }
0x4db: {  	v50 =	vld [tilespmem:$0x3540];
	_ =	sdelay $0x1  }
0x4dc: {  	v2 =	vadd.s32 $0xFFFF9E80, v2  }
0x4dd: {  	vm15 =	vlt.u32 v2, $0x61D0  }
0x4de: {  	v2 =	vnsel vm15, $0x0, v2  }
0x4df: {  	v3 =	vmul.f32 v3, v38;
	v4 =	vmul.f32 v50, v0;
	_ =	sdelay $0x1  }
0x4e0: {  	v3 =	vadd.f32 v4, v3;
	_ =	sdelay $0x1  }
0x4e1: {  	[tilespmem:v2+s23+$0x0] =	vst.idx.msk vm15, v3  }
0x4e2: {  	v2 =	vld [tilespmem:$0xD0];
	_ =	sdelay $0x1  }
0x4e3: {  	v3 =	vld [tilespmem:s10+$0x2D0]  }
0x4e4: {  	v51 =	vld [tilespmem:$0x3550];
	_ =	sdelay $0x1  }
0x4e5: {  	v2 =	vadd.s32 $0xFFFF9E80, v2  }
0x4e6: {  	vm4 =	vlt.u32 v2, $0x61D0  }
0x4e7: {  	v2 =	vnsel vm4, $0x0, v2  }
0x4e8: {  	v3 =	vmul.f32 v3, v38;
	v4 =	vmul.f32 v51, v0;
	_ =	sdelay $0x1  }
0x4e9: {  	v3 =	vadd.f32 v4, v3;
	_ =	sdelay $0x1  }
0x4ea: {  	[tilespmem:v2+s23+$0x0] =	vst.idx.msk vm4, v3  }
0x4eb: {  	v2 =	vld [tilespmem:$0xE0];
	_ =	sdelay $0x1  }
0x4ec: {  	v3 =	vld [tilespmem:s10+$0x2E0]  }
0x4ed: {  	v52 =	vld [tilespmem:$0x3560];
	_ =	sdelay $0x1  }
0x4ee: {  	v2 =	vadd.s32 $0xFFFF9E80, v2  }
0x4ef: {  	vm5 =	vlt.u32 v2, $0x61D0  }
0x4f0: {  	v2 =	vnsel vm5, $0x0, v2  }
0x4f1: {  	v3 =	vmul.f32 v3, v38;
	v4 =	vmul.f32 v52, v0;
	_ =	sdelay $0x1  }
0x4f2: {  	v3 =	vadd.f32 v4, v3;
	_ =	sdelay $0x1  }
0x4f3: {  	[tilespmem:v2+s23+$0x0] =	vst.idx.msk vm5, v3  }
0x4f4: {  	v2 =	vld [tilespmem:$0xF0];
	_ =	sdelay $0x1  }
0x4f5: {  	v3 =	vld [tilespmem:s10+$0x2F0]  }
0x4f6: {  	v53 =	vld [tilespmem:$0x3570];
	_ =	sdelay $0x1  }
0x4f7: {  	v2 =	vadd.s32 $0xFFFF9E80, v2  }
0x4f8: {  	vm6 =	vlt.u32 v2, $0x61D0  }
0x4f9: {  	v2 =	vnsel vm6, $0x0, v2  }
0x4fa: {  	v3 =	vmul.f32 v3, v38;
	v4 =	vmul.f32 v53, v0;
	_ =	sdelay $0x1  }
0x4fb: {  	v3 =	vadd.f32 v4, v3;
	_ =	sdelay $0x1  }
0x4fc: {  	[tilespmem:v2+s23+$0x0] =	vst.idx.msk vm6, v3  }
0x4fd: {  	v2 =	vld [tilespmem:$0x100];
	_ =	sdelay $0x1  }
0x4fe: {  	v3 =	vld [tilespmem:s11+$0x300]  }
0x4ff: {  	v54 =	vld [tilespmem:$0x3580];
	_ =	sdelay $0x1  }
0x500: {  	v2 =	vadd.s32 $0xFFFF9E80, v2  }
0x501: {  	vm7 =	vlt.u32 v2, $0x61D0  }
0x502: {  	v2 =	vnsel vm7, $0x0, v2  }
0x503: {  	v3 =	vmul.f32 v3, v38;
	v4 =	vmul.f32 v54, v0;
	_ =	sdelay $0x1  }
0x504: {  	v3 =	vadd.f32 v4, v3;
	_ =	sdelay $0x1  }
0x505: {  	[tilespmem:v2+s23+$0x0] =	vst.idx.msk vm7, v3  }
0x506: {  	v2 =	vld [tilespmem:$0x110];
	_ =	sdelay $0x1  }
0x507: {  	v3 =	vld [tilespmem:s10+$0x310]  }
0x508: {  	v55 =	vld [tilespmem:$0x3590];
	_ =	sdelay $0x1  }
0x509: {  	v2 =	vadd.s32 $0xFFFF9E80, v2  }
0x50a: {  	vm8 =	vlt.u32 v2, $0x61D0  }
0x50b: {  	v2 =	vnsel vm8, $0x0, v2  }
0x50c: {  	v3 =	vmul.f32 v3, v38;
	v4 =	vmul.f32 v55, v0;
	_ =	sdelay $0x1  }
0x50d: {  	v3 =	vadd.f32 v4, v3;
	_ =	sdelay $0x1  }
0x50e: {  	[tilespmem:v2+s23+$0x0] =	vst.idx.msk vm8, v3  }
0x50f: {  	v2 =	vld [tilespmem:$0x120];
	_ =	sdelay $0x1  }
0x510: {  	v3 =	vld [tilespmem:s10+$0x320]  }
0x511: {  	v56 =	vld [tilespmem:$0x35A0];
	_ =	sdelay $0x1  }
0x512: {  	v2 =	vadd.s32 $0xFFFF9E80, v2  }
0x513: {  	vm9 =	vlt.u32 v2, $0x61D0  }
0x514: {  	v2 =	vnsel vm9, $0x0, v2  }
0x515: {  	v3 =	vmul.f32 v3, v38;
	v4 =	vmul.f32 v56, v0;
	_ =	sdelay $0x1  }
0x516: {  	v3 =	vadd.f32 v4, v3;
	_ =	sdelay $0x1  }
0x517: {  	[tilespmem:v2+s23+$0x0] =	vst.idx.msk vm9, v3  }
0x518: {  	v2 =	vld [tilespmem:$0x130];
	_ =	sdelay $0x1  }
0x519: {  	v3 =	vld [tilespmem:s10+$0x330]  }
0x51a: {  	v57 =	vld [tilespmem:$0x35B0];
	_ =	sdelay $0x1  }
0x51b: {  	v2 =	vadd.s32 $0xFFFF9E80, v2  }
0x51c: {  	vm10 =	vlt.u32 v2, $0x61D0  }
0x51d: {  	v2 =	vnsel vm10, $0x0, v2  }
0x51e: {  	v3 =	vmul.f32 v3, v38;
	v4 =	vmul.f32 v57, v0;
	_ =	sdelay $0x1  }
0x51f: {  	v3 =	vadd.f32 v4, v3;
	_ =	sdelay $0x1  }
0x520: {  	[tilespmem:v2+s23+$0x0] =	vst.idx.msk vm10, v3  }
0x521: {  	v2 =	vld [tilespmem:$0x140];
	_ =	sdelay $0x1  }
0x522: {  	v3 =	vld [tilespmem:s10+$0x340]  }
0x523: {  	v58 =	vld [tilespmem:$0x35C0];
	_ =	sdelay $0x1  }
0x524: {  	v2 =	vadd.s32 $0xFFFF9E80, v2  }
0x525: {  	vm11 =	vlt.u32 v2, $0x61D0  }
0x526: {  	v2 =	vnsel vm11, $0x0, v2  }
0x527: {  	v3 =	vmul.f32 v3, v38;
	v4 =	vmul.f32 v58, v0;
	_ =	sdelay $0x1  }
0x528: {  	v3 =	vadd.f32 v4, v3;
	_ =	sdelay $0x1  }
0x529: {  	[tilespmem:v2+s23+$0x0] =	vst.idx.msk vm11, v3  }
0x52a: {  	v2 =	vld [tilespmem:$0x150];
	_ =	sdelay $0x1  }
0x52b: {  	v3 =	vld [tilespmem:s10+$0x350]  }
0x52c: {  	v59 =	vld [tilespmem:$0x35D0];
	_ =	sdelay $0x1  }
0x52d: {  	v2 =	vadd.s32 $0xFFFF9E80, v2  }
0x52e: {  	vm12 =	vlt.u32 v2, $0x61D0  }
0x52f: {  	v2 =	vnsel vm12, $0x0, v2  }
0x530: {  	v3 =	vmul.f32 v3, v38;
	v4 =	vmul.f32 v59, v0;
	_ =	sdelay $0x1  }
0x531: {  	v3 =	vadd.f32 v4, v3;
	_ =	sdelay $0x1  }
0x532: {  	[tilespmem:v2+s23+$0x0] =	vst.idx.msk vm12, v3  }
0x533: {  	v2 =	vld [tilespmem:$0x160];
	_ =	sdelay $0x1  }
0x534: {  	v3 =	vld [tilespmem:s10+$0x360]  }
0x535: {  	v60 =	vld [tilespmem:$0x35E0];
	_ =	sdelay $0x1  }
0x536: {  	v2 =	vadd.s32 $0xFFFF9E80, v2  }
0x537: {  	vm13 =	vlt.u32 v2, $0x61D0  }
0x538: {  	v2 =	vnsel vm13, $0x0, v2  }
0x539: {  	v3 =	vmul.f32 v3, v38;
	v4 =	vmul.f32 v60, v0;
	_ =	sdelay $0x1  }
0x53a: {  	v3 =	vadd.f32 v4, v3;
	_ =	sdelay $0x1  }
0x53b: {  	[tilespmem:v2+s23+$0x0] =	vst.idx.msk vm13, v3  }
0x53c: {  	v2 =	vld [tilespmem:$0x170];
	_ =	sdelay $0x1  }
0x53d: {  	v3 =	vld [tilespmem:s10+$0x370]  }
0x53e: {  	v61 =	vld [tilespmem:$0x35F0];
	_ =	sdelay $0x1  }
0x53f: {  	v2 =	vadd.s32 $0xFFFF9E80, v2  }
0x540: {  	vm14 =	vlt.u32 v2, $0x61D0  }
0x541: {  	v2 =	vnsel vm14, $0x0, v2  }
0x542: {  	v3 =	vmul.f32 v3, v38;
	v4 =	vmul.f32 v61, v0;
	_ =	sdelay $0x1  }
0x543: {  	v3 =	vadd.f32 v4, v3;
	_ =	sdelay $0x1  }
0x544: {  	[tilespmem:v2+s23+$0x0] =	vst.idx.msk vm14, v3  }
0x545: {  	v2 =	vld [tilespmem:$0x180];
	_ =	sdelay $0x1  }
0x546: {  	v3 =	vld [tilespmem:s11+$0x380]  }
0x547: {  	v62 =	vld [tilespmem:$0x3600];
	_ =	sdelay $0x1  }
0x548: {  	v2 =	vadd.s32 $0xFFFF9E80, v2  }
0x549: {  	vm15 =	vlt.u32 v2, $0x61D0  }
0x54a: {  	v2 =	vnsel vm15, $0x0, v2  }
0x54b: {  	v1 =	vmul.f32 v3, v38;
	v63 =	vmul.f32 v62, v0;
	_ =	sdelay $0x1  }
0x54c: {  	s7 =	sadd.s32 s14, s12;
	v0 =	vadd.f32 v63, v1  }
0x54d: {  	p0 =	seq.s32 s8, $0xF;
	s7 =	sshrl.u32 s7, $0x3  }
.Ltmp8:
0x54e: {  	s7 =	sadd.s32 s6, s7;
	[tilespmem:v2+s23+$0x0] =	vst.idx.msk vm15, v0;
	(pc) =	sbr.rel @p0 .LBB2_16-.Ltmp8, $4  }
0x54f: {  	[hbm4b:s7+s18] =	stream.strided.scatter [tilespmem:s23], [sflag:$0x8], $0x6200, s19, s18, $0x38;
	[tilespmem:$0x1BE80] =	vst v63  }
0x550: {  	_ =	swait.ge [sflag:s0], $0x6180  }
0x551: {  	[sflag:s0] =	ssyncset.done $0x0  }
0x552: {  	[sflag:s0] =	ssyncadd.s32 $0xFFFF9E80  }
0x553: {  	s7 =	rddreg [dreg:$0xc]  }
0x554: {  	s7 =	sadd.s32 s7, s9  }
0x555: {  	s7 =	sshrl.u32 s7, $0x3  }
0x556: {  	s7 =	smul.u32 $0x61C00, s7;
	_ =	sdelay $0x1  }
0x557: {  	s10 =	sor.u32 s5, s7  }
0x558: {  	s10 =	sshrl.u32 s10, $0x3  }
0x559: {  	s10 =	sadd.s32 s4, s10  }
0x55a: {  	[tilespmem:s20], [sflag:$0x1] =	stream.strided.gather [hbm4b:s10+s18], $0x6180, s19, s18, $0x38;
	[tilespmem:$0x1BE80] =	vst v63  }
0x55b: {  	s15 =	sadd.s32 s16, s9;
	s7 =	sadd.s32 s14, s7;
	_ =	swait.ge [sflag:s1], $0x6200  }
0x55c: {  	s9 =	sshrl.u32 s15, $0x3;
	s7 =	sshrl.u32 s7, $0x3;
	[sflag:s1] =	ssyncset.done $0x0  }
0x55d: {  	s9 =	smul.u32 $0x61C00, s9;
	s7 =	sadd.s32 s4, s7;
	[sflag:s1] =	ssyncadd.s32 $0xFFFF9E00  }
0x55e: {  	[tilespmem:s21], [sflag:$0x2] =	stream.strided.gather [hbm4b:s7+s18], $0x6200, s19, s18, $0x38;
	[tilespmem:$0x1BE80] =	vst v63  }
0x55f: {  	s17 =	sor.u32 s5, s9;
	_ =	swait.ge [sflag:s26], $0x6180  }
0x560: {  	s7 =	sshrl.u32 s17, $0x3;
	[sflag:s26] =	ssyncset.done $0x0  }
0x561: {  	s7 =	sadd.s32 s4, s7;
	[sflag:s26] =	ssyncadd.s32 $0xFFFF9E80  }
0x562: {  	[tilespmem:s22], [sflag:$0x3] =	stream.strided.gather [hbm4b:s7+s18], $0x6180, s19, s18, $0x38;
	[tilespmem:$0x1BE80] =	vst v63  }
.Ltmp9:
0x563: {  	_ = 	snop;
	(pc) =	sbr.rel .LBB2_2-.Ltmp9, $4  }
0x564: {  	s24 =	sadd.s32 s14, s9;
	_ =	swait.ge [sflag:s2], $0x6200  }
0x565: {  	s7 =	sshrl.u32 s24, $0x3;
	[sflag:s2] =	ssyncset.done $0x0  }
0x566: {  	s8 =	sadd.s32 $0x1, s8;
	s7 =	sadd.s32 s4, s7;
	[sflag:s2] =	ssyncadd.s32 $0xFFFF9E00  }
0x567: {  	[tilespmem:s23], [sflag:$0x4] =	stream.strided.gather [hbm4b:s7+s18], $0x6200, s19, s18, $0x38;
	[tilespmem:$0x1BE80] =	vst v63  }
.LBB2_17:
0x568: {  	_ =	sfence.sel $0x180000  }
0x569: {  	[bflag:$0x0] =	sbarrier.arrive $0xFFFF  }
0x56a: {  	_ =	strace $0x90000047  }
0x56b: {  	s0 =	stileid.u32;
	[bflag:$0x2] =	sbarrier.arrive $0xFFFF  }
0x56c: {  	p0 =	sne.s32 s0, $0x0;
	s0 =	rddreg [dreg:$0x4]  }
0x56d: {  	s0 =	sadd.s32 @!p0 $0x100000, s0  }
0x56e: {  	[sflag:s0] =	ssyncadd.tile.s32 @!p0 $0x1;
	_ =	shalt  }
.Lfunc_end2:
_tile_overlayer_lowered:
.L_overlay_start_2:
0x56f: {  	(tag) =	ssettag $0x2  }
0x570: {  	s0 =	rddreg [dreg:$0x0];
	s2 =	stileid.u32  }
0x571: {  	s1 =	rddreg [dreg:$0x1];
	p0 =	sne.s32 s2, $0x0  }
0x572: {  	s3 =	rddreg [dreg:$0x2];
	[bflag:$0x3] =	sbarrier.arrive $0xFFFF;
	s2 =	simm.s32 @!p0 $0x1C09  }
0x573: {  	[timem:s3], [sflag:s2] =	dma.local @!p0 [hbm:s0], s1  }
0x574: {  	s0 =	simm.s32 @!p0 $0x9  }
0x575: {  	_ =	swait.ge @!p0 [sflag:s0], s1  }
0x576: {  	s1 =	ssub.s32 @!p0 $0x0, s1;
	[sflag:s0] =	ssyncset.done @!p0 $0x0  }
0x577: {  	[sflag:s0] =	ssyncadd.s32 @!p0 s1  }
0x578: {  	[bflag:$0x3] =	sbarrier.arrive $0xFFFF  }
0x579: {  	_ =	shalt  }

</sc_bundles>
